<compile_context>
chip_gen: v7x
topology: tpu7x:2x2x1
jax: 0.10.2.dev20260603
libtpu: 0.0.44.dev20260713+nightly
codegen_flags: <defaults>
</compile_context>

<pallas_src>
import functools
import jax
import jax.numpy as jnp
from jax import lax
from jax.experimental import pallas as pl
from jax.experimental.pallas import tpu as pltpu
from jax.experimental.pallas import tpu_sc as plsc

_MAX_OUT = 200
_N = 5000
_LANES = 16
_SUBCORES = 16
_NP = 5120
_PER = _NP // _SUBCORES
_VPT = _PER // _LANES
_ROW = 8
_PLANE = _SUBCORES * _ROW
_SH = 2 * 2 * _PLANE

_NEG = float("-inf")


def _nms_body(bt_h, sc_h, out_h,
              bxv, byv, bwv, bhv,
              x1f, x3f, y1f, y3f, arf,
              msc, sel, outv,
              pub, allb, sh):
    c = lax.axis_index("c")
    s = lax.axis_index("s")
    base = s * _PER

    pltpu.sync_copy(bt_h.at[0], bxv)
    pltpu.sync_copy(bt_h.at[1], byv)
    pltpu.sync_copy(bt_h.at[2], bwv)
    pltpu.sync_copy(bt_h.at[3], bhv)
    pltpu.sync_copy(sc_h.at[pl.ds(base, _PER)], msc)

    def initj(j, _):
        sl = pl.ds(j * _LANES, _LANES)
        x = bxv[sl]
        y = byv[sl]
        w = bwv[sl]
        h = bhv[sl]
        x1f[sl] = x - 0.5 * w
        x3f[sl] = x + 0.5 * w
        y1f[sl] = y - 0.5 * h
        y3f[sl] = y + 0.5 * h
        arf[sl] = w * h
        return 0

    lax.fori_loop(0, _NP // _LANES, initj, 0)

    zeros16 = jnp.zeros((_LANES,), jnp.float32)
    for j in range(_VPT):
        sel[pl.ds(j * _LANES, _LANES)] = zeros16

    iota16 = lax.iota(jnp.int32, _LANES)
    negv = jnp.full((_LANES,), _NEG, jnp.float32)
    ones16 = jnp.full((_LANES,), 1.0, jnp.float32)
    izeros16 = jnp.zeros((_LANES,), jnp.int32)
    bigv = jnp.full((_LANES,), 2 ** 30, jnp.int32)
    basev = jnp.full((_LANES,), base, jnp.int32)
    perv = jnp.full((_LANES,), _PER, jnp.int32)
    lane0 = iota16 == izeros16
    lane1 = iota16 == jnp.full((_LANES,), 1, jnp.int32)
    cplane = c * _PLANE

    def xmax(v):
        for shf in (8, 4, 2, 1):
            v = jnp.maximum(v, v.at[iota16 ^ shf].get(mode="promise_in_bounds"))
        return v

    def xmin_i(v):
        for shf in (8, 4, 2, 1):
            v = jnp.minimum(v, v.at[iota16 ^ shf].get(mode="promise_in_bounds"))
        return v

    def one_round(par, bv, bi, curs):
        mx = xmax(bv)
        mi = xmin_i(jnp.where(bv == mx, bi, bigv))

        mi_pub = jnp.where(mx > negv, mi, izeros16)
        pub[...] = jnp.where(lane1, plsc.bitcast(mi_pub, jnp.float32), mx)
        plane = cplane + par * 2 * _PLANE
        pltpu.sync_copy(pub.at[pl.ds(0, _ROW)], sh.at[pl.ds(plane + s * _ROW, _ROW)])
        plsc.subcore_barrier()
        pltpu.sync_copy(sh.at[pl.ds(plane, _PLANE)], allb)

        gv = plsc.load_gather(allb, [iota16 * _ROW])
        gi = plsc.bitcast(plsc.load_gather(allb, [iota16 * _ROW + jnp.full((_LANES,), 1, jnp.int32)]), jnp.int32)
        cx1 = plsc.load_gather(x1f, [gi])
        cx3 = plsc.load_gather(x3f, [gi])
        cy1 = plsc.load_gather(y1f, [gi])
        cy3 = plsc.load_gather(y3f, [gi])
        car = plsc.load_gather(arf, [gi])
        gm = xmax(gv)
        f = plsc.all_reduce_ffs(gv == gm)
        win = gi.at[f].get(mode="promise_in_bounds")
        valid = gm > negv

        gx1 = cx1.at[f].get(mode="promise_in_bounds")
        gx3 = cx3.at[f].get(mode="promise_in_bounds")
        gy1 = cy1.at[f].get(mode="promise_in_bounds")
        gy3 = cy3.at[f].get(mode="promise_in_bounds")
        gar = car.at[f].get(mode="promise_in_bounds")

        lidx = win - basev
        mine = valid & (lidx >= izeros16) & (lidx < perv) & lane0
        plsc.addupdate_scatter(sel, [jnp.where(mine, lidx, izeros16)], ones16, mask=mine)

        nbv = negv
        nbi = bigv
        ncurs = []
        for j in range(_VPT):
            fsl = pl.ds(base + j * _LANES, _LANES)
            xx1 = jnp.maximum(x1f[fsl], gx1)
            xx3 = jnp.minimum(x3f[fsl], gx3)
            yy1 = jnp.maximum(y1f[fsl], gy1)
            yy3 = jnp.minimum(y3f[fsl], gy3)
            inter = jnp.maximum(xx3 - xx1, 0.0) * jnp.maximum(yy3 - yy1, 0.0)
            union = arf[fsl] + gar - inter
            supp = ((33554432.0 * inter - 16777216.0 * union) > union) & valid
            nc = jnp.where(supp, negv, curs[j])
            ncurs.append(nc)
            gio = iota16 + jnp.full((_LANES,), j * _LANES, jnp.int32) + basev
            better = nc > nbv
            nbv = jnp.where(better, nc, nbv)
            nbi = jnp.where(better, gio, nbi)
        return nbv, nbi, ncurs

    def round_pair(i, carry):
        bv, bi = carry[0], carry[1]
        curs = list(carry[2:])
        bv, bi, curs = one_round(0, bv, bi, curs)
        bv, bi, curs = one_round(1, bv, bi, curs)
        return (bv, bi) + tuple(curs)

    curs0 = [msc[pl.ds(j * _LANES, _LANES)] for j in range(_VPT)]
    bv0 = curs0[0]
    bi0 = iota16 + basev
    for j in range(1, _VPT):
        v = curs0[j]
        gio0 = iota16 + jnp.full((_LANES,), j * _LANES, jnp.int32) + basev
        better0 = v > bv0
        bv0 = jnp.where(better0, v, bv0)
        bi0 = jnp.where(better0, gio0, bi0)
    lax.fori_loop(0, _MAX_OUT // 2, round_pair, (bv0, bi0) + tuple(curs0))

    for j in range(_VPT):
        sl = pl.ds(j * _LANES, _LANES)
        outv[sl] = msc[sl] * sel[sl]

    @pl.when(c == 0)
    def _():
        pltpu.sync_copy(outv, out_h.at[pl.ds(base, _PER)])


@jax.jit
def _nms_sc(bt, sc):
    mesh = plsc.VectorSubcoreMesh(core_axis_name="c", subcore_axis_name="s")
    f = functools.partial(
        pl.kernel,
        mesh=mesh,
        compiler_params=pltpu.CompilerParams(needs_layout_passes=False),
        out_type=jax.ShapeDtypeStruct((_NP,), jnp.float32),
        scratch_types=[
            pltpu.VMEM((_NP,), jnp.float32),
            pltpu.VMEM((_NP,), jnp.float32),
            pltpu.VMEM((_NP,), jnp.float32),
            pltpu.VMEM((_NP,), jnp.float32),
            pltpu.VMEM((_NP,), jnp.float32),
            pltpu.VMEM((_NP,), jnp.float32),
            pltpu.VMEM((_NP,), jnp.float32),
            pltpu.VMEM((_NP,), jnp.float32),
            pltpu.VMEM((_NP,), jnp.float32),
            pltpu.VMEM((_PER,), jnp.float32),
            pltpu.VMEM((_PER,), jnp.float32),
            pltpu.VMEM((_PER,), jnp.float32),
            pltpu.VMEM((_LANES,), jnp.float32),
            pltpu.VMEM((_PLANE,), jnp.float32),
            pltpu.VMEM_SHARED((_SH,), jnp.float32),
        ],
    )(_nms_body)
    return f(bt, sc)


def kernel(boxes, scores):
    bt = jnp.zeros((4, _NP), jnp.float32).at[:, :_N].set(boxes.T)
    sc = jnp.full((_NP,), _NEG, jnp.float32).at[:_N].set(scores)
    out = _nms_sc(bt, sc)
    return out[:_N]

# --- scband reference (transcript-rebuilt; emitter-appended) ---
"""Pipeline reference for scband-inference-and-generation-88313117540431 (READ-ONLY COPY).

The authoritative reference and input builder live on the scoring server;
editing this copy changes nothing except your own understanding.
"""

import jax, jax.numpy as jnp
import numpy as np

IOU_THRESHOLD = 0.5
MAX_OUTPUT_SIZE = 200
N_BOXES = 5000


def _iou_matrix(bx, by, bw, bh):
    # Faithful translation of compute_iou (boxes are cx, cy, w, h), broadcast to all pairs
    area = bw * bh
    x1 = bx - 0.5 * bw
    x3 = bx + 0.5 * bw
    y1 = by - 0.5 * bh
    y3 = by + 0.5 * bh
    xx1 = jnp.maximum(x1[:, None], x1[None, :])
    xx3 = jnp.minimum(x3[:, None], x3[None, :])
    yy1 = jnp.maximum(y1[:, None], y1[None, :])
    yy3 = jnp.minimum(y3[:, None], y3[None, :])
    intersection = jnp.maximum(xx3 - xx1, 0.0) * jnp.maximum(yy3 - yy1, 0.0)
    iou = intersection / (area[:, None] + area[None, :] - intersection)
    return iou


def setup_inputs(seed: int = 0) -> dict:
    key = jax.random.key(seed)
    k1, k2 = jax.random.split(key)
    boxes = jax.random.uniform(k1, (N_BOXES, 4), dtype=jnp.float32)
    scores = jax.random.uniform(k2, (N_BOXES,), dtype=jnp.float32)
    return {"boxes": boxes, "scores": scores}


def _nms_mask(boxes, scores):
    bx, by, bw, bh = boxes[:, 0], boxes[:, 1], boxes[:, 2], boxes[:, 3]
    iou = _iou_matrix(bx, by, bw, bh)
    overlap = (iou > IOU_THRESHOLD).astype(scores.dtype)
    n = scores.shape[0]

    def body(i, state):
        possible, selected = state
        masked = jnp.where(possible > 0, scores, -jnp.inf)
        idx = jnp.argmax(masked)
        valid = (masked[idx] > -jnp.inf).astype(scores.dtype)
        selected = selected.at[idx].add(valid)
        # suppress everything overlapping the chosen box (incl. itself, diag iou = 1)
        possible = possible * (1.0 - overlap[idx] * valid)
        return (possible, selected)

    possible0 = jnp.ones((n,), dtype=scores.dtype)
    selected0 = jnp.zeros((n,), dtype=scores.dtype)
    _, selected = jax.lax.fori_loop(0, MAX_OUTPUT_SIZE, body, (possible0, selected0))
    return selected


def reference(boxes, scores):
    # greedy NMS mask is computed under no_grad in the original torch code
    mask = jax.lax.stop_gradient(_nms_mask(boxes, scores))
    return scores * mask

if __name__ == "__main__":
    import jax
    _d = setup_inputs()
    print(jax.jit(kernel)(*tuple(_d.values())))

</pallas_src>

<mosaic_0001>
#map = affine_map<(d0, d1) -> (0, 0)>
#map1 = affine_map<(d0, d1) -> (0)>
module attributes {stable_mosaic.version = 14 : i64} {
  func.func @_nms_body(%arg0: i32, %arg1: i32, %arg2: memref<4x5120xf32, #tpu.memory_space<hbm>>, %arg3: memref<5120xf32, #tpu.memory_space<hbm>>, %arg4: memref<5120xf32, #tpu.memory_space<hbm>>, %arg5: memref<5120xf32, #tpu.memory_space<vmem>>, %arg6: memref<5120xf32, #tpu.memory_space<vmem>>, %arg7: memref<5120xf32, #tpu.memory_space<vmem>>, %arg8: memref<5120xf32, #tpu.memory_space<vmem>>, %arg9: memref<5120xf32, #tpu.memory_space<vmem>>, %arg10: memref<5120xf32, #tpu.memory_space<vmem>>, %arg11: memref<5120xf32, #tpu.memory_space<vmem>>, %arg12: memref<5120xf32, #tpu.memory_space<vmem>>, %arg13: memref<5120xf32, #tpu.memory_space<vmem>>, %arg14: memref<320xf32, #tpu.memory_space<vmem>>, %arg15: memref<320xf32, #tpu.memory_space<vmem>>, %arg16: memref<320xf32, #tpu.memory_space<vmem>>, %arg17: memref<16xf32, #tpu.memory_space<vmem>>, %arg18: memref<128xf32, #tpu.memory_space<vmem>>, %arg19: memref<512xf32, #tpu.memory_space<vmem_shared>>) attributes {dimension_semantics = [#tpu.dimension_semantics<core_parallel>, #tpu.dimension_semantics<subcore_parallel>], iteration_bounds = array<i64: 2, 16>, scalar_prefetch = 0 : i64, scratch_operands = 15 : i64, tpu.core_type = #tpu.core_type<sc_vector_subcore>, window_params = [{transform_indices = #map}, {transform_indices = #map1}, {transform_indices = #map1}]} {
    %mul3A = arith.constant 320 : i32
    %mul3A_0 = arith.muli %arg1, %mul3A : i32
    %run_scoped3A = arith.constant 0 : i32
    "tpu.region"() ({
      %run_scoped3A_385 = tpu.sem_alloc : memref<!tpu.dma_semaphore, #tpu.memory_space<semaphore_mem>>
      %dma_start3A = arith.constant 0 : i32
      %dma_start3A_386 = tpu.memref_slice %arg2[%run_scoped3A, %dma_start3A] : memref<4x5120xf32, #tpu.memory_space<hbm>> -> memref<1x5120xf32, #tpu.memory_space<hbm>>
      %dma_start3A_387 = tpu.memref_squeeze %dma_start3A_386 : memref<1x5120xf32, #tpu.memory_space<hbm>> -> memref<5120xf32, #tpu.memory_space<hbm>>
      %dma_start3A_388 = arith.constant 0 : i32
      %dma_start3A_389 = tpu.memref_slice %arg2[%run_scoped3A, %dma_start3A_388] : memref<4x5120xf32, #tpu.memory_space<hbm>> -> memref<1x5120xf32, #tpu.memory_space<hbm>>
      %dma_start3A_390 = tpu.memref_squeeze %dma_start3A_389 : memref<1x5120xf32, #tpu.memory_space<hbm>> -> memref<5120xf32, #tpu.memory_space<hbm>>
      tpu.enqueue_dma source(%dma_start3A_390 : memref<5120xf32, #tpu.memory_space<hbm>>) target(%arg5 : memref<5120xf32, #tpu.memory_space<vmem>>) target_semaphore(%run_scoped3A_385 : memref<!tpu.dma_semaphore, #tpu.memory_space<semaphore_mem>>)
      %dma_wait3A = arith.constant 0 : i32
      %dma_wait3A_391 = tpu.memref_slice %arg2[%run_scoped3A, %dma_wait3A] : memref<4x5120xf32, #tpu.memory_space<hbm>> -> memref<1x5120xf32, #tpu.memory_space<hbm>>
      %dma_wait3A_392 = tpu.memref_squeeze %dma_wait3A_391 : memref<1x5120xf32, #tpu.memory_space<hbm>> -> memref<5120xf32, #tpu.memory_space<hbm>>
      %dma_wait3A_393 = arith.constant 0 : i32
      %dma_wait3A_394 = tpu.memref_slice %arg2[%run_scoped3A, %dma_wait3A_393] : memref<4x5120xf32, #tpu.memory_space<hbm>> -> memref<1x5120xf32, #tpu.memory_space<hbm>>
      %dma_wait3A_395 = tpu.memref_squeeze %dma_wait3A_394 : memref<1x5120xf32, #tpu.memory_space<hbm>> -> memref<5120xf32, #tpu.memory_space<hbm>>
      tpu.wait_dma2 semaphore(%run_scoped3A_385 : memref<!tpu.dma_semaphore, #tpu.memory_space<semaphore_mem>>) src(%dma_wait3A_395 : memref<5120xf32, #tpu.memory_space<hbm>>) dst(%arg5 : memref<5120xf32, #tpu.memory_space<vmem>>)
      tpu.yield
    }) : () -> ()
    %run_scoped3A_1 = arith.constant 1 : i32
    "tpu.region"() ({
      %run_scoped3A_385 = tpu.sem_alloc : memref<!tpu.dma_semaphore, #tpu.memory_space<semaphore_mem>>
      %dma_start3A = arith.constant 0 : i32
      %dma_start3A_386 = tpu.memref_slice %arg2[%run_scoped3A_1, %dma_start3A] : memref<4x5120xf32, #tpu.memory_space<hbm>> -> memref<1x5120xf32, #tpu.memory_space<hbm>>
      %dma_start3A_387 = tpu.memref_squeeze %dma_start3A_386 : memref<1x5120xf32, #tpu.memory_space<hbm>> -> memref<5120xf32, #tpu.memory_space<hbm>>
      %dma_start3A_388 = arith.constant 0 : i32
      %dma_start3A_389 = tpu.memref_slice %arg2[%run_scoped3A_1, %dma_start3A_388] : memref<4x5120xf32, #tpu.memory_space<hbm>> -> memref<1x5120xf32, #tpu.memory_space<hbm>>
      %dma_start3A_390 = tpu.memref_squeeze %dma_start3A_389 : memref<1x5120xf32, #tpu.memory_space<hbm>> -> memref<5120xf32, #tpu.memory_space<hbm>>
      tpu.enqueue_dma source(%dma_start3A_390 : memref<5120xf32, #tpu.memory_space<hbm>>) target(%arg6 : memref<5120xf32, #tpu.memory_space<vmem>>) target_semaphore(%run_scoped3A_385 : memref<!tpu.dma_semaphore, #tpu.memory_space<semaphore_mem>>)
      %dma_wait3A = arith.constant 0 : i32
      %dma_wait3A_391 = tpu.memref_slice %arg2[%run_scoped3A_1, %dma_wait3A] : memref<4x5120xf32, #tpu.memory_space<hbm>> -> memref<1x5120xf32, #tpu.memory_space<hbm>>
      %dma_wait3A_392 = tpu.memref_squeeze %dma_wait3A_391 : memref<1x5120xf32, #tpu.memory_space<hbm>> -> memref<5120xf32, #tpu.memory_space<hbm>>
      %dma_wait3A_393 = arith.constant 0 : i32
      %dma_wait3A_394 = tpu.memref_slice %arg2[%run_scoped3A_1, %dma_wait3A_393] : memref<4x5120xf32, #tpu.memory_space<hbm>> -> memref<1x5120xf32, #tpu.memory_space<hbm>>
      %dma_wait3A_395 = tpu.memref_squeeze %dma_wait3A_394 : memref<1x5120xf32, #tpu.memory_space<hbm>> -> memref<5120xf32, #tpu.memory_space<hbm>>
      tpu.wait_dma2 semaphore(%run_scoped3A_385 : memref<!tpu.dma_semaphore, #tpu.memory_space<semaphore_mem>>) src(%dma_wait3A_395 : memref<5120xf32, #tpu.memory_space<hbm>>) dst(%arg6 : memref<5120xf32, #tpu.memory_space<vmem>>)
      tpu.yield
    }) : () -> ()
    %run_scoped3A_2 = arith.constant 2 : i32
    "tpu.region"() ({
      %run_scoped3A_385 = tpu.sem_alloc : memref<!tpu.dma_semaphore, #tpu.memory_space<semaphore_mem>>
      %dma_start3A = arith.constant 0 : i32
      %dma_start3A_386 = tpu.memref_slice %arg2[%run_scoped3A_2, %dma_start3A] : memref<4x5120xf32, #tpu.memory_space<hbm>> -> memref<1x5120xf32, #tpu.memory_space<hbm>>
      %dma_start3A_387 = tpu.memref_squeeze %dma_start3A_386 : memref<1x5120xf32, #tpu.memory_space<hbm>> -> memref<5120xf32, #tpu.memory_space<hbm>>
      %dma_start3A_388 = arith.constant 0 : i32
      %dma_start3A_389 = tpu.memref_slice %arg2[%run_scoped3A_2, %dma_start3A_388] : memref<4x5120xf32, #tpu.memory_space<hbm>> -> memref<1x5120xf32, #tpu.memory_space<hbm>>
      %dma_start3A_390 = tpu.memref_squeeze %dma_start3A_389 : memref<1x5120xf32, #tpu.memory_space<hbm>> -> memref<5120xf32, #tpu.memory_space<hbm>>
      tpu.enqueue_dma source(%dma_start3A_390 : memref<5120xf32, #tpu.memory_space<hbm>>) target(%arg7 : memref<5120xf32, #tpu.memory_space<vmem>>) target_semaphore(%run_scoped3A_385 : memref<!tpu.dma_semaphore, #tpu.memory_space<semaphore_mem>>)
      %dma_wait3A = arith.constant 0 : i32
      %dma_wait3A_391 = tpu.memref_slice %arg2[%run_scoped3A_2, %dma_wait3A] : memref<4x5120xf32, #tpu.memory_space<hbm>> -> memref<1x5120xf32, #tpu.memory_space<hbm>>
      %dma_wait3A_392 = tpu.memref_squeeze %dma_wait3A_391 : memref<1x5120xf32, #tpu.memory_space<hbm>> -> memref<5120xf32, #tpu.memory_space<hbm>>
      %dma_wait3A_393 = arith.constant 0 : i32
      %dma_wait3A_394 = tpu.memref_slice %arg2[%run_scoped3A_2, %dma_wait3A_393] : memref<4x5120xf32, #tpu.memory_space<hbm>> -> memref<1x5120xf32, #tpu.memory_space<hbm>>
      %dma_wait3A_395 = tpu.memref_squeeze %dma_wait3A_394 : memref<1x5120xf32, #tpu.memory_space<hbm>> -> memref<5120xf32, #tpu.memory_space<hbm>>
      tpu.wait_dma2 semaphore(%run_scoped3A_385 : memref<!tpu.dma_semaphore, #tpu.memory_space<semaphore_mem>>) src(%dma_wait3A_395 : memref<5120xf32, #tpu.memory_space<hbm>>) dst(%arg7 : memref<5120xf32, #tpu.memory_space<vmem>>)
      tpu.yield
    }) : () -> ()
    %run_scoped3A_3 = arith.constant 3 : i32
    "tpu.region"() ({
      %run_scoped3A_385 = tpu.sem_alloc : memref<!tpu.dma_semaphore, #tpu.memory_space<semaphore_mem>>
      %dma_start3A = arith.constant 0 : i32
      %dma_start3A_386 = tpu.memref_slice %arg2[%run_scoped3A_3, %dma_start3A] : memref<4x5120xf32, #tpu.memory_space<hbm>> -> memref<1x5120xf32, #tpu.memory_space<hbm>>
      %dma_start3A_387 = tpu.memref_squeeze %dma_start3A_386 : memref<1x5120xf32, #tpu.memory_space<hbm>> -> memref<5120xf32, #tpu.memory_space<hbm>>
      %dma_start3A_388 = arith.constant 0 : i32
      %dma_start3A_389 = tpu.memref_slice %arg2[%run_scoped3A_3, %dma_start3A_388] : memref<4x5120xf32, #tpu.memory_space<hbm>> -> memref<1x5120xf32, #tpu.memory_space<hbm>>
      %dma_start3A_390 = tpu.memref_squeeze %dma_start3A_389 : memref<1x5120xf32, #tpu.memory_space<hbm>> -> memref<5120xf32, #tpu.memory_space<hbm>>
      tpu.enqueue_dma source(%dma_start3A_390 : memref<5120xf32, #tpu.memory_space<hbm>>) target(%arg8 : memref<5120xf32, #tpu.memory_space<vmem>>) target_semaphore(%run_scoped3A_385 : memref<!tpu.dma_semaphore, #tpu.memory_space<semaphore_mem>>)
      %dma_wait3A = arith.constant 0 : i32
      %dma_wait3A_391 = tpu.memref_slice %arg2[%run_scoped3A_3, %dma_wait3A] : memref<4x5120xf32, #tpu.memory_space<hbm>> -> memref<1x5120xf32, #tpu.memory_space<hbm>>
      %dma_wait3A_392 = tpu.memref_squeeze %dma_wait3A_391 : memref<1x5120xf32, #tpu.memory_space<hbm>> -> memref<5120xf32, #tpu.memory_space<hbm>>
      %dma_wait3A_393 = arith.constant 0 : i32
      %dma_wait3A_394 = tpu.memref_slice %arg2[%run_scoped3A_3, %dma_wait3A_393] : memref<4x5120xf32, #tpu.memory_space<hbm>> -> memref<1x5120xf32, #tpu.memory_space<hbm>>
      %dma_wait3A_395 = tpu.memref_squeeze %dma_wait3A_394 : memref<1x5120xf32, #tpu.memory_space<hbm>> -> memref<5120xf32, #tpu.memory_space<hbm>>
      tpu.wait_dma2 semaphore(%run_scoped3A_385 : memref<!tpu.dma_semaphore, #tpu.memory_space<semaphore_mem>>) src(%dma_wait3A_395 : memref<5120xf32, #tpu.memory_space<hbm>>) dst(%arg8 : memref<5120xf32, #tpu.memory_space<vmem>>)
      tpu.yield
    }) : () -> ()
    "tpu.region"() ({
      %run_scoped3A_385 = tpu.sem_alloc : memref<!tpu.dma_semaphore, #tpu.memory_space<semaphore_mem>>
      %dma_start3A = tpu.memref_slice %arg3[%mul3A_0] : memref<5120xf32, #tpu.memory_space<hbm>> -> memref<320xf32, #tpu.memory_space<hbm>>
      %dma_start3A_386 = tpu.memref_slice %arg3[%mul3A_0] : memref<5120xf32, #tpu.memory_space<hbm>> -> memref<320xf32, #tpu.memory_space<hbm>>
      tpu.enqueue_dma source(%dma_start3A_386 : memref<320xf32, #tpu.memory_space<hbm>>) target(%arg14 : memref<320xf32, #tpu.memory_space<vmem>>) target_semaphore(%run_scoped3A_385 : memref<!tpu.dma_semaphore, #tpu.memory_space<semaphore_mem>>)
      %dma_wait3A = tpu.memref_slice %arg3[%mul3A_0] : memref<5120xf32, #tpu.memory_space<hbm>> -> memref<320xf32, #tpu.memory_space<hbm>>
      %dma_wait3A_387 = tpu.memref_slice %arg3[%mul3A_0] : memref<5120xf32, #tpu.memory_space<hbm>> -> memref<320xf32, #tpu.memory_space<hbm>>
      tpu.wait_dma2 semaphore(%run_scoped3A_385 : memref<!tpu.dma_semaphore, #tpu.memory_space<semaphore_mem>>) src(%dma_wait3A_387 : memref<320xf32, #tpu.memory_space<hbm>>) dst(%arg14 : memref<320xf32, #tpu.memory_space<vmem>>)
      tpu.yield
    }) : () -> ()
    %scan3A = arith.constant 0 : i32
    %scan3A_4 = arith.constant 0 : i32
    %scan3A_5 = arith.constant 320 : i32
    %scan3A_6 = arith.addi %scan3A_4, %scan3A_5 : i32
    %scan3A_7 = arith.constant 1 : i32
    %scan3A_8 = scf.for %scan3A_385 = %scan3A_4 to %scan3A_6 step %scan3A_7 iter_args(%scan3A_386 = %scan3A) -> (i32)  : i32 {
      %mul3A_387 = arith.constant 16 : i32
      %mul3A_388 = arith.muli %scan3A_385, %mul3A_387 : i32
      %get3A_389 = arith.index_cast %mul3A_388 : i32 to index
      %get3A_390 = tpu.vector_load %arg5[%get3A_389] {strides = array<i32>} : memref<5120xf32, #tpu.memory_space<vmem>>, vector<16xf32>,
      %get3A_391 = arith.index_cast %mul3A_388 : i32 to index
      %get3A_392 = tpu.vector_load %arg6[%get3A_391] {strides = array<i32>} : memref<5120xf32, #tpu.memory_space<vmem>>, vector<16xf32>,
      %get3A_393 = arith.index_cast %mul3A_388 : i32 to index
      %get3A_394 = tpu.vector_load %arg7[%get3A_393] {strides = array<i32>} : memref<5120xf32, #tpu.memory_space<vmem>>, vector<16xf32>,
      %get3A_395 = arith.index_cast %mul3A_388 : i32 to index
      %get3A_396 = tpu.vector_load %arg8[%get3A_395] {strides = array<i32>} : memref<5120xf32, #tpu.memory_space<vmem>>, vector<16xf32>,
      %mul3A_397 = arith.constant 5.000000e-01 : f32
      %mul3A_398 = vector.broadcast %mul3A_397 : f32 to vector<16xf32>
      %mul3A_399 = arith.mulf %mul3A_398, %get3A_394 : vector<16xf32>
      %sub3A = arith.subf %get3A_390, %mul3A_399 : vector<16xf32>
      %swap3A_400 = arith.index_cast %mul3A_388 : i32 to index
      %swap3A_401 = tpu.vector_load %arg9[%swap3A_400] {strides = array<i32>} : memref<5120xf32, #tpu.memory_space<vmem>>, vector<16xf32>,
      tpu.vector_store %arg9[%swap3A_400], %sub3A {strides = array<i32>} : memref<5120xf32, #tpu.memory_space<vmem>>, vector<16xf32>,
      %mul3A_402 = arith.constant 5.000000e-01 : f32
      %mul3A_403 = vector.broadcast %mul3A_402 : f32 to vector<16xf32>
      %mul3A_404 = arith.mulf %mul3A_403, %get3A_394 : vector<16xf32>
      %add3A_405 = arith.addf %get3A_390, %mul3A_404 : vector<16xf32>
      %swap3A_406 = arith.index_cast %mul3A_388 : i32 to index
      %swap3A_407 = tpu.vector_load %arg10[%swap3A_406] {strides = array<i32>} : memref<5120xf32, #tpu.memory_space<vmem>>, vector<16xf32>,
      tpu.vector_store %arg10[%swap3A_406], %add3A_405 {strides = array<i32>} : memref<5120xf32, #tpu.memory_space<vmem>>, vector<16xf32>,
      %mul3A_408 = arith.constant 5.000000e-01 : f32
      %mul3A_409 = vector.broadcast %mul3A_408 : f32 to vector<16xf32>
      %mul3A_410 = arith.mulf %mul3A_409, %get3A_396 : vector<16xf32>
      %sub3A_411 = arith.subf %get3A_392, %mul3A_410 : vector<16xf32>
      %swap3A_412 = arith.index_cast %mul3A_388 : i32 to index
      %swap3A_413 = tpu.vector_load %arg11[%swap3A_412] {strides = array<i32>} : memref<5120xf32, #tpu.memory_space<vmem>>, vector<16xf32>,
      tpu.vector_store %arg11[%swap3A_412], %sub3A_411 {strides = array<i32>} : memref<5120xf32, #tpu.memory_space<vmem>>, vector<16xf32>,
      %mul3A_414 = arith.constant 5.000000e-01 : f32
      %mul3A_415 = vector.broadcast %mul3A_414 : f32 to vector<16xf32>
      %mul3A_416 = arith.mulf %mul3A_415, %get3A_396 : vector<16xf32>
      %add3A_417 = arith.addf %get3A_392, %mul3A_416 : vector<16xf32>
      %swap3A_418 = arith.index_cast %mul3A_388 : i32 to index
      %swap3A_419 = tpu.vector_load %arg12[%swap3A_418] {strides = array<i32>} : memref<5120xf32, #tpu.memory_space<vmem>>, vector<16xf32>,
      tpu.vector_store %arg12[%swap3A_418], %add3A_417 {strides = array<i32>} : memref<5120xf32, #tpu.memory_space<vmem>>, vector<16xf32>,
      %mul3A_420 = arith.mulf %get3A_394, %get3A_396 : vector<16xf32>
      %swap3A_421 = arith.index_cast %mul3A_388 : i32 to index
      %swap3A_422 = tpu.vector_load %arg13[%swap3A_421] {strides = array<i32>} : memref<5120xf32, #tpu.memory_space<vmem>>, vector<16xf32>,
      tpu.vector_store %arg13[%swap3A_421], %mul3A_420 {strides = array<i32>} : memref<5120xf32, #tpu.memory_space<vmem>>, vector<16xf32>,
      %scan3A_423 = arith.constant 0 : i32
      scf.yield %scan3A_423 : i32
    }
    %scan3A_9 = arith.constant 320 : i32
    %broadcast_in_dim3A = arith.constant 0.000000e+00 : f32
    %broadcast_in_dim3A_10 = vector.broadcast %broadcast_in_dim3A : f32 to vector<16xf32>
    %swap3A = arith.constant 0 : index
    %swap3A_11 = tpu.vector_load %arg15[%swap3A] {strides = array<i32>} : memref<320xf32, #tpu.memory_space<vmem>>, vector<16xf32>,
    tpu.vector_store %arg15[%swap3A], %broadcast_in_dim3A_10 {strides = array<i32>} : memref<320xf32, #tpu.memory_space<vmem>>, vector<16xf32>,
    %swap3A_12 = arith.constant 16 : index
    %swap3A_13 = tpu.vector_load %arg15[%swap3A_12] {strides = array<i32>} : memref<320xf32, #tpu.memory_space<vmem>>, vector<16xf32>,
    tpu.vector_store %arg15[%swap3A_12], %broadcast_in_dim3A_10 {strides = array<i32>} : memref<320xf32, #tpu.memory_space<vmem>>, vector<16xf32>,
    %swap3A_14 = arith.constant 32 : index
    %swap3A_15 = tpu.vector_load %arg15[%swap3A_14] {strides = array<i32>} : memref<320xf32, #tpu.memory_space<vmem>>, vector<16xf32>,
    tpu.vector_store %arg15[%swap3A_14], %broadcast_in_dim3A_10 {strides = array<i32>} : memref<320xf32, #tpu.memory_space<vmem>>, vector<16xf32>,
    %swap3A_16 = arith.constant 48 : index
    %swap3A_17 = tpu.vector_load %arg15[%swap3A_16] {strides = array<i32>} : memref<320xf32, #tpu.memory_space<vmem>>, vector<16xf32>,
    tpu.vector_store %arg15[%swap3A_16], %broadcast_in_dim3A_10 {strides = array<i32>} : memref<320xf32, #tpu.memory_space<vmem>>, vector<16xf32>,
    %swap3A_18 = arith.constant 64 : index
    %swap3A_19 = tpu.vector_load %arg15[%swap3A_18] {strides = array<i32>} : memref<320xf32, #tpu.memory_space<vmem>>, vector<16xf32>,
    tpu.vector_store %arg15[%swap3A_18], %broadcast_in_dim3A_10 {strides = array<i32>} : memref<320xf32, #tpu.memory_space<vmem>>, vector<16xf32>,
    %swap3A_20 = arith.constant 80 : index
    %swap3A_21 = tpu.vector_load %arg15[%swap3A_20] {strides = array<i32>} : memref<320xf32, #tpu.memory_space<vmem>>, vector<16xf32>,
    tpu.vector_store %arg15[%swap3A_20], %broadcast_in_dim3A_10 {strides = array<i32>} : memref<320xf32, #tpu.memory_space<vmem>>, vector<16xf32>,
    %swap3A_22 = arith.constant 96 : index
    %swap3A_23 = tpu.vector_load %arg15[%swap3A_22] {strides = array<i32>} : memref<320xf32, #tpu.memory_space<vmem>>, vector<16xf32>,
    tpu.vector_store %arg15[%swap3A_22], %broadcast_in_dim3A_10 {strides = array<i32>} : memref<320xf32, #tpu.memory_space<vmem>>, vector<16xf32>,
    %swap3A_24 = arith.constant 112 : index
    %swap3A_25 = tpu.vector_load %arg15[%swap3A_24] {strides = array<i32>} : memref<320xf32, #tpu.memory_space<vmem>>, vector<16xf32>,
    tpu.vector_store %arg15[%swap3A_24], %broadcast_in_dim3A_10 {strides = array<i32>} : memref<320xf32, #tpu.memory_space<vmem>>, vector<16xf32>,
    %swap3A_26 = arith.constant 128 : index
    %swap3A_27 = tpu.vector_load %arg15[%swap3A_26] {strides = array<i32>} : memref<320xf32, #tpu.memory_space<vmem>>, vector<16xf32>,
    tpu.vector_store %arg15[%swap3A_26], %broadcast_in_dim3A_10 {strides = array<i32>} : memref<320xf32, #tpu.memory_space<vmem>>, vector<16xf32>,
    %swap3A_28 = arith.constant 144 : index
    %swap3A_29 = tpu.vector_load %arg15[%swap3A_28] {strides = array<i32>} : memref<320xf32, #tpu.memory_space<vmem>>, vector<16xf32>,
    tpu.vector_store %arg15[%swap3A_28], %broadcast_in_dim3A_10 {strides = array<i32>} : memref<320xf32, #tpu.memory_space<vmem>>, vector<16xf32>,
    %swap3A_30 = arith.constant 160 : index
    %swap3A_31 = tpu.vector_load %arg15[%swap3A_30] {strides = array<i32>} : memref<320xf32, #tpu.memory_space<vmem>>, vector<16xf32>,
    tpu.vector_store %arg15[%swap3A_30], %broadcast_in_dim3A_10 {strides = array<i32>} : memref<320xf32, #tpu.memory_space<vmem>>, vector<16xf32>,
    %swap3A_32 = arith.constant 176 : index
    %swap3A_33 = tpu.vector_load %arg15[%swap3A_32] {strides = array<i32>} : memref<320xf32, #tpu.memory_space<vmem>>, vector<16xf32>,
    tpu.vector_store %arg15[%swap3A_32], %broadcast_in_dim3A_10 {strides = array<i32>} : memref<320xf32, #tpu.memory_space<vmem>>, vector<16xf32>,
    %swap3A_34 = arith.constant 192 : index
    %swap3A_35 = tpu.vector_load %arg15[%swap3A_34] {strides = array<i32>} : memref<320xf32, #tpu.memory_space<vmem>>, vector<16xf32>,
    tpu.vector_store %arg15[%swap3A_34], %broadcast_in_dim3A_10 {strides = array<i32>} : memref<320xf32, #tpu.memory_space<vmem>>, vector<16xf32>,
    %swap3A_36 = arith.constant 208 : index
    %swap3A_37 = tpu.vector_load %arg15[%swap3A_36] {strides = array<i32>} : memref<320xf32, #tpu.memory_space<vmem>>, vector<16xf32>,
    tpu.vector_store %arg15[%swap3A_36], %broadcast_in_dim3A_10 {strides = array<i32>} : memref<320xf32, #tpu.memory_space<vmem>>, vector<16xf32>,
    %swap3A_38 = arith.constant 224 : index
    %swap3A_39 = tpu.vector_load %arg15[%swap3A_38] {strides = array<i32>} : memref<320xf32, #tpu.memory_space<vmem>>, vector<16xf32>,
    tpu.vector_store %arg15[%swap3A_38], %broadcast_in_dim3A_10 {strides = array<i32>} : memref<320xf32, #tpu.memory_space<vmem>>, vector<16xf32>,
    %swap3A_40 = arith.constant 240 : index
    %swap3A_41 = tpu.vector_load %arg15[%swap3A_40] {strides = array<i32>} : memref<320xf32, #tpu.memory_space<vmem>>, vector<16xf32>,
    tpu.vector_store %arg15[%swap3A_40], %broadcast_in_dim3A_10 {strides = array<i32>} : memref<320xf32, #tpu.memory_space<vmem>>, vector<16xf32>,
    %swap3A_42 = arith.constant 256 : index
    %swap3A_43 = tpu.vector_load %arg15[%swap3A_42] {strides = array<i32>} : memref<320xf32, #tpu.memory_space<vmem>>, vector<16xf32>,
    tpu.vector_store %arg15[%swap3A_42], %broadcast_in_dim3A_10 {strides = array<i32>} : memref<320xf32, #tpu.memory_space<vmem>>, vector<16xf32>,
    %swap3A_44 = arith.constant 272 : index
    %swap3A_45 = tpu.vector_load %arg15[%swap3A_44] {strides = array<i32>} : memref<320xf32, #tpu.memory_space<vmem>>, vector<16xf32>,
    tpu.vector_store %arg15[%swap3A_44], %broadcast_in_dim3A_10 {strides = array<i32>} : memref<320xf32, #tpu.memory_space<vmem>>, vector<16xf32>,
    %swap3A_46 = arith.constant 288 : index
    %swap3A_47 = tpu.vector_load %arg15[%swap3A_46] {strides = array<i32>} : memref<320xf32, #tpu.memory_space<vmem>>, vector<16xf32>,
    tpu.vector_store %arg15[%swap3A_46], %broadcast_in_dim3A_10 {strides = array<i32>} : memref<320xf32, #tpu.memory_space<vmem>>, vector<16xf32>,
    %swap3A_48 = arith.constant 304 : index
    %swap3A_49 = tpu.vector_load %arg15[%swap3A_48] {strides = array<i32>} : memref<320xf32, #tpu.memory_space<vmem>>, vector<16xf32>,
    tpu.vector_store %arg15[%swap3A_48], %broadcast_in_dim3A_10 {strides = array<i32>} : memref<320xf32, #tpu.memory_space<vmem>>, vector<16xf32>,
    %iota3A = tpu.iota {dimensions = array<i32: 0>} : vector<16xi32>
    %broadcast_in_dim3A_50 = arith.constant 0xFF800000 : f32
    %broadcast_in_dim3A_51 = vector.broadcast %broadcast_in_dim3A_50 : f32 to vector<16xf32>
    %broadcast_in_dim3A_52 = arith.constant 1.000000e+00 : f32
    %broadcast_in_dim3A_53 = vector.broadcast %broadcast_in_dim3A_52 : f32 to vector<16xf32>
    %broadcast_in_dim3A_54 = arith.constant 0 : i32
    %broadcast_in_dim3A_55 = vector.broadcast %broadcast_in_dim3A_54 : i32 to vector<16xi32>
    %broadcast_in_dim3A_56 = arith.constant 1073741824 : i32
    %broadcast_in_dim3A_57 = vector.broadcast %broadcast_in_dim3A_56 : i32 to vector<16xi32>
    %broadcast_in_dim3A_58 = vector.broadcast %mul3A_0 : i32 to vector<16xi32>
    %broadcast_in_dim3A_59 = arith.constant 320 : i32
    %broadcast_in_dim3A_60 = vector.broadcast %broadcast_in_dim3A_59 : i32 to vector<16xi32>
    %eq3A = arith.cmpi eq, %iota3A, %broadcast_in_dim3A_55 : vector<16xi32>
    %broadcast_in_dim3A_61 = arith.constant 1 : i32
    %broadcast_in_dim3A_62 = vector.broadcast %broadcast_in_dim3A_61 : i32 to vector<16xi32>
    %eq3A_63 = arith.cmpi eq, %iota3A, %broadcast_in_dim3A_62 : vector<16xi32>
    %mul3A_64 = arith.constant 128 : i32
    %mul3A_65 = arith.muli %arg0, %mul3A_64 : i32
    %get3A = arith.constant 0 : index
    %get3A_66 = tpu.vector_load %arg14[%get3A] {strides = array<i32>} : memref<320xf32, #tpu.memory_space<vmem>>, vector<16xf32>,
    %get3A_67 = arith.constant 16 : index
    %get3A_68 = tpu.vector_load %arg14[%get3A_67] {strides = array<i32>} : memref<320xf32, #tpu.memory_space<vmem>>, vector<16xf32>,
    %get3A_69 = arith.constant 32 : index
    %get3A_70 = tpu.vector_load %arg14[%get3A_69] {strides = array<i32>} : memref<320xf32, #tpu.memory_space<vmem>>, vector<16xf32>,
    %get3A_71 = arith.constant 48 : index
    %get3A_72 = tpu.vector_load %arg14[%get3A_71] {strides = array<i32>} : memref<320xf32, #tpu.memory_space<vmem>>, vector<16xf32>,
    %get3A_73 = arith.constant 64 : index
    %get3A_74 = tpu.vector_load %arg14[%get3A_73] {strides = array<i32>} : memref<320xf32, #tpu.memory_space<vmem>>, vector<16xf32>,
    %get3A_75 = arith.constant 80 : index
    %get3A_76 = tpu.vector_load %arg14[%get3A_75] {strides = array<i32>} : memref<320xf32, #tpu.memory_space<vmem>>, vector<16xf32>,
    %get3A_77 = arith.constant 96 : index
    %get3A_78 = tpu.vector_load %arg14[%get3A_77] {strides = array<i32>} : memref<320xf32, #tpu.memory_space<vmem>>, vector<16xf32>,
    %get3A_79 = arith.constant 112 : index
    %get3A_80 = tpu.vector_load %arg14[%get3A_79] {strides = array<i32>} : memref<320xf32, #tpu.memory_space<vmem>>, vector<16xf32>,
    %get3A_81 = arith.constant 128 : index
    %get3A_82 = tpu.vector_load %arg14[%get3A_81] {strides = array<i32>} : memref<320xf32, #tpu.memory_space<vmem>>, vector<16xf32>,
    %get3A_83 = arith.constant 144 : index
    %get3A_84 = tpu.vector_load %arg14[%get3A_83] {strides = array<i32>} : memref<320xf32, #tpu.memory_space<vmem>>, vector<16xf32>,
    %get3A_85 = arith.constant 160 : index
    %get3A_86 = tpu.vector_load %arg14[%get3A_85] {strides = array<i32>} : memref<320xf32, #tpu.memory_space<vmem>>, vector<16xf32>,
    %get3A_87 = arith.constant 176 : index
    %get3A_88 = tpu.vector_load %arg14[%get3A_87] {strides = array<i32>} : memref<320xf32, #tpu.memory_space<vmem>>, vector<16xf32>,
    %get3A_89 = arith.constant 192 : index
    %get3A_90 = tpu.vector_load %arg14[%get3A_89] {strides = array<i32>} : memref<320xf32, #tpu.memory_space<vmem>>, vector<16xf32>,
    %get3A_91 = arith.constant 208 : index
    %get3A_92 = tpu.vector_load %arg14[%get3A_91] {strides = array<i32>} : memref<320xf32, #tpu.memory_space<vmem>>, vector<16xf32>,
    %get3A_93 = arith.constant 224 : index
    %get3A_94 = tpu.vector_load %arg14[%get3A_93] {strides = array<i32>} : memref<320xf32, #tpu.memory_space<vmem>>, vector<16xf32>,
    %get3A_95 = arith.constant 240 : index
    %get3A_96 = tpu.vector_load %arg14[%get3A_95] {strides = array<i32>} : memref<320xf32, #tpu.memory_space<vmem>>, vector<16xf32>,
    %get3A_97 = arith.constant 256 : index
    %get3A_98 = tpu.vector_load %arg14[%get3A_97] {strides = array<i32>} : memref<320xf32, #tpu.memory_space<vmem>>, vector<16xf32>,
    %get3A_99 = arith.constant 272 : index
    %get3A_100 = tpu.vector_load %arg14[%get3A_99] {strides = array<i32>} : memref<320xf32, #tpu.memory_space<vmem>>, vector<16xf32>,
    %get3A_101 = arith.constant 288 : index
    %get3A_102 = tpu.vector_load %arg14[%get3A_101] {strides = array<i32>} : memref<320xf32, #tpu.memory_space<vmem>>, vector<16xf32>,
    %get3A_103 = arith.constant 304 : index
    %get3A_104 = tpu.vector_load %arg14[%get3A_103] {strides = array<i32>} : memref<320xf32, #tpu.memory_space<vmem>>, vector<16xf32>,
    %add3A = arith.addi %iota3A, %broadcast_in_dim3A_58 : vector<16xi32>
    %broadcast_in_dim3A_105 = arith.constant 16 : i32
    %broadcast_in_dim3A_106 = vector.broadcast %broadcast_in_dim3A_105 : i32 to vector<16xi32>
    %add3A_107 = arith.addi %iota3A, %broadcast_in_dim3A_106 : vector<16xi32>
    %add3A_108 = arith.addi %add3A_107, %broadcast_in_dim3A_58 : vector<16xi32>
    %gt3A = arith.cmpf ogt, %get3A_68, %get3A_66 : vector<16xf32>
    %select_n3A = arith.select %gt3A, %get3A_68, %get3A_66 : vector<16xi1>, vector<16xf32>
    %select_n3A_109 = arith.select %gt3A, %add3A_108, %add3A : vector<16xi1>, vector<16xi32>
    %broadcast_in_dim3A_110 = arith.constant 32 : i32
    %broadcast_in_dim3A_111 = vector.broadcast %broadcast_in_dim3A_110 : i32 to vector<16xi32>
    %add3A_112 = arith.addi %iota3A, %broadcast_in_dim3A_111 : vector<16xi32>
    %add3A_113 = arith.addi %add3A_112, %broadcast_in_dim3A_58 : vector<16xi32>
    %gt3A_114 = arith.cmpf ogt, %get3A_70, %select_n3A : vector<16xf32>
    %select_n3A_115 = arith.select %gt3A_114, %get3A_70, %select_n3A : vector<16xi1>, vector<16xf32>
    %select_n3A_116 = arith.select %gt3A_114, %add3A_113, %select_n3A_109 : vector<16xi1>, vector<16xi32>
    %broadcast_in_dim3A_117 = arith.constant 48 : i32
    %broadcast_in_dim3A_118 = vector.broadcast %broadcast_in_dim3A_117 : i32 to vector<16xi32>
    %add3A_119 = arith.addi %iota3A, %broadcast_in_dim3A_118 : vector<16xi32>
    %add3A_120 = arith.addi %add3A_119, %broadcast_in_dim3A_58 : vector<16xi32>
    %gt3A_121 = arith.cmpf ogt, %get3A_72, %select_n3A_115 : vector<16xf32>
    %select_n3A_122 = arith.select %gt3A_121, %get3A_72, %select_n3A_115 : vector<16xi1>, vector<16xf32>
    %select_n3A_123 = arith.select %gt3A_121, %add3A_120, %select_n3A_116 : vector<16xi1>, vector<16xi32>
    %broadcast_in_dim3A_124 = arith.constant 64 : i32
    %broadcast_in_dim3A_125 = vector.broadcast %broadcast_in_dim3A_124 : i32 to vector<16xi32>
    %add3A_126 = arith.addi %iota3A, %broadcast_in_dim3A_125 : vector<16xi32>
    %add3A_127 = arith.addi %add3A_126, %broadcast_in_dim3A_58 : vector<16xi32>
    %gt3A_128 = arith.cmpf ogt, %get3A_74, %select_n3A_122 : vector<16xf32>
    %select_n3A_129 = arith.select %gt3A_128, %get3A_74, %select_n3A_122 : vector<16xi1>, vector<16xf32>
    %select_n3A_130 = arith.select %gt3A_128, %add3A_127, %select_n3A_123 : vector<16xi1>, vector<16xi32>
    %broadcast_in_dim3A_131 = arith.constant 80 : i32
    %broadcast_in_dim3A_132 = vector.broadcast %broadcast_in_dim3A_131 : i32 to vector<16xi32>
    %add3A_133 = arith.addi %iota3A, %broadcast_in_dim3A_132 : vector<16xi32>
    %add3A_134 = arith.addi %add3A_133, %broadcast_in_dim3A_58 : vector<16xi32>
    %gt3A_135 = arith.cmpf ogt, %get3A_76, %select_n3A_129 : vector<16xf32>
    %select_n3A_136 = arith.select %gt3A_135, %get3A_76, %select_n3A_129 : vector<16xi1>, vector<16xf32>
    %select_n3A_137 = arith.select %gt3A_135, %add3A_134, %select_n3A_130 : vector<16xi1>, vector<16xi32>
    %broadcast_in_dim3A_138 = arith.constant 96 : i32
    %broadcast_in_dim3A_139 = vector.broadcast %broadcast_in_dim3A_138 : i32 to vector<16xi32>
    %add3A_140 = arith.addi %iota3A, %broadcast_in_dim3A_139 : vector<16xi32>
    %add3A_141 = arith.addi %add3A_140, %broadcast_in_dim3A_58 : vector<16xi32>
    %gt3A_142 = arith.cmpf ogt, %get3A_78, %select_n3A_136 : vector<16xf32>
    %select_n3A_143 = arith.select %gt3A_142, %get3A_78, %select_n3A_136 : vector<16xi1>, vector<16xf32>
    %select_n3A_144 = arith.select %gt3A_142, %add3A_141, %select_n3A_137 : vector<16xi1>, vector<16xi32>
    %broadcast_in_dim3A_145 = arith.constant 112 : i32
    %broadcast_in_dim3A_146 = vector.broadcast %broadcast_in_dim3A_145 : i32 to vector<16xi32>
    %add3A_147 = arith.addi %iota3A, %broadcast_in_dim3A_146 : vector<16xi32>
    %add3A_148 = arith.addi %add3A_147, %broadcast_in_dim3A_58 : vector<16xi32>
    %gt3A_149 = arith.cmpf ogt, %get3A_80, %select_n3A_143 : vector<16xf32>
    %select_n3A_150 = arith.select %gt3A_149, %get3A_80, %select_n3A_143 : vector<16xi1>, vector<16xf32>
    %select_n3A_151 = arith.select %gt3A_149, %add3A_148, %select_n3A_144 : vector<16xi1>, vector<16xi32>
    %broadcast_in_dim3A_152 = arith.constant 128 : i32
    %broadcast_in_dim3A_153 = vector.broadcast %broadcast_in_dim3A_152 : i32 to vector<16xi32>
    %add3A_154 = arith.addi %iota3A, %broadcast_in_dim3A_153 : vector<16xi32>
    %add3A_155 = arith.addi %add3A_154, %broadcast_in_dim3A_58 : vector<16xi32>
    %gt3A_156 = arith.cmpf ogt, %get3A_82, %select_n3A_150 : vector<16xf32>
    %select_n3A_157 = arith.select %gt3A_156, %get3A_82, %select_n3A_150 : vector<16xi1>, vector<16xf32>
    %select_n3A_158 = arith.select %gt3A_156, %add3A_155, %select_n3A_151 : vector<16xi1>, vector<16xi32>
    %broadcast_in_dim3A_159 = arith.constant 144 : i32
    %broadcast_in_dim3A_160 = vector.broadcast %broadcast_in_dim3A_159 : i32 to vector<16xi32>
    %add3A_161 = arith.addi %iota3A, %broadcast_in_dim3A_160 : vector<16xi32>
    %add3A_162 = arith.addi %add3A_161, %broadcast_in_dim3A_58 : vector<16xi32>
    %gt3A_163 = arith.cmpf ogt, %get3A_84, %select_n3A_157 : vector<16xf32>
    %select_n3A_164 = arith.select %gt3A_163, %get3A_84, %select_n3A_157 : vector<16xi1>, vector<16xf32>
    %select_n3A_165 = arith.select %gt3A_163, %add3A_162, %select_n3A_158 : vector<16xi1>, vector<16xi32>
    %broadcast_in_dim3A_166 = arith.constant 160 : i32
    %broadcast_in_dim3A_167 = vector.broadcast %broadcast_in_dim3A_166 : i32 to vector<16xi32>
    %add3A_168 = arith.addi %iota3A, %broadcast_in_dim3A_167 : vector<16xi32>
    %add3A_169 = arith.addi %add3A_168, %broadcast_in_dim3A_58 : vector<16xi32>
    %gt3A_170 = arith.cmpf ogt, %get3A_86, %select_n3A_164 : vector<16xf32>
    %select_n3A_171 = arith.select %gt3A_170, %get3A_86, %select_n3A_164 : vector<16xi1>, vector<16xf32>
    %select_n3A_172 = arith.select %gt3A_170, %add3A_169, %select_n3A_165 : vector<16xi1>, vector<16xi32>
    %broadcast_in_dim3A_173 = arith.constant 176 : i32
    %broadcast_in_dim3A_174 = vector.broadcast %broadcast_in_dim3A_173 : i32 to vector<16xi32>
    %add3A_175 = arith.addi %iota3A, %broadcast_in_dim3A_174 : vector<16xi32>
    %add3A_176 = arith.addi %add3A_175, %broadcast_in_dim3A_58 : vector<16xi32>
    %gt3A_177 = arith.cmpf ogt, %get3A_88, %select_n3A_171 : vector<16xf32>
    %select_n3A_178 = arith.select %gt3A_177, %get3A_88, %select_n3A_171 : vector<16xi1>, vector<16xf32>
    %select_n3A_179 = arith.select %gt3A_177, %add3A_176, %select_n3A_172 : vector<16xi1>, vector<16xi32>
    %broadcast_in_dim3A_180 = arith.constant 192 : i32
    %broadcast_in_dim3A_181 = vector.broadcast %broadcast_in_dim3A_180 : i32 to vector<16xi32>
    %add3A_182 = arith.addi %iota3A, %broadcast_in_dim3A_181 : vector<16xi32>
    %add3A_183 = arith.addi %add3A_182, %broadcast_in_dim3A_58 : vector<16xi32>
    %gt3A_184 = arith.cmpf ogt, %get3A_90, %select_n3A_178 : vector<16xf32>
    %select_n3A_185 = arith.select %gt3A_184, %get3A_90, %select_n3A_178 : vector<16xi1>, vector<16xf32>
    %select_n3A_186 = arith.select %gt3A_184, %add3A_183, %select_n3A_179 : vector<16xi1>, vector<16xi32>
    %broadcast_in_dim3A_187 = arith.constant 208 : i32
    %broadcast_in_dim3A_188 = vector.broadcast %broadcast_in_dim3A_187 : i32 to vector<16xi32>
    %add3A_189 = arith.addi %iota3A, %broadcast_in_dim3A_188 : vector<16xi32>
    %add3A_190 = arith.addi %add3A_189, %broadcast_in_dim3A_58 : vector<16xi32>
    %gt3A_191 = arith.cmpf ogt, %get3A_92, %select_n3A_185 : vector<16xf32>
    %select_n3A_192 = arith.select %gt3A_191, %get3A_92, %select_n3A_185 : vector<16xi1>, vector<16xf32>
    %select_n3A_193 = arith.select %gt3A_191, %add3A_190, %select_n3A_186 : vector<16xi1>, vector<16xi32>
    %broadcast_in_dim3A_194 = arith.constant 224 : i32
    %broadcast_in_dim3A_195 = vector.broadcast %broadcast_in_dim3A_194 : i32 to vector<16xi32>
    %add3A_196 = arith.addi %iota3A, %broadcast_in_dim3A_195 : vector<16xi32>
    %add3A_197 = arith.addi %add3A_196, %broadcast_in_dim3A_58 : vector<16xi32>
    %gt3A_198 = arith.cmpf ogt, %get3A_94, %select_n3A_192 : vector<16xf32>
    %select_n3A_199 = arith.select %gt3A_198, %get3A_94, %select_n3A_192 : vector<16xi1>, vector<16xf32>
    %select_n3A_200 = arith.select %gt3A_198, %add3A_197, %select_n3A_193 : vector<16xi1>, vector<16xi32>
    %broadcast_in_dim3A_201 = arith.constant 240 : i32
    %broadcast_in_dim3A_202 = vector.broadcast %broadcast_in_dim3A_201 : i32 to vector<16xi32>
    %add3A_203 = arith.addi %iota3A, %broadcast_in_dim3A_202 : vector<16xi32>
    %add3A_204 = arith.addi %add3A_203, %broadcast_in_dim3A_58 : vector<16xi32>
    %gt3A_205 = arith.cmpf ogt, %get3A_96, %select_n3A_199 : vector<16xf32>
    %select_n3A_206 = arith.select %gt3A_205, %get3A_96, %select_n3A_199 : vector<16xi1>, vector<16xf32>
    %select_n3A_207 = arith.select %gt3A_205, %add3A_204, %select_n3A_200 : vector<16xi1>, vector<16xi32>
    %broadcast_in_dim3A_208 = arith.constant 256 : i32
    %broadcast_in_dim3A_209 = vector.broadcast %broadcast_in_dim3A_208 : i32 to vector<16xi32>
    %add3A_210 = arith.addi %iota3A, %broadcast_in_dim3A_209 : vector<16xi32>
    %add3A_211 = arith.addi %add3A_210, %broadcast_in_dim3A_58 : vector<16xi32>
    %gt3A_212 = arith.cmpf ogt, %get3A_98, %select_n3A_206 : vector<16xf32>
    %select_n3A_213 = arith.select %gt3A_212, %get3A_98, %select_n3A_206 : vector<16xi1>, vector<16xf32>
    %select_n3A_214 = arith.select %gt3A_212, %add3A_211, %select_n3A_207 : vector<16xi1>, vector<16xi32>
    %broadcast_in_dim3A_215 = arith.constant 272 : i32
    %broadcast_in_dim3A_216 = vector.broadcast %broadcast_in_dim3A_215 : i32 to vector<16xi32>
    %add3A_217 = arith.addi %iota3A, %broadcast_in_dim3A_216 : vector<16xi32>
    %add3A_218 = arith.addi %add3A_217, %broadcast_in_dim3A_58 : vector<16xi32>
    %gt3A_219 = arith.cmpf ogt, %get3A_100, %select_n3A_213 : vector<16xf32>
    %select_n3A_220 = arith.select %gt3A_219, %get3A_100, %select_n3A_213 : vector<16xi1>, vector<16xf32>
    %select_n3A_221 = arith.select %gt3A_219, %add3A_218, %select_n3A_214 : vector<16xi1>, vector<16xi32>
    %broadcast_in_dim3A_222 = arith.constant 288 : i32
    %broadcast_in_dim3A_223 = vector.broadcast %broadcast_in_dim3A_222 : i32 to vector<16xi32>
    %add3A_224 = arith.addi %iota3A, %broadcast_in_dim3A_223 : vector<16xi32>
    %add3A_225 = arith.addi %add3A_224, %broadcast_in_dim3A_58 : vector<16xi32>
    %gt3A_226 = arith.cmpf ogt, %get3A_102, %select_n3A_220 : vector<16xf32>
    %select_n3A_227 = arith.select %gt3A_226, %get3A_102, %select_n3A_220 : vector<16xi1>, vector<16xf32>
    %select_n3A_228 = arith.select %gt3A_226, %add3A_225, %select_n3A_221 : vector<16xi1>, vector<16xi32>
    %broadcast_in_dim3A_229 = arith.constant 304 : i32
    %broadcast_in_dim3A_230 = vector.broadcast %broadcast_in_dim3A_229 : i32 to vector<16xi32>
    %add3A_231 = arith.addi %iota3A, %broadcast_in_dim3A_230 : vector<16xi32>
    %add3A_232 = arith.addi %add3A_231, %broadcast_in_dim3A_58 : vector<16xi32>
    %gt3A_233 = arith.cmpf ogt, %get3A_104, %select_n3A_227 : vector<16xf32>
    %select_n3A_234 = arith.select %gt3A_233, %get3A_104, %select_n3A_227 : vector<16xi1>, vector<16xf32>
    %select_n3A_235 = arith.select %gt3A_233, %add3A_232, %select_n3A_228 : vector<16xi1>, vector<16xi32>
    %scan3A_236 = arith.constant 0 : i32
    %scan3A_237 = arith.constant 100 : i32
    %scan3A_238 = arith.addi %scan3A_236, %scan3A_237 : i32
    %scan3A_239 = arith.constant 1 : i32
    %scan3A_240:22 = scf.for %scan3A_385 = %scan3A_236 to %scan3A_238 step %scan3A_239 iter_args(%scan3A_386 = %select_n3A_234, %scan3A_387 = %select_n3A_235, %scan3A_388 = %get3A_66, %scan3A_389 = %get3A_68, %scan3A_390 = %get3A_70, %scan3A_391 = %get3A_72, %scan3A_392 = %get3A_74, %scan3A_393 = %get3A_76, %scan3A_394 = %get3A_78, %scan3A_395 = %get3A_80, %scan3A_396 = %get3A_82, %scan3A_397 = %get3A_84, %scan3A_398 = %get3A_86, %scan3A_399 = %get3A_88, %scan3A_400 = %get3A_90, %scan3A_401 = %get3A_92, %scan3A_402 = %get3A_94, %scan3A_403 = %get3A_96, %scan3A_404 = %get3A_98, %scan3A_405 = %get3A_100, %scan3A_406 = %get3A_102, %scan3A_407 = %get3A_104) -> (vector<16xf32>, vector<16xi32>, vector<16xf32>, vector<16xf32>, vector<16xf32>, vector<16xf32>, vector<16xf32>, vector<16xf32>, vector<16xf32>, vector<16xf32>, vector<16xf32>, vector<16xf32>, vector<16xf32>, vector<16xf32>, vector<16xf32>, vector<16xf32>, vector<16xf32>, vector<16xf32>, vector<16xf32>, vector<16xf32>, vector<16xf32>, vector<16xf32>)  : i32 {
      %xor3A = arith.constant 8 : i32
      %xor3A_408 = vector.broadcast %xor3A : i32 to vector<16xi32>
      %xor3A_409 = arith.xori %iota3A, %xor3A_408 : vector<16xi32>
      %lt3A = arith.constant 0 : i32
      %lt3A_410 = vector.broadcast %lt3A : i32 to vector<16xi32>
      %lt3A_411 = arith.cmpi slt, %xor3A_409, %lt3A_410 : vector<16xi32>
      %add3A_412 = arith.constant 16 : i32
      %add3A_413 = vector.broadcast %add3A_412 : i32 to vector<16xi32>
      %add3A_414 = arith.addi %xor3A_409, %add3A_413 : vector<16xi32>
      %select_n3A_415 = arith.select %lt3A_411, %add3A_414, %xor3A_409 : vector<16xi1>, vector<16xi32>
      %broadcast_in_dim3A_416 = vector.shape_cast %select_n3A_415 : vector<16xi32> to vector<16x1xi32>
      %gather3A = vector.shape_cast %broadcast_in_dim3A_416 : vector<16x1xi32> to vector<16xi32>
      %gather3A_417 = tpu.dynamic_gather %scan3A_386[%gather3A] in [0] : vector<16xf32>, vector<16xi32> -> vector<16xf32>
      %max3A = arith.maximumf %scan3A_386, %gather3A_417 : vector<16xf32>
      %xor3A_418 = arith.constant 4 : i32
      %xor3A_419 = vector.broadcast %xor3A_418 : i32 to vector<16xi32>
      %xor3A_420 = arith.xori %iota3A, %xor3A_419 : vector<16xi32>
      %lt3A_421 = arith.constant 0 : i32
      %lt3A_422 = vector.broadcast %lt3A_421 : i32 to vector<16xi32>
      %lt3A_423 = arith.cmpi slt, %xor3A_420, %lt3A_422 : vector<16xi32>
      %add3A_424 = arith.constant 16 : i32
      %add3A_425 = vector.broadcast %add3A_424 : i32 to vector<16xi32>
      %add3A_426 = arith.addi %xor3A_420, %add3A_425 : vector<16xi32>
      %select_n3A_427 = arith.select %lt3A_423, %add3A_426, %xor3A_420 : vector<16xi1>, vector<16xi32>
      %broadcast_in_dim3A_428 = vector.shape_cast %select_n3A_427 : vector<16xi32> to vector<16x1xi32>
      %gather3A_429 = vector.shape_cast %broadcast_in_dim3A_428 : vector<16x1xi32> to vector<16xi32>
      %gather3A_430 = tpu.dynamic_gather %max3A[%gather3A_429] in [0] : vector<16xf32>, vector<16xi32> -> vector<16xf32>
      %max3A_431 = arith.maximumf %max3A, %gather3A_430 : vector<16xf32>
      %xor3A_432 = arith.constant 2 : i32
      %xor3A_433 = vector.broadcast %xor3A_432 : i32 to vector<16xi32>
      %xor3A_434 = arith.xori %iota3A, %xor3A_433 : vector<16xi32>
      %lt3A_435 = arith.constant 0 : i32
      %lt3A_436 = vector.broadcast %lt3A_435 : i32 to vector<16xi32>
      %lt3A_437 = arith.cmpi slt, %xor3A_434, %lt3A_436 : vector<16xi32>
      %add3A_438 = arith.constant 16 : i32
      %add3A_439 = vector.broadcast %add3A_438 : i32 to vector<16xi32>
      %add3A_440 = arith.addi %xor3A_434, %add3A_439 : vector<16xi32>
      %select_n3A_441 = arith.select %lt3A_437, %add3A_440, %xor3A_434 : vector<16xi1>, vector<16xi32>
      %broadcast_in_dim3A_442 = vector.shape_cast %select_n3A_441 : vector<16xi32> to vector<16x1xi32>
      %gather3A_443 = vector.shape_cast %broadcast_in_dim3A_442 : vector<16x1xi32> to vector<16xi32>
      %gather3A_444 = tpu.dynamic_gather %max3A_431[%gather3A_443] in [0] : vector<16xf32>, vector<16xi32> -> vector<16xf32>
      %max3A_445 = arith.maximumf %max3A_431, %gather3A_444 : vector<16xf32>
      %xor3A_446 = arith.constant 1 : i32
      %xor3A_447 = vector.broadcast %xor3A_446 : i32 to vector<16xi32>
      %xor3A_448 = arith.xori %iota3A, %xor3A_447 : vector<16xi32>
      %lt3A_449 = arith.constant 0 : i32
      %lt3A_450 = vector.broadcast %lt3A_449 : i32 to vector<16xi32>
      %lt3A_451 = arith.cmpi slt, %xor3A_448, %lt3A_450 : vector<16xi32>
      %add3A_452 = arith.constant 16 : i32
      %add3A_453 = vector.broadcast %add3A_452 : i32 to vector<16xi32>
      %add3A_454 = arith.addi %xor3A_448, %add3A_453 : vector<16xi32>
      %select_n3A_455 = arith.select %lt3A_451, %add3A_454, %xor3A_448 : vector<16xi1>, vector<16xi32>
      %broadcast_in_dim3A_456 = vector.shape_cast %select_n3A_455 : vector<16xi32> to vector<16x1xi32>
      %gather3A_457 = vector.shape_cast %broadcast_in_dim3A_456 : vector<16x1xi32> to vector<16xi32>
      %gather3A_458 = tpu.dynamic_gather %max3A_445[%gather3A_457] in [0] : vector<16xf32>, vector<16xi32> -> vector<16xf32>
      %max3A_459 = arith.maximumf %max3A_445, %gather3A_458 : vector<16xf32>
      %eq3A_460 = arith.cmpf oeq, %scan3A_386, %max3A_459 : vector<16xf32>
      %select_n3A_461 = arith.select %eq3A_460, %scan3A_387, %broadcast_in_dim3A_57 : vector<16xi1>, vector<16xi32>
      %xor3A_462 = arith.constant 8 : i32
      %xor3A_463 = vector.broadcast %xor3A_462 : i32 to vector<16xi32>
      %xor3A_464 = arith.xori %iota3A, %xor3A_463 : vector<16xi32>
      %lt3A_465 = arith.constant 0 : i32
      %lt3A_466 = vector.broadcast %lt3A_465 : i32 to vector<16xi32>
      %lt3A_467 = arith.cmpi slt, %xor3A_464, %lt3A_466 : vector<16xi32>
      %add3A_468 = arith.constant 16 : i32
      %add3A_469 = vector.broadcast %add3A_468 : i32 to vector<16xi32>
      %add3A_470 = arith.addi %xor3A_464, %add3A_469 : vector<16xi32>
      %select_n3A_471 = arith.select %lt3A_467, %add3A_470, %xor3A_464 : vector<16xi1>, vector<16xi32>
      %broadcast_in_dim3A_472 = vector.shape_cast %select_n3A_471 : vector<16xi32> to vector<16x1xi32>
      %gather3A_473 = vector.shape_cast %broadcast_in_dim3A_472 : vector<16x1xi32> to vector<16xi32>
      %gather3A_474 = tpu.dynamic_gather %select_n3A_461[%gather3A_473] in [0] : vector<16xi32>, vector<16xi32> -> vector<16xi32>
      %min3A = arith.minsi %select_n3A_461, %gather3A_474 : vector<16xi32>
      %xor3A_475 = arith.constant 4 : i32
      %xor3A_476 = vector.broadcast %xor3A_475 : i32 to vector<16xi32>
      %xor3A_477 = arith.xori %iota3A, %xor3A_476 : vector<16xi32>
      %lt3A_478 = arith.constant 0 : i32
      %lt3A_479 = vector.broadcast %lt3A_478 : i32 to vector<16xi32>
      %lt3A_480 = arith.cmpi slt, %xor3A_477, %lt3A_479 : vector<16xi32>
      %add3A_481 = arith.constant 16 : i32
      %add3A_482 = vector.broadcast %add3A_481 : i32 to vector<16xi32>
      %add3A_483 = arith.addi %xor3A_477, %add3A_482 : vector<16xi32>
      %select_n3A_484 = arith.select %lt3A_480, %add3A_483, %xor3A_477 : vector<16xi1>, vector<16xi32>
      %broadcast_in_dim3A_485 = vector.shape_cast %select_n3A_484 : vector<16xi32> to vector<16x1xi32>
      %gather3A_486 = vector.shape_cast %broadcast_in_dim3A_485 : vector<16x1xi32> to vector<16xi32>
      %gather3A_487 = tpu.dynamic_gather %min3A[%gather3A_486] in [0] : vector<16xi32>, vector<16xi32> -> vector<16xi32>
      %min3A_488 = arith.minsi %min3A, %gather3A_487 : vector<16xi32>
      %xor3A_489 = arith.constant 2 : i32
      %xor3A_490 = vector.broadcast %xor3A_489 : i32 to vector<16xi32>
      %xor3A_491 = arith.xori %iota3A, %xor3A_490 : vector<16xi32>
      %lt3A_492 = arith.constant 0 : i32
      %lt3A_493 = vector.broadcast %lt3A_492 : i32 to vector<16xi32>
      %lt3A_494 = arith.cmpi slt, %xor3A_491, %lt3A_493 : vector<16xi32>
      %add3A_495 = arith.constant 16 : i32
      %add3A_496 = vector.broadcast %add3A_495 : i32 to vector<16xi32>
      %add3A_497 = arith.addi %xor3A_491, %add3A_496 : vector<16xi32>
      %select_n3A_498 = arith.select %lt3A_494, %add3A_497, %xor3A_491 : vector<16xi1>, vector<16xi32>
      %broadcast_in_dim3A_499 = vector.shape_cast %select_n3A_498 : vector<16xi32> to vector<16x1xi32>
      %gather3A_500 = vector.shape_cast %broadcast_in_dim3A_499 : vector<16x1xi32> to vector<16xi32>
      %gather3A_501 = tpu.dynamic_gather %min3A_488[%gather3A_500] in [0] : vector<16xi32>, vector<16xi32> -> vector<16xi32>
      %min3A_502 = arith.minsi %min3A_488, %gather3A_501 : vector<16xi32>
      %xor3A_503 = arith.constant 1 : i32
      %xor3A_504 = vector.broadcast %xor3A_503 : i32 to vector<16xi32>
      %xor3A_505 = arith.xori %iota3A, %xor3A_504 : vector<16xi32>
      %lt3A_506 = arith.constant 0 : i32
      %lt3A_507 = vector.broadcast %lt3A_506 : i32 to vector<16xi32>
      %lt3A_508 = arith.cmpi slt, %xor3A_505, %lt3A_507 : vector<16xi32>
      %add3A_509 = arith.constant 16 : i32
      %add3A_510 = vector.broadcast %add3A_509 : i32 to vector<16xi32>
      %add3A_511 = arith.addi %xor3A_505, %add3A_510 : vector<16xi32>
      %select_n3A_512 = arith.select %lt3A_508, %add3A_511, %xor3A_505 : vector<16xi1>, vector<16xi32>
      %broadcast_in_dim3A_513 = vector.shape_cast %select_n3A_512 : vector<16xi32> to vector<16x1xi32>
      %gather3A_514 = vector.shape_cast %broadcast_in_dim3A_513 : vector<16x1xi32> to vector<16xi32>
      %gather3A_515 = tpu.dynamic_gather %min3A_502[%gather3A_514] in [0] : vector<16xi32>, vector<16xi32> -> vector<16xi32>
      %min3A_516 = arith.minsi %min3A_502, %gather3A_515 : vector<16xi32>
      %gt3A_517 = arith.cmpf ogt, %max3A_459, %broadcast_in_dim3A_51 : vector<16xf32>
      %select_n3A_518 = arith.select %gt3A_517, %min3A_516, %broadcast_in_dim3A_55 : vector<16xi1>, vector<16xi32>
      %bitcast3A = vector.bitcast %select_n3A_518 : vector<16xi32> to vector<16xf32>
      %select_n3A_519 = arith.select %eq3A_63, %bitcast3A, %max3A_459 : vector<16xi1>, vector<16xf32>
      %swap3A_520 = arith.constant 0 : index
      %swap3A_521 = tpu.vector_load %arg17[%swap3A_520] {strides = array<i32>} : memref<16xf32, #tpu.memory_space<vmem>>, vector<16xf32>,
      tpu.vector_store %arg17[%swap3A_520], %select_n3A_519 {strides = array<i32>} : memref<16xf32, #tpu.memory_space<vmem>>, vector<16xf32>,
      %add3A_522 = arith.constant 0 : i32
      %add3A_523 = arith.addi %mul3A_65, %add3A_522 : i32
      %mul3A_524 = arith.constant 8 : i32
      %mul3A_525 = arith.muli %arg1, %mul3A_524 : i32
      %add3A_526 = arith.addi %add3A_523, %mul3A_525 : i32
      "tpu.region"() ({
        %run_scoped3A_2695 = tpu.sem_alloc : memref<!tpu.dma_semaphore, #tpu.memory_space<semaphore_mem>>
        %dma_start3A = arith.constant 0 : i32
        %dma_start3A_2696 = tpu.memref_slice %arg17[%dma_start3A] : memref<16xf32, #tpu.memory_space<vmem>> -> memref<8xf32, #tpu.memory_space<vmem>>
        %dma_start3A_2697 = tpu.memref_slice %arg19[%add3A_526] : memref<512xf32, #tpu.memory_space<vmem_shared>> -> memref<8xf32, #tpu.memory_space<vmem_shared>>
        %dma_start3A_2698 = tpu.memref_slice %arg19[%add3A_526] : memref<512xf32, #tpu.memory_space<vmem_shared>> -> memref<8xf32, #tpu.memory_space<vmem_shared>>
        %dma_start3A_2699 = arith.constant 0 : i32
        %dma_start3A_2700 = tpu.memref_slice %arg17[%dma_start3A_2699] : memref<16xf32, #tpu.memory_space<vmem>> -> memref<8xf32, #tpu.memory_space<vmem>>
        tpu.enqueue_dma source(%dma_start3A_2700 : memref<8xf32, #tpu.memory_space<vmem>>) target(%dma_start3A_2698 : memref<8xf32, #tpu.memory_space<vmem_shared>>) target_semaphore(%run_scoped3A_2695 : memref<!tpu.dma_semaphore, #tpu.memory_space<semaphore_mem>>)
        %dma_wait3A = arith.constant 0 : i32
        %dma_wait3A_2701 = tpu.memref_slice %arg17[%dma_wait3A] : memref<16xf32, #tpu.memory_space<vmem>> -> memref<8xf32, #tpu.memory_space<vmem>>
        %dma_wait3A_2702 = tpu.memref_slice %arg19[%add3A_526] : memref<512xf32, #tpu.memory_space<vmem_shared>> -> memref<8xf32, #tpu.memory_space<vmem_shared>>
        %dma_wait3A_2703 = tpu.memref_slice %arg19[%add3A_526] : memref<512xf32, #tpu.memory_space<vmem_shared>> -> memref<8xf32, #tpu.memory_space<vmem_shared>>
        %dma_wait3A_2704 = arith.constant 0 : i32
        %dma_wait3A_2705 = tpu.memref_slice %arg17[%dma_wait3A_2704] : memref<16xf32, #tpu.memory_space<vmem>> -> memref<8xf32, #tpu.memory_space<vmem>>
        tpu.wait_dma2 semaphore(%run_scoped3A_2695 : memref<!tpu.dma_semaphore, #tpu.memory_space<semaphore_mem>>) src(%dma_wait3A_2705 : memref<8xf32, #tpu.memory_space<vmem>>) dst(%dma_wait3A_2703 : memref<8xf32, #tpu.memory_space<vmem_shared>>)
        tpu.yield
      }) : () -> ()
      %barrier3A = arith.constant 0 : index
      tpu.barrier barrier_id(%barrier3A)
      "tpu.region"() ({
        %run_scoped3A_2695 = tpu.sem_alloc : memref<!tpu.dma_semaphore, #tpu.memory_space<semaphore_mem>>
        %dma_start3A = tpu.memref_slice %arg19[%add3A_523] : memref<512xf32, #tpu.memory_space<vmem_shared>> -> memref<128xf32, #tpu.memory_space<vmem_shared>>
        %dma_start3A_2696 = tpu.memref_slice %arg19[%add3A_523] : memref<512xf32, #tpu.memory_space<vmem_shared>> -> memref<128xf32, #tpu.memory_space<vmem_shared>>
        tpu.enqueue_dma source(%dma_start3A_2696 : memref<128xf32, #tpu.memory_space<vmem_shared>>) target(%arg18 : memref<128xf32, #tpu.memory_space<vmem>>) target_semaphore(%run_scoped3A_2695 : memref<!tpu.dma_semaphore, #tpu.memory_space<semaphore_mem>>)
        %dma_wait3A = tpu.memref_slice %arg19[%add3A_523] : memref<512xf32, #tpu.memory_space<vmem_shared>> -> memref<128xf32, #tpu.memory_space<vmem_shared>>
        %dma_wait3A_2697 = tpu.memref_slice %arg19[%add3A_523] : memref<512xf32, #tpu.memory_space<vmem_shared>> -> memref<128xf32, #tpu.memory_space<vmem_shared>>
        tpu.wait_dma2 semaphore(%run_scoped3A_2695 : memref<!tpu.dma_semaphore, #tpu.memory_space<semaphore_mem>>) src(%dma_wait3A_2697 : memref<128xf32, #tpu.memory_space<vmem_shared>>) dst(%arg18 : memref<128xf32, #tpu.memory_space<vmem>>)
        tpu.yield
      }) : () -> ()
      %mul3A_527 = arith.constant 8 : i32
      %mul3A_528 = vector.broadcast %mul3A_527 : i32 to vector<16xi32>
      %mul3A_529 = arith.muli %iota3A, %mul3A_528 : vector<16xi32>
      %gather3A_530 = tpu.vector_load_idx %arg18[%mul3A_529] : memref<128xf32, #tpu.memory_space<vmem>>[vector<16xi32>], vector<16xf32>,
      %mul3A_531 = arith.constant 8 : i32
      %mul3A_532 = vector.broadcast %mul3A_531 : i32 to vector<16xi32>
      %mul3A_533 = arith.muli %iota3A, %mul3A_532 : vector<16xi32>
      %broadcast_in_dim3A_534 = arith.constant 1 : i32
      %broadcast_in_dim3A_535 = vector.broadcast %broadcast_in_dim3A_534 : i32 to vector<16xi32>
      %add3A_536 = arith.addi %mul3A_533, %broadcast_in_dim3A_535 : vector<16xi32>
      %gather3A_537 = tpu.vector_load_idx %arg18[%add3A_536] : memref<128xf32, #tpu.memory_space<vmem>>[vector<16xi32>], vector<16xf32>,
      %bitcast3A_538 = vector.bitcast %gather3A_537 : vector<16xf32> to vector<16xi32>
      %gather3A_539 = tpu.vector_load_idx %arg9[%bitcast3A_538] : memref<5120xf32, #tpu.memory_space<vmem>>[vector<16xi32>], vector<16xf32>,
      %gather3A_540 = tpu.vector_load_idx %arg10[%bitcast3A_538] : memref<5120xf32, #tpu.memory_space<vmem>>[vector<16xi32>], vector<16xf32>,
      %gather3A_541 = tpu.vector_load_idx %arg11[%bitcast3A_538] : memref<5120xf32, #tpu.memory_space<vmem>>[vector<16xi32>], vector<16xf32>,
      %gather3A_542 = tpu.vector_load_idx %arg12[%bitcast3A_538] : memref<5120xf32, #tpu.memory_space<vmem>>[vector<16xi32>], vector<16xf32>,
      %gather3A_543 = tpu.vector_load_idx %arg13[%bitcast3A_538] : memref<5120xf32, #tpu.memory_space<vmem>>[vector<16xi32>], vector<16xf32>,
      %xor3A_544 = arith.constant 8 : i32
      %xor3A_545 = vector.broadcast %xor3A_544 : i32 to vector<16xi32>
      %xor3A_546 = arith.xori %iota3A, %xor3A_545 : vector<16xi32>
      %lt3A_547 = arith.constant 0 : i32
      %lt3A_548 = vector.broadcast %lt3A_547 : i32 to vector<16xi32>
      %lt3A_549 = arith.cmpi slt, %xor3A_546, %lt3A_548 : vector<16xi32>
      %add3A_550 = arith.constant 16 : i32
      %add3A_551 = vector.broadcast %add3A_550 : i32 to vector<16xi32>
      %add3A_552 = arith.addi %xor3A_546, %add3A_551 : vector<16xi32>
      %select_n3A_553 = arith.select %lt3A_549, %add3A_552, %xor3A_546 : vector<16xi1>, vector<16xi32>
      %broadcast_in_dim3A_554 = vector.shape_cast %select_n3A_553 : vector<16xi32> to vector<16x1xi32>
      %gather3A_555 = vector.shape_cast %broadcast_in_dim3A_554 : vector<16x1xi32> to vector<16xi32>
      %gather3A_556 = tpu.dynamic_gather %gather3A_530[%gather3A_555] in [0] : vector<16xf32>, vector<16xi32> -> vector<16xf32>
      %max3A_557 = arith.maximumf %gather3A_530, %gather3A_556 : vector<16xf32>
      %xor3A_558 = arith.constant 4 : i32
      %xor3A_559 = vector.broadcast %xor3A_558 : i32 to vector<16xi32>
      %xor3A_560 = arith.xori %iota3A, %xor3A_559 : vector<16xi32>
      %lt3A_561 = arith.constant 0 : i32
      %lt3A_562 = vector.broadcast %lt3A_561 : i32 to vector<16xi32>
      %lt3A_563 = arith.cmpi slt, %xor3A_560, %lt3A_562 : vector<16xi32>
      %add3A_564 = arith.constant 16 : i32
      %add3A_565 = vector.broadcast %add3A_564 : i32 to vector<16xi32>
      %add3A_566 = arith.addi %xor3A_560, %add3A_565 : vector<16xi32>
      %select_n3A_567 = arith.select %lt3A_563, %add3A_566, %xor3A_560 : vector<16xi1>, vector<16xi32>
      %broadcast_in_dim3A_568 = vector.shape_cast %select_n3A_567 : vector<16xi32> to vector<16x1xi32>
      %gather3A_569 = vector.shape_cast %broadcast_in_dim3A_568 : vector<16x1xi32> to vector<16xi32>
      %gather3A_570 = tpu.dynamic_gather %max3A_557[%gather3A_569] in [0] : vector<16xf32>, vector<16xi32> -> vector<16xf32>
      %max3A_571 = arith.maximumf %max3A_557, %gather3A_570 : vector<16xf32>
      %xor3A_572 = arith.constant 2 : i32
      %xor3A_573 = vector.broadcast %xor3A_572 : i32 to vector<16xi32>
      %xor3A_574 = arith.xori %iota3A, %xor3A_573 : vector<16xi32>
      %lt3A_575 = arith.constant 0 : i32
      %lt3A_576 = vector.broadcast %lt3A_575 : i32 to vector<16xi32>
      %lt3A_577 = arith.cmpi slt, %xor3A_574, %lt3A_576 : vector<16xi32>
      %add3A_578 = arith.constant 16 : i32
      %add3A_579 = vector.broadcast %add3A_578 : i32 to vector<16xi32>
      %add3A_580 = arith.addi %xor3A_574, %add3A_579 : vector<16xi32>
      %select_n3A_581 = arith.select %lt3A_577, %add3A_580, %xor3A_574 : vector<16xi1>, vector<16xi32>
      %broadcast_in_dim3A_582 = vector.shape_cast %select_n3A_581 : vector<16xi32> to vector<16x1xi32>
      %gather3A_583 = vector.shape_cast %broadcast_in_dim3A_582 : vector<16x1xi32> to vector<16xi32>
      %gather3A_584 = tpu.dynamic_gather %max3A_571[%gather3A_583] in [0] : vector<16xf32>, vector<16xi32> -> vector<16xf32>
      %max3A_585 = arith.maximumf %max3A_571, %gather3A_584 : vector<16xf32>
      %xor3A_586 = arith.constant 1 : i32
      %xor3A_587 = vector.broadcast %xor3A_586 : i32 to vector<16xi32>
      %xor3A_588 = arith.xori %iota3A, %xor3A_587 : vector<16xi32>
      %lt3A_589 = arith.constant 0 : i32
      %lt3A_590 = vector.broadcast %lt3A_589 : i32 to vector<16xi32>
      %lt3A_591 = arith.cmpi slt, %xor3A_588, %lt3A_590 : vector<16xi32>
      %add3A_592 = arith.constant 16 : i32
      %add3A_593 = vector.broadcast %add3A_592 : i32 to vector<16xi32>
      %add3A_594 = arith.addi %xor3A_588, %add3A_593 : vector<16xi32>
      %select_n3A_595 = arith.select %lt3A_591, %add3A_594, %xor3A_588 : vector<16xi1>, vector<16xi32>
      %broadcast_in_dim3A_596 = vector.shape_cast %select_n3A_595 : vector<16xi32> to vector<16x1xi32>
      %gather3A_597 = vector.shape_cast %broadcast_in_dim3A_596 : vector<16x1xi32> to vector<16xi32>
      %gather3A_598 = tpu.dynamic_gather %max3A_585[%gather3A_597] in [0] : vector<16xf32>, vector<16xi32> -> vector<16xf32>
      %max3A_599 = arith.maximumf %max3A_585, %gather3A_598 : vector<16xf32>
      %eq3A_600 = arith.cmpf oeq, %gather3A_530, %max3A_599 : vector<16xf32>
      %all_reduce_ffs3A = tpu.all_reduce %eq3A_600 {dim = 0 : i64, kind = #tpu.reduction_kind<find_first_set>} : vector<16xi1> -> vector<16xi32>
      %lt3A_601 = arith.constant 0 : i32
      %lt3A_602 = vector.broadcast %lt3A_601 : i32 to vector<16xi32>
      %lt3A_603 = arith.cmpi slt, %all_reduce_ffs3A, %lt3A_602 : vector<16xi32>
      %add3A_604 = arith.constant 16 : i32
      %add3A_605 = vector.broadcast %add3A_604 : i32 to vector<16xi32>
      %add3A_606 = arith.addi %all_reduce_ffs3A, %add3A_605 : vector<16xi32>
      %select_n3A_607 = arith.select %lt3A_603, %add3A_606, %all_reduce_ffs3A : vector<16xi1>, vector<16xi32>
      %broadcast_in_dim3A_608 = vector.shape_cast %select_n3A_607 : vector<16xi32> to vector<16x1xi32>
      %gather3A_609 = vector.shape_cast %broadcast_in_dim3A_608 : vector<16x1xi32> to vector<16xi32>
      %gather3A_610 = tpu.dynamic_gather %bitcast3A_538[%gather3A_609] in [0] : vector<16xi32>, vector<16xi32> -> vector<16xi32>
      %gt3A_611 = arith.cmpf ogt, %max3A_599, %broadcast_in_dim3A_51 : vector<16xf32>
      %lt3A_612 = arith.constant 0 : i32
      %lt3A_613 = vector.broadcast %lt3A_612 : i32 to vector<16xi32>
      %lt3A_614 = arith.cmpi slt, %all_reduce_ffs3A, %lt3A_613 : vector<16xi32>
      %add3A_615 = arith.constant 16 : i32
      %add3A_616 = vector.broadcast %add3A_615 : i32 to vector<16xi32>
      %add3A_617 = arith.addi %all_reduce_ffs3A, %add3A_616 : vector<16xi32>
      %select_n3A_618 = arith.select %lt3A_614, %add3A_617, %all_reduce_ffs3A : vector<16xi1>, vector<16xi32>
      %broadcast_in_dim3A_619 = vector.shape_cast %select_n3A_618 : vector<16xi32> to vector<16x1xi32>
      %gather3A_620 = vector.shape_cast %broadcast_in_dim3A_619 : vector<16x1xi32> to vector<16xi32>
      %gather3A_621 = tpu.dynamic_gather %gather3A_539[%gather3A_620] in [0] : vector<16xf32>, vector<16xi32> -> vector<16xf32>
      %lt3A_622 = arith.constant 0 : i32
      %lt3A_623 = vector.broadcast %lt3A_622 : i32 to vector<16xi32>
      %lt3A_624 = arith.cmpi slt, %all_reduce_ffs3A, %lt3A_623 : vector<16xi32>
      %add3A_625 = arith.constant 16 : i32
      %add3A_626 = vector.broadcast %add3A_625 : i32 to vector<16xi32>
      %add3A_627 = arith.addi %all_reduce_ffs3A, %add3A_626 : vector<16xi32>
      %select_n3A_628 = arith.select %lt3A_624, %add3A_627, %all_reduce_ffs3A : vector<16xi1>, vector<16xi32>
      %broadcast_in_dim3A_629 = vector.shape_cast %select_n3A_628 : vector<16xi32> to vector<16x1xi32>
      %gather3A_630 = vector.shape_cast %broadcast_in_dim3A_629 : vector<16x1xi32> to vector<16xi32>
      %gather3A_631 = tpu.dynamic_gather %gather3A_540[%gather3A_630] in [0] : vector<16xf32>, vector<16xi32> -> vector<16xf32>
      %lt3A_632 = arith.constant 0 : i32
      %lt3A_633 = vector.broadcast %lt3A_632 : i32 to vector<16xi32>
      %lt3A_634 = arith.cmpi slt, %all_reduce_ffs3A, %lt3A_633 : vector<16xi32>
      %add3A_635 = arith.constant 16 : i32
      %add3A_636 = vector.broadcast %add3A_635 : i32 to vector<16xi32>
      %add3A_637 = arith.addi %all_reduce_ffs3A, %add3A_636 : vector<16xi32>
      %select_n3A_638 = arith.select %lt3A_634, %add3A_637, %all_reduce_ffs3A : vector<16xi1>, vector<16xi32>
      %broadcast_in_dim3A_639 = vector.shape_cast %select_n3A_638 : vector<16xi32> to vector<16x1xi32>
      %gather3A_640 = vector.shape_cast %broadcast_in_dim3A_639 : vector<16x1xi32> to vector<16xi32>
      %gather3A_641 = tpu.dynamic_gather %gather3A_541[%gather3A_640] in [0] : vector<16xf32>, vector<16xi32> -> vector<16xf32>
      %lt3A_642 = arith.constant 0 : i32
      %lt3A_643 = vector.broadcast %lt3A_642 : i32 to vector<16xi32>
      %lt3A_644 = arith.cmpi slt, %all_reduce_ffs3A, %lt3A_643 : vector<16xi32>
      %add3A_645 = arith.constant 16 : i32
      %add3A_646 = vector.broadcast %add3A_645 : i32 to vector<16xi32>
      %add3A_647 = arith.addi %all_reduce_ffs3A, %add3A_646 : vector<16xi32>
      %select_n3A_648 = arith.select %lt3A_644, %add3A_647, %all_reduce_ffs3A : vector<16xi1>, vector<16xi32>
      %broadcast_in_dim3A_649 = vector.shape_cast %select_n3A_648 : vector<16xi32> to vector<16x1xi32>
      %gather3A_650 = vector.shape_cast %broadcast_in_dim3A_649 : vector<16x1xi32> to vector<16xi32>
      %gather3A_651 = tpu.dynamic_gather %gather3A_542[%gather3A_650] in [0] : vector<16xf32>, vector<16xi32> -> vector<16xf32>
      %lt3A_652 = arith.constant 0 : i32
      %lt3A_653 = vector.broadcast %lt3A_652 : i32 to vector<16xi32>
      %lt3A_654 = arith.cmpi slt, %all_reduce_ffs3A, %lt3A_653 : vector<16xi32>
      %add3A_655 = arith.constant 16 : i32
      %add3A_656 = vector.broadcast %add3A_655 : i32 to vector<16xi32>
      %add3A_657 = arith.addi %all_reduce_ffs3A, %add3A_656 : vector<16xi32>
      %select_n3A_658 = arith.select %lt3A_654, %add3A_657, %all_reduce_ffs3A : vector<16xi1>, vector<16xi32>
      %broadcast_in_dim3A_659 = vector.shape_cast %select_n3A_658 : vector<16xi32> to vector<16x1xi32>
      %gather3A_660 = vector.shape_cast %broadcast_in_dim3A_659 : vector<16x1xi32> to vector<16xi32>
      %gather3A_661 = tpu.dynamic_gather %gather3A_543[%gather3A_660] in [0] : vector<16xf32>, vector<16xi32> -> vector<16xf32>
      %sub3A = arith.subi %gather3A_610, %broadcast_in_dim3A_58 : vector<16xi32>
      %ge3A = arith.cmpi sge, %sub3A, %broadcast_in_dim3A_55 : vector<16xi32>
      %and3A = arith.andi %gt3A_611, %ge3A : vector<16xi1>
      %lt3A_662 = arith.cmpi slt, %sub3A, %broadcast_in_dim3A_60 : vector<16xi32>
      %and3A_663 = arith.andi %and3A, %lt3A_662 : vector<16xi1>
      %and3A_664 = arith.andi %and3A_663, %eq3A : vector<16xi1>
      %select_n3A_665 = arith.select %and3A_664, %sub3A, %broadcast_in_dim3A_55 : vector<16xi1>, vector<16xi32>
      tpu.vector_store_idx %arg15[%select_n3A_665], %broadcast_in_dim3A_53 masked %and3A_664 {add = true} : memref<320xf32, #tpu.memory_space<vmem>>[vector<16xi32>], vector<16xf32>, vector<16xi1>
      %add3A_666 = arith.constant 0 : i32
      %add3A_667 = arith.addi %mul3A_0, %add3A_666 : i32
      %get3A_668 = arith.index_cast %add3A_667 : i32 to index
      %get3A_669 = tpu.vector_load %arg9[%get3A_668] {strides = array<i32>} : memref<5120xf32, #tpu.memory_space<vmem>>, vector<16xf32>,
      %max3A_670 = arith.maximumf %get3A_669, %gather3A_621 : vector<16xf32>
      %get3A_671 = arith.index_cast %add3A_667 : i32 to index
      %get3A_672 = tpu.vector_load %arg10[%get3A_671] {strides = array<i32>} : memref<5120xf32, #tpu.memory_space<vmem>>, vector<16xf32>,
      %min3A_673 = arith.minimumf %get3A_672, %gather3A_631 : vector<16xf32>
      %get3A_674 = arith.index_cast %add3A_667 : i32 to index
      %get3A_675 = tpu.vector_load %arg11[%get3A_674] {strides = array<i32>} : memref<5120xf32, #tpu.memory_space<vmem>>, vector<16xf32>,
      %max3A_676 = arith.maximumf %get3A_675, %gather3A_641 : vector<16xf32>
      %get3A_677 = arith.index_cast %add3A_667 : i32 to index
      %get3A_678 = tpu.vector_load %arg12[%get3A_677] {strides = array<i32>} : memref<5120xf32, #tpu.memory_space<vmem>>, vector<16xf32>,
      %min3A_679 = arith.minimumf %get3A_678, %gather3A_651 : vector<16xf32>
      %sub3A_680 = arith.subf %min3A_673, %max3A_670 : vector<16xf32>
      %max3A_681 = arith.constant 0.000000e+00 : f32
      %max3A_682 = vector.broadcast %max3A_681 : f32 to vector<16xf32>
      %max3A_683 = arith.maximumf %sub3A_680, %max3A_682 : vector<16xf32>
      %sub3A_684 = arith.subf %min3A_679, %max3A_676 : vector<16xf32>
      %max3A_685 = arith.constant 0.000000e+00 : f32
      %max3A_686 = vector.broadcast %max3A_685 : f32 to vector<16xf32>
      %max3A_687 = arith.maximumf %sub3A_684, %max3A_686 : vector<16xf32>
      %mul3A_688 = arith.mulf %max3A_683, %max3A_687 : vector<16xf32>
      %get3A_689 = arith.index_cast %add3A_667 : i32 to index
      %get3A_690 = tpu.vector_load %arg13[%get3A_689] {strides = array<i32>} : memref<5120xf32, #tpu.memory_space<vmem>>, vector<16xf32>,
      %add3A_691 = arith.addf %get3A_690, %gather3A_661 : vector<16xf32>
      %sub3A_692 = arith.subf %add3A_691, %mul3A_688 : vector<16xf32>
      %mul3A_693 = arith.constant 0x4C000000 : f32
      %mul3A_694 = vector.broadcast %mul3A_693 : f32 to vector<16xf32>
      %mul3A_695 = arith.mulf %mul3A_694, %mul3A_688 : vector<16xf32>
      %mul3A_696 = arith.constant 0x4B800000 : f32
      %mul3A_697 = vector.broadcast %mul3A_696 : f32 to vector<16xf32>
      %mul3A_698 = arith.mulf %mul3A_697, %sub3A_692 : vector<16xf32>
      %sub3A_699 = arith.subf %mul3A_695, %mul3A_698 : vector<16xf32>
      %gt3A_700 = arith.cmpf ogt, %sub3A_699, %sub3A_692 : vector<16xf32>
      %and3A_701 = arith.andi %gt3A_700, %gt3A_611 : vector<16xi1>
      %select_n3A_702 = arith.select %and3A_701, %broadcast_in_dim3A_51, %scan3A_388 : vector<16xi1>, vector<16xf32>
      %broadcast_in_dim3A_703 = arith.constant 0 : i32
      %broadcast_in_dim3A_704 = vector.broadcast %broadcast_in_dim3A_703 : i32 to vector<16xi32>
      %add3A_705 = arith.addi %iota3A, %broadcast_in_dim3A_704 : vector<16xi32>
      %add3A_706 = arith.addi %add3A_705, %broadcast_in_dim3A_58 : vector<16xi32>
      %gt3A_707 = arith.cmpf ogt, %select_n3A_702, %broadcast_in_dim3A_51 : vector<16xf32>
      %select_n3A_708 = arith.select %gt3A_707, %select_n3A_702, %broadcast_in_dim3A_51 : vector<16xi1>, vector<16xf32>
      %select_n3A_709 = arith.select %gt3A_707, %add3A_706, %broadcast_in_dim3A_57 : vector<16xi1>, vector<16xi32>
      %add3A_710 = arith.constant 16 : i32
      %add3A_711 = arith.addi %mul3A_0, %add3A_710 : i32
      %get3A_712 = arith.index_cast %add3A_711 : i32 to index
      %get3A_713 = tpu.vector_load %arg9[%get3A_712] {strides = array<i32>} : memref<5120xf32, #tpu.memory_space<vmem>>, vector<16xf32>,
      %max3A_714 = arith.maximumf %get3A_713, %gather3A_621 : vector<16xf32>
      %get3A_715 = arith.index_cast %add3A_711 : i32 to index
      %get3A_716 = tpu.vector_load %arg10[%get3A_715] {strides = array<i32>} : memref<5120xf32, #tpu.memory_space<vmem>>, vector<16xf32>,
      %min3A_717 = arith.minimumf %get3A_716, %gather3A_631 : vector<16xf32>
      %get3A_718 = arith.index_cast %add3A_711 : i32 to index
      %get3A_719 = tpu.vector_load %arg11[%get3A_718] {strides = array<i32>} : memref<5120xf32, #tpu.memory_space<vmem>>, vector<16xf32>,
      %max3A_720 = arith.maximumf %get3A_719, %gather3A_641 : vector<16xf32>
      %get3A_721 = arith.index_cast %add3A_711 : i32 to index
      %get3A_722 = tpu.vector_load %arg12[%get3A_721] {strides = array<i32>} : memref<5120xf32, #tpu.memory_space<vmem>>, vector<16xf32>,
      %min3A_723 = arith.minimumf %get3A_722, %gather3A_651 : vector<16xf32>
      %sub3A_724 = arith.subf %min3A_717, %max3A_714 : vector<16xf32>
      %max3A_725 = arith.constant 0.000000e+00 : f32
      %max3A_726 = vector.broadcast %max3A_725 : f32 to vector<16xf32>
      %max3A_727 = arith.maximumf %sub3A_724, %max3A_726 : vector<16xf32>
      %sub3A_728 = arith.subf %min3A_723, %max3A_720 : vector<16xf32>
      %max3A_729 = arith.constant 0.000000e+00 : f32
      %max3A_730 = vector.broadcast %max3A_729 : f32 to vector<16xf32>
      %max3A_731 = arith.maximumf %sub3A_728, %max3A_730 : vector<16xf32>
      %mul3A_732 = arith.mulf %max3A_727, %max3A_731 : vector<16xf32>
      %get3A_733 = arith.index_cast %add3A_711 : i32 to index
      %get3A_734 = tpu.vector_load %arg13[%get3A_733] {strides = array<i32>} : memref<5120xf32, #tpu.memory_space<vmem>>, vector<16xf32>,
      %add3A_735 = arith.addf %get3A_734, %gather3A_661 : vector<16xf32>
      %sub3A_736 = arith.subf %add3A_735, %mul3A_732 : vector<16xf32>
      %mul3A_737 = arith.constant 0x4C000000 : f32
      %mul3A_738 = vector.broadcast %mul3A_737 : f32 to vector<16xf32>
      %mul3A_739 = arith.mulf %mul3A_738, %mul3A_732 : vector<16xf32>
      %mul3A_740 = arith.constant 0x4B800000 : f32
      %mul3A_741 = vector.broadcast %mul3A_740 : f32 to vector<16xf32>
      %mul3A_742 = arith.mulf %mul3A_741, %sub3A_736 : vector<16xf32>
      %sub3A_743 = arith.subf %mul3A_739, %mul3A_742 : vector<16xf32>
      %gt3A_744 = arith.cmpf ogt, %sub3A_743, %sub3A_736 : vector<16xf32>
      %and3A_745 = arith.andi %gt3A_744, %gt3A_611 : vector<16xi1>
      %select_n3A_746 = arith.select %and3A_745, %broadcast_in_dim3A_51, %scan3A_389 : vector<16xi1>, vector<16xf32>
      %broadcast_in_dim3A_747 = arith.constant 16 : i32
      %broadcast_in_dim3A_748 = vector.broadcast %broadcast_in_dim3A_747 : i32 to vector<16xi32>
      %add3A_749 = arith.addi %iota3A, %broadcast_in_dim3A_748 : vector<16xi32>
      %add3A_750 = arith.addi %add3A_749, %broadcast_in_dim3A_58 : vector<16xi32>
      %gt3A_751 = arith.cmpf ogt, %select_n3A_746, %select_n3A_708 : vector<16xf32>
      %select_n3A_752 = arith.select %gt3A_751, %select_n3A_746, %select_n3A_708 : vector<16xi1>, vector<16xf32>
      %select_n3A_753 = arith.select %gt3A_751, %add3A_750, %select_n3A_709 : vector<16xi1>, vector<16xi32>
      %add3A_754 = arith.constant 32 : i32
      %add3A_755 = arith.addi %mul3A_0, %add3A_754 : i32
      %get3A_756 = arith.index_cast %add3A_755 : i32 to index
      %get3A_757 = tpu.vector_load %arg9[%get3A_756] {strides = array<i32>} : memref<5120xf32, #tpu.memory_space<vmem>>, vector<16xf32>,
      %max3A_758 = arith.maximumf %get3A_757, %gather3A_621 : vector<16xf32>
      %get3A_759 = arith.index_cast %add3A_755 : i32 to index
      %get3A_760 = tpu.vector_load %arg10[%get3A_759] {strides = array<i32>} : memref<5120xf32, #tpu.memory_space<vmem>>, vector<16xf32>,
      %min3A_761 = arith.minimumf %get3A_760, %gather3A_631 : vector<16xf32>
      %get3A_762 = arith.index_cast %add3A_755 : i32 to index
      %get3A_763 = tpu.vector_load %arg11[%get3A_762] {strides = array<i32>} : memref<5120xf32, #tpu.memory_space<vmem>>, vector<16xf32>,
      %max3A_764 = arith.maximumf %get3A_763, %gather3A_641 : vector<16xf32>
      %get3A_765 = arith.index_cast %add3A_755 : i32 to index
      %get3A_766 = tpu.vector_load %arg12[%get3A_765] {strides = array<i32>} : memref<5120xf32, #tpu.memory_space<vmem>>, vector<16xf32>,
      %min3A_767 = arith.minimumf %get3A_766, %gather3A_651 : vector<16xf32>
      %sub3A_768 = arith.subf %min3A_761, %max3A_758 : vector<16xf32>
      %max3A_769 = arith.constant 0.000000e+00 : f32
      %max3A_770 = vector.broadcast %max3A_769 : f32 to vector<16xf32>
      %max3A_771 = arith.maximumf %sub3A_768, %max3A_770 : vector<16xf32>
      %sub3A_772 = arith.subf %min3A_767, %max3A_764 : vector<16xf32>
      %max3A_773 = arith.constant 0.000000e+00 : f32
      %max3A_774 = vector.broadcast %max3A_773 : f32 to vector<16xf32>
      %max3A_775 = arith.maximumf %sub3A_772, %max3A_774 : vector<16xf32>
      %mul3A_776 = arith.mulf %max3A_771, %max3A_775 : vector<16xf32>
      %get3A_777 = arith.index_cast %add3A_755 : i32 to index
      %get3A_778 = tpu.vector_load %arg13[%get3A_777] {strides = array<i32>} : memref<5120xf32, #tpu.memory_space<vmem>>, vector<16xf32>,
      %add3A_779 = arith.addf %get3A_778, %gather3A_661 : vector<16xf32>
      %sub3A_780 = arith.subf %add3A_779, %mul3A_776 : vector<16xf32>
      %mul3A_781 = arith.constant 0x4C000000 : f32
      %mul3A_782 = vector.broadcast %mul3A_781 : f32 to vector<16xf32>
      %mul3A_783 = arith.mulf %mul3A_782, %mul3A_776 : vector<16xf32>
      %mul3A_784 = arith.constant 0x4B800000 : f32
      %mul3A_785 = vector.broadcast %mul3A_784 : f32 to vector<16xf32>
      %mul3A_786 = arith.mulf %mul3A_785, %sub3A_780 : vector<16xf32>
      %sub3A_787 = arith.subf %mul3A_783, %mul3A_786 : vector<16xf32>
      %gt3A_788 = arith.cmpf ogt, %sub3A_787, %sub3A_780 : vector<16xf32>
      %and3A_789 = arith.andi %gt3A_788, %gt3A_611 : vector<16xi1>
      %select_n3A_790 = arith.select %and3A_789, %broadcast_in_dim3A_51, %scan3A_390 : vector<16xi1>, vector<16xf32>
      %broadcast_in_dim3A_791 = arith.constant 32 : i32
      %broadcast_in_dim3A_792 = vector.broadcast %broadcast_in_dim3A_791 : i32 to vector<16xi32>
      %add3A_793 = arith.addi %iota3A, %broadcast_in_dim3A_792 : vector<16xi32>
      %add3A_794 = arith.addi %add3A_793, %broadcast_in_dim3A_58 : vector<16xi32>
      %gt3A_795 = arith.cmpf ogt, %select_n3A_790, %select_n3A_752 : vector<16xf32>
      %select_n3A_796 = arith.select %gt3A_795, %select_n3A_790, %select_n3A_752 : vector<16xi1>, vector<16xf32>
      %select_n3A_797 = arith.select %gt3A_795, %add3A_794, %select_n3A_753 : vector<16xi1>, vector<16xi32>
      %add3A_798 = arith.constant 48 : i32
      %add3A_799 = arith.addi %mul3A_0, %add3A_798 : i32
      %get3A_800 = arith.index_cast %add3A_799 : i32 to index
      %get3A_801 = tpu.vector_load %arg9[%get3A_800] {strides = array<i32>} : memref<5120xf32, #tpu.memory_space<vmem>>, vector<16xf32>,
      %max3A_802 = arith.maximumf %get3A_801, %gather3A_621 : vector<16xf32>
      %get3A_803 = arith.index_cast %add3A_799 : i32 to index
      %get3A_804 = tpu.vector_load %arg10[%get3A_803] {strides = array<i32>} : memref<5120xf32, #tpu.memory_space<vmem>>, vector<16xf32>,
      %min3A_805 = arith.minimumf %get3A_804, %gather3A_631 : vector<16xf32>
      %get3A_806 = arith.index_cast %add3A_799 : i32 to index
      %get3A_807 = tpu.vector_load %arg11[%get3A_806] {strides = array<i32>} : memref<5120xf32, #tpu.memory_space<vmem>>, vector<16xf32>,
      %max3A_808 = arith.maximumf %get3A_807, %gather3A_641 : vector<16xf32>
      %get3A_809 = arith.index_cast %add3A_799 : i32 to index
      %get3A_810 = tpu.vector_load %arg12[%get3A_809] {strides = array<i32>} : memref<5120xf32, #tpu.memory_space<vmem>>, vector<16xf32>,
      %min3A_811 = arith.minimumf %get3A_810, %gather3A_651 : vector<16xf32>
      %sub3A_812 = arith.subf %min3A_805, %max3A_802 : vector<16xf32>
      %max3A_813 = arith.constant 0.000000e+00 : f32
      %max3A_814 = vector.broadcast %max3A_813 : f32 to vector<16xf32>
      %max3A_815 = arith.maximumf %sub3A_812, %max3A_814 : vector<16xf32>
      %sub3A_816 = arith.subf %min3A_811, %max3A_808 : vector<16xf32>
      %max3A_817 = arith.constant 0.000000e+00 : f32
      %max3A_818 = vector.broadcast %max3A_817 : f32 to vector<16xf32>
      %max3A_819 = arith.maximumf %sub3A_816, %max3A_818 : vector<16xf32>
      %mul3A_820 = arith.mulf %max3A_815, %max3A_819 : vector<16xf32>
      %get3A_821 = arith.index_cast %add3A_799 : i32 to index
      %get3A_822 = tpu.vector_load %arg13[%get3A_821] {strides = array<i32>} : memref<5120xf32, #tpu.memory_space<vmem>>, vector<16xf32>,
      %add3A_823 = arith.addf %get3A_822, %gather3A_661 : vector<16xf32>
      %sub3A_824 = arith.subf %add3A_823, %mul3A_820 : vector<16xf32>
      %mul3A_825 = arith.constant 0x4C000000 : f32
      %mul3A_826 = vector.broadcast %mul3A_825 : f32 to vector<16xf32>
      %mul3A_827 = arith.mulf %mul3A_826, %mul3A_820 : vector<16xf32>
      %mul3A_828 = arith.constant 0x4B800000 : f32
      %mul3A_829 = vector.broadcast %mul3A_828 : f32 to vector<16xf32>
      %mul3A_830 = arith.mulf %mul3A_829, %sub3A_824 : vector<16xf32>
      %sub3A_831 = arith.subf %mul3A_827, %mul3A_830 : vector<16xf32>
      %gt3A_832 = arith.cmpf ogt, %sub3A_831, %sub3A_824 : vector<16xf32>
      %and3A_833 = arith.andi %gt3A_832, %gt3A_611 : vector<16xi1>
      %select_n3A_834 = arith.select %and3A_833, %broadcast_in_dim3A_51, %scan3A_391 : vector<16xi1>, vector<16xf32>
      %broadcast_in_dim3A_835 = arith.constant 48 : i32
      %broadcast_in_dim3A_836 = vector.broadcast %broadcast_in_dim3A_835 : i32 to vector<16xi32>
      %add3A_837 = arith.addi %iota3A, %broadcast_in_dim3A_836 : vector<16xi32>
      %add3A_838 = arith.addi %add3A_837, %broadcast_in_dim3A_58 : vector<16xi32>
      %gt3A_839 = arith.cmpf ogt, %select_n3A_834, %select_n3A_796 : vector<16xf32>
      %select_n3A_840 = arith.select %gt3A_839, %select_n3A_834, %select_n3A_796 : vector<16xi1>, vector<16xf32>
      %select_n3A_841 = arith.select %gt3A_839, %add3A_838, %select_n3A_797 : vector<16xi1>, vector<16xi32>
      %add3A_842 = arith.constant 64 : i32
      %add3A_843 = arith.addi %mul3A_0, %add3A_842 : i32
      %get3A_844 = arith.index_cast %add3A_843 : i32 to index
      %get3A_845 = tpu.vector_load %arg9[%get3A_844] {strides = array<i32>} : memref<5120xf32, #tpu.memory_space<vmem>>, vector<16xf32>,
      %max3A_846 = arith.maximumf %get3A_845, %gather3A_621 : vector<16xf32>
      %get3A_847 = arith.index_cast %add3A_843 : i32 to index
      %get3A_848 = tpu.vector_load %arg10[%get3A_847] {strides = array<i32>} : memref<5120xf32, #tpu.memory_space<vmem>>, vector<16xf32>,
      %min3A_849 = arith.minimumf %get3A_848, %gather3A_631 : vector<16xf32>
      %get3A_850 = arith.index_cast %add3A_843 : i32 to index
      %get3A_851 = tpu.vector_load %arg11[%get3A_850] {strides = array<i32>} : memref<5120xf32, #tpu.memory_space<vmem>>, vector<16xf32>,
      %max3A_852 = arith.maximumf %get3A_851, %gather3A_641 : vector<16xf32>
      %get3A_853 = arith.index_cast %add3A_843 : i32 to index
      %get3A_854 = tpu.vector_load %arg12[%get3A_853] {strides = array<i32>} : memref<5120xf32, #tpu.memory_space<vmem>>, vector<16xf32>,
      %min3A_855 = arith.minimumf %get3A_854, %gather3A_651 : vector<16xf32>
      %sub3A_856 = arith.subf %min3A_849, %max3A_846 : vector<16xf32>
      %max3A_857 = arith.constant 0.000000e+00 : f32
      %max3A_858 = vector.broadcast %max3A_857 : f32 to vector<16xf32>
      %max3A_859 = arith.maximumf %sub3A_856, %max3A_858 : vector<16xf32>
      %sub3A_860 = arith.subf %min3A_855, %max3A_852 : vector<16xf32>
      %max3A_861 = arith.constant 0.000000e+00 : f32
      %max3A_862 = vector.broadcast %max3A_861 : f32 to vector<16xf32>
      %max3A_863 = arith.maximumf %sub3A_860, %max3A_862 : vector<16xf32>
      %mul3A_864 = arith.mulf %max3A_859, %max3A_863 : vector<16xf32>
      %get3A_865 = arith.index_cast %add3A_843 : i32 to index
      %get3A_866 = tpu.vector_load %arg13[%get3A_865] {strides = array<i32>} : memref<5120xf32, #tpu.memory_space<vmem>>, vector<16xf32>,
      %add3A_867 = arith.addf %get3A_866, %gather3A_661 : vector<16xf32>
      %sub3A_868 = arith.subf %add3A_867, %mul3A_864 : vector<16xf32>
      %mul3A_869 = arith.constant 0x4C000000 : f32
      %mul3A_870 = vector.broadcast %mul3A_869 : f32 to vector<16xf32>
      %mul3A_871 = arith.mulf %mul3A_870, %mul3A_864 : vector<16xf32>
      %mul3A_872 = arith.constant 0x4B800000 : f32
      %mul3A_873 = vector.broadcast %mul3A_872 : f32 to vector<16xf32>
      %mul3A_874 = arith.mulf %mul3A_873, %sub3A_868 : vector<16xf32>
      %sub3A_875 = arith.subf %mul3A_871, %mul3A_874 : vector<16xf32>
      %gt3A_876 = arith.cmpf ogt, %sub3A_875, %sub3A_868 : vector<16xf32>
      %and3A_877 = arith.andi %gt3A_876, %gt3A_611 : vector<16xi1>
      %select_n3A_878 = arith.select %and3A_877, %broadcast_in_dim3A_51, %scan3A_392 : vector<16xi1>, vector<16xf32>
      %broadcast_in_dim3A_879 = arith.constant 64 : i32
      %broadcast_in_dim3A_880 = vector.broadcast %broadcast_in_dim3A_879 : i32 to vector<16xi32>
      %add3A_881 = arith.addi %iota3A, %broadcast_in_dim3A_880 : vector<16xi32>
      %add3A_882 = arith.addi %add3A_881, %broadcast_in_dim3A_58 : vector<16xi32>
      %gt3A_883 = arith.cmpf ogt, %select_n3A_878, %select_n3A_840 : vector<16xf32>
      %select_n3A_884 = arith.select %gt3A_883, %select_n3A_878, %select_n3A_840 : vector<16xi1>, vector<16xf32>
      %select_n3A_885 = arith.select %gt3A_883, %add3A_882, %select_n3A_841 : vector<16xi1>, vector<16xi32>
      %add3A_886 = arith.constant 80 : i32
      %add3A_887 = arith.addi %mul3A_0, %add3A_886 : i32
      %get3A_888 = arith.index_cast %add3A_887 : i32 to index
      %get3A_889 = tpu.vector_load %arg9[%get3A_888] {strides = array<i32>} : memref<5120xf32, #tpu.memory_space<vmem>>, vector<16xf32>,
      %max3A_890 = arith.maximumf %get3A_889, %gather3A_621 : vector<16xf32>
      %get3A_891 = arith.index_cast %add3A_887 : i32 to index
      %get3A_892 = tpu.vector_load %arg10[%get3A_891] {strides = array<i32>} : memref<5120xf32, #tpu.memory_space<vmem>>, vector<16xf32>,
      %min3A_893 = arith.minimumf %get3A_892, %gather3A_631 : vector<16xf32>
      %get3A_894 = arith.index_cast %add3A_887 : i32 to index
      %get3A_895 = tpu.vector_load %arg11[%get3A_894] {strides = array<i32>} : memref<5120xf32, #tpu.memory_space<vmem>>, vector<16xf32>,
      %max3A_896 = arith.maximumf %get3A_895, %gather3A_641 : vector<16xf32>
      %get3A_897 = arith.index_cast %add3A_887 : i32 to index
      %get3A_898 = tpu.vector_load %arg12[%get3A_897] {strides = array<i32>} : memref<5120xf32, #tpu.memory_space<vmem>>, vector<16xf32>,
      %min3A_899 = arith.minimumf %get3A_898, %gather3A_651 : vector<16xf32>
      %sub3A_900 = arith.subf %min3A_893, %max3A_890 : vector<16xf32>
      %max3A_901 = arith.constant 0.000000e+00 : f32
      %max3A_902 = vector.broadcast %max3A_901 : f32 to vector<16xf32>
      %max3A_903 = arith.maximumf %sub3A_900, %max3A_902 : vector<16xf32>
      %sub3A_904 = arith.subf %min3A_899, %max3A_896 : vector<16xf32>
      %max3A_905 = arith.constant 0.000000e+00 : f32
      %max3A_906 = vector.broadcast %max3A_905 : f32 to vector<16xf32>
      %max3A_907 = arith.maximumf %sub3A_904, %max3A_906 : vector<16xf32>
      %mul3A_908 = arith.mulf %max3A_903, %max3A_907 : vector<16xf32>
      %get3A_909 = arith.index_cast %add3A_887 : i32 to index
      %get3A_910 = tpu.vector_load %arg13[%get3A_909] {strides = array<i32>} : memref<5120xf32, #tpu.memory_space<vmem>>, vector<16xf32>,
      %add3A_911 = arith.addf %get3A_910, %gather3A_661 : vector<16xf32>
      %sub3A_912 = arith.subf %add3A_911, %mul3A_908 : vector<16xf32>
      %mul3A_913 = arith.constant 0x4C000000 : f32
      %mul3A_914 = vector.broadcast %mul3A_913 : f32 to vector<16xf32>
      %mul3A_915 = arith.mulf %mul3A_914, %mul3A_908 : vector<16xf32>
      %mul3A_916 = arith.constant 0x4B800000 : f32
      %mul3A_917 = vector.broadcast %mul3A_916 : f32 to vector<16xf32>
      %mul3A_918 = arith.mulf %mul3A_917, %sub3A_912 : vector<16xf32>
      %sub3A_919 = arith.subf %mul3A_915, %mul3A_918 : vector<16xf32>
      %gt3A_920 = arith.cmpf ogt, %sub3A_919, %sub3A_912 : vector<16xf32>
      %and3A_921 = arith.andi %gt3A_920, %gt3A_611 : vector<16xi1>
      %select_n3A_922 = arith.select %and3A_921, %broadcast_in_dim3A_51, %scan3A_393 : vector<16xi1>, vector<16xf32>
      %broadcast_in_dim3A_923 = arith.constant 80 : i32
      %broadcast_in_dim3A_924 = vector.broadcast %broadcast_in_dim3A_923 : i32 to vector<16xi32>
      %add3A_925 = arith.addi %iota3A, %broadcast_in_dim3A_924 : vector<16xi32>
      %add3A_926 = arith.addi %add3A_925, %broadcast_in_dim3A_58 : vector<16xi32>
      %gt3A_927 = arith.cmpf ogt, %select_n3A_922, %select_n3A_884 : vector<16xf32>
      %select_n3A_928 = arith.select %gt3A_927, %select_n3A_922, %select_n3A_884 : vector<16xi1>, vector<16xf32>
      %select_n3A_929 = arith.select %gt3A_927, %add3A_926, %select_n3A_885 : vector<16xi1>, vector<16xi32>
      %add3A_930 = arith.constant 96 : i32
      %add3A_931 = arith.addi %mul3A_0, %add3A_930 : i32
      %get3A_932 = arith.index_cast %add3A_931 : i32 to index
      %get3A_933 = tpu.vector_load %arg9[%get3A_932] {strides = array<i32>} : memref<5120xf32, #tpu.memory_space<vmem>>, vector<16xf32>,
      %max3A_934 = arith.maximumf %get3A_933, %gather3A_621 : vector<16xf32>
      %get3A_935 = arith.index_cast %add3A_931 : i32 to index
      %get3A_936 = tpu.vector_load %arg10[%get3A_935] {strides = array<i32>} : memref<5120xf32, #tpu.memory_space<vmem>>, vector<16xf32>,
      %min3A_937 = arith.minimumf %get3A_936, %gather3A_631 : vector<16xf32>
      %get3A_938 = arith.index_cast %add3A_931 : i32 to index
      %get3A_939 = tpu.vector_load %arg11[%get3A_938] {strides = array<i32>} : memref<5120xf32, #tpu.memory_space<vmem>>, vector<16xf32>,
      %max3A_940 = arith.maximumf %get3A_939, %gather3A_641 : vector<16xf32>
      %get3A_941 = arith.index_cast %add3A_931 : i32 to index
      %get3A_942 = tpu.vector_load %arg12[%get3A_941] {strides = array<i32>} : memref<5120xf32, #tpu.memory_space<vmem>>, vector<16xf32>,
      %min3A_943 = arith.minimumf %get3A_942, %gather3A_651 : vector<16xf32>
      %sub3A_944 = arith.subf %min3A_937, %max3A_934 : vector<16xf32>
      %max3A_945 = arith.constant 0.000000e+00 : f32
      %max3A_946 = vector.broadcast %max3A_945 : f32 to vector<16xf32>
      %max3A_947 = arith.maximumf %sub3A_944, %max3A_946 : vector<16xf32>
      %sub3A_948 = arith.subf %min3A_943, %max3A_940 : vector<16xf32>
      %max3A_949 = arith.constant 0.000000e+00 : f32
      %max3A_950 = vector.broadcast %max3A_949 : f32 to vector<16xf32>
      %max3A_951 = arith.maximumf %sub3A_948, %max3A_950 : vector<16xf32>
      %mul3A_952 = arith.mulf %max3A_947, %max3A_951 : vector<16xf32>
      %get3A_953 = arith.index_cast %add3A_931 : i32 to index
      %get3A_954 = tpu.vector_load %arg13[%get3A_953] {strides = array<i32>} : memref<5120xf32, #tpu.memory_space<vmem>>, vector<16xf32>,
      %add3A_955 = arith.addf %get3A_954, %gather3A_661 : vector<16xf32>
      %sub3A_956 = arith.subf %add3A_955, %mul3A_952 : vector<16xf32>
      %mul3A_957 = arith.constant 0x4C000000 : f32
      %mul3A_958 = vector.broadcast %mul3A_957 : f32 to vector<16xf32>
      %mul3A_959 = arith.mulf %mul3A_958, %mul3A_952 : vector<16xf32>
      %mul3A_960 = arith.constant 0x4B800000 : f32
      %mul3A_961 = vector.broadcast %mul3A_960 : f32 to vector<16xf32>
      %mul3A_962 = arith.mulf %mul3A_961, %sub3A_956 : vector<16xf32>
      %sub3A_963 = arith.subf %mul3A_959, %mul3A_962 : vector<16xf32>
      %gt3A_964 = arith.cmpf ogt, %sub3A_963, %sub3A_956 : vector<16xf32>
      %and3A_965 = arith.andi %gt3A_964, %gt3A_611 : vector<16xi1>
      %select_n3A_966 = arith.select %and3A_965, %broadcast_in_dim3A_51, %scan3A_394 : vector<16xi1>, vector<16xf32>
      %broadcast_in_dim3A_967 = arith.constant 96 : i32
      %broadcast_in_dim3A_968 = vector.broadcast %broadcast_in_dim3A_967 : i32 to vector<16xi32>
      %add3A_969 = arith.addi %iota3A, %broadcast_in_dim3A_968 : vector<16xi32>
      %add3A_970 = arith.addi %add3A_969, %broadcast_in_dim3A_58 : vector<16xi32>
      %gt3A_971 = arith.cmpf ogt, %select_n3A_966, %select_n3A_928 : vector<16xf32>
      %select_n3A_972 = arith.select %gt3A_971, %select_n3A_966, %select_n3A_928 : vector<16xi1>, vector<16xf32>
      %select_n3A_973 = arith.select %gt3A_971, %add3A_970, %select_n3A_929 : vector<16xi1>, vector<16xi32>
      %add3A_974 = arith.constant 112 : i32
      %add3A_975 = arith.addi %mul3A_0, %add3A_974 : i32
      %get3A_976 = arith.index_cast %add3A_975 : i32 to index
      %get3A_977 = tpu.vector_load %arg9[%get3A_976] {strides = array<i32>} : memref<5120xf32, #tpu.memory_space<vmem>>, vector<16xf32>,
      %max3A_978 = arith.maximumf %get3A_977, %gather3A_621 : vector<16xf32>
      %get3A_979 = arith.index_cast %add3A_975 : i32 to index
      %get3A_980 = tpu.vector_load %arg10[%get3A_979] {strides = array<i32>} : memref<5120xf32, #tpu.memory_space<vmem>>, vector<16xf32>,
      %min3A_981 = arith.minimumf %get3A_980, %gather3A_631 : vector<16xf32>
      %get3A_982 = arith.index_cast %add3A_975 : i32 to index
      %get3A_983 = tpu.vector_load %arg11[%get3A_982] {strides = array<i32>} : memref<5120xf32, #tpu.memory_space<vmem>>, vector<16xf32>,
      %max3A_984 = arith.maximumf %get3A_983, %gather3A_641 : vector<16xf32>
      %get3A_985 = arith.index_cast %add3A_975 : i32 to index
      %get3A_986 = tpu.vector_load %arg12[%get3A_985] {strides = array<i32>} : memref<5120xf32, #tpu.memory_space<vmem>>, vector<16xf32>,
      %min3A_987 = arith.minimumf %get3A_986, %gather3A_651 : vector<16xf32>
      %sub3A_988 = arith.subf %min3A_981, %max3A_978 : vector<16xf32>
      %max3A_989 = arith.constant 0.000000e+00 : f32
      %max3A_990 = vector.broadcast %max3A_989 : f32 to vector<16xf32>
      %max3A_991 = arith.maximumf %sub3A_988, %max3A_990 : vector<16xf32>
      %sub3A_992 = arith.subf %min3A_987, %max3A_984 : vector<16xf32>
      %max3A_993 = arith.constant 0.000000e+00 : f32
      %max3A_994 = vector.broadcast %max3A_993 : f32 to vector<16xf32>
      %max3A_995 = arith.maximumf %sub3A_992, %max3A_994 : vector<16xf32>
      %mul3A_996 = arith.mulf %max3A_991, %max3A_995 : vector<16xf32>
      %get3A_997 = arith.index_cast %add3A_975 : i32 to index
      %get3A_998 = tpu.vector_load %arg13[%get3A_997] {strides = array<i32>} : memref<5120xf32, #tpu.memory_space<vmem>>, vector<16xf32>,
      %add3A_999 = arith.addf %get3A_998, %gather3A_661 : vector<16xf32>
      %sub3A_1000 = arith.subf %add3A_999, %mul3A_996 : vector<16xf32>
      %mul3A_1001 = arith.constant 0x4C000000 : f32
      %mul3A_1002 = vector.broadcast %mul3A_1001 : f32 to vector<16xf32>
      %mul3A_1003 = arith.mulf %mul3A_1002, %mul3A_996 : vector<16xf32>
      %mul3A_1004 = arith.constant 0x4B800000 : f32
      %mul3A_1005 = vector.broadcast %mul3A_1004 : f32 to vector<16xf32>
      %mul3A_1006 = arith.mulf %mul3A_1005, %sub3A_1000 : vector<16xf32>
      %sub3A_1007 = arith.subf %mul3A_1003, %mul3A_1006 : vector<16xf32>
      %gt3A_1008 = arith.cmpf ogt, %sub3A_1007, %sub3A_1000 : vector<16xf32>
      %and3A_1009 = arith.andi %gt3A_1008, %gt3A_611 : vector<16xi1>
      %select_n3A_1010 = arith.select %and3A_1009, %broadcast_in_dim3A_51, %scan3A_395 : vector<16xi1>, vector<16xf32>
      %broadcast_in_dim3A_1011 = arith.constant 112 : i32
      %broadcast_in_dim3A_1012 = vector.broadcast %broadcast_in_dim3A_1011 : i32 to vector<16xi32>
      %add3A_1013 = arith.addi %iota3A, %broadcast_in_dim3A_1012 : vector<16xi32>
      %add3A_1014 = arith.addi %add3A_1013, %broadcast_in_dim3A_58 : vector<16xi32>
      %gt3A_1015 = arith.cmpf ogt, %select_n3A_1010, %select_n3A_972 : vector<16xf32>
      %select_n3A_1016 = arith.select %gt3A_1015, %select_n3A_1010, %select_n3A_972 : vector<16xi1>, vector<16xf32>
      %select_n3A_1017 = arith.select %gt3A_1015, %add3A_1014, %select_n3A_973 : vector<16xi1>, vector<16xi32>
      %add3A_1018 = arith.constant 128 : i32
      %add3A_1019 = arith.addi %mul3A_0, %add3A_1018 : i32
      %get3A_1020 = arith.index_cast %add3A_1019 : i32 to index
      %get3A_1021 = tpu.vector_load %arg9[%get3A_1020] {strides = array<i32>} : memref<5120xf32, #tpu.memory_space<vmem>>, vector<16xf32>,
      %max3A_1022 = arith.maximumf %get3A_1021, %gather3A_621 : vector<16xf32>
      %get3A_1023 = arith.index_cast %add3A_1019 : i32 to index
      %get3A_1024 = tpu.vector_load %arg10[%get3A_1023] {strides = array<i32>} : memref<5120xf32, #tpu.memory_space<vmem>>, vector<16xf32>,
      %min3A_1025 = arith.minimumf %get3A_1024, %gather3A_631 : vector<16xf32>
      %get3A_1026 = arith.index_cast %add3A_1019 : i32 to index
      %get3A_1027 = tpu.vector_load %arg11[%get3A_1026] {strides = array<i32>} : memref<5120xf32, #tpu.memory_space<vmem>>, vector<16xf32>,
      %max3A_1028 = arith.maximumf %get3A_1027, %gather3A_641 : vector<16xf32>
      %get3A_1029 = arith.index_cast %add3A_1019 : i32 to index
      %get3A_1030 = tpu.vector_load %arg12[%get3A_1029] {strides = array<i32>} : memref<5120xf32, #tpu.memory_space<vmem>>, vector<16xf32>,
      %min3A_1031 = arith.minimumf %get3A_1030, %gather3A_651 : vector<16xf32>
      %sub3A_1032 = arith.subf %min3A_1025, %max3A_1022 : vector<16xf32>
      %max3A_1033 = arith.constant 0.000000e+00 : f32
      %max3A_1034 = vector.broadcast %max3A_1033 : f32 to vector<16xf32>
      %max3A_1035 = arith.maximumf %sub3A_1032, %max3A_1034 : vector<16xf32>
      %sub3A_1036 = arith.subf %min3A_1031, %max3A_1028 : vector<16xf32>
      %max3A_1037 = arith.constant 0.000000e+00 : f32
      %max3A_1038 = vector.broadcast %max3A_1037 : f32 to vector<16xf32>
      %max3A_1039 = arith.maximumf %sub3A_1036, %max3A_1038 : vector<16xf32>
      %mul3A_1040 = arith.mulf %max3A_1035, %max3A_1039 : vector<16xf32>
      %get3A_1041 = arith.index_cast %add3A_1019 : i32 to index
      %get3A_1042 = tpu.vector_load %arg13[%get3A_1041] {strides = array<i32>} : memref<5120xf32, #tpu.memory_space<vmem>>, vector<16xf32>,
      %add3A_1043 = arith.addf %get3A_1042, %gather3A_661 : vector<16xf32>
      %sub3A_1044 = arith.subf %add3A_1043, %mul3A_1040 : vector<16xf32>
      %mul3A_1045 = arith.constant 0x4C000000 : f32
      %mul3A_1046 = vector.broadcast %mul3A_1045 : f32 to vector<16xf32>
      %mul3A_1047 = arith.mulf %mul3A_1046, %mul3A_1040 : vector<16xf32>
      %mul3A_1048 = arith.constant 0x4B800000 : f32
      %mul3A_1049 = vector.broadcast %mul3A_1048 : f32 to vector<16xf32>
      %mul3A_1050 = arith.mulf %mul3A_1049, %sub3A_1044 : vector<16xf32>
      %sub3A_1051 = arith.subf %mul3A_1047, %mul3A_1050 : vector<16xf32>
      %gt3A_1052 = arith.cmpf ogt, %sub3A_1051, %sub3A_1044 : vector<16xf32>
      %and3A_1053 = arith.andi %gt3A_1052, %gt3A_611 : vector<16xi1>
      %select_n3A_1054 = arith.select %and3A_1053, %broadcast_in_dim3A_51, %scan3A_396 : vector<16xi1>, vector<16xf32>
      %broadcast_in_dim3A_1055 = arith.constant 128 : i32
      %broadcast_in_dim3A_1056 = vector.broadcast %broadcast_in_dim3A_1055 : i32 to vector<16xi32>
      %add3A_1057 = arith.addi %iota3A, %broadcast_in_dim3A_1056 : vector<16xi32>
      %add3A_1058 = arith.addi %add3A_1057, %broadcast_in_dim3A_58 : vector<16xi32>
      %gt3A_1059 = arith.cmpf ogt, %select_n3A_1054, %select_n3A_1016 : vector<16xf32>
      %select_n3A_1060 = arith.select %gt3A_1059, %select_n3A_1054, %select_n3A_1016 : vector<16xi1>, vector<16xf32>
      %select_n3A_1061 = arith.select %gt3A_1059, %add3A_1058, %select_n3A_1017 : vector<16xi1>, vector<16xi32>
      %add3A_1062 = arith.constant 144 : i32
      %add3A_1063 = arith.addi %mul3A_0, %add3A_1062 : i32
      %get3A_1064 = arith.index_cast %add3A_1063 : i32 to index
      %get3A_1065 = tpu.vector_load %arg9[%get3A_1064] {strides = array<i32>} : memref<5120xf32, #tpu.memory_space<vmem>>, vector<16xf32>,
      %max3A_1066 = arith.maximumf %get3A_1065, %gather3A_621 : vector<16xf32>
      %get3A_1067 = arith.index_cast %add3A_1063 : i32 to index
      %get3A_1068 = tpu.vector_load %arg10[%get3A_1067] {strides = array<i32>} : memref<5120xf32, #tpu.memory_space<vmem>>, vector<16xf32>,
      %min3A_1069 = arith.minimumf %get3A_1068, %gather3A_631 : vector<16xf32>
      %get3A_1070 = arith.index_cast %add3A_1063 : i32 to index
      %get3A_1071 = tpu.vector_load %arg11[%get3A_1070] {strides = array<i32>} : memref<5120xf32, #tpu.memory_space<vmem>>, vector<16xf32>,
      %max3A_1072 = arith.maximumf %get3A_1071, %gather3A_641 : vector<16xf32>
      %get3A_1073 = arith.index_cast %add3A_1063 : i32 to index
      %get3A_1074 = tpu.vector_load %arg12[%get3A_1073] {strides = array<i32>} : memref<5120xf32, #tpu.memory_space<vmem>>, vector<16xf32>,
      %min3A_1075 = arith.minimumf %get3A_1074, %gather3A_651 : vector<16xf32>
      %sub3A_1076 = arith.subf %min3A_1069, %max3A_1066 : vector<16xf32>
      %max3A_1077 = arith.constant 0.000000e+00 : f32
      %max3A_1078 = vector.broadcast %max3A_1077 : f32 to vector<16xf32>
      %max3A_1079 = arith.maximumf %sub3A_1076, %max3A_1078 : vector<16xf32>
      %sub3A_1080 = arith.subf %min3A_1075, %max3A_1072 : vector<16xf32>
      %max3A_1081 = arith.constant 0.000000e+00 : f32
      %max3A_1082 = vector.broadcast %max3A_1081 : f32 to vector<16xf32>
      %max3A_1083 = arith.maximumf %sub3A_1080, %max3A_1082 : vector<16xf32>
      %mul3A_1084 = arith.mulf %max3A_1079, %max3A_1083 : vector<16xf32>
      %get3A_1085 = arith.index_cast %add3A_1063 : i32 to index
      %get3A_1086 = tpu.vector_load %arg13[%get3A_1085] {strides = array<i32>} : memref<5120xf32, #tpu.memory_space<vmem>>, vector<16xf32>,
      %add3A_1087 = arith.addf %get3A_1086, %gather3A_661 : vector<16xf32>
      %sub3A_1088 = arith.subf %add3A_1087, %mul3A_1084 : vector<16xf32>
      %mul3A_1089 = arith.constant 0x4C000000 : f32
      %mul3A_1090 = vector.broadcast %mul3A_1089 : f32 to vector<16xf32>
      %mul3A_1091 = arith.mulf %mul3A_1090, %mul3A_1084 : vector<16xf32>
      %mul3A_1092 = arith.constant 0x4B800000 : f32
      %mul3A_1093 = vector.broadcast %mul3A_1092 : f32 to vector<16xf32>
      %mul3A_1094 = arith.mulf %mul3A_1093, %sub3A_1088 : vector<16xf32>
      %sub3A_1095 = arith.subf %mul3A_1091, %mul3A_1094 : vector<16xf32>
      %gt3A_1096 = arith.cmpf ogt, %sub3A_1095, %sub3A_1088 : vector<16xf32>
      %and3A_1097 = arith.andi %gt3A_1096, %gt3A_611 : vector<16xi1>
      %select_n3A_1098 = arith.select %and3A_1097, %broadcast_in_dim3A_51, %scan3A_397 : vector<16xi1>, vector<16xf32>
      %broadcast_in_dim3A_1099 = arith.constant 144 : i32
      %broadcast_in_dim3A_1100 = vector.broadcast %broadcast_in_dim3A_1099 : i32 to vector<16xi32>
      %add3A_1101 = arith.addi %iota3A, %broadcast_in_dim3A_1100 : vector<16xi32>
      %add3A_1102 = arith.addi %add3A_1101, %broadcast_in_dim3A_58 : vector<16xi32>
      %gt3A_1103 = arith.cmpf ogt, %select_n3A_1098, %select_n3A_1060 : vector<16xf32>
      %select_n3A_1104 = arith.select %gt3A_1103, %select_n3A_1098, %select_n3A_1060 : vector<16xi1>, vector<16xf32>
      %select_n3A_1105 = arith.select %gt3A_1103, %add3A_1102, %select_n3A_1061 : vector<16xi1>, vector<16xi32>
      %add3A_1106 = arith.constant 160 : i32
      %add3A_1107 = arith.addi %mul3A_0, %add3A_1106 : i32
      %get3A_1108 = arith.index_cast %add3A_1107 : i32 to index
      %get3A_1109 = tpu.vector_load %arg9[%get3A_1108] {strides = array<i32>} : memref<5120xf32, #tpu.memory_space<vmem>>, vector<16xf32>,
      %max3A_1110 = arith.maximumf %get3A_1109, %gather3A_621 : vector<16xf32>
      %get3A_1111 = arith.index_cast %add3A_1107 : i32 to index
      %get3A_1112 = tpu.vector_load %arg10[%get3A_1111] {strides = array<i32>} : memref<5120xf32, #tpu.memory_space<vmem>>, vector<16xf32>,
      %min3A_1113 = arith.minimumf %get3A_1112, %gather3A_631 : vector<16xf32>
      %get3A_1114 = arith.index_cast %add3A_1107 : i32 to index
      %get3A_1115 = tpu.vector_load %arg11[%get3A_1114] {strides = array<i32>} : memref<5120xf32, #tpu.memory_space<vmem>>, vector<16xf32>,
      %max3A_1116 = arith.maximumf %get3A_1115, %gather3A_641 : vector<16xf32>
      %get3A_1117 = arith.index_cast %add3A_1107 : i32 to index
      %get3A_1118 = tpu.vector_load %arg12[%get3A_1117] {strides = array<i32>} : memref<5120xf32, #tpu.memory_space<vmem>>, vector<16xf32>,
      %min3A_1119 = arith.minimumf %get3A_1118, %gather3A_651 : vector<16xf32>
      %sub3A_1120 = arith.subf %min3A_1113, %max3A_1110 : vector<16xf32>
      %max3A_1121 = arith.constant 0.000000e+00 : f32
      %max3A_1122 = vector.broadcast %max3A_1121 : f32 to vector<16xf32>
      %max3A_1123 = arith.maximumf %sub3A_1120, %max3A_1122 : vector<16xf32>
      %sub3A_1124 = arith.subf %min3A_1119, %max3A_1116 : vector<16xf32>
      %max3A_1125 = arith.constant 0.000000e+00 : f32
      %max3A_1126 = vector.broadcast %max3A_1125 : f32 to vector<16xf32>
      %max3A_1127 = arith.maximumf %sub3A_1124, %max3A_1126 : vector<16xf32>
      %mul3A_1128 = arith.mulf %max3A_1123, %max3A_1127 : vector<16xf32>
      %get3A_1129 = arith.index_cast %add3A_1107 : i32 to index
      %get3A_1130 = tpu.vector_load %arg13[%get3A_1129] {strides = array<i32>} : memref<5120xf32, #tpu.memory_space<vmem>>, vector<16xf32>,
      %add3A_1131 = arith.addf %get3A_1130, %gather3A_661 : vector<16xf32>
      %sub3A_1132 = arith.subf %add3A_1131, %mul3A_1128 : vector<16xf32>
      %mul3A_1133 = arith.constant 0x4C000000 : f32
      %mul3A_1134 = vector.broadcast %mul3A_1133 : f32 to vector<16xf32>
      %mul3A_1135 = arith.mulf %mul3A_1134, %mul3A_1128 : vector<16xf32>
      %mul3A_1136 = arith.constant 0x4B800000 : f32
      %mul3A_1137 = vector.broadcast %mul3A_1136 : f32 to vector<16xf32>
      %mul3A_1138 = arith.mulf %mul3A_1137, %sub3A_1132 : vector<16xf32>
      %sub3A_1139 = arith.subf %mul3A_1135, %mul3A_1138 : vector<16xf32>
      %gt3A_1140 = arith.cmpf ogt, %sub3A_1139, %sub3A_1132 : vector<16xf32>
      %and3A_1141 = arith.andi %gt3A_1140, %gt3A_611 : vector<16xi1>
      %select_n3A_1142 = arith.select %and3A_1141, %broadcast_in_dim3A_51, %scan3A_398 : vector<16xi1>, vector<16xf32>
      %broadcast_in_dim3A_1143 = arith.constant 160 : i32
      %broadcast_in_dim3A_1144 = vector.broadcast %broadcast_in_dim3A_1143 : i32 to vector<16xi32>
      %add3A_1145 = arith.addi %iota3A, %broadcast_in_dim3A_1144 : vector<16xi32>
      %add3A_1146 = arith.addi %add3A_1145, %broadcast_in_dim3A_58 : vector<16xi32>
      %gt3A_1147 = arith.cmpf ogt, %select_n3A_1142, %select_n3A_1104 : vector<16xf32>
      %select_n3A_1148 = arith.select %gt3A_1147, %select_n3A_1142, %select_n3A_1104 : vector<16xi1>, vector<16xf32>
      %select_n3A_1149 = arith.select %gt3A_1147, %add3A_1146, %select_n3A_1105 : vector<16xi1>, vector<16xi32>
      %add3A_1150 = arith.constant 176 : i32
      %add3A_1151 = arith.addi %mul3A_0, %add3A_1150 : i32
      %get3A_1152 = arith.index_cast %add3A_1151 : i32 to index
      %get3A_1153 = tpu.vector_load %arg9[%get3A_1152] {strides = array<i32>} : memref<5120xf32, #tpu.memory_space<vmem>>, vector<16xf32>,
      %max3A_1154 = arith.maximumf %get3A_1153, %gather3A_621 : vector<16xf32>
      %get3A_1155 = arith.index_cast %add3A_1151 : i32 to index
      %get3A_1156 = tpu.vector_load %arg10[%get3A_1155] {strides = array<i32>} : memref<5120xf32, #tpu.memory_space<vmem>>, vector<16xf32>,
      %min3A_1157 = arith.minimumf %get3A_1156, %gather3A_631 : vector<16xf32>
      %get3A_1158 = arith.index_cast %add3A_1151 : i32 to index
      %get3A_1159 = tpu.vector_load %arg11[%get3A_1158] {strides = array<i32>} : memref<5120xf32, #tpu.memory_space<vmem>>, vector<16xf32>,
      %max3A_1160 = arith.maximumf %get3A_1159, %gather3A_641 : vector<16xf32>
      %get3A_1161 = arith.index_cast %add3A_1151 : i32 to index
      %get3A_1162 = tpu.vector_load %arg12[%get3A_1161] {strides = array<i32>} : memref<5120xf32, #tpu.memory_space<vmem>>, vector<16xf32>,
      %min3A_1163 = arith.minimumf %get3A_1162, %gather3A_651 : vector<16xf32>
      %sub3A_1164 = arith.subf %min3A_1157, %max3A_1154 : vector<16xf32>
      %max3A_1165 = arith.constant 0.000000e+00 : f32
      %max3A_1166 = vector.broadcast %max3A_1165 : f32 to vector<16xf32>
      %max3A_1167 = arith.maximumf %sub3A_1164, %max3A_1166 : vector<16xf32>
      %sub3A_1168 = arith.subf %min3A_1163, %max3A_1160 : vector<16xf32>
      %max3A_1169 = arith.constant 0.000000e+00 : f32
      %max3A_1170 = vector.broadcast %max3A_1169 : f32 to vector<16xf32>
      %max3A_1171 = arith.maximumf %sub3A_1168, %max3A_1170 : vector<16xf32>
      %mul3A_1172 = arith.mulf %max3A_1167, %max3A_1171 : vector<16xf32>
      %get3A_1173 = arith.index_cast %add3A_1151 : i32 to index
      %get3A_1174 = tpu.vector_load %arg13[%get3A_1173] {strides = array<i32>} : memref<5120xf32, #tpu.memory_space<vmem>>, vector<16xf32>,
      %add3A_1175 = arith.addf %get3A_1174, %gather3A_661 : vector<16xf32>
      %sub3A_1176 = arith.subf %add3A_1175, %mul3A_1172 : vector<16xf32>
      %mul3A_1177 = arith.constant 0x4C000000 : f32
      %mul3A_1178 = vector.broadcast %mul3A_1177 : f32 to vector<16xf32>
      %mul3A_1179 = arith.mulf %mul3A_1178, %mul3A_1172 : vector<16xf32>
      %mul3A_1180 = arith.constant 0x4B800000 : f32
      %mul3A_1181 = vector.broadcast %mul3A_1180 : f32 to vector<16xf32>
      %mul3A_1182 = arith.mulf %mul3A_1181, %sub3A_1176 : vector<16xf32>
      %sub3A_1183 = arith.subf %mul3A_1179, %mul3A_1182 : vector<16xf32>
      %gt3A_1184 = arith.cmpf ogt, %sub3A_1183, %sub3A_1176 : vector<16xf32>
      %and3A_1185 = arith.andi %gt3A_1184, %gt3A_611 : vector<16xi1>
      %select_n3A_1186 = arith.select %and3A_1185, %broadcast_in_dim3A_51, %scan3A_399 : vector<16xi1>, vector<16xf32>
      %broadcast_in_dim3A_1187 = arith.constant 176 : i32
      %broadcast_in_dim3A_1188 = vector.broadcast %broadcast_in_dim3A_1187 : i32 to vector<16xi32>
      %add3A_1189 = arith.addi %iota3A, %broadcast_in_dim3A_1188 : vector<16xi32>
      %add3A_1190 = arith.addi %add3A_1189, %broadcast_in_dim3A_58 : vector<16xi32>
      %gt3A_1191 = arith.cmpf ogt, %select_n3A_1186, %select_n3A_1148 : vector<16xf32>
      %select_n3A_1192 = arith.select %gt3A_1191, %select_n3A_1186, %select_n3A_1148 : vector<16xi1>, vector<16xf32>
      %select_n3A_1193 = arith.select %gt3A_1191, %add3A_1190, %select_n3A_1149 : vector<16xi1>, vector<16xi32>
      %add3A_1194 = arith.constant 192 : i32
      %add3A_1195 = arith.addi %mul3A_0, %add3A_1194 : i32
      %get3A_1196 = arith.index_cast %add3A_1195 : i32 to index
      %get3A_1197 = tpu.vector_load %arg9[%get3A_1196] {strides = array<i32>} : memref<5120xf32, #tpu.memory_space<vmem>>, vector<16xf32>,
      %max3A_1198 = arith.maximumf %get3A_1197, %gather3A_621 : vector<16xf32>
      %get3A_1199 = arith.index_cast %add3A_1195 : i32 to index
      %get3A_1200 = tpu.vector_load %arg10[%get3A_1199] {strides = array<i32>} : memref<5120xf32, #tpu.memory_space<vmem>>, vector<16xf32>,
      %min3A_1201 = arith.minimumf %get3A_1200, %gather3A_631 : vector<16xf32>
      %get3A_1202 = arith.index_cast %add3A_1195 : i32 to index
      %get3A_1203 = tpu.vector_load %arg11[%get3A_1202] {strides = array<i32>} : memref<5120xf32, #tpu.memory_space<vmem>>, vector<16xf32>,
      %max3A_1204 = arith.maximumf %get3A_1203, %gather3A_641 : vector<16xf32>
      %get3A_1205 = arith.index_cast %add3A_1195 : i32 to index
      %get3A_1206 = tpu.vector_load %arg12[%get3A_1205] {strides = array<i32>} : memref<5120xf32, #tpu.memory_space<vmem>>, vector<16xf32>,
      %min3A_1207 = arith.minimumf %get3A_1206, %gather3A_651 : vector<16xf32>
      %sub3A_1208 = arith.subf %min3A_1201, %max3A_1198 : vector<16xf32>
      %max3A_1209 = arith.constant 0.000000e+00 : f32
      %max3A_1210 = vector.broadcast %max3A_1209 : f32 to vector<16xf32>
      %max3A_1211 = arith.maximumf %sub3A_1208, %max3A_1210 : vector<16xf32>
      %sub3A_1212 = arith.subf %min3A_1207, %max3A_1204 : vector<16xf32>
      %max3A_1213 = arith.constant 0.000000e+00 : f32
      %max3A_1214 = vector.broadcast %max3A_1213 : f32 to vector<16xf32>
      %max3A_1215 = arith.maximumf %sub3A_1212, %max3A_1214 : vector<16xf32>
      %mul3A_1216 = arith.mulf %max3A_1211, %max3A_1215 : vector<16xf32>
      %get3A_1217 = arith.index_cast %add3A_1195 : i32 to index
      %get3A_1218 = tpu.vector_load %arg13[%get3A_1217] {strides = array<i32>} : memref<5120xf32, #tpu.memory_space<vmem>>, vector<16xf32>,
      %add3A_1219 = arith.addf %get3A_1218, %gather3A_661 : vector<16xf32>
      %sub3A_1220 = arith.subf %add3A_1219, %mul3A_1216 : vector<16xf32>
      %mul3A_1221 = arith.constant 0x4C000000 : f32
      %mul3A_1222 = vector.broadcast %mul3A_1221 : f32 to vector<16xf32>
      %mul3A_1223 = arith.mulf %mul3A_1222, %mul3A_1216 : vector<16xf32>
      %mul3A_1224 = arith.constant 0x4B800000 : f32
      %mul3A_1225 = vector.broadcast %mul3A_1224 : f32 to vector<16xf32>
      %mul3A_1226 = arith.mulf %mul3A_1225, %sub3A_1220 : vector<16xf32>
      %sub3A_1227 = arith.subf %mul3A_1223, %mul3A_1226 : vector<16xf32>
      %gt3A_1228 = arith.cmpf ogt, %sub3A_1227, %sub3A_1220 : vector<16xf32>
      %and3A_1229 = arith.andi %gt3A_1228, %gt3A_611 : vector<16xi1>
      %select_n3A_1230 = arith.select %and3A_1229, %broadcast_in_dim3A_51, %scan3A_400 : vector<16xi1>, vector<16xf32>
      %broadcast_in_dim3A_1231 = arith.constant 192 : i32
      %broadcast_in_dim3A_1232 = vector.broadcast %broadcast_in_dim3A_1231 : i32 to vector<16xi32>
      %add3A_1233 = arith.addi %iota3A, %broadcast_in_dim3A_1232 : vector<16xi32>
      %add3A_1234 = arith.addi %add3A_1233, %broadcast_in_dim3A_58 : vector<16xi32>
      %gt3A_1235 = arith.cmpf ogt, %select_n3A_1230, %select_n3A_1192 : vector<16xf32>
      %select_n3A_1236 = arith.select %gt3A_1235, %select_n3A_1230, %select_n3A_1192 : vector<16xi1>, vector<16xf32>
      %select_n3A_1237 = arith.select %gt3A_1235, %add3A_1234, %select_n3A_1193 : vector<16xi1>, vector<16xi32>
      %add3A_1238 = arith.constant 208 : i32
      %add3A_1239 = arith.addi %mul3A_0, %add3A_1238 : i32
      %get3A_1240 = arith.index_cast %add3A_1239 : i32 to index
      %get3A_1241 = tpu.vector_load %arg9[%get3A_1240] {strides = array<i32>} : memref<5120xf32, #tpu.memory_space<vmem>>, vector<16xf32>,
      %max3A_1242 = arith.maximumf %get3A_1241, %gather3A_621 : vector<16xf32>
      %get3A_1243 = arith.index_cast %add3A_1239 : i32 to index
      %get3A_1244 = tpu.vector_load %arg10[%get3A_1243] {strides = array<i32>} : memref<5120xf32, #tpu.memory_space<vmem>>, vector<16xf32>,
      %min3A_1245 = arith.minimumf %get3A_1244, %gather3A_631 : vector<16xf32>
      %get3A_1246 = arith.index_cast %add3A_1239 : i32 to index
      %get3A_1247 = tpu.vector_load %arg11[%get3A_1246] {strides = array<i32>} : memref<5120xf32, #tpu.memory_space<vmem>>, vector<16xf32>,
      %max3A_1248 = arith.maximumf %get3A_1247, %gather3A_641 : vector<16xf32>
      %get3A_1249 = arith.index_cast %add3A_1239 : i32 to index
      %get3A_1250 = tpu.vector_load %arg12[%get3A_1249] {strides = array<i32>} : memref<5120xf32, #tpu.memory_space<vmem>>, vector<16xf32>,
      %min3A_1251 = arith.minimumf %get3A_1250, %gather3A_651 : vector<16xf32>
      %sub3A_1252 = arith.subf %min3A_1245, %max3A_1242 : vector<16xf32>
      %max3A_1253 = arith.constant 0.000000e+00 : f32
      %max3A_1254 = vector.broadcast %max3A_1253 : f32 to vector<16xf32>
      %max3A_1255 = arith.maximumf %sub3A_1252, %max3A_1254 : vector<16xf32>
      %sub3A_1256 = arith.subf %min3A_1251, %max3A_1248 : vector<16xf32>
      %max3A_1257 = arith.constant 0.000000e+00 : f32
      %max3A_1258 = vector.broadcast %max3A_1257 : f32 to vector<16xf32>
      %max3A_1259 = arith.maximumf %sub3A_1256, %max3A_1258 : vector<16xf32>
      %mul3A_1260 = arith.mulf %max3A_1255, %max3A_1259 : vector<16xf32>
      %get3A_1261 = arith.index_cast %add3A_1239 : i32 to index
      %get3A_1262 = tpu.vector_load %arg13[%get3A_1261] {strides = array<i32>} : memref<5120xf32, #tpu.memory_space<vmem>>, vector<16xf32>,
      %add3A_1263 = arith.addf %get3A_1262, %gather3A_661 : vector<16xf32>
      %sub3A_1264 = arith.subf %add3A_1263, %mul3A_1260 : vector<16xf32>
      %mul3A_1265 = arith.constant 0x4C000000 : f32
      %mul3A_1266 = vector.broadcast %mul3A_1265 : f32 to vector<16xf32>
      %mul3A_1267 = arith.mulf %mul3A_1266, %mul3A_1260 : vector<16xf32>
      %mul3A_1268 = arith.constant 0x4B800000 : f32
      %mul3A_1269 = vector.broadcast %mul3A_1268 : f32 to vector<16xf32>
      %mul3A_1270 = arith.mulf %mul3A_1269, %sub3A_1264 : vector<16xf32>
      %sub3A_1271 = arith.subf %mul3A_1267, %mul3A_1270 : vector<16xf32>
      %gt3A_1272 = arith.cmpf ogt, %sub3A_1271, %sub3A_1264 : vector<16xf32>
      %and3A_1273 = arith.andi %gt3A_1272, %gt3A_611 : vector<16xi1>
      %select_n3A_1274 = arith.select %and3A_1273, %broadcast_in_dim3A_51, %scan3A_401 : vector<16xi1>, vector<16xf32>
      %broadcast_in_dim3A_1275 = arith.constant 208 : i32
      %broadcast_in_dim3A_1276 = vector.broadcast %broadcast_in_dim3A_1275 : i32 to vector<16xi32>
      %add3A_1277 = arith.addi %iota3A, %broadcast_in_dim3A_1276 : vector<16xi32>
      %add3A_1278 = arith.addi %add3A_1277, %broadcast_in_dim3A_58 : vector<16xi32>
      %gt3A_1279 = arith.cmpf ogt, %select_n3A_1274, %select_n3A_1236 : vector<16xf32>
      %select_n3A_1280 = arith.select %gt3A_1279, %select_n3A_1274, %select_n3A_1236 : vector<16xi1>, vector<16xf32>
      %select_n3A_1281 = arith.select %gt3A_1279, %add3A_1278, %select_n3A_1237 : vector<16xi1>, vector<16xi32>
      %add3A_1282 = arith.constant 224 : i32
      %add3A_1283 = arith.addi %mul3A_0, %add3A_1282 : i32
      %get3A_1284 = arith.index_cast %add3A_1283 : i32 to index
      %get3A_1285 = tpu.vector_load %arg9[%get3A_1284] {strides = array<i32>} : memref<5120xf32, #tpu.memory_space<vmem>>, vector<16xf32>,
      %max3A_1286 = arith.maximumf %get3A_1285, %gather3A_621 : vector<16xf32>
      %get3A_1287 = arith.index_cast %add3A_1283 : i32 to index
      %get3A_1288 = tpu.vector_load %arg10[%get3A_1287] {strides = array<i32>} : memref<5120xf32, #tpu.memory_space<vmem>>, vector<16xf32>,
      %min3A_1289 = arith.minimumf %get3A_1288, %gather3A_631 : vector<16xf32>
      %get3A_1290 = arith.index_cast %add3A_1283 : i32 to index
      %get3A_1291 = tpu.vector_load %arg11[%get3A_1290] {strides = array<i32>} : memref<5120xf32, #tpu.memory_space<vmem>>, vector<16xf32>,
      %max3A_1292 = arith.maximumf %get3A_1291, %gather3A_641 : vector<16xf32>
      %get3A_1293 = arith.index_cast %add3A_1283 : i32 to index
      %get3A_1294 = tpu.vector_load %arg12[%get3A_1293] {strides = array<i32>} : memref<5120xf32, #tpu.memory_space<vmem>>, vector<16xf32>,
      %min3A_1295 = arith.minimumf %get3A_1294, %gather3A_651 : vector<16xf32>
      %sub3A_1296 = arith.subf %min3A_1289, %max3A_1286 : vector<16xf32>
      %max3A_1297 = arith.constant 0.000000e+00 : f32
      %max3A_1298 = vector.broadcast %max3A_1297 : f32 to vector<16xf32>
      %max3A_1299 = arith.maximumf %sub3A_1296, %max3A_1298 : vector<16xf32>
      %sub3A_1300 = arith.subf %min3A_1295, %max3A_1292 : vector<16xf32>
      %max3A_1301 = arith.constant 0.000000e+00 : f32
      %max3A_1302 = vector.broadcast %max3A_1301 : f32 to vector<16xf32>
      %max3A_1303 = arith.maximumf %sub3A_1300, %max3A_1302 : vector<16xf32>
      %mul3A_1304 = arith.mulf %max3A_1299, %max3A_1303 : vector<16xf32>
      %get3A_1305 = arith.index_cast %add3A_1283 : i32 to index
      %get3A_1306 = tpu.vector_load %arg13[%get3A_1305] {strides = array<i32>} : memref<5120xf32, #tpu.memory_space<vmem>>, vector<16xf32>,
      %add3A_1307 = arith.addf %get3A_1306, %gather3A_661 : vector<16xf32>
      %sub3A_1308 = arith.subf %add3A_1307, %mul3A_1304 : vector<16xf32>
      %mul3A_1309 = arith.constant 0x4C000000 : f32
      %mul3A_1310 = vector.broadcast %mul3A_1309 : f32 to vector<16xf32>
      %mul3A_1311 = arith.mulf %mul3A_1310, %mul3A_1304 : vector<16xf32>
      %mul3A_1312 = arith.constant 0x4B800000 : f32
      %mul3A_1313 = vector.broadcast %mul3A_1312 : f32 to vector<16xf32>
      %mul3A_1314 = arith.mulf %mul3A_1313, %sub3A_1308 : vector<16xf32>
      %sub3A_1315 = arith.subf %mul3A_1311, %mul3A_1314 : vector<16xf32>
      %gt3A_1316 = arith.cmpf ogt, %sub3A_1315, %sub3A_1308 : vector<16xf32>
      %and3A_1317 = arith.andi %gt3A_1316, %gt3A_611 : vector<16xi1>
      %select_n3A_1318 = arith.select %and3A_1317, %broadcast_in_dim3A_51, %scan3A_402 : vector<16xi1>, vector<16xf32>
      %broadcast_in_dim3A_1319 = arith.constant 224 : i32
      %broadcast_in_dim3A_1320 = vector.broadcast %broadcast_in_dim3A_1319 : i32 to vector<16xi32>
      %add3A_1321 = arith.addi %iota3A, %broadcast_in_dim3A_1320 : vector<16xi32>
      %add3A_1322 = arith.addi %add3A_1321, %broadcast_in_dim3A_58 : vector<16xi32>
      %gt3A_1323 = arith.cmpf ogt, %select_n3A_1318, %select_n3A_1280 : vector<16xf32>
      %select_n3A_1324 = arith.select %gt3A_1323, %select_n3A_1318, %select_n3A_1280 : vector<16xi1>, vector<16xf32>
      %select_n3A_1325 = arith.select %gt3A_1323, %add3A_1322, %select_n3A_1281 : vector<16xi1>, vector<16xi32>
      %add3A_1326 = arith.constant 240 : i32
      %add3A_1327 = arith.addi %mul3A_0, %add3A_1326 : i32
      %get3A_1328 = arith.index_cast %add3A_1327 : i32 to index
      %get3A_1329 = tpu.vector_load %arg9[%get3A_1328] {strides = array<i32>} : memref<5120xf32, #tpu.memory_space<vmem>>, vector<16xf32>,
      %max3A_1330 = arith.maximumf %get3A_1329, %gather3A_621 : vector<16xf32>
      %get3A_1331 = arith.index_cast %add3A_1327 : i32 to index
      %get3A_1332 = tpu.vector_load %arg10[%get3A_1331] {strides = array<i32>} : memref<5120xf32, #tpu.memory_space<vmem>>, vector<16xf32>,
      %min3A_1333 = arith.minimumf %get3A_1332, %gather3A_631 : vector<16xf32>
      %get3A_1334 = arith.index_cast %add3A_1327 : i32 to index
      %get3A_1335 = tpu.vector_load %arg11[%get3A_1334] {strides = array<i32>} : memref<5120xf32, #tpu.memory_space<vmem>>, vector<16xf32>,
      %max3A_1336 = arith.maximumf %get3A_1335, %gather3A_641 : vector<16xf32>
      %get3A_1337 = arith.index_cast %add3A_1327 : i32 to index
      %get3A_1338 = tpu.vector_load %arg12[%get3A_1337] {strides = array<i32>} : memref<5120xf32, #tpu.memory_space<vmem>>, vector<16xf32>,
      %min3A_1339 = arith.minimumf %get3A_1338, %gather3A_651 : vector<16xf32>
      %sub3A_1340 = arith.subf %min3A_1333, %max3A_1330 : vector<16xf32>
      %max3A_1341 = arith.constant 0.000000e+00 : f32
      %max3A_1342 = vector.broadcast %max3A_1341 : f32 to vector<16xf32>
      %max3A_1343 = arith.maximumf %sub3A_1340, %max3A_1342 : vector<16xf32>
      %sub3A_1344 = arith.subf %min3A_1339, %max3A_1336 : vector<16xf32>
      %max3A_1345 = arith.constant 0.000000e+00 : f32
      %max3A_1346 = vector.broadcast %max3A_1345 : f32 to vector<16xf32>
      %max3A_1347 = arith.maximumf %sub3A_1344, %max3A_1346 : vector<16xf32>
      %mul3A_1348 = arith.mulf %max3A_1343, %max3A_1347 : vector<16xf32>
      %get3A_1349 = arith.index_cast %add3A_1327 : i32 to index
      %get3A_1350 = tpu.vector_load %arg13[%get3A_1349] {strides = array<i32>} : memref<5120xf32, #tpu.memory_space<vmem>>, vector<16xf32>,
      %add3A_1351 = arith.addf %get3A_1350, %gather3A_661 : vector<16xf32>
      %sub3A_1352 = arith.subf %add3A_1351, %mul3A_1348 : vector<16xf32>
      %mul3A_1353 = arith.constant 0x4C000000 : f32
      %mul3A_1354 = vector.broadcast %mul3A_1353 : f32 to vector<16xf32>
      %mul3A_1355 = arith.mulf %mul3A_1354, %mul3A_1348 : vector<16xf32>
      %mul3A_1356 = arith.constant 0x4B800000 : f32
      %mul3A_1357 = vector.broadcast %mul3A_1356 : f32 to vector<16xf32>
      %mul3A_1358 = arith.mulf %mul3A_1357, %sub3A_1352 : vector<16xf32>
      %sub3A_1359 = arith.subf %mul3A_1355, %mul3A_1358 : vector<16xf32>
      %gt3A_1360 = arith.cmpf ogt, %sub3A_1359, %sub3A_1352 : vector<16xf32>
      %and3A_1361 = arith.andi %gt3A_1360, %gt3A_611 : vector<16xi1>
      %select_n3A_1362 = arith.select %and3A_1361, %broadcast_in_dim3A_51, %scan3A_403 : vector<16xi1>, vector<16xf32>
      %broadcast_in_dim3A_1363 = arith.constant 240 : i32
      %broadcast_in_dim3A_1364 = vector.broadcast %broadcast_in_dim3A_1363 : i32 to vector<16xi32>
      %add3A_1365 = arith.addi %iota3A, %broadcast_in_dim3A_1364 : vector<16xi32>
      %add3A_1366 = arith.addi %add3A_1365, %broadcast_in_dim3A_58 : vector<16xi32>
      %gt3A_1367 = arith.cmpf ogt, %select_n3A_1362, %select_n3A_1324 : vector<16xf32>
      %select_n3A_1368 = arith.select %gt3A_1367, %select_n3A_1362, %select_n3A_1324 : vector<16xi1>, vector<16xf32>
      %select_n3A_1369 = arith.select %gt3A_1367, %add3A_1366, %select_n3A_1325 : vector<16xi1>, vector<16xi32>
      %add3A_1370 = arith.constant 256 : i32
      %add3A_1371 = arith.addi %mul3A_0, %add3A_1370 : i32
      %get3A_1372 = arith.index_cast %add3A_1371 : i32 to index
      %get3A_1373 = tpu.vector_load %arg9[%get3A_1372] {strides = array<i32>} : memref<5120xf32, #tpu.memory_space<vmem>>, vector<16xf32>,
      %max3A_1374 = arith.maximumf %get3A_1373, %gather3A_621 : vector<16xf32>
      %get3A_1375 = arith.index_cast %add3A_1371 : i32 to index
      %get3A_1376 = tpu.vector_load %arg10[%get3A_1375] {strides = array<i32>} : memref<5120xf32, #tpu.memory_space<vmem>>, vector<16xf32>,
      %min3A_1377 = arith.minimumf %get3A_1376, %gather3A_631 : vector<16xf32>
      %get3A_1378 = arith.index_cast %add3A_1371 : i32 to index
      %get3A_1379 = tpu.vector_load %arg11[%get3A_1378] {strides = array<i32>} : memref<5120xf32, #tpu.memory_space<vmem>>, vector<16xf32>,
      %max3A_1380 = arith.maximumf %get3A_1379, %gather3A_641 : vector<16xf32>
      %get3A_1381 = arith.index_cast %add3A_1371 : i32 to index
      %get3A_1382 = tpu.vector_load %arg12[%get3A_1381] {strides = array<i32>} : memref<5120xf32, #tpu.memory_space<vmem>>, vector<16xf32>,
      %min3A_1383 = arith.minimumf %get3A_1382, %gather3A_651 : vector<16xf32>
      %sub3A_1384 = arith.subf %min3A_1377, %max3A_1374 : vector<16xf32>
      %max3A_1385 = arith.constant 0.000000e+00 : f32
      %max3A_1386 = vector.broadcast %max3A_1385 : f32 to vector<16xf32>
      %max3A_1387 = arith.maximumf %sub3A_1384, %max3A_1386 : vector<16xf32>
      %sub3A_1388 = arith.subf %min3A_1383, %max3A_1380 : vector<16xf32>
      %max3A_1389 = arith.constant 0.000000e+00 : f32
      %max3A_1390 = vector.broadcast %max3A_1389 : f32 to vector<16xf32>
      %max3A_1391 = arith.maximumf %sub3A_1388, %max3A_1390 : vector<16xf32>
      %mul3A_1392 = arith.mulf %max3A_1387, %max3A_1391 : vector<16xf32>
      %get3A_1393 = arith.index_cast %add3A_1371 : i32 to index
      %get3A_1394 = tpu.vector_load %arg13[%get3A_1393] {strides = array<i32>} : memref<5120xf32, #tpu.memory_space<vmem>>, vector<16xf32>,
      %add3A_1395 = arith.addf %get3A_1394, %gather3A_661 : vector<16xf32>
      %sub3A_1396 = arith.subf %add3A_1395, %mul3A_1392 : vector<16xf32>
      %mul3A_1397 = arith.constant 0x4C000000 : f32
      %mul3A_1398 = vector.broadcast %mul3A_1397 : f32 to vector<16xf32>
      %mul3A_1399 = arith.mulf %mul3A_1398, %mul3A_1392 : vector<16xf32>
      %mul3A_1400 = arith.constant 0x4B800000 : f32
      %mul3A_1401 = vector.broadcast %mul3A_1400 : f32 to vector<16xf32>
      %mul3A_1402 = arith.mulf %mul3A_1401, %sub3A_1396 : vector<16xf32>
      %sub3A_1403 = arith.subf %mul3A_1399, %mul3A_1402 : vector<16xf32>
      %gt3A_1404 = arith.cmpf ogt, %sub3A_1403, %sub3A_1396 : vector<16xf32>
      %and3A_1405 = arith.andi %gt3A_1404, %gt3A_611 : vector<16xi1>
      %select_n3A_1406 = arith.select %and3A_1405, %broadcast_in_dim3A_51, %scan3A_404 : vector<16xi1>, vector<16xf32>
      %broadcast_in_dim3A_1407 = arith.constant 256 : i32
      %broadcast_in_dim3A_1408 = vector.broadcast %broadcast_in_dim3A_1407 : i32 to vector<16xi32>
      %add3A_1409 = arith.addi %iota3A, %broadcast_in_dim3A_1408 : vector<16xi32>
      %add3A_1410 = arith.addi %add3A_1409, %broadcast_in_dim3A_58 : vector<16xi32>
      %gt3A_1411 = arith.cmpf ogt, %select_n3A_1406, %select_n3A_1368 : vector<16xf32>
      %select_n3A_1412 = arith.select %gt3A_1411, %select_n3A_1406, %select_n3A_1368 : vector<16xi1>, vector<16xf32>
      %select_n3A_1413 = arith.select %gt3A_1411, %add3A_1410, %select_n3A_1369 : vector<16xi1>, vector<16xi32>
      %add3A_1414 = arith.constant 272 : i32
      %add3A_1415 = arith.addi %mul3A_0, %add3A_1414 : i32
      %get3A_1416 = arith.index_cast %add3A_1415 : i32 to index
      %get3A_1417 = tpu.vector_load %arg9[%get3A_1416] {strides = array<i32>} : memref<5120xf32, #tpu.memory_space<vmem>>, vector<16xf32>,
      %max3A_1418 = arith.maximumf %get3A_1417, %gather3A_621 : vector<16xf32>
      %get3A_1419 = arith.index_cast %add3A_1415 : i32 to index
      %get3A_1420 = tpu.vector_load %arg10[%get3A_1419] {strides = array<i32>} : memref<5120xf32, #tpu.memory_space<vmem>>, vector<16xf32>,
      %min3A_1421 = arith.minimumf %get3A_1420, %gather3A_631 : vector<16xf32>
      %get3A_1422 = arith.index_cast %add3A_1415 : i32 to index
      %get3A_1423 = tpu.vector_load %arg11[%get3A_1422] {strides = array<i32>} : memref<5120xf32, #tpu.memory_space<vmem>>, vector<16xf32>,
      %max3A_1424 = arith.maximumf %get3A_1423, %gather3A_641 : vector<16xf32>
      %get3A_1425 = arith.index_cast %add3A_1415 : i32 to index
      %get3A_1426 = tpu.vector_load %arg12[%get3A_1425] {strides = array<i32>} : memref<5120xf32, #tpu.memory_space<vmem>>, vector<16xf32>,
      %min3A_1427 = arith.minimumf %get3A_1426, %gather3A_651 : vector<16xf32>
      %sub3A_1428 = arith.subf %min3A_1421, %max3A_1418 : vector<16xf32>
      %max3A_1429 = arith.constant 0.000000e+00 : f32
      %max3A_1430 = vector.broadcast %max3A_1429 : f32 to vector<16xf32>
      %max3A_1431 = arith.maximumf %sub3A_1428, %max3A_1430 : vector<16xf32>
      %sub3A_1432 = arith.subf %min3A_1427, %max3A_1424 : vector<16xf32>
      %max3A_1433 = arith.constant 0.000000e+00 : f32
      %max3A_1434 = vector.broadcast %max3A_1433 : f32 to vector<16xf32>
      %max3A_1435 = arith.maximumf %sub3A_1432, %max3A_1434 : vector<16xf32>
      %mul3A_1436 = arith.mulf %max3A_1431, %max3A_1435 : vector<16xf32>
      %get3A_1437 = arith.index_cast %add3A_1415 : i32 to index
      %get3A_1438 = tpu.vector_load %arg13[%get3A_1437] {strides = array<i32>} : memref<5120xf32, #tpu.memory_space<vmem>>, vector<16xf32>,
      %add3A_1439 = arith.addf %get3A_1438, %gather3A_661 : vector<16xf32>
      %sub3A_1440 = arith.subf %add3A_1439, %mul3A_1436 : vector<16xf32>
      %mul3A_1441 = arith.constant 0x4C000000 : f32
      %mul3A_1442 = vector.broadcast %mul3A_1441 : f32 to vector<16xf32>
      %mul3A_1443 = arith.mulf %mul3A_1442, %mul3A_1436 : vector<16xf32>
      %mul3A_1444 = arith.constant 0x4B800000 : f32
      %mul3A_1445 = vector.broadcast %mul3A_1444 : f32 to vector<16xf32>
      %mul3A_1446 = arith.mulf %mul3A_1445, %sub3A_1440 : vector<16xf32>
      %sub3A_1447 = arith.subf %mul3A_1443, %mul3A_1446 : vector<16xf32>
      %gt3A_1448 = arith.cmpf ogt, %sub3A_1447, %sub3A_1440 : vector<16xf32>
      %and3A_1449 = arith.andi %gt3A_1448, %gt3A_611 : vector<16xi1>
      %select_n3A_1450 = arith.select %and3A_1449, %broadcast_in_dim3A_51, %scan3A_405 : vector<16xi1>, vector<16xf32>
      %broadcast_in_dim3A_1451 = arith.constant 272 : i32
      %broadcast_in_dim3A_1452 = vector.broadcast %broadcast_in_dim3A_1451 : i32 to vector<16xi32>
      %add3A_1453 = arith.addi %iota3A, %broadcast_in_dim3A_1452 : vector<16xi32>
      %add3A_1454 = arith.addi %add3A_1453, %broadcast_in_dim3A_58 : vector<16xi32>
      %gt3A_1455 = arith.cmpf ogt, %select_n3A_1450, %select_n3A_1412 : vector<16xf32>
      %select_n3A_1456 = arith.select %gt3A_1455, %select_n3A_1450, %select_n3A_1412 : vector<16xi1>, vector<16xf32>
      %select_n3A_1457 = arith.select %gt3A_1455, %add3A_1454, %select_n3A_1413 : vector<16xi1>, vector<16xi32>
      %add3A_1458 = arith.constant 288 : i32
      %add3A_1459 = arith.addi %mul3A_0, %add3A_1458 : i32
      %get3A_1460 = arith.index_cast %add3A_1459 : i32 to index
      %get3A_1461 = tpu.vector_load %arg9[%get3A_1460] {strides = array<i32>} : memref<5120xf32, #tpu.memory_space<vmem>>, vector<16xf32>,
      %max3A_1462 = arith.maximumf %get3A_1461, %gather3A_621 : vector<16xf32>
      %get3A_1463 = arith.index_cast %add3A_1459 : i32 to index
      %get3A_1464 = tpu.vector_load %arg10[%get3A_1463] {strides = array<i32>} : memref<5120xf32, #tpu.memory_space<vmem>>, vector<16xf32>,
      %min3A_1465 = arith.minimumf %get3A_1464, %gather3A_631 : vector<16xf32>
      %get3A_1466 = arith.index_cast %add3A_1459 : i32 to index
      %get3A_1467 = tpu.vector_load %arg11[%get3A_1466] {strides = array<i32>} : memref<5120xf32, #tpu.memory_space<vmem>>, vector<16xf32>,
      %max3A_1468 = arith.maximumf %get3A_1467, %gather3A_641 : vector<16xf32>
      %get3A_1469 = arith.index_cast %add3A_1459 : i32 to index
      %get3A_1470 = tpu.vector_load %arg12[%get3A_1469] {strides = array<i32>} : memref<5120xf32, #tpu.memory_space<vmem>>, vector<16xf32>,
      %min3A_1471 = arith.minimumf %get3A_1470, %gather3A_651 : vector<16xf32>
      %sub3A_1472 = arith.subf %min3A_1465, %max3A_1462 : vector<16xf32>
      %max3A_1473 = arith.constant 0.000000e+00 : f32
      %max3A_1474 = vector.broadcast %max3A_1473 : f32 to vector<16xf32>
      %max3A_1475 = arith.maximumf %sub3A_1472, %max3A_1474 : vector<16xf32>
      %sub3A_1476 = arith.subf %min3A_1471, %max3A_1468 : vector<16xf32>
      %max3A_1477 = arith.constant 0.000000e+00 : f32
      %max3A_1478 = vector.broadcast %max3A_1477 : f32 to vector<16xf32>
      %max3A_1479 = arith.maximumf %sub3A_1476, %max3A_1478 : vector<16xf32>
      %mul3A_1480 = arith.mulf %max3A_1475, %max3A_1479 : vector<16xf32>
      %get3A_1481 = arith.index_cast %add3A_1459 : i32 to index
      %get3A_1482 = tpu.vector_load %arg13[%get3A_1481] {strides = array<i32>} : memref<5120xf32, #tpu.memory_space<vmem>>, vector<16xf32>,
      %add3A_1483 = arith.addf %get3A_1482, %gather3A_661 : vector<16xf32>
      %sub3A_1484 = arith.subf %add3A_1483, %mul3A_1480 : vector<16xf32>
      %mul3A_1485 = arith.constant 0x4C000000 : f32
      %mul3A_1486 = vector.broadcast %mul3A_1485 : f32 to vector<16xf32>
      %mul3A_1487 = arith.mulf %mul3A_1486, %mul3A_1480 : vector<16xf32>
      %mul3A_1488 = arith.constant 0x4B800000 : f32
      %mul3A_1489 = vector.broadcast %mul3A_1488 : f32 to vector<16xf32>
      %mul3A_1490 = arith.mulf %mul3A_1489, %sub3A_1484 : vector<16xf32>
      %sub3A_1491 = arith.subf %mul3A_1487, %mul3A_1490 : vector<16xf32>
      %gt3A_1492 = arith.cmpf ogt, %sub3A_1491, %sub3A_1484 : vector<16xf32>
      %and3A_1493 = arith.andi %gt3A_1492, %gt3A_611 : vector<16xi1>
      %select_n3A_1494 = arith.select %and3A_1493, %broadcast_in_dim3A_51, %scan3A_406 : vector<16xi1>, vector<16xf32>
      %broadcast_in_dim3A_1495 = arith.constant 288 : i32
      %broadcast_in_dim3A_1496 = vector.broadcast %broadcast_in_dim3A_1495 : i32 to vector<16xi32>
      %add3A_1497 = arith.addi %iota3A, %broadcast_in_dim3A_1496 : vector<16xi32>
      %add3A_1498 = arith.addi %add3A_1497, %broadcast_in_dim3A_58 : vector<16xi32>
      %gt3A_1499 = arith.cmpf ogt, %select_n3A_1494, %select_n3A_1456 : vector<16xf32>
      %select_n3A_1500 = arith.select %gt3A_1499, %select_n3A_1494, %select_n3A_1456 : vector<16xi1>, vector<16xf32>
      %select_n3A_1501 = arith.select %gt3A_1499, %add3A_1498, %select_n3A_1457 : vector<16xi1>, vector<16xi32>
      %add3A_1502 = arith.constant 304 : i32
      %add3A_1503 = arith.addi %mul3A_0, %add3A_1502 : i32
      %get3A_1504 = arith.index_cast %add3A_1503 : i32 to index
      %get3A_1505 = tpu.vector_load %arg9[%get3A_1504] {strides = array<i32>} : memref<5120xf32, #tpu.memory_space<vmem>>, vector<16xf32>,
      %max3A_1506 = arith.maximumf %get3A_1505, %gather3A_621 : vector<16xf32>
      %get3A_1507 = arith.index_cast %add3A_1503 : i32 to index
      %get3A_1508 = tpu.vector_load %arg10[%get3A_1507] {strides = array<i32>} : memref<5120xf32, #tpu.memory_space<vmem>>, vector<16xf32>,
      %min3A_1509 = arith.minimumf %get3A_1508, %gather3A_631 : vector<16xf32>
      %get3A_1510 = arith.index_cast %add3A_1503 : i32 to index
      %get3A_1511 = tpu.vector_load %arg11[%get3A_1510] {strides = array<i32>} : memref<5120xf32, #tpu.memory_space<vmem>>, vector<16xf32>,
      %max3A_1512 = arith.maximumf %get3A_1511, %gather3A_641 : vector<16xf32>
      %get3A_1513 = arith.index_cast %add3A_1503 : i32 to index
      %get3A_1514 = tpu.vector_load %arg12[%get3A_1513] {strides = array<i32>} : memref<5120xf32, #tpu.memory_space<vmem>>, vector<16xf32>,
      %min3A_1515 = arith.minimumf %get3A_1514, %gather3A_651 : vector<16xf32>
      %sub3A_1516 = arith.subf %min3A_1509, %max3A_1506 : vector<16xf32>
      %max3A_1517 = arith.constant 0.000000e+00 : f32
      %max3A_1518 = vector.broadcast %max3A_1517 : f32 to vector<16xf32>
      %max3A_1519 = arith.maximumf %sub3A_1516, %max3A_1518 : vector<16xf32>
      %sub3A_1520 = arith.subf %min3A_1515, %max3A_1512 : vector<16xf32>
      %max3A_1521 = arith.constant 0.000000e+00 : f32
      %max3A_1522 = vector.broadcast %max3A_1521 : f32 to vector<16xf32>
      %max3A_1523 = arith.maximumf %sub3A_1520, %max3A_1522 : vector<16xf32>
      %mul3A_1524 = arith.mulf %max3A_1519, %max3A_1523 : vector<16xf32>
      %get3A_1525 = arith.index_cast %add3A_1503 : i32 to index
      %get3A_1526 = tpu.vector_load %arg13[%get3A_1525] {strides = array<i32>} : memref<5120xf32, #tpu.memory_space<vmem>>, vector<16xf32>,
      %add3A_1527 = arith.addf %get3A_1526, %gather3A_661 : vector<16xf32>
      %sub3A_1528 = arith.subf %add3A_1527, %mul3A_1524 : vector<16xf32>
      %mul3A_1529 = arith.constant 0x4C000000 : f32
      %mul3A_1530 = vector.broadcast %mul3A_1529 : f32 to vector<16xf32>
      %mul3A_1531 = arith.mulf %mul3A_1530, %mul3A_1524 : vector<16xf32>
      %mul3A_1532 = arith.constant 0x4B800000 : f32
      %mul3A_1533 = vector.broadcast %mul3A_1532 : f32 to vector<16xf32>
      %mul3A_1534 = arith.mulf %mul3A_1533, %sub3A_1528 : vector<16xf32>
      %sub3A_1535 = arith.subf %mul3A_1531, %mul3A_1534 : vector<16xf32>
      %gt3A_1536 = arith.cmpf ogt, %sub3A_1535, %sub3A_1528 : vector<16xf32>
      %and3A_1537 = arith.andi %gt3A_1536, %gt3A_611 : vector<16xi1>
      %select_n3A_1538 = arith.select %and3A_1537, %broadcast_in_dim3A_51, %scan3A_407 : vector<16xi1>, vector<16xf32>
      %broadcast_in_dim3A_1539 = arith.constant 304 : i32
      %broadcast_in_dim3A_1540 = vector.broadcast %broadcast_in_dim3A_1539 : i32 to vector<16xi32>
      %add3A_1541 = arith.addi %iota3A, %broadcast_in_dim3A_1540 : vector<16xi32>
      %add3A_1542 = arith.addi %add3A_1541, %broadcast_in_dim3A_58 : vector<16xi32>
      %gt3A_1543 = arith.cmpf ogt, %select_n3A_1538, %select_n3A_1500 : vector<16xf32>
      %select_n3A_1544 = arith.select %gt3A_1543, %select_n3A_1538, %select_n3A_1500 : vector<16xi1>, vector<16xf32>
      %select_n3A_1545 = arith.select %gt3A_1543, %add3A_1542, %select_n3A_1501 : vector<16xi1>, vector<16xi32>
      %xor3A_1546 = arith.constant 8 : i32
      %xor3A_1547 = vector.broadcast %xor3A_1546 : i32 to vector<16xi32>
      %xor3A_1548 = arith.xori %iota3A, %xor3A_1547 : vector<16xi32>
      %lt3A_1549 = arith.constant 0 : i32
      %lt3A_1550 = vector.broadcast %lt3A_1549 : i32 to vector<16xi32>
      %lt3A_1551 = arith.cmpi slt, %xor3A_1548, %lt3A_1550 : vector<16xi32>
      %add3A_1552 = arith.constant 16 : i32
      %add3A_1553 = vector.broadcast %add3A_1552 : i32 to vector<16xi32>
      %add3A_1554 = arith.addi %xor3A_1548, %add3A_1553 : vector<16xi32>
      %select_n3A_1555 = arith.select %lt3A_1551, %add3A_1554, %xor3A_1548 : vector<16xi1>, vector<16xi32>
      %broadcast_in_dim3A_1556 = vector.shape_cast %select_n3A_1555 : vector<16xi32> to vector<16x1xi32>
      %gather3A_1557 = vector.shape_cast %broadcast_in_dim3A_1556 : vector<16x1xi32> to vector<16xi32>
      %gather3A_1558 = tpu.dynamic_gather %select_n3A_1544[%gather3A_1557] in [0] : vector<16xf32>, vector<16xi32> -> vector<16xf32>
      %max3A_1559 = arith.maximumf %select_n3A_1544, %gather3A_1558 : vector<16xf32>
      %xor3A_1560 = arith.constant 4 : i32
      %xor3A_1561 = vector.broadcast %xor3A_1560 : i32 to vector<16xi32>
      %xor3A_1562 = arith.xori %iota3A, %xor3A_1561 : vector<16xi32>
      %lt3A_1563 = arith.constant 0 : i32
      %lt3A_1564 = vector.broadcast %lt3A_1563 : i32 to vector<16xi32>
      %lt3A_1565 = arith.cmpi slt, %xor3A_1562, %lt3A_1564 : vector<16xi32>
      %add3A_1566 = arith.constant 16 : i32
      %add3A_1567 = vector.broadcast %add3A_1566 : i32 to vector<16xi32>
      %add3A_1568 = arith.addi %xor3A_1562, %add3A_1567 : vector<16xi32>
      %select_n3A_1569 = arith.select %lt3A_1565, %add3A_1568, %xor3A_1562 : vector<16xi1>, vector<16xi32>
      %broadcast_in_dim3A_1570 = vector.shape_cast %select_n3A_1569 : vector<16xi32> to vector<16x1xi32>
      %gather3A_1571 = vector.shape_cast %broadcast_in_dim3A_1570 : vector<16x1xi32> to vector<16xi32>
      %gather3A_1572 = tpu.dynamic_gather %max3A_1559[%gather3A_1571] in [0] : vector<16xf32>, vector<16xi32> -> vector<16xf32>
      %max3A_1573 = arith.maximumf %max3A_1559, %gather3A_1572 : vector<16xf32>
      %xor3A_1574 = arith.constant 2 : i32
      %xor3A_1575 = vector.broadcast %xor3A_1574 : i32 to vector<16xi32>
      %xor3A_1576 = arith.xori %iota3A, %xor3A_1575 : vector<16xi32>
      %lt3A_1577 = arith.constant 0 : i32
      %lt3A_1578 = vector.broadcast %lt3A_1577 : i32 to vector<16xi32>
      %lt3A_1579 = arith.cmpi slt, %xor3A_1576, %lt3A_1578 : vector<16xi32>
      %add3A_1580 = arith.constant 16 : i32
      %add3A_1581 = vector.broadcast %add3A_1580 : i32 to vector<16xi32>
      %add3A_1582 = arith.addi %xor3A_1576, %add3A_1581 : vector<16xi32>
      %select_n3A_1583 = arith.select %lt3A_1579, %add3A_1582, %xor3A_1576 : vector<16xi1>, vector<16xi32>
      %broadcast_in_dim3A_1584 = vector.shape_cast %select_n3A_1583 : vector<16xi32> to vector<16x1xi32>
      %gather3A_1585 = vector.shape_cast %broadcast_in_dim3A_1584 : vector<16x1xi32> to vector<16xi32>
      %gather3A_1586 = tpu.dynamic_gather %max3A_1573[%gather3A_1585] in [0] : vector<16xf32>, vector<16xi32> -> vector<16xf32>
      %max3A_1587 = arith.maximumf %max3A_1573, %gather3A_1586 : vector<16xf32>
      %xor3A_1588 = arith.constant 1 : i32
      %xor3A_1589 = vector.broadcast %xor3A_1588 : i32 to vector<16xi32>
      %xor3A_1590 = arith.xori %iota3A, %xor3A_1589 : vector<16xi32>
      %lt3A_1591 = arith.constant 0 : i32
      %lt3A_1592 = vector.broadcast %lt3A_1591 : i32 to vector<16xi32>
      %lt3A_1593 = arith.cmpi slt, %xor3A_1590, %lt3A_1592 : vector<16xi32>
      %add3A_1594 = arith.constant 16 : i32
      %add3A_1595 = vector.broadcast %add3A_1594 : i32 to vector<16xi32>
      %add3A_1596 = arith.addi %xor3A_1590, %add3A_1595 : vector<16xi32>
      %select_n3A_1597 = arith.select %lt3A_1593, %add3A_1596, %xor3A_1590 : vector<16xi1>, vector<16xi32>
      %broadcast_in_dim3A_1598 = vector.shape_cast %select_n3A_1597 : vector<16xi32> to vector<16x1xi32>
      %gather3A_1599 = vector.shape_cast %broadcast_in_dim3A_1598 : vector<16x1xi32> to vector<16xi32>
      %gather3A_1600 = tpu.dynamic_gather %max3A_1587[%gather3A_1599] in [0] : vector<16xf32>, vector<16xi32> -> vector<16xf32>
      %max3A_1601 = arith.maximumf %max3A_1587, %gather3A_1600 : vector<16xf32>
      %eq3A_1602 = arith.cmpf oeq, %select_n3A_1544, %max3A_1601 : vector<16xf32>
      %select_n3A_1603 = arith.select %eq3A_1602, %select_n3A_1545, %broadcast_in_dim3A_57 : vector<16xi1>, vector<16xi32>
      %xor3A_1604 = arith.constant 8 : i32
      %xor3A_1605 = vector.broadcast %xor3A_1604 : i32 to vector<16xi32>
      %xor3A_1606 = arith.xori %iota3A, %xor3A_1605 : vector<16xi32>
      %lt3A_1607 = arith.constant 0 : i32
      %lt3A_1608 = vector.broadcast %lt3A_1607 : i32 to vector<16xi32>
      %lt3A_1609 = arith.cmpi slt, %xor3A_1606, %lt3A_1608 : vector<16xi32>
      %add3A_1610 = arith.constant 16 : i32
      %add3A_1611 = vector.broadcast %add3A_1610 : i32 to vector<16xi32>
      %add3A_1612 = arith.addi %xor3A_1606, %add3A_1611 : vector<16xi32>
      %select_n3A_1613 = arith.select %lt3A_1609, %add3A_1612, %xor3A_1606 : vector<16xi1>, vector<16xi32>
      %broadcast_in_dim3A_1614 = vector.shape_cast %select_n3A_1613 : vector<16xi32> to vector<16x1xi32>
      %gather3A_1615 = vector.shape_cast %broadcast_in_dim3A_1614 : vector<16x1xi32> to vector<16xi32>
      %gather3A_1616 = tpu.dynamic_gather %select_n3A_1603[%gather3A_1615] in [0] : vector<16xi32>, vector<16xi32> -> vector<16xi32>
      %min3A_1617 = arith.minsi %select_n3A_1603, %gather3A_1616 : vector<16xi32>
      %xor3A_1618 = arith.constant 4 : i32
      %xor3A_1619 = vector.broadcast %xor3A_1618 : i32 to vector<16xi32>
      %xor3A_1620 = arith.xori %iota3A, %xor3A_1619 : vector<16xi32>
      %lt3A_1621 = arith.constant 0 : i32
      %lt3A_1622 = vector.broadcast %lt3A_1621 : i32 to vector<16xi32>
      %lt3A_1623 = arith.cmpi slt, %xor3A_1620, %lt3A_1622 : vector<16xi32>
      %add3A_1624 = arith.constant 16 : i32
      %add3A_1625 = vector.broadcast %add3A_1624 : i32 to vector<16xi32>
      %add3A_1626 = arith.addi %xor3A_1620, %add3A_1625 : vector<16xi32>
      %select_n3A_1627 = arith.select %lt3A_1623, %add3A_1626, %xor3A_1620 : vector<16xi1>, vector<16xi32>
      %broadcast_in_dim3A_1628 = vector.shape_cast %select_n3A_1627 : vector<16xi32> to vector<16x1xi32>
      %gather3A_1629 = vector.shape_cast %broadcast_in_dim3A_1628 : vector<16x1xi32> to vector<16xi32>
      %gather3A_1630 = tpu.dynamic_gather %min3A_1617[%gather3A_1629] in [0] : vector<16xi32>, vector<16xi32> -> vector<16xi32>
      %min3A_1631 = arith.minsi %min3A_1617, %gather3A_1630 : vector<16xi32>
      %xor3A_1632 = arith.constant 2 : i32
      %xor3A_1633 = vector.broadcast %xor3A_1632 : i32 to vector<16xi32>
      %xor3A_1634 = arith.xori %iota3A, %xor3A_1633 : vector<16xi32>
      %lt3A_1635 = arith.constant 0 : i32
      %lt3A_1636 = vector.broadcast %lt3A_1635 : i32 to vector<16xi32>
      %lt3A_1637 = arith.cmpi slt, %xor3A_1634, %lt3A_1636 : vector<16xi32>
      %add3A_1638 = arith.constant 16 : i32
      %add3A_1639 = vector.broadcast %add3A_1638 : i32 to vector<16xi32>
      %add3A_1640 = arith.addi %xor3A_1634, %add3A_1639 : vector<16xi32>
      %select_n3A_1641 = arith.select %lt3A_1637, %add3A_1640, %xor3A_1634 : vector<16xi1>, vector<16xi32>
      %broadcast_in_dim3A_1642 = vector.shape_cast %select_n3A_1641 : vector<16xi32> to vector<16x1xi32>
      %gather3A_1643 = vector.shape_cast %broadcast_in_dim3A_1642 : vector<16x1xi32> to vector<16xi32>
      %gather3A_1644 = tpu.dynamic_gather %min3A_1631[%gather3A_1643] in [0] : vector<16xi32>, vector<16xi32> -> vector<16xi32>
      %min3A_1645 = arith.minsi %min3A_1631, %gather3A_1644 : vector<16xi32>
      %xor3A_1646 = arith.constant 1 : i32
      %xor3A_1647 = vector.broadcast %xor3A_1646 : i32 to vector<16xi32>
      %xor3A_1648 = arith.xori %iota3A, %xor3A_1647 : vector<16xi32>
      %lt3A_1649 = arith.constant 0 : i32
      %lt3A_1650 = vector.broadcast %lt3A_1649 : i32 to vector<16xi32>
      %lt3A_1651 = arith.cmpi slt, %xor3A_1648, %lt3A_1650 : vector<16xi32>
      %add3A_1652 = arith.constant 16 : i32
      %add3A_1653 = vector.broadcast %add3A_1652 : i32 to vector<16xi32>
      %add3A_1654 = arith.addi %xor3A_1648, %add3A_1653 : vector<16xi32>
      %select_n3A_1655 = arith.select %lt3A_1651, %add3A_1654, %xor3A_1648 : vector<16xi1>, vector<16xi32>
      %broadcast_in_dim3A_1656 = vector.shape_cast %select_n3A_1655 : vector<16xi32> to vector<16x1xi32>
      %gather3A_1657 = vector.shape_cast %broadcast_in_dim3A_1656 : vector<16x1xi32> to vector<16xi32>
      %gather3A_1658 = tpu.dynamic_gather %min3A_1645[%gather3A_1657] in [0] : vector<16xi32>, vector<16xi32> -> vector<16xi32>
      %min3A_1659 = arith.minsi %min3A_1645, %gather3A_1658 : vector<16xi32>
      %gt3A_1660 = arith.cmpf ogt, %max3A_1601, %broadcast_in_dim3A_51 : vector<16xf32>
      %select_n3A_1661 = arith.select %gt3A_1660, %min3A_1659, %broadcast_in_dim3A_55 : vector<16xi1>, vector<16xi32>
      %bitcast3A_1662 = vector.bitcast %select_n3A_1661 : vector<16xi32> to vector<16xf32>
      %select_n3A_1663 = arith.select %eq3A_63, %bitcast3A_1662, %max3A_1601 : vector<16xi1>, vector<16xf32>
      %swap3A_1664 = arith.constant 0 : index
      %swap3A_1665 = tpu.vector_load %arg17[%swap3A_1664] {strides = array<i32>} : memref<16xf32, #tpu.memory_space<vmem>>, vector<16xf32>,
      tpu.vector_store %arg17[%swap3A_1664], %select_n3A_1663 {strides = array<i32>} : memref<16xf32, #tpu.memory_space<vmem>>, vector<16xf32>,
      %add3A_1666 = arith.constant 256 : i32
      %add3A_1667 = arith.addi %mul3A_65, %add3A_1666 : i32
      %mul3A_1668 = arith.constant 8 : i32
      %mul3A_1669 = arith.muli %arg1, %mul3A_1668 : i32
      %add3A_1670 = arith.addi %add3A_1667, %mul3A_1669 : i32
      "tpu.region"() ({
        %run_scoped3A_2695 = tpu.sem_alloc : memref<!tpu.dma_semaphore, #tpu.memory_space<semaphore_mem>>
        %dma_start3A = arith.constant 0 : i32
        %dma_start3A_2696 = tpu.memref_slice %arg17[%dma_start3A] : memref<16xf32, #tpu.memory_space<vmem>> -> memref<8xf32, #tpu.memory_space<vmem>>
        %dma_start3A_2697 = tpu.memref_slice %arg19[%add3A_1670] : memref<512xf32, #tpu.memory_space<vmem_shared>> -> memref<8xf32, #tpu.memory_space<vmem_shared>>
        %dma_start3A_2698 = tpu.memref_slice %arg19[%add3A_1670] : memref<512xf32, #tpu.memory_space<vmem_shared>> -> memref<8xf32, #tpu.memory_space<vmem_shared>>
        %dma_start3A_2699 = arith.constant 0 : i32
        %dma_start3A_2700 = tpu.memref_slice %arg17[%dma_start3A_2699] : memref<16xf32, #tpu.memory_space<vmem>> -> memref<8xf32, #tpu.memory_space<vmem>>
        tpu.enqueue_dma source(%dma_start3A_2700 : memref<8xf32, #tpu.memory_space<vmem>>) target(%dma_start3A_2698 : memref<8xf32, #tpu.memory_space<vmem_shared>>) target_semaphore(%run_scoped3A_2695 : memref<!tpu.dma_semaphore, #tpu.memory_space<semaphore_mem>>)
        %dma_wait3A = arith.constant 0 : i32
        %dma_wait3A_2701 = tpu.memref_slice %arg17[%dma_wait3A] : memref<16xf32, #tpu.memory_space<vmem>> -> memref<8xf32, #tpu.memory_space<vmem>>
        %dma_wait3A_2702 = tpu.memref_slice %arg19[%add3A_1670] : memref<512xf32, #tpu.memory_space<vmem_shared>> -> memref<8xf32, #tpu.memory_space<vmem_shared>>
        %dma_wait3A_2703 = tpu.memref_slice %arg19[%add3A_1670] : memref<512xf32, #tpu.memory_space<vmem_shared>> -> memref<8xf32, #tpu.memory_space<vmem_shared>>
        %dma_wait3A_2704 = arith.constant 0 : i32
        %dma_wait3A_2705 = tpu.memref_slice %arg17[%dma_wait3A_2704] : memref<16xf32, #tpu.memory_space<vmem>> -> memref<8xf32, #tpu.memory_space<vmem>>
        tpu.wait_dma2 semaphore(%run_scoped3A_2695 : memref<!tpu.dma_semaphore, #tpu.memory_space<semaphore_mem>>) src(%dma_wait3A_2705 : memref<8xf32, #tpu.memory_space<vmem>>) dst(%dma_wait3A_2703 : memref<8xf32, #tpu.memory_space<vmem_shared>>)
        tpu.yield
      }) : () -> ()
      %barrier3A_1671 = arith.constant 0 : index
      tpu.barrier barrier_id(%barrier3A_1671)
      "tpu.region"() ({
        %run_scoped3A_2695 = tpu.sem_alloc : memref<!tpu.dma_semaphore, #tpu.memory_space<semaphore_mem>>
        %dma_start3A = tpu.memref_slice %arg19[%add3A_1667] : memref<512xf32, #tpu.memory_space<vmem_shared>> -> memref<128xf32, #tpu.memory_space<vmem_shared>>
        %dma_start3A_2696 = tpu.memref_slice %arg19[%add3A_1667] : memref<512xf32, #tpu.memory_space<vmem_shared>> -> memref<128xf32, #tpu.memory_space<vmem_shared>>
        tpu.enqueue_dma source(%dma_start3A_2696 : memref<128xf32, #tpu.memory_space<vmem_shared>>) target(%arg18 : memref<128xf32, #tpu.memory_space<vmem>>) target_semaphore(%run_scoped3A_2695 : memref<!tpu.dma_semaphore, #tpu.memory_space<semaphore_mem>>)
        %dma_wait3A = tpu.memref_slice %arg19[%add3A_1667] : memref<512xf32, #tpu.memory_space<vmem_shared>> -> memref<128xf32, #tpu.memory_space<vmem_shared>>
        %dma_wait3A_2697 = tpu.memref_slice %arg19[%add3A_1667] : memref<512xf32, #tpu.memory_space<vmem_shared>> -> memref<128xf32, #tpu.memory_space<vmem_shared>>
        tpu.wait_dma2 semaphore(%run_scoped3A_2695 : memref<!tpu.dma_semaphore, #tpu.memory_space<semaphore_mem>>) src(%dma_wait3A_2697 : memref<128xf32, #tpu.memory_space<vmem_shared>>) dst(%arg18 : memref<128xf32, #tpu.memory_space<vmem>>)
        tpu.yield
      }) : () -> ()
      %mul3A_1672 = arith.constant 8 : i32
      %mul3A_1673 = vector.broadcast %mul3A_1672 : i32 to vector<16xi32>
      %mul3A_1674 = arith.muli %iota3A, %mul3A_1673 : vector<16xi32>
      %gather3A_1675 = tpu.vector_load_idx %arg18[%mul3A_1674] : memref<128xf32, #tpu.memory_space<vmem>>[vector<16xi32>], vector<16xf32>,
      %mul3A_1676 = arith.constant 8 : i32
      %mul3A_1677 = vector.broadcast %mul3A_1676 : i32 to vector<16xi32>
      %mul3A_1678 = arith.muli %iota3A, %mul3A_1677 : vector<16xi32>
      %broadcast_in_dim3A_1679 = arith.constant 1 : i32
      %broadcast_in_dim3A_1680 = vector.broadcast %broadcast_in_dim3A_1679 : i32 to vector<16xi32>
      %add3A_1681 = arith.addi %mul3A_1678, %broadcast_in_dim3A_1680 : vector<16xi32>
      %gather3A_1682 = tpu.vector_load_idx %arg18[%add3A_1681] : memref<128xf32, #tpu.memory_space<vmem>>[vector<16xi32>], vector<16xf32>,
      %bitcast3A_1683 = vector.bitcast %gather3A_1682 : vector<16xf32> to vector<16xi32>
      %gather3A_1684 = tpu.vector_load_idx %arg9[%bitcast3A_1683] : memref<5120xf32, #tpu.memory_space<vmem>>[vector<16xi32>], vector<16xf32>,
      %gather3A_1685 = tpu.vector_load_idx %arg10[%bitcast3A_1683] : memref<5120xf32, #tpu.memory_space<vmem>>[vector<16xi32>], vector<16xf32>,
      %gather3A_1686 = tpu.vector_load_idx %arg11[%bitcast3A_1683] : memref<5120xf32, #tpu.memory_space<vmem>>[vector<16xi32>], vector<16xf32>,
      %gather3A_1687 = tpu.vector_load_idx %arg12[%bitcast3A_1683] : memref<5120xf32, #tpu.memory_space<vmem>>[vector<16xi32>], vector<16xf32>,
      %gather3A_1688 = tpu.vector_load_idx %arg13[%bitcast3A_1683] : memref<5120xf32, #tpu.memory_space<vmem>>[vector<16xi32>], vector<16xf32>,
      %xor3A_1689 = arith.constant 8 : i32
      %xor3A_1690 = vector.broadcast %xor3A_1689 : i32 to vector<16xi32>
      %xor3A_1691 = arith.xori %iota3A, %xor3A_1690 : vector<16xi32>
      %lt3A_1692 = arith.constant 0 : i32
      %lt3A_1693 = vector.broadcast %lt3A_1692 : i32 to vector<16xi32>
      %lt3A_1694 = arith.cmpi slt, %xor3A_1691, %lt3A_1693 : vector<16xi32>
      %add3A_1695 = arith.constant 16 : i32
      %add3A_1696 = vector.broadcast %add3A_1695 : i32 to vector<16xi32>
      %add3A_1697 = arith.addi %xor3A_1691, %add3A_1696 : vector<16xi32>
      %select_n3A_1698 = arith.select %lt3A_1694, %add3A_1697, %xor3A_1691 : vector<16xi1>, vector<16xi32>
      %broadcast_in_dim3A_1699 = vector.shape_cast %select_n3A_1698 : vector<16xi32> to vector<16x1xi32>
      %gather3A_1700 = vector.shape_cast %broadcast_in_dim3A_1699 : vector<16x1xi32> to vector<16xi32>
      %gather3A_1701 = tpu.dynamic_gather %gather3A_1675[%gather3A_1700] in [0] : vector<16xf32>, vector<16xi32> -> vector<16xf32>
      %max3A_1702 = arith.maximumf %gather3A_1675, %gather3A_1701 : vector<16xf32>
      %xor3A_1703 = arith.constant 4 : i32
      %xor3A_1704 = vector.broadcast %xor3A_1703 : i32 to vector<16xi32>
      %xor3A_1705 = arith.xori %iota3A, %xor3A_1704 : vector<16xi32>
      %lt3A_1706 = arith.constant 0 : i32
      %lt3A_1707 = vector.broadcast %lt3A_1706 : i32 to vector<16xi32>
      %lt3A_1708 = arith.cmpi slt, %xor3A_1705, %lt3A_1707 : vector<16xi32>
      %add3A_1709 = arith.constant 16 : i32
      %add3A_1710 = vector.broadcast %add3A_1709 : i32 to vector<16xi32>
      %add3A_1711 = arith.addi %xor3A_1705, %add3A_1710 : vector<16xi32>
      %select_n3A_1712 = arith.select %lt3A_1708, %add3A_1711, %xor3A_1705 : vector<16xi1>, vector<16xi32>
      %broadcast_in_dim3A_1713 = vector.shape_cast %select_n3A_1712 : vector<16xi32> to vector<16x1xi32>
      %gather3A_1714 = vector.shape_cast %broadcast_in_dim3A_1713 : vector<16x1xi32> to vector<16xi32>
      %gather3A_1715 = tpu.dynamic_gather %max3A_1702[%gather3A_1714] in [0] : vector<16xf32>, vector<16xi32> -> vector<16xf32>
      %max3A_1716 = arith.maximumf %max3A_1702, %gather3A_1715 : vector<16xf32>
      %xor3A_1717 = arith.constant 2 : i32
      %xor3A_1718 = vector.broadcast %xor3A_1717 : i32 to vector<16xi32>
      %xor3A_1719 = arith.xori %iota3A, %xor3A_1718 : vector<16xi32>
      %lt3A_1720 = arith.constant 0 : i32
      %lt3A_1721 = vector.broadcast %lt3A_1720 : i32 to vector<16xi32>
      %lt3A_1722 = arith.cmpi slt, %xor3A_1719, %lt3A_1721 : vector<16xi32>
      %add3A_1723 = arith.constant 16 : i32
      %add3A_1724 = vector.broadcast %add3A_1723 : i32 to vector<16xi32>
      %add3A_1725 = arith.addi %xor3A_1719, %add3A_1724 : vector<16xi32>
      %select_n3A_1726 = arith.select %lt3A_1722, %add3A_1725, %xor3A_1719 : vector<16xi1>, vector<16xi32>
      %broadcast_in_dim3A_1727 = vector.shape_cast %select_n3A_1726 : vector<16xi32> to vector<16x1xi32>
      %gather3A_1728 = vector.shape_cast %broadcast_in_dim3A_1727 : vector<16x1xi32> to vector<16xi32>
      %gather3A_1729 = tpu.dynamic_gather %max3A_1716[%gather3A_1728] in [0] : vector<16xf32>, vector<16xi32> -> vector<16xf32>
      %max3A_1730 = arith.maximumf %max3A_1716, %gather3A_1729 : vector<16xf32>
      %xor3A_1731 = arith.constant 1 : i32
      %xor3A_1732 = vector.broadcast %xor3A_1731 : i32 to vector<16xi32>
      %xor3A_1733 = arith.xori %iota3A, %xor3A_1732 : vector<16xi32>
      %lt3A_1734 = arith.constant 0 : i32
      %lt3A_1735 = vector.broadcast %lt3A_1734 : i32 to vector<16xi32>
      %lt3A_1736 = arith.cmpi slt, %xor3A_1733, %lt3A_1735 : vector<16xi32>
      %add3A_1737 = arith.constant 16 : i32
      %add3A_1738 = vector.broadcast %add3A_1737 : i32 to vector<16xi32>
      %add3A_1739 = arith.addi %xor3A_1733, %add3A_1738 : vector<16xi32>
      %select_n3A_1740 = arith.select %lt3A_1736, %add3A_1739, %xor3A_1733 : vector<16xi1>, vector<16xi32>
      %broadcast_in_dim3A_1741 = vector.shape_cast %select_n3A_1740 : vector<16xi32> to vector<16x1xi32>
      %gather3A_1742 = vector.shape_cast %broadcast_in_dim3A_1741 : vector<16x1xi32> to vector<16xi32>
      %gather3A_1743 = tpu.dynamic_gather %max3A_1730[%gather3A_1742] in [0] : vector<16xf32>, vector<16xi32> -> vector<16xf32>
      %max3A_1744 = arith.maximumf %max3A_1730, %gather3A_1743 : vector<16xf32>
      %eq3A_1745 = arith.cmpf oeq, %gather3A_1675, %max3A_1744 : vector<16xf32>
      %all_reduce_ffs3A_1746 = tpu.all_reduce %eq3A_1745 {dim = 0 : i64, kind = #tpu.reduction_kind<find_first_set>} : vector<16xi1> -> vector<16xi32>
      %lt3A_1747 = arith.constant 0 : i32
      %lt3A_1748 = vector.broadcast %lt3A_1747 : i32 to vector<16xi32>
      %lt3A_1749 = arith.cmpi slt, %all_reduce_ffs3A_1746, %lt3A_1748 : vector<16xi32>
      %add3A_1750 = arith.constant 16 : i32
      %add3A_1751 = vector.broadcast %add3A_1750 : i32 to vector<16xi32>
      %add3A_1752 = arith.addi %all_reduce_ffs3A_1746, %add3A_1751 : vector<16xi32>
      %select_n3A_1753 = arith.select %lt3A_1749, %add3A_1752, %all_reduce_ffs3A_1746 : vector<16xi1>, vector<16xi32>
      %broadcast_in_dim3A_1754 = vector.shape_cast %select_n3A_1753 : vector<16xi32> to vector<16x1xi32>
      %gather3A_1755 = vector.shape_cast %broadcast_in_dim3A_1754 : vector<16x1xi32> to vector<16xi32>
      %gather3A_1756 = tpu.dynamic_gather %bitcast3A_1683[%gather3A_1755] in [0] : vector<16xi32>, vector<16xi32> -> vector<16xi32>
      %gt3A_1757 = arith.cmpf ogt, %max3A_1744, %broadcast_in_dim3A_51 : vector<16xf32>
      %lt3A_1758 = arith.constant 0 : i32
      %lt3A_1759 = vector.broadcast %lt3A_1758 : i32 to vector<16xi32>
      %lt3A_1760 = arith.cmpi slt, %all_reduce_ffs3A_1746, %lt3A_1759 : vector<16xi32>
      %add3A_1761 = arith.constant 16 : i32
      %add3A_1762 = vector.broadcast %add3A_1761 : i32 to vector<16xi32>
      %add3A_1763 = arith.addi %all_reduce_ffs3A_1746, %add3A_1762 : vector<16xi32>
      %select_n3A_1764 = arith.select %lt3A_1760, %add3A_1763, %all_reduce_ffs3A_1746 : vector<16xi1>, vector<16xi32>
      %broadcast_in_dim3A_1765 = vector.shape_cast %select_n3A_1764 : vector<16xi32> to vector<16x1xi32>
      %gather3A_1766 = vector.shape_cast %broadcast_in_dim3A_1765 : vector<16x1xi32> to vector<16xi32>
      %gather3A_1767 = tpu.dynamic_gather %gather3A_1684[%gather3A_1766] in [0] : vector<16xf32>, vector<16xi32> -> vector<16xf32>
      %lt3A_1768 = arith.constant 0 : i32
      %lt3A_1769 = vector.broadcast %lt3A_1768 : i32 to vector<16xi32>
      %lt3A_1770 = arith.cmpi slt, %all_reduce_ffs3A_1746, %lt3A_1769 : vector<16xi32>
      %add3A_1771 = arith.constant 16 : i32
      %add3A_1772 = vector.broadcast %add3A_1771 : i32 to vector<16xi32>
      %add3A_1773 = arith.addi %all_reduce_ffs3A_1746, %add3A_1772 : vector<16xi32>
      %select_n3A_1774 = arith.select %lt3A_1770, %add3A_1773, %all_reduce_ffs3A_1746 : vector<16xi1>, vector<16xi32>
      %broadcast_in_dim3A_1775 = vector.shape_cast %select_n3A_1774 : vector<16xi32> to vector<16x1xi32>
      %gather3A_1776 = vector.shape_cast %broadcast_in_dim3A_1775 : vector<16x1xi32> to vector<16xi32>
      %gather3A_1777 = tpu.dynamic_gather %gather3A_1685[%gather3A_1776] in [0] : vector<16xf32>, vector<16xi32> -> vector<16xf32>
      %lt3A_1778 = arith.constant 0 : i32
      %lt3A_1779 = vector.broadcast %lt3A_1778 : i32 to vector<16xi32>
      %lt3A_1780 = arith.cmpi slt, %all_reduce_ffs3A_1746, %lt3A_1779 : vector<16xi32>
      %add3A_1781 = arith.constant 16 : i32
      %add3A_1782 = vector.broadcast %add3A_1781 : i32 to vector<16xi32>
      %add3A_1783 = arith.addi %all_reduce_ffs3A_1746, %add3A_1782 : vector<16xi32>
      %select_n3A_1784 = arith.select %lt3A_1780, %add3A_1783, %all_reduce_ffs3A_1746 : vector<16xi1>, vector<16xi32>
      %broadcast_in_dim3A_1785 = vector.shape_cast %select_n3A_1784 : vector<16xi32> to vector<16x1xi32>
      %gather3A_1786 = vector.shape_cast %broadcast_in_dim3A_1785 : vector<16x1xi32> to vector<16xi32>
      %gather3A_1787 = tpu.dynamic_gather %gather3A_1686[%gather3A_1786] in [0] : vector<16xf32>, vector<16xi32> -> vector<16xf32>
      %lt3A_1788 = arith.constant 0 : i32
      %lt3A_1789 = vector.broadcast %lt3A_1788 : i32 to vector<16xi32>
      %lt3A_1790 = arith.cmpi slt, %all_reduce_ffs3A_1746, %lt3A_1789 : vector<16xi32>
      %add3A_1791 = arith.constant 16 : i32
      %add3A_1792 = vector.broadcast %add3A_1791 : i32 to vector<16xi32>
      %add3A_1793 = arith.addi %all_reduce_ffs3A_1746, %add3A_1792 : vector<16xi32>
      %select_n3A_1794 = arith.select %lt3A_1790, %add3A_1793, %all_reduce_ffs3A_1746 : vector<16xi1>, vector<16xi32>
      %broadcast_in_dim3A_1795 = vector.shape_cast %select_n3A_1794 : vector<16xi32> to vector<16x1xi32>
      %gather3A_1796 = vector.shape_cast %broadcast_in_dim3A_1795 : vector<16x1xi32> to vector<16xi32>
      %gather3A_1797 = tpu.dynamic_gather %gather3A_1687[%gather3A_1796] in [0] : vector<16xf32>, vector<16xi32> -> vector<16xf32>
      %lt3A_1798 = arith.constant 0 : i32
      %lt3A_1799 = vector.broadcast %lt3A_1798 : i32 to vector<16xi32>
      %lt3A_1800 = arith.cmpi slt, %all_reduce_ffs3A_1746, %lt3A_1799 : vector<16xi32>
      %add3A_1801 = arith.constant 16 : i32
      %add3A_1802 = vector.broadcast %add3A_1801 : i32 to vector<16xi32>
      %add3A_1803 = arith.addi %all_reduce_ffs3A_1746, %add3A_1802 : vector<16xi32>
      %select_n3A_1804 = arith.select %lt3A_1800, %add3A_1803, %all_reduce_ffs3A_1746 : vector<16xi1>, vector<16xi32>
      %broadcast_in_dim3A_1805 = vector.shape_cast %select_n3A_1804 : vector<16xi32> to vector<16x1xi32>
      %gather3A_1806 = vector.shape_cast %broadcast_in_dim3A_1805 : vector<16x1xi32> to vector<16xi32>
      %gather3A_1807 = tpu.dynamic_gather %gather3A_1688[%gather3A_1806] in [0] : vector<16xf32>, vector<16xi32> -> vector<16xf32>
      %sub3A_1808 = arith.subi %gather3A_1756, %broadcast_in_dim3A_58 : vector<16xi32>
      %ge3A_1809 = arith.cmpi sge, %sub3A_1808, %broadcast_in_dim3A_55 : vector<16xi32>
      %and3A_1810 = arith.andi %gt3A_1757, %ge3A_1809 : vector<16xi1>
      %lt3A_1811 = arith.cmpi slt, %sub3A_1808, %broadcast_in_dim3A_60 : vector<16xi32>
      %and3A_1812 = arith.andi %and3A_1810, %lt3A_1811 : vector<16xi1>
      %and3A_1813 = arith.andi %and3A_1812, %eq3A : vector<16xi1>
      %select_n3A_1814 = arith.select %and3A_1813, %sub3A_1808, %broadcast_in_dim3A_55 : vector<16xi1>, vector<16xi32>
      tpu.vector_store_idx %arg15[%select_n3A_1814], %broadcast_in_dim3A_53 masked %and3A_1813 {add = true} : memref<320xf32, #tpu.memory_space<vmem>>[vector<16xi32>], vector<16xf32>, vector<16xi1>
      %add3A_1815 = arith.constant 0 : i32
      %add3A_1816 = arith.addi %mul3A_0, %add3A_1815 : i32
      %get3A_1817 = arith.index_cast %add3A_1816 : i32 to index
      %get3A_1818 = tpu.vector_load %arg9[%get3A_1817] {strides = array<i32>} : memref<5120xf32, #tpu.memory_space<vmem>>, vector<16xf32>,
      %max3A_1819 = arith.maximumf %get3A_1818, %gather3A_1767 : vector<16xf32>
      %get3A_1820 = arith.index_cast %add3A_1816 : i32 to index
      %get3A_1821 = tpu.vector_load %arg10[%get3A_1820] {strides = array<i32>} : memref<5120xf32, #tpu.memory_space<vmem>>, vector<16xf32>,
      %min3A_1822 = arith.minimumf %get3A_1821, %gather3A_1777 : vector<16xf32>
      %get3A_1823 = arith.index_cast %add3A_1816 : i32 to index
      %get3A_1824 = tpu.vector_load %arg11[%get3A_1823] {strides = array<i32>} : memref<5120xf32, #tpu.memory_space<vmem>>, vector<16xf32>,
      %max3A_1825 = arith.maximumf %get3A_1824, %gather3A_1787 : vector<16xf32>
      %get3A_1826 = arith.index_cast %add3A_1816 : i32 to index
      %get3A_1827 = tpu.vector_load %arg12[%get3A_1826] {strides = array<i32>} : memref<5120xf32, #tpu.memory_space<vmem>>, vector<16xf32>,
      %min3A_1828 = arith.minimumf %get3A_1827, %gather3A_1797 : vector<16xf32>
      %sub3A_1829 = arith.subf %min3A_1822, %max3A_1819 : vector<16xf32>
      %max3A_1830 = arith.constant 0.000000e+00 : f32
      %max3A_1831 = vector.broadcast %max3A_1830 : f32 to vector<16xf32>
      %max3A_1832 = arith.maximumf %sub3A_1829, %max3A_1831 : vector<16xf32>
      %sub3A_1833 = arith.subf %min3A_1828, %max3A_1825 : vector<16xf32>
      %max3A_1834 = arith.constant 0.000000e+00 : f32
      %max3A_1835 = vector.broadcast %max3A_1834 : f32 to vector<16xf32>
      %max3A_1836 = arith.maximumf %sub3A_1833, %max3A_1835 : vector<16xf32>
      %mul3A_1837 = arith.mulf %max3A_1832, %max3A_1836 : vector<16xf32>
      %get3A_1838 = arith.index_cast %add3A_1816 : i32 to index
      %get3A_1839 = tpu.vector_load %arg13[%get3A_1838] {strides = array<i32>} : memref<5120xf32, #tpu.memory_space<vmem>>, vector<16xf32>,
      %add3A_1840 = arith.addf %get3A_1839, %gather3A_1807 : vector<16xf32>
      %sub3A_1841 = arith.subf %add3A_1840, %mul3A_1837 : vector<16xf32>
      %mul3A_1842 = arith.constant 0x4C000000 : f32
      %mul3A_1843 = vector.broadcast %mul3A_1842 : f32 to vector<16xf32>
      %mul3A_1844 = arith.mulf %mul3A_1843, %mul3A_1837 : vector<16xf32>
      %mul3A_1845 = arith.constant 0x4B800000 : f32
      %mul3A_1846 = vector.broadcast %mul3A_1845 : f32 to vector<16xf32>
      %mul3A_1847 = arith.mulf %mul3A_1846, %sub3A_1841 : vector<16xf32>
      %sub3A_1848 = arith.subf %mul3A_1844, %mul3A_1847 : vector<16xf32>
      %gt3A_1849 = arith.cmpf ogt, %sub3A_1848, %sub3A_1841 : vector<16xf32>
      %and3A_1850 = arith.andi %gt3A_1849, %gt3A_1757 : vector<16xi1>
      %select_n3A_1851 = arith.select %and3A_1850, %broadcast_in_dim3A_51, %select_n3A_702 : vector<16xi1>, vector<16xf32>
      %broadcast_in_dim3A_1852 = arith.constant 0 : i32
      %broadcast_in_dim3A_1853 = vector.broadcast %broadcast_in_dim3A_1852 : i32 to vector<16xi32>
      %add3A_1854 = arith.addi %iota3A, %broadcast_in_dim3A_1853 : vector<16xi32>
      %add3A_1855 = arith.addi %add3A_1854, %broadcast_in_dim3A_58 : vector<16xi32>
      %gt3A_1856 = arith.cmpf ogt, %select_n3A_1851, %broadcast_in_dim3A_51 : vector<16xf32>
      %select_n3A_1857 = arith.select %gt3A_1856, %select_n3A_1851, %broadcast_in_dim3A_51 : vector<16xi1>, vector<16xf32>
      %select_n3A_1858 = arith.select %gt3A_1856, %add3A_1855, %broadcast_in_dim3A_57 : vector<16xi1>, vector<16xi32>
      %add3A_1859 = arith.constant 16 : i32
      %add3A_1860 = arith.addi %mul3A_0, %add3A_1859 : i32
      %get3A_1861 = arith.index_cast %add3A_1860 : i32 to index
      %get3A_1862 = tpu.vector_load %arg9[%get3A_1861] {strides = array<i32>} : memref<5120xf32, #tpu.memory_space<vmem>>, vector<16xf32>,
      %max3A_1863 = arith.maximumf %get3A_1862, %gather3A_1767 : vector<16xf32>
      %get3A_1864 = arith.index_cast %add3A_1860 : i32 to index
      %get3A_1865 = tpu.vector_load %arg10[%get3A_1864] {strides = array<i32>} : memref<5120xf32, #tpu.memory_space<vmem>>, vector<16xf32>,
      %min3A_1866 = arith.minimumf %get3A_1865, %gather3A_1777 : vector<16xf32>
      %get3A_1867 = arith.index_cast %add3A_1860 : i32 to index
      %get3A_1868 = tpu.vector_load %arg11[%get3A_1867] {strides = array<i32>} : memref<5120xf32, #tpu.memory_space<vmem>>, vector<16xf32>,
      %max3A_1869 = arith.maximumf %get3A_1868, %gather3A_1787 : vector<16xf32>
      %get3A_1870 = arith.index_cast %add3A_1860 : i32 to index
      %get3A_1871 = tpu.vector_load %arg12[%get3A_1870] {strides = array<i32>} : memref<5120xf32, #tpu.memory_space<vmem>>, vector<16xf32>,
      %min3A_1872 = arith.minimumf %get3A_1871, %gather3A_1797 : vector<16xf32>
      %sub3A_1873 = arith.subf %min3A_1866, %max3A_1863 : vector<16xf32>
      %max3A_1874 = arith.constant 0.000000e+00 : f32
      %max3A_1875 = vector.broadcast %max3A_1874 : f32 to vector<16xf32>
      %max3A_1876 = arith.maximumf %sub3A_1873, %max3A_1875 : vector<16xf32>
      %sub3A_1877 = arith.subf %min3A_1872, %max3A_1869 : vector<16xf32>
      %max3A_1878 = arith.constant 0.000000e+00 : f32
      %max3A_1879 = vector.broadcast %max3A_1878 : f32 to vector<16xf32>
      %max3A_1880 = arith.maximumf %sub3A_1877, %max3A_1879 : vector<16xf32>
      %mul3A_1881 = arith.mulf %max3A_1876, %max3A_1880 : vector<16xf32>
      %get3A_1882 = arith.index_cast %add3A_1860 : i32 to index
      %get3A_1883 = tpu.vector_load %arg13[%get3A_1882] {strides = array<i32>} : memref<5120xf32, #tpu.memory_space<vmem>>, vector<16xf32>,
      %add3A_1884 = arith.addf %get3A_1883, %gather3A_1807 : vector<16xf32>
      %sub3A_1885 = arith.subf %add3A_1884, %mul3A_1881 : vector<16xf32>
      %mul3A_1886 = arith.constant 0x4C000000 : f32
      %mul3A_1887 = vector.broadcast %mul3A_1886 : f32 to vector<16xf32>
      %mul3A_1888 = arith.mulf %mul3A_1887, %mul3A_1881 : vector<16xf32>
      %mul3A_1889 = arith.constant 0x4B800000 : f32
      %mul3A_1890 = vector.broadcast %mul3A_1889 : f32 to vector<16xf32>
      %mul3A_1891 = arith.mulf %mul3A_1890, %sub3A_1885 : vector<16xf32>
      %sub3A_1892 = arith.subf %mul3A_1888, %mul3A_1891 : vector<16xf32>
      %gt3A_1893 = arith.cmpf ogt, %sub3A_1892, %sub3A_1885 : vector<16xf32>
      %and3A_1894 = arith.andi %gt3A_1893, %gt3A_1757 : vector<16xi1>
      %select_n3A_1895 = arith.select %and3A_1894, %broadcast_in_dim3A_51, %select_n3A_746 : vector<16xi1>, vector<16xf32>
      %broadcast_in_dim3A_1896 = arith.constant 16 : i32
      %broadcast_in_dim3A_1897 = vector.broadcast %broadcast_in_dim3A_1896 : i32 to vector<16xi32>
      %add3A_1898 = arith.addi %iota3A, %broadcast_in_dim3A_1897 : vector<16xi32>
      %add3A_1899 = arith.addi %add3A_1898, %broadcast_in_dim3A_58 : vector<16xi32>
      %gt3A_1900 = arith.cmpf ogt, %select_n3A_1895, %select_n3A_1857 : vector<16xf32>
      %select_n3A_1901 = arith.select %gt3A_1900, %select_n3A_1895, %select_n3A_1857 : vector<16xi1>, vector<16xf32>
      %select_n3A_1902 = arith.select %gt3A_1900, %add3A_1899, %select_n3A_1858 : vector<16xi1>, vector<16xi32>
      %add3A_1903 = arith.constant 32 : i32
      %add3A_1904 = arith.addi %mul3A_0, %add3A_1903 : i32
      %get3A_1905 = arith.index_cast %add3A_1904 : i32 to index
      %get3A_1906 = tpu.vector_load %arg9[%get3A_1905] {strides = array<i32>} : memref<5120xf32, #tpu.memory_space<vmem>>, vector<16xf32>,
      %max3A_1907 = arith.maximumf %get3A_1906, %gather3A_1767 : vector<16xf32>
      %get3A_1908 = arith.index_cast %add3A_1904 : i32 to index
      %get3A_1909 = tpu.vector_load %arg10[%get3A_1908] {strides = array<i32>} : memref<5120xf32, #tpu.memory_space<vmem>>, vector<16xf32>,
      %min3A_1910 = arith.minimumf %get3A_1909, %gather3A_1777 : vector<16xf32>
      %get3A_1911 = arith.index_cast %add3A_1904 : i32 to index
      %get3A_1912 = tpu.vector_load %arg11[%get3A_1911] {strides = array<i32>} : memref<5120xf32, #tpu.memory_space<vmem>>, vector<16xf32>,
      %max3A_1913 = arith.maximumf %get3A_1912, %gather3A_1787 : vector<16xf32>
      %get3A_1914 = arith.index_cast %add3A_1904 : i32 to index
      %get3A_1915 = tpu.vector_load %arg12[%get3A_1914] {strides = array<i32>} : memref<5120xf32, #tpu.memory_space<vmem>>, vector<16xf32>,
      %min3A_1916 = arith.minimumf %get3A_1915, %gather3A_1797 : vector<16xf32>
      %sub3A_1917 = arith.subf %min3A_1910, %max3A_1907 : vector<16xf32>
      %max3A_1918 = arith.constant 0.000000e+00 : f32
      %max3A_1919 = vector.broadcast %max3A_1918 : f32 to vector<16xf32>
      %max3A_1920 = arith.maximumf %sub3A_1917, %max3A_1919 : vector<16xf32>
      %sub3A_1921 = arith.subf %min3A_1916, %max3A_1913 : vector<16xf32>
      %max3A_1922 = arith.constant 0.000000e+00 : f32
      %max3A_1923 = vector.broadcast %max3A_1922 : f32 to vector<16xf32>
      %max3A_1924 = arith.maximumf %sub3A_1921, %max3A_1923 : vector<16xf32>
      %mul3A_1925 = arith.mulf %max3A_1920, %max3A_1924 : vector<16xf32>
      %get3A_1926 = arith.index_cast %add3A_1904 : i32 to index
      %get3A_1927 = tpu.vector_load %arg13[%get3A_1926] {strides = array<i32>} : memref<5120xf32, #tpu.memory_space<vmem>>, vector<16xf32>,
      %add3A_1928 = arith.addf %get3A_1927, %gather3A_1807 : vector<16xf32>
      %sub3A_1929 = arith.subf %add3A_1928, %mul3A_1925 : vector<16xf32>
      %mul3A_1930 = arith.constant 0x4C000000 : f32
      %mul3A_1931 = vector.broadcast %mul3A_1930 : f32 to vector<16xf32>
      %mul3A_1932 = arith.mulf %mul3A_1931, %mul3A_1925 : vector<16xf32>
      %mul3A_1933 = arith.constant 0x4B800000 : f32
      %mul3A_1934 = vector.broadcast %mul3A_1933 : f32 to vector<16xf32>
      %mul3A_1935 = arith.mulf %mul3A_1934, %sub3A_1929 : vector<16xf32>
      %sub3A_1936 = arith.subf %mul3A_1932, %mul3A_1935 : vector<16xf32>
      %gt3A_1937 = arith.cmpf ogt, %sub3A_1936, %sub3A_1929 : vector<16xf32>
      %and3A_1938 = arith.andi %gt3A_1937, %gt3A_1757 : vector<16xi1>
      %select_n3A_1939 = arith.select %and3A_1938, %broadcast_in_dim3A_51, %select_n3A_790 : vector<16xi1>, vector<16xf32>
      %broadcast_in_dim3A_1940 = arith.constant 32 : i32
      %broadcast_in_dim3A_1941 = vector.broadcast %broadcast_in_dim3A_1940 : i32 to vector<16xi32>
      %add3A_1942 = arith.addi %iota3A, %broadcast_in_dim3A_1941 : vector<16xi32>
      %add3A_1943 = arith.addi %add3A_1942, %broadcast_in_dim3A_58 : vector<16xi32>
      %gt3A_1944 = arith.cmpf ogt, %select_n3A_1939, %select_n3A_1901 : vector<16xf32>
      %select_n3A_1945 = arith.select %gt3A_1944, %select_n3A_1939, %select_n3A_1901 : vector<16xi1>, vector<16xf32>
      %select_n3A_1946 = arith.select %gt3A_1944, %add3A_1943, %select_n3A_1902 : vector<16xi1>, vector<16xi32>
      %add3A_1947 = arith.constant 48 : i32
      %add3A_1948 = arith.addi %mul3A_0, %add3A_1947 : i32
      %get3A_1949 = arith.index_cast %add3A_1948 : i32 to index
      %get3A_1950 = tpu.vector_load %arg9[%get3A_1949] {strides = array<i32>} : memref<5120xf32, #tpu.memory_space<vmem>>, vector<16xf32>,
      %max3A_1951 = arith.maximumf %get3A_1950, %gather3A_1767 : vector<16xf32>
      %get3A_1952 = arith.index_cast %add3A_1948 : i32 to index
      %get3A_1953 = tpu.vector_load %arg10[%get3A_1952] {strides = array<i32>} : memref<5120xf32, #tpu.memory_space<vmem>>, vector<16xf32>,
      %min3A_1954 = arith.minimumf %get3A_1953, %gather3A_1777 : vector<16xf32>
      %get3A_1955 = arith.index_cast %add3A_1948 : i32 to index
      %get3A_1956 = tpu.vector_load %arg11[%get3A_1955] {strides = array<i32>} : memref<5120xf32, #tpu.memory_space<vmem>>, vector<16xf32>,
      %max3A_1957 = arith.maximumf %get3A_1956, %gather3A_1787 : vector<16xf32>
      %get3A_1958 = arith.index_cast %add3A_1948 : i32 to index
      %get3A_1959 = tpu.vector_load %arg12[%get3A_1958] {strides = array<i32>} : memref<5120xf32, #tpu.memory_space<vmem>>, vector<16xf32>,
      %min3A_1960 = arith.minimumf %get3A_1959, %gather3A_1797 : vector<16xf32>
      %sub3A_1961 = arith.subf %min3A_1954, %max3A_1951 : vector<16xf32>
      %max3A_1962 = arith.constant 0.000000e+00 : f32
      %max3A_1963 = vector.broadcast %max3A_1962 : f32 to vector<16xf32>
      %max3A_1964 = arith.maximumf %sub3A_1961, %max3A_1963 : vector<16xf32>
      %sub3A_1965 = arith.subf %min3A_1960, %max3A_1957 : vector<16xf32>
      %max3A_1966 = arith.constant 0.000000e+00 : f32
      %max3A_1967 = vector.broadcast %max3A_1966 : f32 to vector<16xf32>
      %max3A_1968 = arith.maximumf %sub3A_1965, %max3A_1967 : vector<16xf32>
      %mul3A_1969 = arith.mulf %max3A_1964, %max3A_1968 : vector<16xf32>
      %get3A_1970 = arith.index_cast %add3A_1948 : i32 to index
      %get3A_1971 = tpu.vector_load %arg13[%get3A_1970] {strides = array<i32>} : memref<5120xf32, #tpu.memory_space<vmem>>, vector<16xf32>,
      %add3A_1972 = arith.addf %get3A_1971, %gather3A_1807 : vector<16xf32>
      %sub3A_1973 = arith.subf %add3A_1972, %mul3A_1969 : vector<16xf32>
      %mul3A_1974 = arith.constant 0x4C000000 : f32
      %mul3A_1975 = vector.broadcast %mul3A_1974 : f32 to vector<16xf32>
      %mul3A_1976 = arith.mulf %mul3A_1975, %mul3A_1969 : vector<16xf32>
      %mul3A_1977 = arith.constant 0x4B800000 : f32
      %mul3A_1978 = vector.broadcast %mul3A_1977 : f32 to vector<16xf32>
      %mul3A_1979 = arith.mulf %mul3A_1978, %sub3A_1973 : vector<16xf32>
      %sub3A_1980 = arith.subf %mul3A_1976, %mul3A_1979 : vector<16xf32>
      %gt3A_1981 = arith.cmpf ogt, %sub3A_1980, %sub3A_1973 : vector<16xf32>
      %and3A_1982 = arith.andi %gt3A_1981, %gt3A_1757 : vector<16xi1>
      %select_n3A_1983 = arith.select %and3A_1982, %broadcast_in_dim3A_51, %select_n3A_834 : vector<16xi1>, vector<16xf32>
      %broadcast_in_dim3A_1984 = arith.constant 48 : i32
      %broadcast_in_dim3A_1985 = vector.broadcast %broadcast_in_dim3A_1984 : i32 to vector<16xi32>
      %add3A_1986 = arith.addi %iota3A, %broadcast_in_dim3A_1985 : vector<16xi32>
      %add3A_1987 = arith.addi %add3A_1986, %broadcast_in_dim3A_58 : vector<16xi32>
      %gt3A_1988 = arith.cmpf ogt, %select_n3A_1983, %select_n3A_1945 : vector<16xf32>
      %select_n3A_1989 = arith.select %gt3A_1988, %select_n3A_1983, %select_n3A_1945 : vector<16xi1>, vector<16xf32>
      %select_n3A_1990 = arith.select %gt3A_1988, %add3A_1987, %select_n3A_1946 : vector<16xi1>, vector<16xi32>
      %add3A_1991 = arith.constant 64 : i32
      %add3A_1992 = arith.addi %mul3A_0, %add3A_1991 : i32
      %get3A_1993 = arith.index_cast %add3A_1992 : i32 to index
      %get3A_1994 = tpu.vector_load %arg9[%get3A_1993] {strides = array<i32>} : memref<5120xf32, #tpu.memory_space<vmem>>, vector<16xf32>,
      %max3A_1995 = arith.maximumf %get3A_1994, %gather3A_1767 : vector<16xf32>
      %get3A_1996 = arith.index_cast %add3A_1992 : i32 to index
      %get3A_1997 = tpu.vector_load %arg10[%get3A_1996] {strides = array<i32>} : memref<5120xf32, #tpu.memory_space<vmem>>, vector<16xf32>,
      %min3A_1998 = arith.minimumf %get3A_1997, %gather3A_1777 : vector<16xf32>
      %get3A_1999 = arith.index_cast %add3A_1992 : i32 to index
      %get3A_2000 = tpu.vector_load %arg11[%get3A_1999] {strides = array<i32>} : memref<5120xf32, #tpu.memory_space<vmem>>, vector<16xf32>,
      %max3A_2001 = arith.maximumf %get3A_2000, %gather3A_1787 : vector<16xf32>
      %get3A_2002 = arith.index_cast %add3A_1992 : i32 to index
      %get3A_2003 = tpu.vector_load %arg12[%get3A_2002] {strides = array<i32>} : memref<5120xf32, #tpu.memory_space<vmem>>, vector<16xf32>,
      %min3A_2004 = arith.minimumf %get3A_2003, %gather3A_1797 : vector<16xf32>
      %sub3A_2005 = arith.subf %min3A_1998, %max3A_1995 : vector<16xf32>
      %max3A_2006 = arith.constant 0.000000e+00 : f32
      %max3A_2007 = vector.broadcast %max3A_2006 : f32 to vector<16xf32>
      %max3A_2008 = arith.maximumf %sub3A_2005, %max3A_2007 : vector<16xf32>
      %sub3A_2009 = arith.subf %min3A_2004, %max3A_2001 : vector<16xf32>
      %max3A_2010 = arith.constant 0.000000e+00 : f32
      %max3A_2011 = vector.broadcast %max3A_2010 : f32 to vector<16xf32>
      %max3A_2012 = arith.maximumf %sub3A_2009, %max3A_2011 : vector<16xf32>
      %mul3A_2013 = arith.mulf %max3A_2008, %max3A_2012 : vector<16xf32>
      %get3A_2014 = arith.index_cast %add3A_1992 : i32 to index
      %get3A_2015 = tpu.vector_load %arg13[%get3A_2014] {strides = array<i32>} : memref<5120xf32, #tpu.memory_space<vmem>>, vector<16xf32>,
      %add3A_2016 = arith.addf %get3A_2015, %gather3A_1807 : vector<16xf32>
      %sub3A_2017 = arith.subf %add3A_2016, %mul3A_2013 : vector<16xf32>
      %mul3A_2018 = arith.constant 0x4C000000 : f32
      %mul3A_2019 = vector.broadcast %mul3A_2018 : f32 to vector<16xf32>
      %mul3A_2020 = arith.mulf %mul3A_2019, %mul3A_2013 : vector<16xf32>
      %mul3A_2021 = arith.constant 0x4B800000 : f32
      %mul3A_2022 = vector.broadcast %mul3A_2021 : f32 to vector<16xf32>
      %mul3A_2023 = arith.mulf %mul3A_2022, %sub3A_2017 : vector<16xf32>
      %sub3A_2024 = arith.subf %mul3A_2020, %mul3A_2023 : vector<16xf32>
      %gt3A_2025 = arith.cmpf ogt, %sub3A_2024, %sub3A_2017 : vector<16xf32>
      %and3A_2026 = arith.andi %gt3A_2025, %gt3A_1757 : vector<16xi1>
      %select_n3A_2027 = arith.select %and3A_2026, %broadcast_in_dim3A_51, %select_n3A_878 : vector<16xi1>, vector<16xf32>
      %broadcast_in_dim3A_2028 = arith.constant 64 : i32
      %broadcast_in_dim3A_2029 = vector.broadcast %broadcast_in_dim3A_2028 : i32 to vector<16xi32>
      %add3A_2030 = arith.addi %iota3A, %broadcast_in_dim3A_2029 : vector<16xi32>
      %add3A_2031 = arith.addi %add3A_2030, %broadcast_in_dim3A_58 : vector<16xi32>
      %gt3A_2032 = arith.cmpf ogt, %select_n3A_2027, %select_n3A_1989 : vector<16xf32>
      %select_n3A_2033 = arith.select %gt3A_2032, %select_n3A_2027, %select_n3A_1989 : vector<16xi1>, vector<16xf32>
      %select_n3A_2034 = arith.select %gt3A_2032, %add3A_2031, %select_n3A_1990 : vector<16xi1>, vector<16xi32>
      %add3A_2035 = arith.constant 80 : i32
      %add3A_2036 = arith.addi %mul3A_0, %add3A_2035 : i32
      %get3A_2037 = arith.index_cast %add3A_2036 : i32 to index
      %get3A_2038 = tpu.vector_load %arg9[%get3A_2037] {strides = array<i32>} : memref<5120xf32, #tpu.memory_space<vmem>>, vector<16xf32>,
      %max3A_2039 = arith.maximumf %get3A_2038, %gather3A_1767 : vector<16xf32>
      %get3A_2040 = arith.index_cast %add3A_2036 : i32 to index
      %get3A_2041 = tpu.vector_load %arg10[%get3A_2040] {strides = array<i32>} : memref<5120xf32, #tpu.memory_space<vmem>>, vector<16xf32>,
      %min3A_2042 = arith.minimumf %get3A_2041, %gather3A_1777 : vector<16xf32>
      %get3A_2043 = arith.index_cast %add3A_2036 : i32 to index
      %get3A_2044 = tpu.vector_load %arg11[%get3A_2043] {strides = array<i32>} : memref<5120xf32, #tpu.memory_space<vmem>>, vector<16xf32>,
      %max3A_2045 = arith.maximumf %get3A_2044, %gather3A_1787 : vector<16xf32>
      %get3A_2046 = arith.index_cast %add3A_2036 : i32 to index
      %get3A_2047 = tpu.vector_load %arg12[%get3A_2046] {strides = array<i32>} : memref<5120xf32, #tpu.memory_space<vmem>>, vector<16xf32>,
      %min3A_2048 = arith.minimumf %get3A_2047, %gather3A_1797 : vector<16xf32>
      %sub3A_2049 = arith.subf %min3A_2042, %max3A_2039 : vector<16xf32>
      %max3A_2050 = arith.constant 0.000000e+00 : f32
      %max3A_2051 = vector.broadcast %max3A_2050 : f32 to vector<16xf32>
      %max3A_2052 = arith.maximumf %sub3A_2049, %max3A_2051 : vector<16xf32>
      %sub3A_2053 = arith.subf %min3A_2048, %max3A_2045 : vector<16xf32>
      %max3A_2054 = arith.constant 0.000000e+00 : f32
      %max3A_2055 = vector.broadcast %max3A_2054 : f32 to vector<16xf32>
      %max3A_2056 = arith.maximumf %sub3A_2053, %max3A_2055 : vector<16xf32>
      %mul3A_2057 = arith.mulf %max3A_2052, %max3A_2056 : vector<16xf32>
      %get3A_2058 = arith.index_cast %add3A_2036 : i32 to index
      %get3A_2059 = tpu.vector_load %arg13[%get3A_2058] {strides = array<i32>} : memref<5120xf32, #tpu.memory_space<vmem>>, vector<16xf32>,
      %add3A_2060 = arith.addf %get3A_2059, %gather3A_1807 : vector<16xf32>
      %sub3A_2061 = arith.subf %add3A_2060, %mul3A_2057 : vector<16xf32>
      %mul3A_2062 = arith.constant 0x4C000000 : f32
      %mul3A_2063 = vector.broadcast %mul3A_2062 : f32 to vector<16xf32>
      %mul3A_2064 = arith.mulf %mul3A_2063, %mul3A_2057 : vector<16xf32>
      %mul3A_2065 = arith.constant 0x4B800000 : f32
      %mul3A_2066 = vector.broadcast %mul3A_2065 : f32 to vector<16xf32>
      %mul3A_2067 = arith.mulf %mul3A_2066, %sub3A_2061 : vector<16xf32>
      %sub3A_2068 = arith.subf %mul3A_2064, %mul3A_2067 : vector<16xf32>
      %gt3A_2069 = arith.cmpf ogt, %sub3A_2068, %sub3A_2061 : vector<16xf32>
      %and3A_2070 = arith.andi %gt3A_2069, %gt3A_1757 : vector<16xi1>
      %select_n3A_2071 = arith.select %and3A_2070, %broadcast_in_dim3A_51, %select_n3A_922 : vector<16xi1>, vector<16xf32>
      %broadcast_in_dim3A_2072 = arith.constant 80 : i32
      %broadcast_in_dim3A_2073 = vector.broadcast %broadcast_in_dim3A_2072 : i32 to vector<16xi32>
      %add3A_2074 = arith.addi %iota3A, %broadcast_in_dim3A_2073 : vector<16xi32>
      %add3A_2075 = arith.addi %add3A_2074, %broadcast_in_dim3A_58 : vector<16xi32>
      %gt3A_2076 = arith.cmpf ogt, %select_n3A_2071, %select_n3A_2033 : vector<16xf32>
      %select_n3A_2077 = arith.select %gt3A_2076, %select_n3A_2071, %select_n3A_2033 : vector<16xi1>, vector<16xf32>
      %select_n3A_2078 = arith.select %gt3A_2076, %add3A_2075, %select_n3A_2034 : vector<16xi1>, vector<16xi32>
      %add3A_2079 = arith.constant 96 : i32
      %add3A_2080 = arith.addi %mul3A_0, %add3A_2079 : i32
      %get3A_2081 = arith.index_cast %add3A_2080 : i32 to index
      %get3A_2082 = tpu.vector_load %arg9[%get3A_2081] {strides = array<i32>} : memref<5120xf32, #tpu.memory_space<vmem>>, vector<16xf32>,
      %max3A_2083 = arith.maximumf %get3A_2082, %gather3A_1767 : vector<16xf32>
      %get3A_2084 = arith.index_cast %add3A_2080 : i32 to index
      %get3A_2085 = tpu.vector_load %arg10[%get3A_2084] {strides = array<i32>} : memref<5120xf32, #tpu.memory_space<vmem>>, vector<16xf32>,
      %min3A_2086 = arith.minimumf %get3A_2085, %gather3A_1777 : vector<16xf32>
      %get3A_2087 = arith.index_cast %add3A_2080 : i32 to index
      %get3A_2088 = tpu.vector_load %arg11[%get3A_2087] {strides = array<i32>} : memref<5120xf32, #tpu.memory_space<vmem>>, vector<16xf32>,
      %max3A_2089 = arith.maximumf %get3A_2088, %gather3A_1787 : vector<16xf32>
      %get3A_2090 = arith.index_cast %add3A_2080 : i32 to index
      %get3A_2091 = tpu.vector_load %arg12[%get3A_2090] {strides = array<i32>} : memref<5120xf32, #tpu.memory_space<vmem>>, vector<16xf32>,
      %min3A_2092 = arith.minimumf %get3A_2091, %gather3A_1797 : vector<16xf32>
      %sub3A_2093 = arith.subf %min3A_2086, %max3A_2083 : vector<16xf32>
      %max3A_2094 = arith.constant 0.000000e+00 : f32
      %max3A_2095 = vector.broadcast %max3A_2094 : f32 to vector<16xf32>
      %max3A_2096 = arith.maximumf %sub3A_2093, %max3A_2095 : vector<16xf32>
      %sub3A_2097 = arith.subf %min3A_2092, %max3A_2089 : vector<16xf32>
      %max3A_2098 = arith.constant 0.000000e+00 : f32
      %max3A_2099 = vector.broadcast %max3A_2098 : f32 to vector<16xf32>
      %max3A_2100 = arith.maximumf %sub3A_2097, %max3A_2099 : vector<16xf32>
      %mul3A_2101 = arith.mulf %max3A_2096, %max3A_2100 : vector<16xf32>
      %get3A_2102 = arith.index_cast %add3A_2080 : i32 to index
      %get3A_2103 = tpu.vector_load %arg13[%get3A_2102] {strides = array<i32>} : memref<5120xf32, #tpu.memory_space<vmem>>, vector<16xf32>,
      %add3A_2104 = arith.addf %get3A_2103, %gather3A_1807 : vector<16xf32>
      %sub3A_2105 = arith.subf %add3A_2104, %mul3A_2101 : vector<16xf32>
      %mul3A_2106 = arith.constant 0x4C000000 : f32
      %mul3A_2107 = vector.broadcast %mul3A_2106 : f32 to vector<16xf32>
      %mul3A_2108 = arith.mulf %mul3A_2107, %mul3A_2101 : vector<16xf32>
      %mul3A_2109 = arith.constant 0x4B800000 : f32
      %mul3A_2110 = vector.broadcast %mul3A_2109 : f32 to vector<16xf32>
      %mul3A_2111 = arith.mulf %mul3A_2110, %sub3A_2105 : vector<16xf32>
      %sub3A_2112 = arith.subf %mul3A_2108, %mul3A_2111 : vector<16xf32>
      %gt3A_2113 = arith.cmpf ogt, %sub3A_2112, %sub3A_2105 : vector<16xf32>
      %and3A_2114 = arith.andi %gt3A_2113, %gt3A_1757 : vector<16xi1>
      %select_n3A_2115 = arith.select %and3A_2114, %broadcast_in_dim3A_51, %select_n3A_966 : vector<16xi1>, vector<16xf32>
      %broadcast_in_dim3A_2116 = arith.constant 96 : i32
      %broadcast_in_dim3A_2117 = vector.broadcast %broadcast_in_dim3A_2116 : i32 to vector<16xi32>
      %add3A_2118 = arith.addi %iota3A, %broadcast_in_dim3A_2117 : vector<16xi32>
      %add3A_2119 = arith.addi %add3A_2118, %broadcast_in_dim3A_58 : vector<16xi32>
      %gt3A_2120 = arith.cmpf ogt, %select_n3A_2115, %select_n3A_2077 : vector<16xf32>
      %select_n3A_2121 = arith.select %gt3A_2120, %select_n3A_2115, %select_n3A_2077 : vector<16xi1>, vector<16xf32>
      %select_n3A_2122 = arith.select %gt3A_2120, %add3A_2119, %select_n3A_2078 : vector<16xi1>, vector<16xi32>
      %add3A_2123 = arith.constant 112 : i32
      %add3A_2124 = arith.addi %mul3A_0, %add3A_2123 : i32
      %get3A_2125 = arith.index_cast %add3A_2124 : i32 to index
      %get3A_2126 = tpu.vector_load %arg9[%get3A_2125] {strides = array<i32>} : memref<5120xf32, #tpu.memory_space<vmem>>, vector<16xf32>,
      %max3A_2127 = arith.maximumf %get3A_2126, %gather3A_1767 : vector<16xf32>
      %get3A_2128 = arith.index_cast %add3A_2124 : i32 to index
      %get3A_2129 = tpu.vector_load %arg10[%get3A_2128] {strides = array<i32>} : memref<5120xf32, #tpu.memory_space<vmem>>, vector<16xf32>,
      %min3A_2130 = arith.minimumf %get3A_2129, %gather3A_1777 : vector<16xf32>
      %get3A_2131 = arith.index_cast %add3A_2124 : i32 to index
      %get3A_2132 = tpu.vector_load %arg11[%get3A_2131] {strides = array<i32>} : memref<5120xf32, #tpu.memory_space<vmem>>, vector<16xf32>,
      %max3A_2133 = arith.maximumf %get3A_2132, %gather3A_1787 : vector<16xf32>
      %get3A_2134 = arith.index_cast %add3A_2124 : i32 to index
      %get3A_2135 = tpu.vector_load %arg12[%get3A_2134] {strides = array<i32>} : memref<5120xf32, #tpu.memory_space<vmem>>, vector<16xf32>,
      %min3A_2136 = arith.minimumf %get3A_2135, %gather3A_1797 : vector<16xf32>
      %sub3A_2137 = arith.subf %min3A_2130, %max3A_2127 : vector<16xf32>
      %max3A_2138 = arith.constant 0.000000e+00 : f32
      %max3A_2139 = vector.broadcast %max3A_2138 : f32 to vector<16xf32>
      %max3A_2140 = arith.maximumf %sub3A_2137, %max3A_2139 : vector<16xf32>
      %sub3A_2141 = arith.subf %min3A_2136, %max3A_2133 : vector<16xf32>
      %max3A_2142 = arith.constant 0.000000e+00 : f32
      %max3A_2143 = vector.broadcast %max3A_2142 : f32 to vector<16xf32>
      %max3A_2144 = arith.maximumf %sub3A_2141, %max3A_2143 : vector<16xf32>
      %mul3A_2145 = arith.mulf %max3A_2140, %max3A_2144 : vector<16xf32>
      %get3A_2146 = arith.index_cast %add3A_2124 : i32 to index
      %get3A_2147 = tpu.vector_load %arg13[%get3A_2146] {strides = array<i32>} : memref<5120xf32, #tpu.memory_space<vmem>>, vector<16xf32>,
      %add3A_2148 = arith.addf %get3A_2147, %gather3A_1807 : vector<16xf32>
      %sub3A_2149 = arith.subf %add3A_2148, %mul3A_2145 : vector<16xf32>
      %mul3A_2150 = arith.constant 0x4C000000 : f32
      %mul3A_2151 = vector.broadcast %mul3A_2150 : f32 to vector<16xf32>
      %mul3A_2152 = arith.mulf %mul3A_2151, %mul3A_2145 : vector<16xf32>
      %mul3A_2153 = arith.constant 0x4B800000 : f32
      %mul3A_2154 = vector.broadcast %mul3A_2153 : f32 to vector<16xf32>
      %mul3A_2155 = arith.mulf %mul3A_2154, %sub3A_2149 : vector<16xf32>
      %sub3A_2156 = arith.subf %mul3A_2152, %mul3A_2155 : vector<16xf32>
      %gt3A_2157 = arith.cmpf ogt, %sub3A_2156, %sub3A_2149 : vector<16xf32>
      %and3A_2158 = arith.andi %gt3A_2157, %gt3A_1757 : vector<16xi1>
      %select_n3A_2159 = arith.select %and3A_2158, %broadcast_in_dim3A_51, %select_n3A_1010 : vector<16xi1>, vector<16xf32>
      %broadcast_in_dim3A_2160 = arith.constant 112 : i32
      %broadcast_in_dim3A_2161 = vector.broadcast %broadcast_in_dim3A_2160 : i32 to vector<16xi32>
      %add3A_2162 = arith.addi %iota3A, %broadcast_in_dim3A_2161 : vector<16xi32>
      %add3A_2163 = arith.addi %add3A_2162, %broadcast_in_dim3A_58 : vector<16xi32>
      %gt3A_2164 = arith.cmpf ogt, %select_n3A_2159, %select_n3A_2121 : vector<16xf32>
      %select_n3A_2165 = arith.select %gt3A_2164, %select_n3A_2159, %select_n3A_2121 : vector<16xi1>, vector<16xf32>
      %select_n3A_2166 = arith.select %gt3A_2164, %add3A_2163, %select_n3A_2122 : vector<16xi1>, vector<16xi32>
      %add3A_2167 = arith.constant 128 : i32
      %add3A_2168 = arith.addi %mul3A_0, %add3A_2167 : i32
      %get3A_2169 = arith.index_cast %add3A_2168 : i32 to index
      %get3A_2170 = tpu.vector_load %arg9[%get3A_2169] {strides = array<i32>} : memref<5120xf32, #tpu.memory_space<vmem>>, vector<16xf32>,
      %max3A_2171 = arith.maximumf %get3A_2170, %gather3A_1767 : vector<16xf32>
      %get3A_2172 = arith.index_cast %add3A_2168 : i32 to index
      %get3A_2173 = tpu.vector_load %arg10[%get3A_2172] {strides = array<i32>} : memref<5120xf32, #tpu.memory_space<vmem>>, vector<16xf32>,
      %min3A_2174 = arith.minimumf %get3A_2173, %gather3A_1777 : vector<16xf32>
      %get3A_2175 = arith.index_cast %add3A_2168 : i32 to index
      %get3A_2176 = tpu.vector_load %arg11[%get3A_2175] {strides = array<i32>} : memref<5120xf32, #tpu.memory_space<vmem>>, vector<16xf32>,
      %max3A_2177 = arith.maximumf %get3A_2176, %gather3A_1787 : vector<16xf32>
      %get3A_2178 = arith.index_cast %add3A_2168 : i32 to index
      %get3A_2179 = tpu.vector_load %arg12[%get3A_2178] {strides = array<i32>} : memref<5120xf32, #tpu.memory_space<vmem>>, vector<16xf32>,
      %min3A_2180 = arith.minimumf %get3A_2179, %gather3A_1797 : vector<16xf32>
      %sub3A_2181 = arith.subf %min3A_2174, %max3A_2171 : vector<16xf32>
      %max3A_2182 = arith.constant 0.000000e+00 : f32
      %max3A_2183 = vector.broadcast %max3A_2182 : f32 to vector<16xf32>
      %max3A_2184 = arith.maximumf %sub3A_2181, %max3A_2183 : vector<16xf32>
      %sub3A_2185 = arith.subf %min3A_2180, %max3A_2177 : vector<16xf32>
      %max3A_2186 = arith.constant 0.000000e+00 : f32
      %max3A_2187 = vector.broadcast %max3A_2186 : f32 to vector<16xf32>
      %max3A_2188 = arith.maximumf %sub3A_2185, %max3A_2187 : vector<16xf32>
      %mul3A_2189 = arith.mulf %max3A_2184, %max3A_2188 : vector<16xf32>
      %get3A_2190 = arith.index_cast %add3A_2168 : i32 to index
      %get3A_2191 = tpu.vector_load %arg13[%get3A_2190] {strides = array<i32>} : memref<5120xf32, #tpu.memory_space<vmem>>, vector<16xf32>,
      %add3A_2192 = arith.addf %get3A_2191, %gather3A_1807 : vector<16xf32>
      %sub3A_2193 = arith.subf %add3A_2192, %mul3A_2189 : vector<16xf32>
      %mul3A_2194 = arith.constant 0x4C000000 : f32
      %mul3A_2195 = vector.broadcast %mul3A_2194 : f32 to vector<16xf32>
      %mul3A_2196 = arith.mulf %mul3A_2195, %mul3A_2189 : vector<16xf32>
      %mul3A_2197 = arith.constant 0x4B800000 : f32
      %mul3A_2198 = vector.broadcast %mul3A_2197 : f32 to vector<16xf32>
      %mul3A_2199 = arith.mulf %mul3A_2198, %sub3A_2193 : vector<16xf32>
      %sub3A_2200 = arith.subf %mul3A_2196, %mul3A_2199 : vector<16xf32>
      %gt3A_2201 = arith.cmpf ogt, %sub3A_2200, %sub3A_2193 : vector<16xf32>
      %and3A_2202 = arith.andi %gt3A_2201, %gt3A_1757 : vector<16xi1>
      %select_n3A_2203 = arith.select %and3A_2202, %broadcast_in_dim3A_51, %select_n3A_1054 : vector<16xi1>, vector<16xf32>
      %broadcast_in_dim3A_2204 = arith.constant 128 : i32
      %broadcast_in_dim3A_2205 = vector.broadcast %broadcast_in_dim3A_2204 : i32 to vector<16xi32>
      %add3A_2206 = arith.addi %iota3A, %broadcast_in_dim3A_2205 : vector<16xi32>
      %add3A_2207 = arith.addi %add3A_2206, %broadcast_in_dim3A_58 : vector<16xi32>
      %gt3A_2208 = arith.cmpf ogt, %select_n3A_2203, %select_n3A_2165 : vector<16xf32>
      %select_n3A_2209 = arith.select %gt3A_2208, %select_n3A_2203, %select_n3A_2165 : vector<16xi1>, vector<16xf32>
      %select_n3A_2210 = arith.select %gt3A_2208, %add3A_2207, %select_n3A_2166 : vector<16xi1>, vector<16xi32>
      %add3A_2211 = arith.constant 144 : i32
      %add3A_2212 = arith.addi %mul3A_0, %add3A_2211 : i32
      %get3A_2213 = arith.index_cast %add3A_2212 : i32 to index
      %get3A_2214 = tpu.vector_load %arg9[%get3A_2213] {strides = array<i32>} : memref<5120xf32, #tpu.memory_space<vmem>>, vector<16xf32>,
      %max3A_2215 = arith.maximumf %get3A_2214, %gather3A_1767 : vector<16xf32>
      %get3A_2216 = arith.index_cast %add3A_2212 : i32 to index
      %get3A_2217 = tpu.vector_load %arg10[%get3A_2216] {strides = array<i32>} : memref<5120xf32, #tpu.memory_space<vmem>>, vector<16xf32>,
      %min3A_2218 = arith.minimumf %get3A_2217, %gather3A_1777 : vector<16xf32>
      %get3A_2219 = arith.index_cast %add3A_2212 : i32 to index
      %get3A_2220 = tpu.vector_load %arg11[%get3A_2219] {strides = array<i32>} : memref<5120xf32, #tpu.memory_space<vmem>>, vector<16xf32>,
      %max3A_2221 = arith.maximumf %get3A_2220, %gather3A_1787 : vector<16xf32>
      %get3A_2222 = arith.index_cast %add3A_2212 : i32 to index
      %get3A_2223 = tpu.vector_load %arg12[%get3A_2222] {strides = array<i32>} : memref<5120xf32, #tpu.memory_space<vmem>>, vector<16xf32>,
      %min3A_2224 = arith.minimumf %get3A_2223, %gather3A_1797 : vector<16xf32>
      %sub3A_2225 = arith.subf %min3A_2218, %max3A_2215 : vector<16xf32>
      %max3A_2226 = arith.constant 0.000000e+00 : f32
      %max3A_2227 = vector.broadcast %max3A_2226 : f32 to vector<16xf32>
      %max3A_2228 = arith.maximumf %sub3A_2225, %max3A_2227 : vector<16xf32>
      %sub3A_2229 = arith.subf %min3A_2224, %max3A_2221 : vector<16xf32>
      %max3A_2230 = arith.constant 0.000000e+00 : f32
      %max3A_2231 = vector.broadcast %max3A_2230 : f32 to vector<16xf32>
      %max3A_2232 = arith.maximumf %sub3A_2229, %max3A_2231 : vector<16xf32>
      %mul3A_2233 = arith.mulf %max3A_2228, %max3A_2232 : vector<16xf32>
      %get3A_2234 = arith.index_cast %add3A_2212 : i32 to index
      %get3A_2235 = tpu.vector_load %arg13[%get3A_2234] {strides = array<i32>} : memref<5120xf32, #tpu.memory_space<vmem>>, vector<16xf32>,
      %add3A_2236 = arith.addf %get3A_2235, %gather3A_1807 : vector<16xf32>
      %sub3A_2237 = arith.subf %add3A_2236, %mul3A_2233 : vector<16xf32>
      %mul3A_2238 = arith.constant 0x4C000000 : f32
      %mul3A_2239 = vector.broadcast %mul3A_2238 : f32 to vector<16xf32>
      %mul3A_2240 = arith.mulf %mul3A_2239, %mul3A_2233 : vector<16xf32>
      %mul3A_2241 = arith.constant 0x4B800000 : f32
      %mul3A_2242 = vector.broadcast %mul3A_2241 : f32 to vector<16xf32>
      %mul3A_2243 = arith.mulf %mul3A_2242, %sub3A_2237 : vector<16xf32>
      %sub3A_2244 = arith.subf %mul3A_2240, %mul3A_2243 : vector<16xf32>
      %gt3A_2245 = arith.cmpf ogt, %sub3A_2244, %sub3A_2237 : vector<16xf32>
      %and3A_2246 = arith.andi %gt3A_2245, %gt3A_1757 : vector<16xi1>
      %select_n3A_2247 = arith.select %and3A_2246, %broadcast_in_dim3A_51, %select_n3A_1098 : vector<16xi1>, vector<16xf32>
      %broadcast_in_dim3A_2248 = arith.constant 144 : i32
      %broadcast_in_dim3A_2249 = vector.broadcast %broadcast_in_dim3A_2248 : i32 to vector<16xi32>
      %add3A_2250 = arith.addi %iota3A, %broadcast_in_dim3A_2249 : vector<16xi32>
      %add3A_2251 = arith.addi %add3A_2250, %broadcast_in_dim3A_58 : vector<16xi32>
      %gt3A_2252 = arith.cmpf ogt, %select_n3A_2247, %select_n3A_2209 : vector<16xf32>
      %select_n3A_2253 = arith.select %gt3A_2252, %select_n3A_2247, %select_n3A_2209 : vector<16xi1>, vector<16xf32>
      %select_n3A_2254 = arith.select %gt3A_2252, %add3A_2251, %select_n3A_2210 : vector<16xi1>, vector<16xi32>
      %add3A_2255 = arith.constant 160 : i32
      %add3A_2256 = arith.addi %mul3A_0, %add3A_2255 : i32
      %get3A_2257 = arith.index_cast %add3A_2256 : i32 to index
      %get3A_2258 = tpu.vector_load %arg9[%get3A_2257] {strides = array<i32>} : memref<5120xf32, #tpu.memory_space<vmem>>, vector<16xf32>,
      %max3A_2259 = arith.maximumf %get3A_2258, %gather3A_1767 : vector<16xf32>
      %get3A_2260 = arith.index_cast %add3A_2256 : i32 to index
      %get3A_2261 = tpu.vector_load %arg10[%get3A_2260] {strides = array<i32>} : memref<5120xf32, #tpu.memory_space<vmem>>, vector<16xf32>,
      %min3A_2262 = arith.minimumf %get3A_2261, %gather3A_1777 : vector<16xf32>
      %get3A_2263 = arith.index_cast %add3A_2256 : i32 to index
      %get3A_2264 = tpu.vector_load %arg11[%get3A_2263] {strides = array<i32>} : memref<5120xf32, #tpu.memory_space<vmem>>, vector<16xf32>,
      %max3A_2265 = arith.maximumf %get3A_2264, %gather3A_1787 : vector<16xf32>
      %get3A_2266 = arith.index_cast %add3A_2256 : i32 to index
      %get3A_2267 = tpu.vector_load %arg12[%get3A_2266] {strides = array<i32>} : memref<5120xf32, #tpu.memory_space<vmem>>, vector<16xf32>,
      %min3A_2268 = arith.minimumf %get3A_2267, %gather3A_1797 : vector<16xf32>
      %sub3A_2269 = arith.subf %min3A_2262, %max3A_2259 : vector<16xf32>
      %max3A_2270 = arith.constant 0.000000e+00 : f32
      %max3A_2271 = vector.broadcast %max3A_2270 : f32 to vector<16xf32>
      %max3A_2272 = arith.maximumf %sub3A_2269, %max3A_2271 : vector<16xf32>
      %sub3A_2273 = arith.subf %min3A_2268, %max3A_2265 : vector<16xf32>
      %max3A_2274 = arith.constant 0.000000e+00 : f32
      %max3A_2275 = vector.broadcast %max3A_2274 : f32 to vector<16xf32>
      %max3A_2276 = arith.maximumf %sub3A_2273, %max3A_2275 : vector<16xf32>
      %mul3A_2277 = arith.mulf %max3A_2272, %max3A_2276 : vector<16xf32>
      %get3A_2278 = arith.index_cast %add3A_2256 : i32 to index
      %get3A_2279 = tpu.vector_load %arg13[%get3A_2278] {strides = array<i32>} : memref<5120xf32, #tpu.memory_space<vmem>>, vector<16xf32>,
      %add3A_2280 = arith.addf %get3A_2279, %gather3A_1807 : vector<16xf32>
      %sub3A_2281 = arith.subf %add3A_2280, %mul3A_2277 : vector<16xf32>
      %mul3A_2282 = arith.constant 0x4C000000 : f32
      %mul3A_2283 = vector.broadcast %mul3A_2282 : f32 to vector<16xf32>
      %mul3A_2284 = arith.mulf %mul3A_2283, %mul3A_2277 : vector<16xf32>
      %mul3A_2285 = arith.constant 0x4B800000 : f32
      %mul3A_2286 = vector.broadcast %mul3A_2285 : f32 to vector<16xf32>
      %mul3A_2287 = arith.mulf %mul3A_2286, %sub3A_2281 : vector<16xf32>
      %sub3A_2288 = arith.subf %mul3A_2284, %mul3A_2287 : vector<16xf32>
      %gt3A_2289 = arith.cmpf ogt, %sub3A_2288, %sub3A_2281 : vector<16xf32>
      %and3A_2290 = arith.andi %gt3A_2289, %gt3A_1757 : vector<16xi1>
      %select_n3A_2291 = arith.select %and3A_2290, %broadcast_in_dim3A_51, %select_n3A_1142 : vector<16xi1>, vector<16xf32>
      %broadcast_in_dim3A_2292 = arith.constant 160 : i32
      %broadcast_in_dim3A_2293 = vector.broadcast %broadcast_in_dim3A_2292 : i32 to vector<16xi32>
      %add3A_2294 = arith.addi %iota3A, %broadcast_in_dim3A_2293 : vector<16xi32>
      %add3A_2295 = arith.addi %add3A_2294, %broadcast_in_dim3A_58 : vector<16xi32>
      %gt3A_2296 = arith.cmpf ogt, %select_n3A_2291, %select_n3A_2253 : vector<16xf32>
      %select_n3A_2297 = arith.select %gt3A_2296, %select_n3A_2291, %select_n3A_2253 : vector<16xi1>, vector<16xf32>
      %select_n3A_2298 = arith.select %gt3A_2296, %add3A_2295, %select_n3A_2254 : vector<16xi1>, vector<16xi32>
      %add3A_2299 = arith.constant 176 : i32
      %add3A_2300 = arith.addi %mul3A_0, %add3A_2299 : i32
      %get3A_2301 = arith.index_cast %add3A_2300 : i32 to index
      %get3A_2302 = tpu.vector_load %arg9[%get3A_2301] {strides = array<i32>} : memref<5120xf32, #tpu.memory_space<vmem>>, vector<16xf32>,
      %max3A_2303 = arith.maximumf %get3A_2302, %gather3A_1767 : vector<16xf32>
      %get3A_2304 = arith.index_cast %add3A_2300 : i32 to index
      %get3A_2305 = tpu.vector_load %arg10[%get3A_2304] {strides = array<i32>} : memref<5120xf32, #tpu.memory_space<vmem>>, vector<16xf32>,
      %min3A_2306 = arith.minimumf %get3A_2305, %gather3A_1777 : vector<16xf32>
      %get3A_2307 = arith.index_cast %add3A_2300 : i32 to index
      %get3A_2308 = tpu.vector_load %arg11[%get3A_2307] {strides = array<i32>} : memref<5120xf32, #tpu.memory_space<vmem>>, vector<16xf32>,
      %max3A_2309 = arith.maximumf %get3A_2308, %gather3A_1787 : vector<16xf32>
      %get3A_2310 = arith.index_cast %add3A_2300 : i32 to index
      %get3A_2311 = tpu.vector_load %arg12[%get3A_2310] {strides = array<i32>} : memref<5120xf32, #tpu.memory_space<vmem>>, vector<16xf32>,
      %min3A_2312 = arith.minimumf %get3A_2311, %gather3A_1797 : vector<16xf32>
      %sub3A_2313 = arith.subf %min3A_2306, %max3A_2303 : vector<16xf32>
      %max3A_2314 = arith.constant 0.000000e+00 : f32
      %max3A_2315 = vector.broadcast %max3A_2314 : f32 to vector<16xf32>
      %max3A_2316 = arith.maximumf %sub3A_2313, %max3A_2315 : vector<16xf32>
      %sub3A_2317 = arith.subf %min3A_2312, %max3A_2309 : vector<16xf32>
      %max3A_2318 = arith.constant 0.000000e+00 : f32
      %max3A_2319 = vector.broadcast %max3A_2318 : f32 to vector<16xf32>
      %max3A_2320 = arith.maximumf %sub3A_2317, %max3A_2319 : vector<16xf32>
      %mul3A_2321 = arith.mulf %max3A_2316, %max3A_2320 : vector<16xf32>
      %get3A_2322 = arith.index_cast %add3A_2300 : i32 to index
      %get3A_2323 = tpu.vector_load %arg13[%get3A_2322] {strides = array<i32>} : memref<5120xf32, #tpu.memory_space<vmem>>, vector<16xf32>,
      %add3A_2324 = arith.addf %get3A_2323, %gather3A_1807 : vector<16xf32>
      %sub3A_2325 = arith.subf %add3A_2324, %mul3A_2321 : vector<16xf32>
      %mul3A_2326 = arith.constant 0x4C000000 : f32
      %mul3A_2327 = vector.broadcast %mul3A_2326 : f32 to vector<16xf32>
      %mul3A_2328 = arith.mulf %mul3A_2327, %mul3A_2321 : vector<16xf32>
      %mul3A_2329 = arith.constant 0x4B800000 : f32
      %mul3A_2330 = vector.broadcast %mul3A_2329 : f32 to vector<16xf32>
      %mul3A_2331 = arith.mulf %mul3A_2330, %sub3A_2325 : vector<16xf32>
      %sub3A_2332 = arith.subf %mul3A_2328, %mul3A_2331 : vector<16xf32>
      %gt3A_2333 = arith.cmpf ogt, %sub3A_2332, %sub3A_2325 : vector<16xf32>
      %and3A_2334 = arith.andi %gt3A_2333, %gt3A_1757 : vector<16xi1>
      %select_n3A_2335 = arith.select %and3A_2334, %broadcast_in_dim3A_51, %select_n3A_1186 : vector<16xi1>, vector<16xf32>
      %broadcast_in_dim3A_2336 = arith.constant 176 : i32
      %broadcast_in_dim3A_2337 = vector.broadcast %broadcast_in_dim3A_2336 : i32 to vector<16xi32>
      %add3A_2338 = arith.addi %iota3A, %broadcast_in_dim3A_2337 : vector<16xi32>
      %add3A_2339 = arith.addi %add3A_2338, %broadcast_in_dim3A_58 : vector<16xi32>
      %gt3A_2340 = arith.cmpf ogt, %select_n3A_2335, %select_n3A_2297 : vector<16xf32>
      %select_n3A_2341 = arith.select %gt3A_2340, %select_n3A_2335, %select_n3A_2297 : vector<16xi1>, vector<16xf32>
      %select_n3A_2342 = arith.select %gt3A_2340, %add3A_2339, %select_n3A_2298 : vector<16xi1>, vector<16xi32>
      %add3A_2343 = arith.constant 192 : i32
      %add3A_2344 = arith.addi %mul3A_0, %add3A_2343 : i32
      %get3A_2345 = arith.index_cast %add3A_2344 : i32 to index
      %get3A_2346 = tpu.vector_load %arg9[%get3A_2345] {strides = array<i32>} : memref<5120xf32, #tpu.memory_space<vmem>>, vector<16xf32>,
      %max3A_2347 = arith.maximumf %get3A_2346, %gather3A_1767 : vector<16xf32>
      %get3A_2348 = arith.index_cast %add3A_2344 : i32 to index
      %get3A_2349 = tpu.vector_load %arg10[%get3A_2348] {strides = array<i32>} : memref<5120xf32, #tpu.memory_space<vmem>>, vector<16xf32>,
      %min3A_2350 = arith.minimumf %get3A_2349, %gather3A_1777 : vector<16xf32>
      %get3A_2351 = arith.index_cast %add3A_2344 : i32 to index
      %get3A_2352 = tpu.vector_load %arg11[%get3A_2351] {strides = array<i32>} : memref<5120xf32, #tpu.memory_space<vmem>>, vector<16xf32>,
      %max3A_2353 = arith.maximumf %get3A_2352, %gather3A_1787 : vector<16xf32>
      %get3A_2354 = arith.index_cast %add3A_2344 : i32 to index
      %get3A_2355 = tpu.vector_load %arg12[%get3A_2354] {strides = array<i32>} : memref<5120xf32, #tpu.memory_space<vmem>>, vector<16xf32>,
      %min3A_2356 = arith.minimumf %get3A_2355, %gather3A_1797 : vector<16xf32>
      %sub3A_2357 = arith.subf %min3A_2350, %max3A_2347 : vector<16xf32>
      %max3A_2358 = arith.constant 0.000000e+00 : f32
      %max3A_2359 = vector.broadcast %max3A_2358 : f32 to vector<16xf32>
      %max3A_2360 = arith.maximumf %sub3A_2357, %max3A_2359 : vector<16xf32>
      %sub3A_2361 = arith.subf %min3A_2356, %max3A_2353 : vector<16xf32>
      %max3A_2362 = arith.constant 0.000000e+00 : f32
      %max3A_2363 = vector.broadcast %max3A_2362 : f32 to vector<16xf32>
      %max3A_2364 = arith.maximumf %sub3A_2361, %max3A_2363 : vector<16xf32>
      %mul3A_2365 = arith.mulf %max3A_2360, %max3A_2364 : vector<16xf32>
      %get3A_2366 = arith.index_cast %add3A_2344 : i32 to index
      %get3A_2367 = tpu.vector_load %arg13[%get3A_2366] {strides = array<i32>} : memref<5120xf32, #tpu.memory_space<vmem>>, vector<16xf32>,
      %add3A_2368 = arith.addf %get3A_2367, %gather3A_1807 : vector<16xf32>
      %sub3A_2369 = arith.subf %add3A_2368, %mul3A_2365 : vector<16xf32>
      %mul3A_2370 = arith.constant 0x4C000000 : f32
      %mul3A_2371 = vector.broadcast %mul3A_2370 : f32 to vector<16xf32>
      %mul3A_2372 = arith.mulf %mul3A_2371, %mul3A_2365 : vector<16xf32>
      %mul3A_2373 = arith.constant 0x4B800000 : f32
      %mul3A_2374 = vector.broadcast %mul3A_2373 : f32 to vector<16xf32>
      %mul3A_2375 = arith.mulf %mul3A_2374, %sub3A_2369 : vector<16xf32>
      %sub3A_2376 = arith.subf %mul3A_2372, %mul3A_2375 : vector<16xf32>
      %gt3A_2377 = arith.cmpf ogt, %sub3A_2376, %sub3A_2369 : vector<16xf32>
      %and3A_2378 = arith.andi %gt3A_2377, %gt3A_1757 : vector<16xi1>
      %select_n3A_2379 = arith.select %and3A_2378, %broadcast_in_dim3A_51, %select_n3A_1230 : vector<16xi1>, vector<16xf32>
      %broadcast_in_dim3A_2380 = arith.constant 192 : i32
      %broadcast_in_dim3A_2381 = vector.broadcast %broadcast_in_dim3A_2380 : i32 to vector<16xi32>
      %add3A_2382 = arith.addi %iota3A, %broadcast_in_dim3A_2381 : vector<16xi32>
      %add3A_2383 = arith.addi %add3A_2382, %broadcast_in_dim3A_58 : vector<16xi32>
      %gt3A_2384 = arith.cmpf ogt, %select_n3A_2379, %select_n3A_2341 : vector<16xf32>
      %select_n3A_2385 = arith.select %gt3A_2384, %select_n3A_2379, %select_n3A_2341 : vector<16xi1>, vector<16xf32>
      %select_n3A_2386 = arith.select %gt3A_2384, %add3A_2383, %select_n3A_2342 : vector<16xi1>, vector<16xi32>
      %add3A_2387 = arith.constant 208 : i32
      %add3A_2388 = arith.addi %mul3A_0, %add3A_2387 : i32
      %get3A_2389 = arith.index_cast %add3A_2388 : i32 to index
      %get3A_2390 = tpu.vector_load %arg9[%get3A_2389] {strides = array<i32>} : memref<5120xf32, #tpu.memory_space<vmem>>, vector<16xf32>,
      %max3A_2391 = arith.maximumf %get3A_2390, %gather3A_1767 : vector<16xf32>
      %get3A_2392 = arith.index_cast %add3A_2388 : i32 to index
      %get3A_2393 = tpu.vector_load %arg10[%get3A_2392] {strides = array<i32>} : memref<5120xf32, #tpu.memory_space<vmem>>, vector<16xf32>,
      %min3A_2394 = arith.minimumf %get3A_2393, %gather3A_1777 : vector<16xf32>
      %get3A_2395 = arith.index_cast %add3A_2388 : i32 to index
      %get3A_2396 = tpu.vector_load %arg11[%get3A_2395] {strides = array<i32>} : memref<5120xf32, #tpu.memory_space<vmem>>, vector<16xf32>,
      %max3A_2397 = arith.maximumf %get3A_2396, %gather3A_1787 : vector<16xf32>
      %get3A_2398 = arith.index_cast %add3A_2388 : i32 to index
      %get3A_2399 = tpu.vector_load %arg12[%get3A_2398] {strides = array<i32>} : memref<5120xf32, #tpu.memory_space<vmem>>, vector<16xf32>,
      %min3A_2400 = arith.minimumf %get3A_2399, %gather3A_1797 : vector<16xf32>
      %sub3A_2401 = arith.subf %min3A_2394, %max3A_2391 : vector<16xf32>
      %max3A_2402 = arith.constant 0.000000e+00 : f32
      %max3A_2403 = vector.broadcast %max3A_2402 : f32 to vector<16xf32>
      %max3A_2404 = arith.maximumf %sub3A_2401, %max3A_2403 : vector<16xf32>
      %sub3A_2405 = arith.subf %min3A_2400, %max3A_2397 : vector<16xf32>
      %max3A_2406 = arith.constant 0.000000e+00 : f32
      %max3A_2407 = vector.broadcast %max3A_2406 : f32 to vector<16xf32>
      %max3A_2408 = arith.maximumf %sub3A_2405, %max3A_2407 : vector<16xf32>
      %mul3A_2409 = arith.mulf %max3A_2404, %max3A_2408 : vector<16xf32>
      %get3A_2410 = arith.index_cast %add3A_2388 : i32 to index
      %get3A_2411 = tpu.vector_load %arg13[%get3A_2410] {strides = array<i32>} : memref<5120xf32, #tpu.memory_space<vmem>>, vector<16xf32>,
      %add3A_2412 = arith.addf %get3A_2411, %gather3A_1807 : vector<16xf32>
      %sub3A_2413 = arith.subf %add3A_2412, %mul3A_2409 : vector<16xf32>
      %mul3A_2414 = arith.constant 0x4C000000 : f32
      %mul3A_2415 = vector.broadcast %mul3A_2414 : f32 to vector<16xf32>
      %mul3A_2416 = arith.mulf %mul3A_2415, %mul3A_2409 : vector<16xf32>
      %mul3A_2417 = arith.constant 0x4B800000 : f32
      %mul3A_2418 = vector.broadcast %mul3A_2417 : f32 to vector<16xf32>
      %mul3A_2419 = arith.mulf %mul3A_2418, %sub3A_2413 : vector<16xf32>
      %sub3A_2420 = arith.subf %mul3A_2416, %mul3A_2419 : vector<16xf32>
      %gt3A_2421 = arith.cmpf ogt, %sub3A_2420, %sub3A_2413 : vector<16xf32>
      %and3A_2422 = arith.andi %gt3A_2421, %gt3A_1757 : vector<16xi1>
      %select_n3A_2423 = arith.select %and3A_2422, %broadcast_in_dim3A_51, %select_n3A_1274 : vector<16xi1>, vector<16xf32>
      %broadcast_in_dim3A_2424 = arith.constant 208 : i32
      %broadcast_in_dim3A_2425 = vector.broadcast %broadcast_in_dim3A_2424 : i32 to vector<16xi32>
      %add3A_2426 = arith.addi %iota3A, %broadcast_in_dim3A_2425 : vector<16xi32>
      %add3A_2427 = arith.addi %add3A_2426, %broadcast_in_dim3A_58 : vector<16xi32>
      %gt3A_2428 = arith.cmpf ogt, %select_n3A_2423, %select_n3A_2385 : vector<16xf32>
      %select_n3A_2429 = arith.select %gt3A_2428, %select_n3A_2423, %select_n3A_2385 : vector<16xi1>, vector<16xf32>
      %select_n3A_2430 = arith.select %gt3A_2428, %add3A_2427, %select_n3A_2386 : vector<16xi1>, vector<16xi32>
      %add3A_2431 = arith.constant 224 : i32
      %add3A_2432 = arith.addi %mul3A_0, %add3A_2431 : i32
      %get3A_2433 = arith.index_cast %add3A_2432 : i32 to index
      %get3A_2434 = tpu.vector_load %arg9[%get3A_2433] {strides = array<i32>} : memref<5120xf32, #tpu.memory_space<vmem>>, vector<16xf32>,
      %max3A_2435 = arith.maximumf %get3A_2434, %gather3A_1767 : vector<16xf32>
      %get3A_2436 = arith.index_cast %add3A_2432 : i32 to index
      %get3A_2437 = tpu.vector_load %arg10[%get3A_2436] {strides = array<i32>} : memref<5120xf32, #tpu.memory_space<vmem>>, vector<16xf32>,
      %min3A_2438 = arith.minimumf %get3A_2437, %gather3A_1777 : vector<16xf32>
      %get3A_2439 = arith.index_cast %add3A_2432 : i32 to index
      %get3A_2440 = tpu.vector_load %arg11[%get3A_2439] {strides = array<i32>} : memref<5120xf32, #tpu.memory_space<vmem>>, vector<16xf32>,
      %max3A_2441 = arith.maximumf %get3A_2440, %gather3A_1787 : vector<16xf32>
      %get3A_2442 = arith.index_cast %add3A_2432 : i32 to index
      %get3A_2443 = tpu.vector_load %arg12[%get3A_2442] {strides = array<i32>} : memref<5120xf32, #tpu.memory_space<vmem>>, vector<16xf32>,
      %min3A_2444 = arith.minimumf %get3A_2443, %gather3A_1797 : vector<16xf32>
      %sub3A_2445 = arith.subf %min3A_2438, %max3A_2435 : vector<16xf32>
      %max3A_2446 = arith.constant 0.000000e+00 : f32
      %max3A_2447 = vector.broadcast %max3A_2446 : f32 to vector<16xf32>
      %max3A_2448 = arith.maximumf %sub3A_2445, %max3A_2447 : vector<16xf32>
      %sub3A_2449 = arith.subf %min3A_2444, %max3A_2441 : vector<16xf32>
      %max3A_2450 = arith.constant 0.000000e+00 : f32
      %max3A_2451 = vector.broadcast %max3A_2450 : f32 to vector<16xf32>
      %max3A_2452 = arith.maximumf %sub3A_2449, %max3A_2451 : vector<16xf32>
      %mul3A_2453 = arith.mulf %max3A_2448, %max3A_2452 : vector<16xf32>
      %get3A_2454 = arith.index_cast %add3A_2432 : i32 to index
      %get3A_2455 = tpu.vector_load %arg13[%get3A_2454] {strides = array<i32>} : memref<5120xf32, #tpu.memory_space<vmem>>, vector<16xf32>,
      %add3A_2456 = arith.addf %get3A_2455, %gather3A_1807 : vector<16xf32>
      %sub3A_2457 = arith.subf %add3A_2456, %mul3A_2453 : vector<16xf32>
      %mul3A_2458 = arith.constant 0x4C000000 : f32
      %mul3A_2459 = vector.broadcast %mul3A_2458 : f32 to vector<16xf32>
      %mul3A_2460 = arith.mulf %mul3A_2459, %mul3A_2453 : vector<16xf32>
      %mul3A_2461 = arith.constant 0x4B800000 : f32
      %mul3A_2462 = vector.broadcast %mul3A_2461 : f32 to vector<16xf32>
      %mul3A_2463 = arith.mulf %mul3A_2462, %sub3A_2457 : vector<16xf32>
      %sub3A_2464 = arith.subf %mul3A_2460, %mul3A_2463 : vector<16xf32>
      %gt3A_2465 = arith.cmpf ogt, %sub3A_2464, %sub3A_2457 : vector<16xf32>
      %and3A_2466 = arith.andi %gt3A_2465, %gt3A_1757 : vector<16xi1>
      %select_n3A_2467 = arith.select %and3A_2466, %broadcast_in_dim3A_51, %select_n3A_1318 : vector<16xi1>, vector<16xf32>
      %broadcast_in_dim3A_2468 = arith.constant 224 : i32
      %broadcast_in_dim3A_2469 = vector.broadcast %broadcast_in_dim3A_2468 : i32 to vector<16xi32>
      %add3A_2470 = arith.addi %iota3A, %broadcast_in_dim3A_2469 : vector<16xi32>
      %add3A_2471 = arith.addi %add3A_2470, %broadcast_in_dim3A_58 : vector<16xi32>
      %gt3A_2472 = arith.cmpf ogt, %select_n3A_2467, %select_n3A_2429 : vector<16xf32>
      %select_n3A_2473 = arith.select %gt3A_2472, %select_n3A_2467, %select_n3A_2429 : vector<16xi1>, vector<16xf32>
      %select_n3A_2474 = arith.select %gt3A_2472, %add3A_2471, %select_n3A_2430 : vector<16xi1>, vector<16xi32>
      %add3A_2475 = arith.constant 240 : i32
      %add3A_2476 = arith.addi %mul3A_0, %add3A_2475 : i32
      %get3A_2477 = arith.index_cast %add3A_2476 : i32 to index
      %get3A_2478 = tpu.vector_load %arg9[%get3A_2477] {strides = array<i32>} : memref<5120xf32, #tpu.memory_space<vmem>>, vector<16xf32>,
      %max3A_2479 = arith.maximumf %get3A_2478, %gather3A_1767 : vector<16xf32>
      %get3A_2480 = arith.index_cast %add3A_2476 : i32 to index
      %get3A_2481 = tpu.vector_load %arg10[%get3A_2480] {strides = array<i32>} : memref<5120xf32, #tpu.memory_space<vmem>>, vector<16xf32>,
      %min3A_2482 = arith.minimumf %get3A_2481, %gather3A_1777 : vector<16xf32>
      %get3A_2483 = arith.index_cast %add3A_2476 : i32 to index
      %get3A_2484 = tpu.vector_load %arg11[%get3A_2483] {strides = array<i32>} : memref<5120xf32, #tpu.memory_space<vmem>>, vector<16xf32>,
      %max3A_2485 = arith.maximumf %get3A_2484, %gather3A_1787 : vector<16xf32>
      %get3A_2486 = arith.index_cast %add3A_2476 : i32 to index
      %get3A_2487 = tpu.vector_load %arg12[%get3A_2486] {strides = array<i32>} : memref<5120xf32, #tpu.memory_space<vmem>>, vector<16xf32>,
      %min3A_2488 = arith.minimumf %get3A_2487, %gather3A_1797 : vector<16xf32>
      %sub3A_2489 = arith.subf %min3A_2482, %max3A_2479 : vector<16xf32>
      %max3A_2490 = arith.constant 0.000000e+00 : f32
      %max3A_2491 = vector.broadcast %max3A_2490 : f32 to vector<16xf32>
      %max3A_2492 = arith.maximumf %sub3A_2489, %max3A_2491 : vector<16xf32>
      %sub3A_2493 = arith.subf %min3A_2488, %max3A_2485 : vector<16xf32>
      %max3A_2494 = arith.constant 0.000000e+00 : f32
      %max3A_2495 = vector.broadcast %max3A_2494 : f32 to vector<16xf32>
      %max3A_2496 = arith.maximumf %sub3A_2493, %max3A_2495 : vector<16xf32>
      %mul3A_2497 = arith.mulf %max3A_2492, %max3A_2496 : vector<16xf32>
      %get3A_2498 = arith.index_cast %add3A_2476 : i32 to index
      %get3A_2499 = tpu.vector_load %arg13[%get3A_2498] {strides = array<i32>} : memref<5120xf32, #tpu.memory_space<vmem>>, vector<16xf32>,
      %add3A_2500 = arith.addf %get3A_2499, %gather3A_1807 : vector<16xf32>
      %sub3A_2501 = arith.subf %add3A_2500, %mul3A_2497 : vector<16xf32>
      %mul3A_2502 = arith.constant 0x4C000000 : f32
      %mul3A_2503 = vector.broadcast %mul3A_2502 : f32 to vector<16xf32>
      %mul3A_2504 = arith.mulf %mul3A_2503, %mul3A_2497 : vector<16xf32>
      %mul3A_2505 = arith.constant 0x4B800000 : f32
      %mul3A_2506 = vector.broadcast %mul3A_2505 : f32 to vector<16xf32>
      %mul3A_2507 = arith.mulf %mul3A_2506, %sub3A_2501 : vector<16xf32>
      %sub3A_2508 = arith.subf %mul3A_2504, %mul3A_2507 : vector<16xf32>
      %gt3A_2509 = arith.cmpf ogt, %sub3A_2508, %sub3A_2501 : vector<16xf32>
      %and3A_2510 = arith.andi %gt3A_2509, %gt3A_1757 : vector<16xi1>
      %select_n3A_2511 = arith.select %and3A_2510, %broadcast_in_dim3A_51, %select_n3A_1362 : vector<16xi1>, vector<16xf32>
      %broadcast_in_dim3A_2512 = arith.constant 240 : i32
      %broadcast_in_dim3A_2513 = vector.broadcast %broadcast_in_dim3A_2512 : i32 to vector<16xi32>
      %add3A_2514 = arith.addi %iota3A, %broadcast_in_dim3A_2513 : vector<16xi32>
      %add3A_2515 = arith.addi %add3A_2514, %broadcast_in_dim3A_58 : vector<16xi32>
      %gt3A_2516 = arith.cmpf ogt, %select_n3A_2511, %select_n3A_2473 : vector<16xf32>
      %select_n3A_2517 = arith.select %gt3A_2516, %select_n3A_2511, %select_n3A_2473 : vector<16xi1>, vector<16xf32>
      %select_n3A_2518 = arith.select %gt3A_2516, %add3A_2515, %select_n3A_2474 : vector<16xi1>, vector<16xi32>
      %add3A_2519 = arith.constant 256 : i32
      %add3A_2520 = arith.addi %mul3A_0, %add3A_2519 : i32
      %get3A_2521 = arith.index_cast %add3A_2520 : i32 to index
      %get3A_2522 = tpu.vector_load %arg9[%get3A_2521] {strides = array<i32>} : memref<5120xf32, #tpu.memory_space<vmem>>, vector<16xf32>,
      %max3A_2523 = arith.maximumf %get3A_2522, %gather3A_1767 : vector<16xf32>
      %get3A_2524 = arith.index_cast %add3A_2520 : i32 to index
      %get3A_2525 = tpu.vector_load %arg10[%get3A_2524] {strides = array<i32>} : memref<5120xf32, #tpu.memory_space<vmem>>, vector<16xf32>,
      %min3A_2526 = arith.minimumf %get3A_2525, %gather3A_1777 : vector<16xf32>
      %get3A_2527 = arith.index_cast %add3A_2520 : i32 to index
      %get3A_2528 = tpu.vector_load %arg11[%get3A_2527] {strides = array<i32>} : memref<5120xf32, #tpu.memory_space<vmem>>, vector<16xf32>,
      %max3A_2529 = arith.maximumf %get3A_2528, %gather3A_1787 : vector<16xf32>
      %get3A_2530 = arith.index_cast %add3A_2520 : i32 to index
      %get3A_2531 = tpu.vector_load %arg12[%get3A_2530] {strides = array<i32>} : memref<5120xf32, #tpu.memory_space<vmem>>, vector<16xf32>,
      %min3A_2532 = arith.minimumf %get3A_2531, %gather3A_1797 : vector<16xf32>
      %sub3A_2533 = arith.subf %min3A_2526, %max3A_2523 : vector<16xf32>
      %max3A_2534 = arith.constant 0.000000e+00 : f32
      %max3A_2535 = vector.broadcast %max3A_2534 : f32 to vector<16xf32>
      %max3A_2536 = arith.maximumf %sub3A_2533, %max3A_2535 : vector<16xf32>
      %sub3A_2537 = arith.subf %min3A_2532, %max3A_2529 : vector<16xf32>
      %max3A_2538 = arith.constant 0.000000e+00 : f32
      %max3A_2539 = vector.broadcast %max3A_2538 : f32 to vector<16xf32>
      %max3A_2540 = arith.maximumf %sub3A_2537, %max3A_2539 : vector<16xf32>
      %mul3A_2541 = arith.mulf %max3A_2536, %max3A_2540 : vector<16xf32>
      %get3A_2542 = arith.index_cast %add3A_2520 : i32 to index
      %get3A_2543 = tpu.vector_load %arg13[%get3A_2542] {strides = array<i32>} : memref<5120xf32, #tpu.memory_space<vmem>>, vector<16xf32>,
      %add3A_2544 = arith.addf %get3A_2543, %gather3A_1807 : vector<16xf32>
      %sub3A_2545 = arith.subf %add3A_2544, %mul3A_2541 : vector<16xf32>
      %mul3A_2546 = arith.constant 0x4C000000 : f32
      %mul3A_2547 = vector.broadcast %mul3A_2546 : f32 to vector<16xf32>
      %mul3A_2548 = arith.mulf %mul3A_2547, %mul3A_2541 : vector<16xf32>
      %mul3A_2549 = arith.constant 0x4B800000 : f32
      %mul3A_2550 = vector.broadcast %mul3A_2549 : f32 to vector<16xf32>
      %mul3A_2551 = arith.mulf %mul3A_2550, %sub3A_2545 : vector<16xf32>
      %sub3A_2552 = arith.subf %mul3A_2548, %mul3A_2551 : vector<16xf32>
      %gt3A_2553 = arith.cmpf ogt, %sub3A_2552, %sub3A_2545 : vector<16xf32>
      %and3A_2554 = arith.andi %gt3A_2553, %gt3A_1757 : vector<16xi1>
      %select_n3A_2555 = arith.select %and3A_2554, %broadcast_in_dim3A_51, %select_n3A_1406 : vector<16xi1>, vector<16xf32>
      %broadcast_in_dim3A_2556 = arith.constant 256 : i32
      %broadcast_in_dim3A_2557 = vector.broadcast %broadcast_in_dim3A_2556 : i32 to vector<16xi32>
      %add3A_2558 = arith.addi %iota3A, %broadcast_in_dim3A_2557 : vector<16xi32>
      %add3A_2559 = arith.addi %add3A_2558, %broadcast_in_dim3A_58 : vector<16xi32>
      %gt3A_2560 = arith.cmpf ogt, %select_n3A_2555, %select_n3A_2517 : vector<16xf32>
      %select_n3A_2561 = arith.select %gt3A_2560, %select_n3A_2555, %select_n3A_2517 : vector<16xi1>, vector<16xf32>
      %select_n3A_2562 = arith.select %gt3A_2560, %add3A_2559, %select_n3A_2518 : vector<16xi1>, vector<16xi32>
      %add3A_2563 = arith.constant 272 : i32
      %add3A_2564 = arith.addi %mul3A_0, %add3A_2563 : i32
      %get3A_2565 = arith.index_cast %add3A_2564 : i32 to index
      %get3A_2566 = tpu.vector_load %arg9[%get3A_2565] {strides = array<i32>} : memref<5120xf32, #tpu.memory_space<vmem>>, vector<16xf32>,
      %max3A_2567 = arith.maximumf %get3A_2566, %gather3A_1767 : vector<16xf32>
      %get3A_2568 = arith.index_cast %add3A_2564 : i32 to index
      %get3A_2569 = tpu.vector_load %arg10[%get3A_2568] {strides = array<i32>} : memref<5120xf32, #tpu.memory_space<vmem>>, vector<16xf32>,
      %min3A_2570 = arith.minimumf %get3A_2569, %gather3A_1777 : vector<16xf32>
      %get3A_2571 = arith.index_cast %add3A_2564 : i32 to index
      %get3A_2572 = tpu.vector_load %arg11[%get3A_2571] {strides = array<i32>} : memref<5120xf32, #tpu.memory_space<vmem>>, vector<16xf32>,
      %max3A_2573 = arith.maximumf %get3A_2572, %gather3A_1787 : vector<16xf32>
      %get3A_2574 = arith.index_cast %add3A_2564 : i32 to index
      %get3A_2575 = tpu.vector_load %arg12[%get3A_2574] {strides = array<i32>} : memref<5120xf32, #tpu.memory_space<vmem>>, vector<16xf32>,
      %min3A_2576 = arith.minimumf %get3A_2575, %gather3A_1797 : vector<16xf32>
      %sub3A_2577 = arith.subf %min3A_2570, %max3A_2567 : vector<16xf32>
      %max3A_2578 = arith.constant 0.000000e+00 : f32
      %max3A_2579 = vector.broadcast %max3A_2578 : f32 to vector<16xf32>
      %max3A_2580 = arith.maximumf %sub3A_2577, %max3A_2579 : vector<16xf32>
      %sub3A_2581 = arith.subf %min3A_2576, %max3A_2573 : vector<16xf32>
      %max3A_2582 = arith.constant 0.000000e+00 : f32
      %max3A_2583 = vector.broadcast %max3A_2582 : f32 to vector<16xf32>
      %max3A_2584 = arith.maximumf %sub3A_2581, %max3A_2583 : vector<16xf32>
      %mul3A_2585 = arith.mulf %max3A_2580, %max3A_2584 : vector<16xf32>
      %get3A_2586 = arith.index_cast %add3A_2564 : i32 to index
      %get3A_2587 = tpu.vector_load %arg13[%get3A_2586] {strides = array<i32>} : memref<5120xf32, #tpu.memory_space<vmem>>, vector<16xf32>,
      %add3A_2588 = arith.addf %get3A_2587, %gather3A_1807 : vector<16xf32>
      %sub3A_2589 = arith.subf %add3A_2588, %mul3A_2585 : vector<16xf32>
      %mul3A_2590 = arith.constant 0x4C000000 : f32
      %mul3A_2591 = vector.broadcast %mul3A_2590 : f32 to vector<16xf32>
      %mul3A_2592 = arith.mulf %mul3A_2591, %mul3A_2585 : vector<16xf32>
      %mul3A_2593 = arith.constant 0x4B800000 : f32
      %mul3A_2594 = vector.broadcast %mul3A_2593 : f32 to vector<16xf32>
      %mul3A_2595 = arith.mulf %mul3A_2594, %sub3A_2589 : vector<16xf32>
      %sub3A_2596 = arith.subf %mul3A_2592, %mul3A_2595 : vector<16xf32>
      %gt3A_2597 = arith.cmpf ogt, %sub3A_2596, %sub3A_2589 : vector<16xf32>
      %and3A_2598 = arith.andi %gt3A_2597, %gt3A_1757 : vector<16xi1>
      %select_n3A_2599 = arith.select %and3A_2598, %broadcast_in_dim3A_51, %select_n3A_1450 : vector<16xi1>, vector<16xf32>
      %broadcast_in_dim3A_2600 = arith.constant 272 : i32
      %broadcast_in_dim3A_2601 = vector.broadcast %broadcast_in_dim3A_2600 : i32 to vector<16xi32>
      %add3A_2602 = arith.addi %iota3A, %broadcast_in_dim3A_2601 : vector<16xi32>
      %add3A_2603 = arith.addi %add3A_2602, %broadcast_in_dim3A_58 : vector<16xi32>
      %gt3A_2604 = arith.cmpf ogt, %select_n3A_2599, %select_n3A_2561 : vector<16xf32>
      %select_n3A_2605 = arith.select %gt3A_2604, %select_n3A_2599, %select_n3A_2561 : vector<16xi1>, vector<16xf32>
      %select_n3A_2606 = arith.select %gt3A_2604, %add3A_2603, %select_n3A_2562 : vector<16xi1>, vector<16xi32>
      %add3A_2607 = arith.constant 288 : i32
      %add3A_2608 = arith.addi %mul3A_0, %add3A_2607 : i32
      %get3A_2609 = arith.index_cast %add3A_2608 : i32 to index
      %get3A_2610 = tpu.vector_load %arg9[%get3A_2609] {strides = array<i32>} : memref<5120xf32, #tpu.memory_space<vmem>>, vector<16xf32>,
      %max3A_2611 = arith.maximumf %get3A_2610, %gather3A_1767 : vector<16xf32>
      %get3A_2612 = arith.index_cast %add3A_2608 : i32 to index
      %get3A_2613 = tpu.vector_load %arg10[%get3A_2612] {strides = array<i32>} : memref<5120xf32, #tpu.memory_space<vmem>>, vector<16xf32>,
      %min3A_2614 = arith.minimumf %get3A_2613, %gather3A_1777 : vector<16xf32>
      %get3A_2615 = arith.index_cast %add3A_2608 : i32 to index
      %get3A_2616 = tpu.vector_load %arg11[%get3A_2615] {strides = array<i32>} : memref<5120xf32, #tpu.memory_space<vmem>>, vector<16xf32>,
      %max3A_2617 = arith.maximumf %get3A_2616, %gather3A_1787 : vector<16xf32>
      %get3A_2618 = arith.index_cast %add3A_2608 : i32 to index
      %get3A_2619 = tpu.vector_load %arg12[%get3A_2618] {strides = array<i32>} : memref<5120xf32, #tpu.memory_space<vmem>>, vector<16xf32>,
      %min3A_2620 = arith.minimumf %get3A_2619, %gather3A_1797 : vector<16xf32>
      %sub3A_2621 = arith.subf %min3A_2614, %max3A_2611 : vector<16xf32>
      %max3A_2622 = arith.constant 0.000000e+00 : f32
      %max3A_2623 = vector.broadcast %max3A_2622 : f32 to vector<16xf32>
      %max3A_2624 = arith.maximumf %sub3A_2621, %max3A_2623 : vector<16xf32>
      %sub3A_2625 = arith.subf %min3A_2620, %max3A_2617 : vector<16xf32>
      %max3A_2626 = arith.constant 0.000000e+00 : f32
      %max3A_2627 = vector.broadcast %max3A_2626 : f32 to vector<16xf32>
      %max3A_2628 = arith.maximumf %sub3A_2625, %max3A_2627 : vector<16xf32>
      %mul3A_2629 = arith.mulf %max3A_2624, %max3A_2628 : vector<16xf32>
      %get3A_2630 = arith.index_cast %add3A_2608 : i32 to index
      %get3A_2631 = tpu.vector_load %arg13[%get3A_2630] {strides = array<i32>} : memref<5120xf32, #tpu.memory_space<vmem>>, vector<16xf32>,
      %add3A_2632 = arith.addf %get3A_2631, %gather3A_1807 : vector<16xf32>
      %sub3A_2633 = arith.subf %add3A_2632, %mul3A_2629 : vector<16xf32>
      %mul3A_2634 = arith.constant 0x4C000000 : f32
      %mul3A_2635 = vector.broadcast %mul3A_2634 : f32 to vector<16xf32>
      %mul3A_2636 = arith.mulf %mul3A_2635, %mul3A_2629 : vector<16xf32>
      %mul3A_2637 = arith.constant 0x4B800000 : f32
      %mul3A_2638 = vector.broadcast %mul3A_2637 : f32 to vector<16xf32>
      %mul3A_2639 = arith.mulf %mul3A_2638, %sub3A_2633 : vector<16xf32>
      %sub3A_2640 = arith.subf %mul3A_2636, %mul3A_2639 : vector<16xf32>
      %gt3A_2641 = arith.cmpf ogt, %sub3A_2640, %sub3A_2633 : vector<16xf32>
      %and3A_2642 = arith.andi %gt3A_2641, %gt3A_1757 : vector<16xi1>
      %select_n3A_2643 = arith.select %and3A_2642, %broadcast_in_dim3A_51, %select_n3A_1494 : vector<16xi1>, vector<16xf32>
      %broadcast_in_dim3A_2644 = arith.constant 288 : i32
      %broadcast_in_dim3A_2645 = vector.broadcast %broadcast_in_dim3A_2644 : i32 to vector<16xi32>
      %add3A_2646 = arith.addi %iota3A, %broadcast_in_dim3A_2645 : vector<16xi32>
      %add3A_2647 = arith.addi %add3A_2646, %broadcast_in_dim3A_58 : vector<16xi32>
      %gt3A_2648 = arith.cmpf ogt, %select_n3A_2643, %select_n3A_2605 : vector<16xf32>
      %select_n3A_2649 = arith.select %gt3A_2648, %select_n3A_2643, %select_n3A_2605 : vector<16xi1>, vector<16xf32>
      %select_n3A_2650 = arith.select %gt3A_2648, %add3A_2647, %select_n3A_2606 : vector<16xi1>, vector<16xi32>
      %add3A_2651 = arith.constant 304 : i32
      %add3A_2652 = arith.addi %mul3A_0, %add3A_2651 : i32
      %get3A_2653 = arith.index_cast %add3A_2652 : i32 to index
      %get3A_2654 = tpu.vector_load %arg9[%get3A_2653] {strides = array<i32>} : memref<5120xf32, #tpu.memory_space<vmem>>, vector<16xf32>,
      %max3A_2655 = arith.maximumf %get3A_2654, %gather3A_1767 : vector<16xf32>
      %get3A_2656 = arith.index_cast %add3A_2652 : i32 to index
      %get3A_2657 = tpu.vector_load %arg10[%get3A_2656] {strides = array<i32>} : memref<5120xf32, #tpu.memory_space<vmem>>, vector<16xf32>,
      %min3A_2658 = arith.minimumf %get3A_2657, %gather3A_1777 : vector<16xf32>
      %get3A_2659 = arith.index_cast %add3A_2652 : i32 to index
      %get3A_2660 = tpu.vector_load %arg11[%get3A_2659] {strides = array<i32>} : memref<5120xf32, #tpu.memory_space<vmem>>, vector<16xf32>,
      %max3A_2661 = arith.maximumf %get3A_2660, %gather3A_1787 : vector<16xf32>
      %get3A_2662 = arith.index_cast %add3A_2652 : i32 to index
      %get3A_2663 = tpu.vector_load %arg12[%get3A_2662] {strides = array<i32>} : memref<5120xf32, #tpu.memory_space<vmem>>, vector<16xf32>,
      %min3A_2664 = arith.minimumf %get3A_2663, %gather3A_1797 : vector<16xf32>
      %sub3A_2665 = arith.subf %min3A_2658, %max3A_2655 : vector<16xf32>
      %max3A_2666 = arith.constant 0.000000e+00 : f32
      %max3A_2667 = vector.broadcast %max3A_2666 : f32 to vector<16xf32>
      %max3A_2668 = arith.maximumf %sub3A_2665, %max3A_2667 : vector<16xf32>
      %sub3A_2669 = arith.subf %min3A_2664, %max3A_2661 : vector<16xf32>
      %max3A_2670 = arith.constant 0.000000e+00 : f32
      %max3A_2671 = vector.broadcast %max3A_2670 : f32 to vector<16xf32>
      %max3A_2672 = arith.maximumf %sub3A_2669, %max3A_2671 : vector<16xf32>
      %mul3A_2673 = arith.mulf %max3A_2668, %max3A_2672 : vector<16xf32>
      %get3A_2674 = arith.index_cast %add3A_2652 : i32 to index
      %get3A_2675 = tpu.vector_load %arg13[%get3A_2674] {strides = array<i32>} : memref<5120xf32, #tpu.memory_space<vmem>>, vector<16xf32>,
      %add3A_2676 = arith.addf %get3A_2675, %gather3A_1807 : vector<16xf32>
      %sub3A_2677 = arith.subf %add3A_2676, %mul3A_2673 : vector<16xf32>
      %mul3A_2678 = arith.constant 0x4C000000 : f32
      %mul3A_2679 = vector.broadcast %mul3A_2678 : f32 to vector<16xf32>
      %mul3A_2680 = arith.mulf %mul3A_2679, %mul3A_2673 : vector<16xf32>
      %mul3A_2681 = arith.constant 0x4B800000 : f32
      %mul3A_2682 = vector.broadcast %mul3A_2681 : f32 to vector<16xf32>
      %mul3A_2683 = arith.mulf %mul3A_2682, %sub3A_2677 : vector<16xf32>
      %sub3A_2684 = arith.subf %mul3A_2680, %mul3A_2683 : vector<16xf32>
      %gt3A_2685 = arith.cmpf ogt, %sub3A_2684, %sub3A_2677 : vector<16xf32>
      %and3A_2686 = arith.andi %gt3A_2685, %gt3A_1757 : vector<16xi1>
      %select_n3A_2687 = arith.select %and3A_2686, %broadcast_in_dim3A_51, %select_n3A_1538 : vector<16xi1>, vector<16xf32>
      %broadcast_in_dim3A_2688 = arith.constant 304 : i32
      %broadcast_in_dim3A_2689 = vector.broadcast %broadcast_in_dim3A_2688 : i32 to vector<16xi32>
      %add3A_2690 = arith.addi %iota3A, %broadcast_in_dim3A_2689 : vector<16xi32>
      %add3A_2691 = arith.addi %add3A_2690, %broadcast_in_dim3A_58 : vector<16xi32>
      %gt3A_2692 = arith.cmpf ogt, %select_n3A_2687, %select_n3A_2649 : vector<16xf32>
      %select_n3A_2693 = arith.select %gt3A_2692, %select_n3A_2687, %select_n3A_2649 : vector<16xi1>, vector<16xf32>
      %select_n3A_2694 = arith.select %gt3A_2692, %add3A_2691, %select_n3A_2650 : vector<16xi1>, vector<16xi32>
      scf.yield %select_n3A_2693, %select_n3A_2694, %select_n3A_1851, %select_n3A_1895, %select_n3A_1939, %select_n3A_1983, %select_n3A_2027, %select_n3A_2071, %select_n3A_2115, %select_n3A_2159, %select_n3A_2203, %select_n3A_2247, %select_n3A_2291, %select_n3A_2335, %select_n3A_2379, %select_n3A_2423, %select_n3A_2467, %select_n3A_2511, %select_n3A_2555, %select_n3A_2599, %select_n3A_2643, %select_n3A_2687 : vector<16xf32>, vector<16xi32>, vector<16xf32>, vector<16xf32>, vector<16xf32>, vector<16xf32>, vector<16xf32>, vector<16xf32>, vector<16xf32>, vector<16xf32>, vector<16xf32>, vector<16xf32>, vector<16xf32>, vector<16xf32>, vector<16xf32>, vector<16xf32>, vector<16xf32>, vector<16xf32>, vector<16xf32>, vector<16xf32>, vector<16xf32>, vector<16xf32>
    }
    %scan3A_241 = arith.constant 100 : i32
    %get3A_242 = arith.constant 0 : index
    %get3A_243 = tpu.vector_load %arg14[%get3A_242] {strides = array<i32>} : memref<320xf32, #tpu.memory_space<vmem>>, vector<16xf32>,
    %get3A_244 = arith.constant 0 : index
    %get3A_245 = tpu.vector_load %arg15[%get3A_244] {strides = array<i32>} : memref<320xf32, #tpu.memory_space<vmem>>, vector<16xf32>,
    %mul3A_246 = arith.mulf %get3A_243, %get3A_245 : vector<16xf32>
    %swap3A_247 = arith.constant 0 : index
    %swap3A_248 = tpu.vector_load %arg16[%swap3A_247] {strides = array<i32>} : memref<320xf32, #tpu.memory_space<vmem>>, vector<16xf32>,
    tpu.vector_store %arg16[%swap3A_247], %mul3A_246 {strides = array<i32>} : memref<320xf32, #tpu.memory_space<vmem>>, vector<16xf32>,
    %get3A_249 = arith.constant 16 : index
    %get3A_250 = tpu.vector_load %arg14[%get3A_249] {strides = array<i32>} : memref<320xf32, #tpu.memory_space<vmem>>, vector<16xf32>,
    %get3A_251 = arith.constant 16 : index
    %get3A_252 = tpu.vector_load %arg15[%get3A_251] {strides = array<i32>} : memref<320xf32, #tpu.memory_space<vmem>>, vector<16xf32>,
    %mul3A_253 = arith.mulf %get3A_250, %get3A_252 : vector<16xf32>
    %swap3A_254 = arith.constant 16 : index
    %swap3A_255 = tpu.vector_load %arg16[%swap3A_254] {strides = array<i32>} : memref<320xf32, #tpu.memory_space<vmem>>, vector<16xf32>,
    tpu.vector_store %arg16[%swap3A_254], %mul3A_253 {strides = array<i32>} : memref<320xf32, #tpu.memory_space<vmem>>, vector<16xf32>,
    %get3A_256 = arith.constant 32 : index
    %get3A_257 = tpu.vector_load %arg14[%get3A_256] {strides = array<i32>} : memref<320xf32, #tpu.memory_space<vmem>>, vector<16xf32>,
    %get3A_258 = arith.constant 32 : index
    %get3A_259 = tpu.vector_load %arg15[%get3A_258] {strides = array<i32>} : memref<320xf32, #tpu.memory_space<vmem>>, vector<16xf32>,
    %mul3A_260 = arith.mulf %get3A_257, %get3A_259 : vector<16xf32>
    %swap3A_261 = arith.constant 32 : index
    %swap3A_262 = tpu.vector_load %arg16[%swap3A_261] {strides = array<i32>} : memref<320xf32, #tpu.memory_space<vmem>>, vector<16xf32>,
    tpu.vector_store %arg16[%swap3A_261], %mul3A_260 {strides = array<i32>} : memref<320xf32, #tpu.memory_space<vmem>>, vector<16xf32>,
    %get3A_263 = arith.constant 48 : index
    %get3A_264 = tpu.vector_load %arg14[%get3A_263] {strides = array<i32>} : memref<320xf32, #tpu.memory_space<vmem>>, vector<16xf32>,
    %get3A_265 = arith.constant 48 : index
    %get3A_266 = tpu.vector_load %arg15[%get3A_265] {strides = array<i32>} : memref<320xf32, #tpu.memory_space<vmem>>, vector<16xf32>,
    %mul3A_267 = arith.mulf %get3A_264, %get3A_266 : vector<16xf32>
    %swap3A_268 = arith.constant 48 : index
    %swap3A_269 = tpu.vector_load %arg16[%swap3A_268] {strides = array<i32>} : memref<320xf32, #tpu.memory_space<vmem>>, vector<16xf32>,
    tpu.vector_store %arg16[%swap3A_268], %mul3A_267 {strides = array<i32>} : memref<320xf32, #tpu.memory_space<vmem>>, vector<16xf32>,
    %get3A_270 = arith.constant 64 : index
    %get3A_271 = tpu.vector_load %arg14[%get3A_270] {strides = array<i32>} : memref<320xf32, #tpu.memory_space<vmem>>, vector<16xf32>,
    %get3A_272 = arith.constant 64 : index
    %get3A_273 = tpu.vector_load %arg15[%get3A_272] {strides = array<i32>} : memref<320xf32, #tpu.memory_space<vmem>>, vector<16xf32>,
    %mul3A_274 = arith.mulf %get3A_271, %get3A_273 : vector<16xf32>
    %swap3A_275 = arith.constant 64 : index
    %swap3A_276 = tpu.vector_load %arg16[%swap3A_275] {strides = array<i32>} : memref<320xf32, #tpu.memory_space<vmem>>, vector<16xf32>,
    tpu.vector_store %arg16[%swap3A_275], %mul3A_274 {strides = array<i32>} : memref<320xf32, #tpu.memory_space<vmem>>, vector<16xf32>,
    %get3A_277 = arith.constant 80 : index
    %get3A_278 = tpu.vector_load %arg14[%get3A_277] {strides = array<i32>} : memref<320xf32, #tpu.memory_space<vmem>>, vector<16xf32>,
    %get3A_279 = arith.constant 80 : index
    %get3A_280 = tpu.vector_load %arg15[%get3A_279] {strides = array<i32>} : memref<320xf32, #tpu.memory_space<vmem>>, vector<16xf32>,
    %mul3A_281 = arith.mulf %get3A_278, %get3A_280 : vector<16xf32>
    %swap3A_282 = arith.constant 80 : index
    %swap3A_283 = tpu.vector_load %arg16[%swap3A_282] {strides = array<i32>} : memref<320xf32, #tpu.memory_space<vmem>>, vector<16xf32>,
    tpu.vector_store %arg16[%swap3A_282], %mul3A_281 {strides = array<i32>} : memref<320xf32, #tpu.memory_space<vmem>>, vector<16xf32>,
    %get3A_284 = arith.constant 96 : index
    %get3A_285 = tpu.vector_load %arg14[%get3A_284] {strides = array<i32>} : memref<320xf32, #tpu.memory_space<vmem>>, vector<16xf32>,
    %get3A_286 = arith.constant 96 : index
    %get3A_287 = tpu.vector_load %arg15[%get3A_286] {strides = array<i32>} : memref<320xf32, #tpu.memory_space<vmem>>, vector<16xf32>,
    %mul3A_288 = arith.mulf %get3A_285, %get3A_287 : vector<16xf32>
    %swap3A_289 = arith.constant 96 : index
    %swap3A_290 = tpu.vector_load %arg16[%swap3A_289] {strides = array<i32>} : memref<320xf32, #tpu.memory_space<vmem>>, vector<16xf32>,
    tpu.vector_store %arg16[%swap3A_289], %mul3A_288 {strides = array<i32>} : memref<320xf32, #tpu.memory_space<vmem>>, vector<16xf32>,
    %get3A_291 = arith.constant 112 : index
    %get3A_292 = tpu.vector_load %arg14[%get3A_291] {strides = array<i32>} : memref<320xf32, #tpu.memory_space<vmem>>, vector<16xf32>,
    %get3A_293 = arith.constant 112 : index
    %get3A_294 = tpu.vector_load %arg15[%get3A_293] {strides = array<i32>} : memref<320xf32, #tpu.memory_space<vmem>>, vector<16xf32>,
    %mul3A_295 = arith.mulf %get3A_292, %get3A_294 : vector<16xf32>
    %swap3A_296 = arith.constant 112 : index
    %swap3A_297 = tpu.vector_load %arg16[%swap3A_296] {strides = array<i32>} : memref<320xf32, #tpu.memory_space<vmem>>, vector<16xf32>,
    tpu.vector_store %arg16[%swap3A_296], %mul3A_295 {strides = array<i32>} : memref<320xf32, #tpu.memory_space<vmem>>, vector<16xf32>,
    %get3A_298 = arith.constant 128 : index
    %get3A_299 = tpu.vector_load %arg14[%get3A_298] {strides = array<i32>} : memref<320xf32, #tpu.memory_space<vmem>>, vector<16xf32>,
    %get3A_300 = arith.constant 128 : index
    %get3A_301 = tpu.vector_load %arg15[%get3A_300] {strides = array<i32>} : memref<320xf32, #tpu.memory_space<vmem>>, vector<16xf32>,
    %mul3A_302 = arith.mulf %get3A_299, %get3A_301 : vector<16xf32>
    %swap3A_303 = arith.constant 128 : index
    %swap3A_304 = tpu.vector_load %arg16[%swap3A_303] {strides = array<i32>} : memref<320xf32, #tpu.memory_space<vmem>>, vector<16xf32>,
    tpu.vector_store %arg16[%swap3A_303], %mul3A_302 {strides = array<i32>} : memref<320xf32, #tpu.memory_space<vmem>>, vector<16xf32>,
    %get3A_305 = arith.constant 144 : index
    %get3A_306 = tpu.vector_load %arg14[%get3A_305] {strides = array<i32>} : memref<320xf32, #tpu.memory_space<vmem>>, vector<16xf32>,
    %get3A_307 = arith.constant 144 : index
    %get3A_308 = tpu.vector_load %arg15[%get3A_307] {strides = array<i32>} : memref<320xf32, #tpu.memory_space<vmem>>, vector<16xf32>,
    %mul3A_309 = arith.mulf %get3A_306, %get3A_308 : vector<16xf32>
    %swap3A_310 = arith.constant 144 : index
    %swap3A_311 = tpu.vector_load %arg16[%swap3A_310] {strides = array<i32>} : memref<320xf32, #tpu.memory_space<vmem>>, vector<16xf32>,
    tpu.vector_store %arg16[%swap3A_310], %mul3A_309 {strides = array<i32>} : memref<320xf32, #tpu.memory_space<vmem>>, vector<16xf32>,
    %get3A_312 = arith.constant 160 : index
    %get3A_313 = tpu.vector_load %arg14[%get3A_312] {strides = array<i32>} : memref<320xf32, #tpu.memory_space<vmem>>, vector<16xf32>,
    %get3A_314 = arith.constant 160 : index
    %get3A_315 = tpu.vector_load %arg15[%get3A_314] {strides = array<i32>} : memref<320xf32, #tpu.memory_space<vmem>>, vector<16xf32>,
    %mul3A_316 = arith.mulf %get3A_313, %get3A_315 : vector<16xf32>
    %swap3A_317 = arith.constant 160 : index
    %swap3A_318 = tpu.vector_load %arg16[%swap3A_317] {strides = array<i32>} : memref<320xf32, #tpu.memory_space<vmem>>, vector<16xf32>,
    tpu.vector_store %arg16[%swap3A_317], %mul3A_316 {strides = array<i32>} : memref<320xf32, #tpu.memory_space<vmem>>, vector<16xf32>,
    %get3A_319 = arith.constant 176 : index
    %get3A_320 = tpu.vector_load %arg14[%get3A_319] {strides = array<i32>} : memref<320xf32, #tpu.memory_space<vmem>>, vector<16xf32>,
    %get3A_321 = arith.constant 176 : index
    %get3A_322 = tpu.vector_load %arg15[%get3A_321] {strides = array<i32>} : memref<320xf32, #tpu.memory_space<vmem>>, vector<16xf32>,
    %mul3A_323 = arith.mulf %get3A_320, %get3A_322 : vector<16xf32>
    %swap3A_324 = arith.constant 176 : index
    %swap3A_325 = tpu.vector_load %arg16[%swap3A_324] {strides = array<i32>} : memref<320xf32, #tpu.memory_space<vmem>>, vector<16xf32>,
    tpu.vector_store %arg16[%swap3A_324], %mul3A_323 {strides = array<i32>} : memref<320xf32, #tpu.memory_space<vmem>>, vector<16xf32>,
    %get3A_326 = arith.constant 192 : index
    %get3A_327 = tpu.vector_load %arg14[%get3A_326] {strides = array<i32>} : memref<320xf32, #tpu.memory_space<vmem>>, vector<16xf32>,
    %get3A_328 = arith.constant 192 : index
    %get3A_329 = tpu.vector_load %arg15[%get3A_328] {strides = array<i32>} : memref<320xf32, #tpu.memory_space<vmem>>, vector<16xf32>,
    %mul3A_330 = arith.mulf %get3A_327, %get3A_329 : vector<16xf32>
    %swap3A_331 = arith.constant 192 : index
    %swap3A_332 = tpu.vector_load %arg16[%swap3A_331] {strides = array<i32>} : memref<320xf32, #tpu.memory_space<vmem>>, vector<16xf32>,
    tpu.vector_store %arg16[%swap3A_331], %mul3A_330 {strides = array<i32>} : memref<320xf32, #tpu.memory_space<vmem>>, vector<16xf32>,
    %get3A_333 = arith.constant 208 : index
    %get3A_334 = tpu.vector_load %arg14[%get3A_333] {strides = array<i32>} : memref<320xf32, #tpu.memory_space<vmem>>, vector<16xf32>,
    %get3A_335 = arith.constant 208 : index
    %get3A_336 = tpu.vector_load %arg15[%get3A_335] {strides = array<i32>} : memref<320xf32, #tpu.memory_space<vmem>>, vector<16xf32>,
    %mul3A_337 = arith.mulf %get3A_334, %get3A_336 : vector<16xf32>
    %swap3A_338 = arith.constant 208 : index
    %swap3A_339 = tpu.vector_load %arg16[%swap3A_338] {strides = array<i32>} : memref<320xf32, #tpu.memory_space<vmem>>, vector<16xf32>,
    tpu.vector_store %arg16[%swap3A_338], %mul3A_337 {strides = array<i32>} : memref<320xf32, #tpu.memory_space<vmem>>, vector<16xf32>,
    %get3A_340 = arith.constant 224 : index
    %get3A_341 = tpu.vector_load %arg14[%get3A_340] {strides = array<i32>} : memref<320xf32, #tpu.memory_space<vmem>>, vector<16xf32>,
    %get3A_342 = arith.constant 224 : index
    %get3A_343 = tpu.vector_load %arg15[%get3A_342] {strides = array<i32>} : memref<320xf32, #tpu.memory_space<vmem>>, vector<16xf32>,
    %mul3A_344 = arith.mulf %get3A_341, %get3A_343 : vector<16xf32>
    %swap3A_345 = arith.constant 224 : index
    %swap3A_346 = tpu.vector_load %arg16[%swap3A_345] {strides = array<i32>} : memref<320xf32, #tpu.memory_space<vmem>>, vector<16xf32>,
    tpu.vector_store %arg16[%swap3A_345], %mul3A_344 {strides = array<i32>} : memref<320xf32, #tpu.memory_space<vmem>>, vector<16xf32>,
    %get3A_347 = arith.constant 240 : index
    %get3A_348 = tpu.vector_load %arg14[%get3A_347] {strides = array<i32>} : memref<320xf32, #tpu.memory_space<vmem>>, vector<16xf32>,
    %get3A_349 = arith.constant 240 : index
    %get3A_350 = tpu.vector_load %arg15[%get3A_349] {strides = array<i32>} : memref<320xf32, #tpu.memory_space<vmem>>, vector<16xf32>,
    %mul3A_351 = arith.mulf %get3A_348, %get3A_350 : vector<16xf32>
    %swap3A_352 = arith.constant 240 : index
    %swap3A_353 = tpu.vector_load %arg16[%swap3A_352] {strides = array<i32>} : memref<320xf32, #tpu.memory_space<vmem>>, vector<16xf32>,
    tpu.vector_store %arg16[%swap3A_352], %mul3A_351 {strides = array<i32>} : memref<320xf32, #tpu.memory_space<vmem>>, vector<16xf32>,
    %get3A_354 = arith.constant 256 : index
    %get3A_355 = tpu.vector_load %arg14[%get3A_354] {strides = array<i32>} : memref<320xf32, #tpu.memory_space<vmem>>, vector<16xf32>,
    %get3A_356 = arith.constant 256 : index
    %get3A_357 = tpu.vector_load %arg15[%get3A_356] {strides = array<i32>} : memref<320xf32, #tpu.memory_space<vmem>>, vector<16xf32>,
    %mul3A_358 = arith.mulf %get3A_355, %get3A_357 : vector<16xf32>
    %swap3A_359 = arith.constant 256 : index
    %swap3A_360 = tpu.vector_load %arg16[%swap3A_359] {strides = array<i32>} : memref<320xf32, #tpu.memory_space<vmem>>, vector<16xf32>,
    tpu.vector_store %arg16[%swap3A_359], %mul3A_358 {strides = array<i32>} : memref<320xf32, #tpu.memory_space<vmem>>, vector<16xf32>,
    %get3A_361 = arith.constant 272 : index
    %get3A_362 = tpu.vector_load %arg14[%get3A_361] {strides = array<i32>} : memref<320xf32, #tpu.memory_space<vmem>>, vector<16xf32>,
    %get3A_363 = arith.constant 272 : index
    %get3A_364 = tpu.vector_load %arg15[%get3A_363] {strides = array<i32>} : memref<320xf32, #tpu.memory_space<vmem>>, vector<16xf32>,
    %mul3A_365 = arith.mulf %get3A_362, %get3A_364 : vector<16xf32>
    %swap3A_366 = arith.constant 272 : index
    %swap3A_367 = tpu.vector_load %arg16[%swap3A_366] {strides = array<i32>} : memref<320xf32, #tpu.memory_space<vmem>>, vector<16xf32>,
    tpu.vector_store %arg16[%swap3A_366], %mul3A_365 {strides = array<i32>} : memref<320xf32, #tpu.memory_space<vmem>>, vector<16xf32>,
    %get3A_368 = arith.constant 288 : index
    %get3A_369 = tpu.vector_load %arg14[%get3A_368] {strides = array<i32>} : memref<320xf32, #tpu.memory_space<vmem>>, vector<16xf32>,
    %get3A_370 = arith.constant 288 : index
    %get3A_371 = tpu.vector_load %arg15[%get3A_370] {strides = array<i32>} : memref<320xf32, #tpu.memory_space<vmem>>, vector<16xf32>,
    %mul3A_372 = arith.mulf %get3A_369, %get3A_371 : vector<16xf32>
    %swap3A_373 = arith.constant 288 : index
    %swap3A_374 = tpu.vector_load %arg16[%swap3A_373] {strides = array<i32>} : memref<320xf32, #tpu.memory_space<vmem>>, vector<16xf32>,
    tpu.vector_store %arg16[%swap3A_373], %mul3A_372 {strides = array<i32>} : memref<320xf32, #tpu.memory_space<vmem>>, vector<16xf32>,
    %get3A_375 = arith.constant 304 : index
    %get3A_376 = tpu.vector_load %arg14[%get3A_375] {strides = array<i32>} : memref<320xf32, #tpu.memory_space<vmem>>, vector<16xf32>,
    %get3A_377 = arith.constant 304 : index
    %get3A_378 = tpu.vector_load %arg15[%get3A_377] {strides = array<i32>} : memref<320xf32, #tpu.memory_space<vmem>>, vector<16xf32>,
    %mul3A_379 = arith.mulf %get3A_376, %get3A_378 : vector<16xf32>
    %swap3A_380 = arith.constant 304 : index
    %swap3A_381 = tpu.vector_load %arg16[%swap3A_380] {strides = array<i32>} : memref<320xf32, #tpu.memory_space<vmem>>, vector<16xf32>,
    tpu.vector_store %arg16[%swap3A_380], %mul3A_379 {strides = array<i32>} : memref<320xf32, #tpu.memory_space<vmem>>, vector<16xf32>,
    %eq3A_382 = arith.constant 0 : i32
    %eq3A_383 = arith.cmpi eq, %arg0, %eq3A_382 : i32
    %convert_element_type3A = arith.extui %eq3A_383 : i1 to i32
    %cond3A = arith.constant 0 : i32
    %cond3A_384 = arith.cmpi ne, %convert_element_type3A, %cond3A : i32
    scf.if %cond3A_384 {
      "tpu.region"() ({
        %run_scoped3A_385 = tpu.sem_alloc : memref<!tpu.dma_semaphore, #tpu.memory_space<semaphore_mem>>
        %dma_start3A = tpu.memref_slice %arg4[%mul3A_0] : memref<5120xf32, #tpu.memory_space<hbm>> -> memref<320xf32, #tpu.memory_space<hbm>>
        %dma_start3A_386 = tpu.memref_slice %arg4[%mul3A_0] : memref<5120xf32, #tpu.memory_space<hbm>> -> memref<320xf32, #tpu.memory_space<hbm>>
        tpu.enqueue_dma source(%arg16 : memref<320xf32, #tpu.memory_space<vmem>>) target(%dma_start3A_386 : memref<320xf32, #tpu.memory_space<hbm>>) target_semaphore(%run_scoped3A_385 : memref<!tpu.dma_semaphore, #tpu.memory_space<semaphore_mem>>)
        %dma_wait3A = tpu.memref_slice %arg4[%mul3A_0] : memref<5120xf32, #tpu.memory_space<hbm>> -> memref<320xf32, #tpu.memory_space<hbm>>
        %dma_wait3A_387 = tpu.memref_slice %arg4[%mul3A_0] : memref<5120xf32, #tpu.memory_space<hbm>> -> memref<320xf32, #tpu.memory_space<hbm>>
        tpu.wait_dma2 semaphore(%run_scoped3A_385 : memref<!tpu.dma_semaphore, #tpu.memory_space<semaphore_mem>>) src(%arg16 : memref<320xf32, #tpu.memory_space<vmem>>) dst(%dma_wait3A_387 : memref<320xf32, #tpu.memory_space<hbm>>)
        tpu.yield
      }) : () -> ()
    } else {
    }
    return
  }
}

</mosaic_0001>

<sc_bundles>
// kernel: _nms_sc.3.cloned.1.call-start
scs
__scs_entry_jumppad:
0x0: {  	(pc) =	sbr.rel $0x88, $3  }
0x1: {  	(tag) =	ssettag $0x0;
	lr =	simm.s32 $0x1  }
0x2: {  	[smem:$0x3F9F] =	sst lr;
	_ =	strace $0xD0000000  }
0x3: {  	_ = 	snop  }
0x4: {  	_ = 	snop  }
0x5: {  	_ = 	snop  }
0x6: {  	_ = 	snop  }
0x7: {  	_ = 	snop  }
__scs_overlays_trampoline_lowered:
0x8: {  	[smem:$0x3FAE] =	sst s0  }
0x9: {  	[smem:$0x3FAF] =	sst s1  }
0xa: {  	[smem:$0x3FB0] =	sst s2  }
0xb: {  	[smem:$0x3FB1] =	sst s3  }
0xc: {  	[smem:$0x3FB2] =	sst s4  }
0xd: {  	[smem:$0x3FB3] =	sst s5  }
0xe: {  	[smem:$0x3FB4] =	sst s6  }
0xf: {  	[smem:$0x3FB5] =	sst s7  }
0x10: {  	[smem:$0x3FB6] =	sst s8  }
0x11: {  	[smem:$0x3FB7] =	sst s9;
	s0 =	simm.s32 @!p0 $0x0  }
0x12: {  	s1 =	sld [smem:$0x3F9D];
	s0 =	simm.s32 @p0 $0x1  }
0x13: {  	[smem:$0x3FB8] =	sst s0;
	s0 =	simm.s32 @!p1 $0x0  }
0x14: {  	s2 =	sld [smem:$0x3F9C];
	s0 =	simm.s32 @p1 $0x1  }
0x15: {  	[smem:$0x3FB9] =	sst s0;
	s0 =	simm.s32 @!p2 $0x0  }
0x16: {  	s3 =	sld [smem:$0x3FDB];
	s0 =	simm.s32 @p2 $0x1  }
0x17: {  	s4 =	simm.s32 $0x1BF5;
	[smem:$0x3FBB] =	sst s0  }
0x18: {  	s0 =	sld [smem:$0x3F9E];
	_ =	swait.ge [sflag:s4], $0x0  }
0x19: {  	s7 =	sld [smem:$0x3F9F]  }
0x1a: {  	s8 =	sadd.s32 $0xFFFFE003, lr  }
0x1b: {  	s9 =	sadd.s32 $0xFFFFFEF7, lr;
	s5 =	simm.s32 $0xFFFFFFFF;
	p2 =	slt.u32 s8, $0xFFFFF086  }
0x1c: {  	p1 =	slt.u32 s9, $0xF7A;
	s5 =	simm.s32 @!p2 $0x0  }
0x1d: {  	s5 =	simm.s32 @p1 $0x1;
	p0 =	seq.s32 s7, s2  }
0x1e: {  	s7 =	smul.u32 @!p0 $0xF7A, s2;
	p2 =	seq.s32 @!p0 s5, $0x0  }
0x1f: {  	s9 =	smul.u32 $0xF7A, s1;
	s8 =	simm.s32 @!p0 $0x1BF5;
	p2 =	por !p2, p0  }
0x20: {  	[sflag:s8] =	ssyncset.s32 @!p0 $0xFFFFF086;
	s6 =	sadd.s32 @!p0 s3, s7;
	s7 =	simm.s32 @!p0 $0x108  }
0x21: {  	s3 =	sadd.s32 s3, s9;
	s6 =	sadd.s32 @!p0 $0x88, s6;
	s7 =	simm.s32 @p2 $0x1082  }
0x22: {  	[simem:s7], [sflag:s8] =	dma.local @!p0 [hbm:s6], $0xF7A  }
0x23: {  	s9 =	sor.u32 $0xD0000000, s2;
	s6 =	simm.s32 $0x108;
	_ =	swait.ge @!p0 [sflag:s8], $0x0  }
0x24: {  	s3 =	sadd.s32 $0x88, s3;
	s6 =	simm.s32 @!p1 $0x1082;
	[sflag:s4] =	ssyncset.s32 $0xFFFFF086  }
0x25: {  	[simem:s6], [sflag:s4] =	dma.local [hbm:s3], $0xF7A  }
0x26: {  	[smem:$0x3F9F] =	sst s1;
	(tag) =	ssettag s2;
	_ =	strace s9  }
0x27: {  	s1 =	sld [smem:$0x3FAF]  }
0x28: {  	s2 =	sld [smem:$0x3FB0]  }
0x29: {  	s4 =	sld [smem:$0x3FB2]  }
0x2a: {  	p0 =	seq.s32 s5, $0x0;
	s5 =	sld [smem:$0x3FB3]  }
0x2b: {  	s6 =	sld [smem:$0x3FB4]  }
0x2c: {  	s7 =	sld [smem:$0x3FB5]  }
0x2d: {  	s3 =	simm.s32 $0x108;
	s8 =	sld [smem:$0x3FB6]  }
0x2e: {  	s3 =	simm.s32 @!p0 $0x1082;
	s9 =	sld [smem:$0x3FB7]  }
0x2f: {  	lr =	sadd.s32 s0, s3;
	s0 =	sld [smem:$0x3FAE]  }
0x30: {  	s3 =	sld [smem:$0x3FB1]  }
0x31: {  	[smem:$0x3FBA] =	sst s10  }
0x32: {  	s10 =	sld [smem:$0x3FB8];
	_ =	sdelay $0x3  }
0x33: {  	p0 =	seq.s32 s10, $0x1;
	s10 =	sld [smem:$0x3FBA];
	_ =	sdelay $0x3  }
0x34: {  	[smem:$0x3FBA] =	sst s10  }
0x35: {  	s10 =	sld [smem:$0x3FB9];
	_ =	sdelay $0x3  }
0x36: {  	p1 =	seq.s32 s10, $0x1;
	s10 =	sld [smem:$0x3FBA];
	_ =	sdelay $0x3  }
0x37: {  	[smem:$0x3FBA] =	sst s10  }
0x38: {  	s10 =	sld [smem:$0x3FBB]  }
0x39: {  	_ = 	snop;
	(pc) =	sbr.ind lr, $3  }
0x3a: {  	_ = 	snop  }
0x3b: {  	_ = 	snop  }
0x3c: {  	p2 =	seq.s32 s10, $0x1;
	s10 =	sld [smem:$0x3FBA]  }
0x3d: {  	_ =	shalt  }
0x3e: {  	_ =	shalt  }
0x3f: {  	_ =	shalt  }
0x40: {  	_ =	shalt  }
0x41: {  	_ =	shalt  }
0x42: {  	_ =	shalt  }
0x43: {  	_ =	shalt  }
0x44: {  	_ =	shalt  }
0x45: {  	_ =	shalt  }
0x46: {  	_ =	shalt  }
0x47: {  	_ =	shalt  }
0x48: {  	_ =	shalt  }
0x49: {  	_ =	shalt  }
0x4a: {  	_ =	shalt  }
0x4b: {  	_ =	shalt  }
0x4c: {  	_ =	shalt  }
0x4d: {  	_ =	shalt  }
0x4e: {  	_ =	shalt  }
0x4f: {  	_ =	shalt  }
0x50: {  	_ =	shalt  }
0x51: {  	_ =	shalt  }
0x52: {  	_ =	shalt  }
0x53: {  	_ =	shalt  }
0x54: {  	_ =	shalt  }
0x55: {  	_ =	shalt  }
0x56: {  	_ =	shalt  }
0x57: {  	_ =	shalt  }
0x58: {  	_ =	shalt  }
0x59: {  	_ =	shalt  }
0x5a: {  	_ =	shalt  }
0x5b: {  	_ =	shalt  }
0x5c: {  	_ =	shalt  }
0x5d: {  	_ =	shalt  }
0x5e: {  	_ =	shalt  }
0x5f: {  	_ =	shalt  }
0x60: {  	_ =	shalt  }
0x61: {  	_ =	shalt  }
0x62: {  	_ =	shalt  }
0x63: {  	_ =	shalt  }
0x64: {  	_ =	shalt  }
0x65: {  	_ =	shalt  }
0x66: {  	_ =	shalt  }
0x67: {  	_ =	shalt  }
0x68: {  	_ =	shalt  }
0x69: {  	_ =	shalt  }
0x6a: {  	_ =	shalt  }
0x6b: {  	_ =	shalt  }
0x6c: {  	_ =	shalt  }
0x6d: {  	_ =	shalt  }
0x6e: {  	_ =	shalt  }
0x6f: {  	_ =	shalt  }
0x70: {  	_ =	shalt  }
0x71: {  	_ =	shalt  }
0x72: {  	_ =	shalt  }
0x73: {  	_ =	shalt  }
0x74: {  	_ =	shalt  }
0x75: {  	_ =	shalt  }
0x76: {  	_ =	shalt  }
0x77: {  	_ =	shalt  }
0x78: {  	_ =	shalt  }
0x79: {  	_ =	shalt  }
0x7a: {  	_ =	shalt  }
0x7b: {  	_ =	shalt  }
0x7c: {  	_ =	shalt  }
0x7d: {  	_ =	shalt  }
0x7e: {  	_ =	shalt  }
0x7f: {  	_ =	shalt  }
0x80: {  	_ =	shalt  }
0x81: {  	_ =	shalt  }
0x82: {  	_ =	shalt  }
0x83: {  	_ =	shalt  }
0x84: {  	_ =	shalt  }
0x85: {  	_ =	shalt  }
0x86: {  	_ =	shalt  }
0x87: {  	_ =	shalt  }
.Lfunc_end0:
.L_simem_size_0:
called_computation_lowered:
.L_overlay_start_0:
0x88: {  	s2 =	sld [smem:$0x3FD9]  }
0x89: {  	s3 =	sld [smem:$0x3FFE];
	_ =	sdelay $0x1  }
0x8a: {  	s1 =	srdreg.scid  }
0x8b: {  	s0 =	sand.u32 $0x1, s1  }
0x8c: {  	s18 =	sshll.u32 s0, $0xA;
	s2 =	sadd.s32 s3, s2  }
0x8d: {  	s2 =	sadd.s32 s2, s18  }
0x8e: {  	[smem:$0x3FC6] =	sst s2  }
0x8f: {  	_ = 	snop  }
0x90: {  	s2 =	sld [smem:$0x3FC9]  }
0x91: {  	s19 =	sld [smem:$0x3FC8]  }
0x92: {  	s4 =	sld [smem:$0x3FD0];
	(tm) =	ssettm $0x1  }
0x93: {  	s5 =	sld [smem:$0x3FFB];
	_ =	sdelay $0x3  }
0x94: {  	_ =	strace s5  }
0x95: {  	s5 =	sld [smem:$0x3FFC];
	_ =	sdelay $0x3  }
0x96: {  	_ =	strace s5  }
0x97: {  	s5 =	sld [smem:$0x3FFD];
	_ =	sdelay $0x3  }
0x98: {  	_ =	strace s5  }
0x99: {  	_ =	strace $0x8FFFFFFF  }
0x9a: {  	s20 =	sld [smem:$0x3FDB];
	_ =	sdelay $0x1  }
0x9b: {  	s6 =	simm.s32 $_scs_section_size  }
0x9c: {  	s7 =	simm.s32 $_size__tile_overlayer_lowered;
	s8 =	simm.s32 $_tile_overlayer_lowered  }
0x9d: {  	s23 =	simm.s32 $0x1BFF;
	s22 =	sshll.u32 s8, $0x1;
	s5 =	sadd.s32 s6, s20  }
0x9e: {  	s9 =	simm.s32 $0x0;
	s21 =	sshll.u32 s7, $0x1;
	s7 =	sadd.s32 s22, s5  }
0x9f: {  	[timem:s9], [sflag:s23] =	dma.local [hbm:s7], s21  }
0xa0: {  	_ =	swait.ge [sflag:s23], s21  }
0xa1: {  	s6 =	ssub.s32 $0x0, s21;
	[sflag:s23] =	ssyncset.done $0x0  }
0xa2: {  	[sflag:s23] =	ssyncadd.s32 s6;
	_ =	sdelay $0x1  }
0xa3: {  	s24 =	simm.s32 $0x1B8B  }
0xa4: {  	_ =	swait.ge [sflag:s24], $0x1  }
0xa5: {  	[sflag:s24] =	ssyncset.done $0x0  }
0xa6: {  	s25 =	simm.s32 $0x1B8E;
	[sflag:s24] =	ssyncadd.s32 $0xFFFFFFFF  }
0xa7: {  	s26 =	simm.s32 $execute0_lowered;
	[smem:$0x3FD2] =	sst s25  }
0xa8: {  	s6 =	sshll.u32 s26, $0x1;
	_ =	strace $0x80000046;
	[dreg:$0x1] =	wrdreg $0xFFFFFFFF  }
0xa9: {  	s28 =	simm.s32 $_size_execute0_lowered;
	s5 =	sadd.s32 s5, s6;
	[dreg:$0x0] =	wrdreg $0x0  }
0xaa: {  	s6 =	sshll.u32 s28, $0x1;
	[dreg:$0x2] =	wrdreg s5  }
0xab: {  	[dreg:$0x3] =	wrdreg s6  }
0xac: {  	[dreg:$0x4] =	wrdreg $0xC0  }
0xad: {  	_ =	task [dreg:s9], $0x5FFFF  }
0xae: {  	[dreg:$0x1] =	wrdreg $0xFFFFFFFF  }
0xaf: {  	[dreg:$0x0] =	wrdreg $0x60  }
0xb0: {  	[dreg:$0x2] =	wrdreg s2  }
0xb1: {  	[dreg:$0x3] =	wrdreg s19  }
0xb2: {  	[dreg:$0x4] =	wrdreg s4  }
0xb3: {  	[dreg:$0x5] =	wrdreg $0xB9800  }
0xb4: {  	[dreg:$0x6] =	wrdreg $0x9  }
0xb5: {  	_ =	task.clear_ibuf [dreg:s9], $0x7FFFF;
	_ =	strace $0x90000046  }
0xb6: {  	s29 =	simm.s32 $0x9;
	_ =	strace $0x80000048  }
0xb7: {  	_ =	swait.ge [sflag:s29], $0x1  }
0xb8: {  	[sflag:s29] =	ssyncadd.s32 $0xFFFFFFFF  }
0xb9: {  	_ =	strace $0x90000048  }
0xba: {  	_ =	sfence  }
0xbb: {  	s30 =	sld [smem:$0x0];
	_ =	sdelay $0x2  }
0xbc: {  	s31 =	sshll.u32 s1, $0xD;
	s1 =	sshrl.u32 s1, $0x2  }
0xbd: {  	s3 =	sand.u32 $0x4000, s31;
	s1 =	sadd.s32 s1, s30  }
0xbe: {  	s0 =	sor.u32 s3, s0;
	s1 =	sshll.u32 s1, $0x11  }
0xbf: {  	s0 =	sor.u32 s1, s0  }
0xc0: {  	s0 =	sadd.s32 $0x8F2B, s0  }
0xc1: {  	[sflag:s0] =	ssyncadd.remote.s32 $0x1  }
0xc2: {  	_ =	sfence.sel $0xFFFF  }
0xc3: {  	[dreg:$0x0] =	wrdreg $0xFFFFFFFF;
	(pc) =	sbr.abs _section_cstart, $3  }
0xc4: {  	[dreg:$0x1] =	wrdreg $0xFFFFFFFF  }
0xc5: {  	_ =	task.clear_ibuf [dreg:s9], $0x2FFFF;
	_ =	strace $0x9FFFFFFF  }
0xc6: {  	(tm) =	ssettm $0x7FFFFFFF  }
0xc7: {  	_ =	shalt  }
tec
execute0_lowered:
.L_overlay_start_1:
0x0: {  	(tag) =	ssettag $0x1  }
0x1: {  	v52 =	vlaneseq.u32;
	v19 =	vimm.s32 $0xBA98FEDC  }
0x2: {  	v20 =	vimm.s32 $0x32107654;
	v23 =	vimm.s32 $0x76543210;
	v24 =	vimm.s32 $0xFEDCBA98  }
0x3: {  	v25 =	vimm.s32 $0xDCFE98BA;
	v27 =	vimm.s32 $0x67452301;
	vm10 =	vcmask $0x308  }
0x4: {  	s9 =	rddreg [dreg:$0x0];
	vm11 =	vmmov $0x1;
	v3 =	vor.u32 $0x10, v52;
	v4 =	vor.u32 $0x20, v52  }
0x5: {  	s3 =	rddreg [dreg:$0x1];
	v5 =	vor.u32 $0x30, v52;
	v6 =	vor.u32 $0x40, v52;
	v7 =	vor.u32 $0x50, v52  }
0x6: {  	s8 =	stileid.u32;
	s0 =	rddreg [dreg:$0x2];
	v8 =	vor.u32 $0x60, v52;
	v9 =	vor.u32 $0x70, v52;
	v10 =	vor.u32 $0x80, v52  }
0x7: {  	s2 =	srdreg.scid;
	s4 =	rddreg [dreg:$0x3];
	s6 =	simm.s32 $0x0;
	v11 =	vor.u32 $0x90, v52;
	v12 =	vor.u32 $0xA0, v52;
	v13 =	vor.u32 $0xB0, v52  }
0x8: {  	s1 =	smul.u32 $0x140, s8;
	s2 =	sand.u32 $0x1, s2;
	[smem:$0x7FF] =	sst s6;
	v14 =	vor.u32 $0xC0, v52;
	v15 =	vor.u32 $0xD0, v52;
	v16 =	vor.u32 $0xE0, v52  }
0x9: {  	s18 =	sadd.s32 $0x10, s9;
	s19 =	sadd.s32 $0x20, s9;
	v17 =	vor.u32 $0xF0, v52;
	s8 =	sshll.u32 s8, $0x3;
	v18 =	vor.u32 $0x100, v52;
	v21 =	vor.u32 $0x110, v52  }
0xa: {  	s21 =	sadd.s32 $0x30, s9;
	v22 =	vunpack.c.l.s4.s8 v19;
	v20 =	vunpack.c.l.s4.s8 v20;
	v24 =	vunpack.c.l.s4.s8 v24;
	_ =	strace $0x80000047;
	[dreg:$0x7] =	wrdreg s18  }
0xb: {  	v27 =	vunpack.c.l.s4.s8 v27;
	v23 =	vunpack.c.l.s4.s8 v23;
	s6 =	simm.s32 $0xB900;
	s5 =	ssub.s32 $0x2, s2;
	[dreg:$0x8] =	wrdreg s19;
	v63 =	vmov s1  }
0xc: {  	s20 =	sshll.u32 s2, $0x7;
	[dreg:$0xa] =	wrdreg s21;
	p0 =	sne.s32 s2, $0x0;
	v0 =	vor.u32 s1, v52;
	v3 =	vor.u32 s1, v3;
	v1 =	vor.u32 s1, v4  }
0xd: {  	s2 =	simm.s32 $0x8C00;
	v5 =	vor.u32 s1, v5;
	v2 =	vadd.s32 s1, v6;
	v7 =	vadd.s32 s1, v7;
	s17 =	sshrl.u32 s5, $0x1;
	s7 =	sshrl.u32 s1, $0x3  }
0xe: {  	v4 =	vadd.s32 s1, v8;
	v9 =	vadd.s32 s1, v9;
	v6 =	vadd.s32 s1, v10;
	s10 =	sor.u32 $0x10, s1;
	s11 =	sor.u32 $0x20, s1;
	s12 =	sor.u32 $0x30, s1  }
0xf: {  	v11 =	vadd.s32 s1, v11;
	v8 =	vadd.s32 s1, v12;
	v13 =	vadd.s32 s1, v13;
	s13 =	sadd.s32 $0x40, s1;
	s14 =	sadd.s32 $0x50, s1;
	s15 =	sadd.s32 $0x70, s1  }
0x10: {  	v10 =	vadd.s32 s1, v14;
	s16 =	sadd.s32 $0x90, s1;
	v22 =	vunpack.c.0.s8.s32 v22;
	v20 =	vunpack.c.0.s8.s32 v20;
	s18 =	sadd.s32 $0x60, s1;
	s19 =	sadd.s32 $0x80, s1  }
0x11: {  	v15 =	vadd.s32 s1, v15;
	v12 =	vadd.s32 s1, v16;
	v17 =	vadd.s32 s1, v17;
	s21 =	sadd.s32 $0xB0, s1;
	s28 =	sadd.s32 $0xF0, s1;
	s29 =	sadd.s32 $0x100, s1  }
0x12: {  	v19 =	vadd.s32 s1, v18;
	s30 =	sadd.s32 $0x110, s1;
	v24 =	vunpack.c.0.s8.s32 v24;
	s31 =	sadd.s32 $0x120, s1;
	s5 =	ssub.s32 s5, s17;
	v26 =	vcombine.low v20, v22  }
0x13: {  	s17 =	sadd.s32 s20, s4;
	s3 =	sadd.s32 s3, s7;
	s20 =	sadd.s32 $0xA0, s1;
	[tilespmem:$0x1FF90] =	vst v10;
	v20 =	vunpack.c.l.s4.s8 v25;
	v22 =	vimm.s32 $0x54761032;
	v25 =	vimm.s32 $0xEFCDAB89  }
0x14: {  	v14 =	vadd.s32 s1, v21;
	s0 =	sadd.s32 s0, s7;
	s4 =	simm.s32 $0x1;
	[tilespmem:$0x1FFA0] =	vst v12;
	[dreg:$0xb] =	wrdreg s3;
	v22 =	vunpack.c.l.s4.s8 v22;
	v25 =	vunpack.c.l.s4.s8 v25  }
0x15: {  	v27 =	vunpack.c.0.s8.s32 v27;
	v23 =	vunpack.c.0.s8.s32 v23;
	[tilespmem:$0x1FFB0] =	vst v4;
	s22 =	sadd.s32 s8, s17;
	s23 =	sadd.s32 $0x100, s17;
	[dreg:$0xd] =	wrdreg s0;
	v24 =	vand.u32 $0xF, v24  }
0x16: {  	[tilespmem:$0x1FFC0] =	vst v6;
	s26 =	smax.u32 s5, $0x1;
	s3 =	sadd.s32 $0x130, s1;
	[dreg:$0x9] =	wrdreg s17;
	v28 =	vunpack.c.0.s8.s32 v20;
	v22 =	vunpack.c.0.s8.s32 v22;
	v25 =	vunpack.c.0.s8.s32 v25  }
0x17: {  	v21 =	vor.u32 $0x120, v52;
	v18 =	vimm.s32 $0x0;
	[tilespmem:$0x1FFD0] =	vst v14;
	s0 =	simm.s32 $0x0;
	[dreg:$0x5] =	wrdreg s22;
	s24 =	sadd.s32 s8, s23;
	v23 =	vcombine.low v24, v23  }
0x18: {  	v18 =	vsel vm11, $0xFFFFFFFF, v18;
	[tilespmem:$0x1FFE0] =	vst v8;
	s25 =	smov.u32 s23;
	s23 =	sadd.s32 $0xC0, s1;
	[dreg:$0xe] =	wrdreg s26;
	v28 =	vcombine.low v22, v28;
	v27 =	vcombine.low v27, v25  }
0x19: {  	[tilespmem:$0x1FFF0] =	vst v0;
	s26 =	sadd.s32 $0xE0, s1;
	s22 =	simm.s32 $0x5000;
	[dreg:$0x6] =	wrdreg s24;
	v20 =	vadd.s32 s1, v21;
	v21 =	vor.u32 $0x130, v52;
	v24 =	vand.u32 $0xF, v26  }
0x1a: {  	[tilespmem:$0x1FF80] =	vst v18;
	s24 =	sadd.s32 $0xD0, s1;
	[dreg:$0xc] =	wrdreg s25;
	s25 =	simm.s32 $0x6400;
	v16 =	vadd.s32 s1, v21;
	v25 =	vand.u32 $0xF, v28;
	v26 =	vand.u32 $0xF, v27  }
.LBB2_1:
0x1b: {  	[dreg:$0xf] =	wrdreg s0  }
0x1c: {  	s5 =	rddreg [dreg:$0x0]  }
0x1d: {  	s7 =	simm.s32 $0x0;
	s8 =	simm.s32 $0x80;
	s9 =	simm.s32 $0x200  }
0x1e: {  	[tilespmem:s7], [sflag:$0x1] =	stream.strided.gather [hbm4b:s5+s8], $0x1400, s9, s8, $0x38;
	[tilespmem:$0xB9A0] =	vst v63  }
0x1f: {  	_ =	swait.ge [sflag:s4], $0x1400  }
0x20: {  	[sflag:s4] =	ssyncset.done $0x0  }
0x21: {  	s17 =	simm.s32 $0x1400;
	s0 =	rddreg [dreg:$0x7];
	[sflag:s4] =	ssyncadd.s32 $0xFFFFEC00  }
0x22: {  	[tilespmem:s17], [sflag:$0x1] =	stream.strided.gather [hbm4b:s0+s8], $0x1400, s9, s8, $0x38;
	[tilespmem:$0xB9A0] =	vst v63  }
0x23: {  	_ =	swait.ge [sflag:s4], $0x1400  }
0x24: {  	[sflag:s4] =	ssyncset.done $0x0  }
0x25: {  	s0 =	simm.s32 $0x2800;
	s17 =	rddreg [dreg:$0x8];
	[sflag:s4] =	ssyncadd.s32 $0xFFFFEC00  }
0x26: {  	[tilespmem:s0], [sflag:$0x1] =	stream.strided.gather [hbm4b:s17+s8], $0x1400, s9, s8, $0x38;
	[tilespmem:$0xB9A0] =	vst v63  }
0x27: {  	_ =	swait.ge [sflag:s4], $0x1400  }
0x28: {  	[sflag:s4] =	ssyncset.done $0x0  }
0x29: {  	s0 =	simm.s32 $0x3C00;
	s17 =	rddreg [dreg:$0xa];
	[sflag:s4] =	ssyncadd.s32 $0xFFFFEC00  }
0x2a: {  	[tilespmem:s0], [sflag:$0x1] =	stream.strided.gather [hbm4b:s17+s8], $0x1400, s9, s8, $0x38;
	[tilespmem:$0xB9A0] =	vst v63  }
0x2b: {  	_ =	swait.ge [sflag:s4], $0x1400  }
0x2c: {  	[sflag:s4] =	ssyncset.done $0x0  }
0x2d: {  	s17 =	simm.s32 $0xB400;
	s9 =	rddreg [dreg:$0xb];
	[sflag:s4] =	ssyncadd.s32 $0xFFFFEC00  }
0x2e: {  	[tilespmem:s17], [sflag:$0x1] =	stream.linear.gather [hbm4b:s9+s7], $0x140, $0x38;
	[tilespmem:$0xB9A0] =	vst v63  }
0x2f: {  	_ =	swait.ge [sflag:s4], $0x140  }
0x30: {  	[sflag:s4] =	ssyncset.done $0x0  }
0x31: {  	s17 =	simm.s32 $0x0;
	[sflag:s4] =	ssyncadd.s32 $0xFFFFFEC0  }
0x32: {  	v28 =	vld [tilespmem:s17+$0x3C00]  }
0x33: {  	v30 =	vld [tilespmem:s17+$0x2800]  }
0x34: {  	v32 =	vld [tilespmem:s17+$0x1400]  }
0x35: {  	v33 =	vld [tilespmem:s17+$0x0];
	_ =	sdelay $0x1  }
0x36: {  	s7 =	simm.s32 $0x10;
	v34 =	vmul.f32 $5.000000000e-01, v28  }
0x37: {  	v29 =	vld [tilespmem:s7+$0x3C00];
	v35 =	vmul.f32 v28, v30;
	v36 =	vmul.f32 $5.000000000e-01, v30  }
0x38: {  	v31 =	vld [tilespmem:s7+$0x2800];
	v37 =	vadd.f32 v34, v32  }
0x39: {  	v28 =	vld [tilespmem:s7+$0x1400];
	[tilespmem:s17+$0xA000] =	vst v35;
	v62 =	vsub.f32 v33, v36  }
0x3a: {  	v33 =	vadd.f32 v36, v33;
	v30 =	vld [tilespmem:s7+$0x0];
	[tilespmem:s17+$0x8C00] =	vst v37  }
0x3b: {  	s5 =	simm.s32 $0x80;
	v32 =	vsub.f32 v32, v34;
	[tilespmem:s17+$0x5000] =	vst v62  }
.LBB2_2:
0x3c: {  	s8 =	sshra.s32 s5, $0x2;
	p1 =	sne.s32 s5, $0x4FC0;
	s5 =	sadd.s32 $0x40, s5;
	v34 =	vmul.f32 $5.000000000e-01, v29;
	[tilespmem:s17+$0x6400] =	vst v33  }
.Ltmp0:
0x3d: {  	v33 =	vmul.f32 $5.000000000e-01, v31;
	v35 =	vmul.f32 v29, v31;
	v29 =	vld [tilespmem:s8+$0x3C00];
	[tilespmem:s17+$0x7800] =	vst v32;
	s17 =	smov.u32 s7;
	s7 =	smov.u32 s8;
	(pc) =	sbr.rel @p1 .LBB2_2-.Ltmp0, $4  }
0x3e: {  	v31 =	vld [tilespmem:s7+$0x2800];
	v32 =	vsub.f32 v28, v34;
	v34 =	vadd.f32 v34, v28  }
0x3f: {  	v28 =	vld [tilespmem:s7+$0x1400];
	v36 =	vsub.f32 v30, v33;
	v33 =	vadd.f32 v33, v30;
	[tilespmem:s17+$0xA000] =	vst v35  }
0x40: {  	v30 =	vld [tilespmem:s7+$0x0];
	[tilespmem:s17+$0x8C00] =	vst v34  }
0x41: {  	[tilespmem:s17+$0x5000] =	vst v36  }
0x42: {  	v34 =	vmul.f32 $5.000000000e-01, v29  }
0x43: {  	[tilespmem:s17+$0x6400] =	vst v33;
	v29 =	vmul.f32 v29, v31  }
0x44: {  	[tilespmem:s17+$0x7800] =	vst v32;
	v57 =	vmul.f32 $5.000000000e-01, v31;
	v31 =	vadd.f32 v34, v28  }
0x45: {  	v28 =	vsub.f32 v28, v34;
	[tilespmem:s7+$0xA000] =	vst v29  }
0x46: {  	v58 =	vsub.f32 v30, v57;
	[tilespmem:s7+$0x8C00] =	vst v31  }
0x47: {  	v29 =	vadd.f32 v57, v30;
	[tilespmem:s7+$0x7800] =	vst v28  }
0x48: {  	[tilespmem:s7+$0x5000] =	vst v58  }
0x49: {  	[tilespmem:s7+$0x6400] =	vst v29  }
0x4a: {  	v28 =	vld [tilespmem:$0xB400]  }
0x4b: {  	v29 =	vld [tilespmem:$0xB410];
	_ =	sdelay $0x1  }
0x4c: {  	v30 =	vld [tilespmem:$0xB420];
	_ =	sdelay $0x1  }
0x4d: {  	v31 =	vld [tilespmem:$0xB430]  }
0x4e: {  	vm4 =	vgt.f32 v29, v28  }
0x4f: {  	v34 =	vld [tilespmem:$0xB440];
	v59 =	vsel vm4, v29, v28  }
0x50: {  	vm5 =	vgt.f32 v30, v59  }
0x51: {  	v32 =	vld [tilespmem:$0xB450];
	v35 =	vsel vm5, v30, v59  }
0x52: {  	vm6 =	vgt.f32 v31, v35  }
0x53: {  	v33 =	vld [tilespmem:$0xB460];
	v36 =	vsel vm6, v31, v35  }
0x54: {  	vm7 =	vgt.f32 v34, v36  }
0x55: {  	v35 =	vld [tilespmem:$0xB470];
	v37 =	vsel vm7, v34, v36  }
0x56: {  	vm8 =	vgt.f32 v32, v37  }
0x57: {  	v36 =	vld [tilespmem:$0xB480];
	v38 =	vsel vm8, v32, v37  }
0x58: {  	vm2 =	vgt.f32 v33, v38  }
0x59: {  	v37 =	vld [tilespmem:$0xB490];
	v39 =	vsel vm2, v33, v38  }
0x5a: {  	vm9 =	vgt.f32 v35, v39  }
0x5b: {  	v38 =	vld [tilespmem:$0xB4A0];
	v39 =	vsel vm9, v35, v39  }
0x5c: {  	vm0 =	vgt.f32 v36, v39  }
0x5d: {  	v43 =	vld [tilespmem:$0xB4B0];
	v40 =	vsel vm0, v36, v39  }
0x5e: {  	vm3 =	vgt.f32 v37, v40  }
0x5f: {  	v18 =	vimm.f32 $0.0e+00;
	v39 =	vld [tilespmem:$0xB4C0];
	v41 =	vsel vm3, v37, v40  }
0x60: {  	[tilespmem:$0xB580] =	vst v18;
	vm1 =	vgt.f32 v38, v41  }
0x61: {  	[tilespmem:$0xB590] =	vst v18;
	v42 =	vsel vm4, v3, v0;
	v40 =	vld [tilespmem:$0xB4D0];
	v41 =	vsel vm1, v38, v41  }
0x62: {  	[tilespmem:$0xB5A0] =	vst v18;
	v42 =	vsel vm5, v1, v42;
	vm13 =	vgt.f32 v43, v41  }
0x63: {  	[tilespmem:$0xB5B0] =	vst v18;
	v44 =	vsel vm6, v5, v42;
	v42 =	vld [tilespmem:$0xB4E0];
	v45 =	vsel vm13, v43, v41  }
0x64: {  	[tilespmem:$0xB5C0] =	vst v18;
	v60 =	vsel vm7, v2, v44;
	vm14 =	vgt.f32 v39, v45  }
0x65: {  	[tilespmem:$0xB5D0] =	vst v18;
	v44 =	vsel vm8, v7, v60;
	v41 =	vld [tilespmem:$0xB4F0];
	v45 =	vsel vm14, v39, v45  }
0x66: {  	[tilespmem:$0xB5E0] =	vst v18;
	v44 =	vsel vm2, v4, v44;
	vm15 =	vgt.f32 v40, v45  }
0x67: {  	[tilespmem:$0xB5F0] =	vst v18;
	v46 =	vsel vm9, v9, v44;
	v44 =	vld [tilespmem:$0xB500];
	v47 =	vsel vm15, v40, v45  }
0x68: {  	[tilespmem:$0xB600] =	vst v18;
	v61 =	vsel vm0, v6, v46;
	vm6 =	vgt.f32 v42, v47  }
0x69: {  	[tilespmem:$0xB610] =	vst v18;
	v46 =	vsel vm3, v11, v61;
	v45 =	vld [tilespmem:$0xB510];
	v47 =	vsel vm6, v42, v47  }
0x6a: {  	[tilespmem:$0xB620] =	vst v18;
	v46 =	vsel vm1, v8, v46;
	vm7 =	vgt.f32 v41, v47  }
0x6b: {  	[tilespmem:$0xB630] =	vst v18;
	v48 =	vsel vm13, v13, v46;
	v46 =	vld [tilespmem:$0xB520];
	v49 =	vsel vm7, v41, v47  }
0x6c: {  	[tilespmem:$0xB640] =	vst v18;
	v62 =	vsel vm14, v10, v48;
	vm12 =	vgt.f32 v44, v49  }
0x6d: {  	[tilespmem:$0xB650] =	vst v18;
	v48 =	vsel vm15, v15, v62;
	v47 =	vld [tilespmem:$0xB530];
	v49 =	vsel vm12, v44, v49  }
0x6e: {  	[tilespmem:$0xB660] =	vst v18;
	v48 =	vsel vm6, v12, v48;
	vm13 =	vgt.f32 v45, v49  }
0x6f: {  	[tilespmem:$0xB670] =	vst v18;
	v48 =	vsel vm7, v17, v48;
	v49 =	vsel vm13, v45, v49  }
0x70: {  	[tilespmem:$0xB680] =	vst v18;
	v48 =	vsel vm12, v19, v48;
	vm14 =	vgt.f32 v46, v49  }
0x71: {  	[tilespmem:$0xB690] =	vst v18;
	v48 =	vsel vm13, v14, v48;
	v49 =	vsel vm14, v46, v49  }
0x72: {  	s9 =	simm.s32 $0xB880;
	s0 =	simm.s32 $0x7800;
	[tilespmem:$0xB6A0] =	vst v18;
	v50 =	vsel vm14, v20, v48;
	vm15 =	vgt.f32 v47, v49  }
0x73: {  	s17 =	simm.s32 $0xA000;
	s8 =	simm.s32 $0xB580;
	s7 =	simm.s32 $0x64;
	[tilespmem:$0xB6B0] =	vst v18;
	v6 =	vmovc v1;
	v8 =	vmovc v2;
	v10 =	vimm.f32 $1.000000000e+00;
	v48 =	vsel vm15, v47, v49;
	v49 =	vsel vm15, v16, v50  }
.LBB2_4:
0x74: {  	v50 =	vperm.xlane v48, v23;
	_ =	sdelay $0x1  }
0x75: {  	v50 =	vmax.f32 v48, v50  }
0x76: {  	v51 =	vperm.xlane v50, v24;
	_ =	sdelay $0x1  }
0x77: {  	v50 =	vmax.f32 v50, v51  }
0x78: {  	v51 =	vperm.xlane v50, v25;
	_ =	sdelay $0x1  }
0x79: {  	v50 =	vmax.f32 v50, v51  }
0x7a: {  	v51 =	vperm.xlane v50, v26;
	_ =	sdelay $0x1  }
0x7b: {  	v50 =	vmax.f32 v50, v51  }
0x7c: {  	vm0 =	veq.f32 v48, v50  }
0x7d: {  	v48 =	vnsel vm0, $0x40000000, v49  }
0x7e: {  	v49 =	vperm.xlane v48, v23;
	_ =	sdelay $0x1  }
0x7f: {  	vm0 =	vlt.s32 v48, v49  }
0x80: {  	v48 =	vsel vm0, v48, v49  }
0x81: {  	v49 =	vperm.xlane v48, v24;
	_ =	sdelay $0x1  }
0x82: {  	vm0 =	vlt.s32 v48, v49  }
0x83: {  	v48 =	vsel vm0, v48, v49  }
0x84: {  	v49 =	vperm.xlane v48, v25;
	_ =	sdelay $0x1  }
0x85: {  	vm0 =	vlt.s32 v48, v49  }
0x86: {  	v48 =	vsel vm0, v48, v49  }
0x87: {  	v49 =	vperm.xlane v48, v26;
	_ =	sdelay $0x1  }
0x88: {  	vm1 =	vlt.f32 v50, $-Inf;
	vm2 =	vgt.f32 v50, $-Inf;
	vm0 =	vlt.s32 v48, v49  }
0x89: {  	vm5 =	vmor vm2, vm1;
	v48 =	vsel vm0, v48, v49  }
0x8a: {  	v48 =	vnsel vm5, $0x0, v48  }
0x8b: {  	v48 =	vsel vm10, v50, v48  }
0x8c: {  	s5 =	rddreg [dreg:$0x5];
	[tilespmem:$0xB880] =	vst v48  }
0x8d: {  	[spmem:s5] =	stream.linear.scatter [tilespmem:s9], [sflag:$0x1], $0x8, $0x38;
	[tilespmem:$0xB9A0] =	vst v63  }
0x8e: {  	_ =	swait.ge [sflag:s4], $0x8  }
0x8f: {  	[sflag:s4] =	ssyncset.done $0x0  }
0x90: {  	[sflag:s4] =	ssyncadd.s32 $0xFFFFFFF8  }
0x91: {  	v48 =	vmul.u32 $0x8, v52;
	[bflag:$0x0] =	sbarrier.arrive $0xFFFF  }
0x92: {  	s5 =	rddreg [dreg:$0x9]  }
0x93: {  	[tilespmem:s6], [sflag:$0x1] =	stream.linear.gather [spmem:s5], $0x80, $0x38;
	[tilespmem:$0xB9A0] =	vst v63  }
0x94: {  	_ =	swait.ge [sflag:s4], $0x80  }
0x95: {  	[sflag:s4] =	ssyncset.done $0x0  }
0x96: {  	[sflag:s4] =	ssyncadd.s32 $0xFFFFFF80  }
0x97: {  	v58 =	vld.idx.msk [tilespmem:v48+s6+$0x0], $0xffff;
	_ =	sdelay $0x4  }
0x98: {  	v59 =	vperm.xlane v58, v23;
	_ =	sdelay $0x1  }
0x99: {  	v49 =	vmax.f32 v58, v59  }
0x9a: {  	v60 =	vperm.xlane v49, v24;
	_ =	sdelay $0x1  }
0x9b: {  	v51 =	vmax.f32 v49, v60  }
0x9c: {  	v61 =	vperm.xlane v51, v25;
	_ =	sdelay $0x1  }
0x9d: {  	v49 =	vor.u32 $0x1, v48;
	v51 =	vmax.f32 v51, v61  }
0x9e: {  	v52 =	vperm.xlane v51, v26;
	_ =	sdelay $0x1  }
0x9f: {  	v51 =	vmax.f32 v51, v52  }
0xa0: {  	vm6 =	veq.f32 v58, v51  }
0xa1: {  	v62 =	vld.idx.msk [tilespmem:v49+s6+$0x0], $0xffff;
	v59 =	vmctz.xlane vm6;
	_ =	sdelay $0x1  }
0xa2: {  	v53 =	vshrl.u32 v59, $0x1B  }
0xa3: {  	v53 =	vand.u32 $0x10, v53  }
0xa4: {  	v55 =	vadd.s32 v59, v53  }
0xa5: {  	v52 =	vperm.xlane v62, v55;
	_ =	sdelay $0x1  }
0xa6: {  	vm7 =	vlt.f32 v51, $-Inf;
	vm12 =	vgt.f32 v51, $-Inf;
	v60 =	vsub.s32 v52, v63  }
0xa7: {  	vm3 =	vmor vm12, vm7;
	vm13 =	vlt.u32 v60, $0x140  }
0xa8: {  	vm0 =	vmand vm3, vm13  }
0xa9: {  	vm0 =	vmand vm0, vm11  }
0xaa: {  	v53 =	vld.idx.msk [tilespmem:v62+s25+$0x0], $0xffff;
	v51 =	vnsel vm0, $0x0, v60  }
0xab: {  	v56 =	vld.idx.msk [tilespmem:v62+s0+$0x0], $0xffff  }
0xac: {  	v57 =	vld.idx.msk [tilespmem:v62+s2+$0x0], $0xffff  }
0xad: {  	v50 =	vld.idx.msk [tilespmem:v62+s17+$0x0], $0xffff  }
0xae: {  	v52 =	vld.idx.msk [tilespmem:v62+s22+$0x0], $0xffff  }
0xaf: {  	[tilespmem:v51+s8+$0x0] =	vst.idx.add.f32.msk vm0, v10  }
0xb0: {  	v58 =	vld [tilespmem:s1+$0x5000]  }
0xb1: {  	v59 =	vld [tilespmem:s1+$0x6400]  }
0xb2: {  	v60 =	vld [tilespmem:s1+$0x7800]  }
0xb3: {  	v61 =	vld [tilespmem:s1+$0x8C00];
	_ =	sdelay $0x1  }
0xb4: {  	v53 =	vperm.xlane v53, v55;
	v54 =	vperm.xlane v52, v55  }
0xb5: {  	v52 =	vperm.xlane v56, v55;
	v51 =	vperm.xlane v57, v55  }
0xb6: {  	v57 =	vld [tilespmem:s1+$0xA000];
	v56 =	vmax.f32 v58, v54  }
0xb7: {  	v58 =	vmin.f32 v59, v53;
	v59 =	vmax.f32 v60, v52;
	v60 =	vmin.f32 v61, v51  }
0xb8: {  	v56 =	vsub.f32 v58, v56;
	v61 =	vsub.f32 v60, v59  }
0xb9: {  	v50 =	vperm.xlane v50, v55;
	v58 =	vld [tilespmem:s10+$0x5000]  }
0xba: {  	v59 =	vld [tilespmem:s10+$0x7800];
	v62 =	vmax.f32 v56, $0.0e+00;
	v60 =	vmax.f32 v61, $0.0e+00  }
0xbb: {  	v61 =	vadd.f32 v57, v50;
	v57 =	vld [tilespmem:s10+$0x6400];
	v55 =	vmul.f32 v60, v62  }
0xbc: {  	v60 =	vld [tilespmem:s10+$0x8C00]  }
0xbd: {  	v10 =	vmovc v16;
	v16 =	vmovc v20;
	v20 =	vmov v19;
	v19 =	vmov v17;
	v56 =	vsub.f32 v61, v55  }
0xbe: {  	v17 =	vmovc v15;
	v15 =	vmovc v13;
	v13 =	vmov v11;
	v11 =	vmov v9;
	v9 =	vmov v7  }
0xbf: {  	v7 =	vmovc v5;
	v5 =	vmovc v3;
	v3 =	vmov v63;
	v63 =	vld [tilespmem:s11+$0x6400];
	v55 =	vmul.f32 $3.355443200e+07, v55;
	v61 =	vmul.f32 $1.677721600e+07, v56  }
0xc0: {  	v62 =	vld [tilespmem:s10+$0xA000];
	v58 =	vmax.f32 v58, v54;
	v59 =	vmax.f32 v59, v52  }
0xc1: {  	v57 =	vmin.f32 v57, v53;
	v60 =	vmin.f32 v60, v51;
	v55 =	vsub.f32 v55, v61;
	v61 =	vld [tilespmem:s11+$0x5000]  }
0xc2: {  	v57 =	vsub.f32 v57, v58;
	v58 =	vsub.f32 v60, v59;
	v59 =	vld [tilespmem:s11+$0x7800]  }
0xc3: {  	v60 =	vld [tilespmem:s11+$0x8C00]  }
0xc4: {  	vm14 =	vgt.f32 v55, v56;
	v55 =	vmax.f32 v57, $0.0e+00;
	v56 =	vmax.f32 v58, $0.0e+00  }
0xc5: {  	v62 =	vadd.f32 v62, v50;
	v55 =	vmul.f32 v56, v55  }
0xc6: {  	v57 =	vld [tilespmem:s11+$0xA000]  }
0xc7: {  	v56 =	vsub.f32 v62, v55;
	v55 =	vmul.f32 $3.355443200e+07, v55;
	v58 =	vmax.f32 v61, v54;
	v61 =	vld [tilespmem:s12+$0x5000]  }
0xc8: {  	v62 =	vmin.f32 v63, v53;
	v59 =	vmax.f32 v59, v52;
	v60 =	vmin.f32 v60, v51;
	v63 =	vld [tilespmem:s12+$0x6400]  }
0xc9: {  	v58 =	vsub.f32 v62, v58;
	v59 =	vsub.f32 v60, v59;
	v62 =	vld [tilespmem:s12+$0x8C00];
	v22 =	vmul.f32 $1.677721600e+07, v56  }
0xca: {  	vm0 =	vmand vm3, vm14;
	v60 =	vld [tilespmem:s12+$0x7800]  }
0xcb: {  	v22 =	vsub.f32 v55, v22;
	v55 =	vmax.f32 v58, $0.0e+00;
	v58 =	vmax.f32 v59, $0.0e+00  }
0xcc: {  	v1 =	vld [tilespmem:s13+$0x8C00];
	v28 =	vsel vm0, $0xFF800000, v28;
	v57 =	vadd.f32 v57, v50;
	v55 =	vmul.f32 v58, v55  }
0xcd: {  	vm0 =	vlt.f32 v28, $-Inf;
	vm15 =	vgt.f32 v28, $-Inf;
	vm4 =	vgt.f32 v22, v56;
	v22 =	vld [tilespmem:s12+$0xA000]  }
0xce: {  	v56 =	vsub.f32 v57, v55;
	v57 =	vmax.f32 v61, v54;
	v61 =	vmin.f32 v62, v51;
	v62 =	vld [tilespmem:s13+$0x6400]  }
0xcf: {  	v59 =	vmin.f32 v63, v53;
	v60 =	vmax.f32 v60, v52;
	v55 =	vmul.f32 $3.355443200e+07, v55  }
0xd0: {  	v58 =	vld [tilespmem:s13+$0x5000];
	v57 =	vsub.f32 v59, v57;
	v59 =	vsub.f32 v61, v60;
	v63 =	vmul.f32 $1.677721600e+07, v56  }
0xd1: {  	v1 =	vmin.f32 v1, v51;
	vm2 =	vmor vm15, vm0;
	vm0 =	vmand vm3, vm4;
	v60 =	vld [tilespmem:s13+$0x7800]  }
0xd2: {  	v57 =	vmax.f32 v57, $0.0e+00;
	v59 =	vmax.f32 v59, $0.0e+00;
	v55 =	vsub.f32 v55, v63  }
0xd3: {  	v57 =	vmul.f32 v59, v57;
	v22 =	vadd.f32 v22, v50;
	v59 =	vmin.f32 v62, v53;
	v62 =	vld [tilespmem:s14+$0x6400]  }
0xd4: {  	v61 =	vnsel vm2, $0xFF800000, v28;
	v29 =	vsel vm0, $0xFF800000, v29;
	vm5 =	vgt.f32 v55, v56;
	v55 =	vld [tilespmem:s13+$0xA000]  }
0xd5: {  	v22 =	vsub.f32 v22, v57;
	v56 =	vmul.f32 $3.355443200e+07, v57;
	v57 =	vmax.f32 v58, v54;
	v58 =	vld [tilespmem:s14+$0x5000]  }
0xd6: {  	vm4 =	vgt.f32 v29, v61;
	v60 =	vmax.f32 v60, v52;
	v57 =	vsub.f32 v59, v57;
	v59 =	vld [tilespmem:s14+$0x7800]  }
0xd7: {  	v1 =	vsub.f32 v1, v60;
	v60 =	vsel vm4, v29, v61;
	v61 =	vld [tilespmem:s14+$0x8C00];
	v63 =	vmul.f32 $1.677721600e+07, v22  }
0xd8: {  	v0 =	vimm.s32 $0x0;
	vm0 =	vmand vm3, vm5  }
0xd9: {  	v27 =	vld [tilespmem:s19+$0x8C00];
	v57 =	vmax.f32 v57, $0.0e+00;
	v1 =	vmax.f32 v1, $0.0e+00;
	v56 =	vsub.f32 v56, v63  }
0xda: {  	v30 =	vsel vm0, $0xFF800000, v30;
	v1 =	vmul.f32 v1, v57;
	v55 =	vadd.f32 v55, v50  }
0xdb: {  	vm7 =	vgt.f32 v56, v22;
	v22 =	vld [tilespmem:s14+$0xA000];
	v56 =	vmax.f32 v58, v54;
	v58 =	vmin.f32 v62, v53  }
0xdc: {  	v59 =	vmax.f32 v59, v52;
	v61 =	vmin.f32 v61, v51;
	v62 =	vld [tilespmem:s18+$0x6400];
	v55 =	vsub.f32 v55, v1  }
0xdd: {  	vm6 =	vgt.f32 v30, v60;
	v56 =	vsub.f32 v58, v56;
	v58 =	vsub.f32 v61, v59;
	v59 =	vld [tilespmem:s18+$0x7800]  }
0xde: {  	v27 =	vmin.f32 v27, v51;
	v0 =	vsel vm6, $0xFFFFFFFF, v0;
	v60 =	vsel vm6, v30, v60;
	v61 =	vld [tilespmem:s18+$0x8C00]  }
0xdf: {  	v57 =	vld [tilespmem:s18+$0x5000];
	v1 =	vmul.f32 $3.355443200e+07, v1;
	vm0 =	vmand vm3, vm7;
	v63 =	vmul.f32 $1.677721600e+07, v55  }
0xe0: {  	[tilespmem:$0x1FF50] =	vst v0;
	v0 =	vimm.s32 $0x0;
	v31 =	vsel vm0, $0xFF800000, v31;
	v56 =	vmax.f32 v56, $0.0e+00  }
0xe1: {  	v58 =	vmax.f32 v58, $0.0e+00;
	vm1 =	vgt.f32 v31, v60;
	v1 =	vsub.f32 v1, v63  }
0xe2: {  	v56 =	vmul.f32 v58, v56;
	v22 =	vadd.f32 v22, v50;
	v58 =	vmin.f32 v62, v53;
	v62 =	vld [tilespmem:s15+$0x6400]  }
0xe3: {  	v59 =	vmax.f32 v59, v52;
	v61 =	vmin.f32 v61, v51;
	vm12 =	vgt.f32 v1, v55;
	v1 =	vld [tilespmem:s18+$0xA000]  }
0xe4: {  	v22 =	vsub.f32 v22, v56;
	v55 =	vmul.f32 $3.355443200e+07, v56;
	v56 =	vmax.f32 v57, v54;
	v57 =	vld [tilespmem:s15+$0x5000]  }
0xe5: {  	v0 =	vsel vm1, $0xFFFFFFFF, v0;
	v56 =	vsub.f32 v58, v56;
	v58 =	vsub.f32 v61, v59;
	v59 =	vld [tilespmem:s15+$0x7800]  }
0xe6: {  	v60 =	vsel vm1, v31, v60;
	[tilespmem:$0x1FF60] =	vst v0;
	v0 =	vimm.s32 $0x0;
	v61 =	vld [tilespmem:s15+$0x8C00];
	v63 =	vmul.f32 $1.677721600e+07, v22  }
0xe7: {  	vm0 =	vmand vm3, vm12;
	v56 =	vmax.f32 v56, $0.0e+00;
	v58 =	vmax.f32 v58, $0.0e+00  }
0xe8: {  	v34 =	vsel vm0, $0xFF800000, v34;
	v55 =	vsub.f32 v55, v63;
	v63 =	vld [tilespmem:s15+$0xA000];
	v56 =	vmul.f32 v58, v56  }
0xe9: {  	vm1 =	vgt.f32 v34, v60;
	v62 =	vmin.f32 v62, v53;
	v58 =	vld [tilespmem:s19+$0x5000];
	v1 =	vadd.f32 v1, v50  }
0xea: {  	vm13 =	vgt.f32 v55, v22;
	v22 =	vld [tilespmem:s19+$0x6400];
	v55 =	vmul.f32 $3.355443200e+07, v56;
	v59 =	vmax.f32 v59, v52  }
0xeb: {  	v61 =	vmin.f32 v61, v51;
	v1 =	vsub.f32 v1, v56;
	v56 =	vmax.f32 v57, v54;
	v57 =	vld [tilespmem:s19+$0x7800]  }
0xec: {  	v0 =	vsel vm1, $0xFFFFFFFF, v0;
	v59 =	vsub.f32 v61, v59;
	v56 =	vsub.f32 v62, v56  }
0xed: {  	v60 =	vsel vm1, v34, v60;
	[tilespmem:$0x1FF70] =	vst v0;
	vm0 =	vmand vm3, vm13;
	v0 =	vmul.f32 $1.677721600e+07, v1  }
0xee: {  	v32 =	vsel vm0, $0xFF800000, v32;
	v61 =	vmax.f32 v59, $0.0e+00;
	v62 =	vmax.f32 v56, $0.0e+00  }
0xef: {  	v0 =	vsub.f32 v55, v0;
	v55 =	vmul.f32 v61, v62;
	v62 =	vadd.f32 v63, v50;
	v63 =	vld [tilespmem:s19+$0xA000]  }
0xf0: {  	v58 =	vmax.f32 v58, v54;
	v22 =	vmin.f32 v22, v53;
	v57 =	vmax.f32 v57, v52  }
0xf1: {  	vm8 =	vgt.f32 v32, v60;
	v22 =	vsub.f32 v22, v58;
	v27 =	vsub.f32 v27, v57  }
0xf2: {  	v56 =	vld [tilespmem:s16+$0x6400];
	v59 =	vsel vm8, v32, v60;
	vm14 =	vgt.f32 v0, v1;
	v0 =	vsub.f32 v62, v55  }
0xf3: {  	v60 =	vld [tilespmem:s16+$0x8C00];
	v55 =	vmul.f32 $3.355443200e+07, v55;
	v22 =	vmax.f32 v22, $0.0e+00;
	v27 =	vmax.f32 v27, $0.0e+00  }
0xf4: {  	v61 =	vld [tilespmem:s20+$0x5000];
	v57 =	vmul.f32 $1.677721600e+07, v0;
	v22 =	vmul.f32 v27, v22;
	v27 =	vadd.f32 v63, v50  }
0xf5: {  	v58 =	vld [tilespmem:s16+$0x7800]  }
0xf6: {  	v1 =	vld [tilespmem:s16+$0x5000];
	vm0 =	vmand vm3, vm14;
	v55 =	vsub.f32 v55, v57;
	v27 =	vsub.f32 v27, v22  }
0xf7: {  	v62 =	vld [tilespmem:s20+$0x7800];
	v33 =	vsel vm0, $0xFF800000, v33  }
0xf8: {  	v63 =	vld [tilespmem:s21+$0x8C00];
	vm15 =	vgt.f32 v55, v0;
	v0 =	vmul.f32 $3.355443200e+07, v22;
	v22 =	vmul.f32 $1.677721600e+07, v27  }
0xf9: {  	vm9 =	vgt.f32 v33, v59;
	v57 =	vld [tilespmem:s16+$0xA000]  }
0xfa: {  	v60 =	vmin.f32 v60, v51;
	v59 =	vsel vm9, v33, v59;
	v55 =	vld [tilespmem:s20+$0x6400];
	v0 =	vsub.f32 v0, v22  }
0xfb: {  	v58 =	vmax.f32 v58, v52;
	v1 =	vmax.f32 v1, v54;
	v22 =	vmin.f32 v56, v53;
	v56 =	vld [tilespmem:s20+$0x8C00]  }
0xfc: {  	v62 =	vmax.f32 v62, v52;
	vm0 =	vmand vm3, vm15;
	vm5 =	vgt.f32 v0, v27;
	v27 =	vld [tilespmem:s21+$0x5000]  }
0xfd: {  	v35 =	vsel vm0, $0xFF800000, v35;
	v1 =	vsub.f32 v22, v1;
	v0 =	vsub.f32 v60, v58;
	v58 =	vld [tilespmem:s21+$0x6400]  }
0xfe: {  	vm10 =	vgt.f32 v35, v59;
	v57 =	vadd.f32 v57, v50;
	v60 =	vmax.f32 v61, v54;
	v61 =	vld [tilespmem:s21+$0x7800]  }
0xff: {  	v55 =	vmin.f32 v55, v53;
	v1 =	vmax.f32 v1, $0.0e+00;
	v0 =	vmax.f32 v0, $0.0e+00  }
0x100: {  	v22 =	vld [tilespmem:s20+$0xA000];
	v56 =	vmin.f32 v56, v51;
	v0 =	vmul.f32 v0, v1;
	v1 =	vsub.f32 v55, v60  }
0x101: {  	v60 =	vsub.f32 v56, v62;
	v56 =	vsel vm10, v35, v59;
	v59 =	vld [tilespmem:s21+$0xA000];
	v62 =	vmin.f32 v63, v51  }
0x102: {  	v63 =	vld [tilespmem:s23+$0x7800];
	v57 =	vsub.f32 v57, v0;
	v1 =	vmax.f32 v1, $0.0e+00;
	v27 =	vmax.f32 v27, v54  }
0x103: {  	v58 =	vmin.f32 v58, v53;
	v61 =	vmax.f32 v61, v52;
	v55 =	vmax.f32 v60, $0.0e+00;
	v60 =	vld [tilespmem:s23+$0x5000]  }
0x104: {  	v0 =	vmul.f32 $3.355443200e+07, v0;
	v27 =	vsub.f32 v58, v27;
	v58 =	vsub.f32 v62, v61;
	v61 =	vld [tilespmem:s23+$0x8C00]  }
0x105: {  	v22 =	vadd.f32 v22, v50;
	v1 =	vmul.f32 v55, v1;
	v55 =	vld [tilespmem:s23+$0x6400];
	v62 =	vmul.f32 $1.677721600e+07, v57  }
0x106: {  	v27 =	vmax.f32 v27, $0.0e+00;
	v58 =	vmax.f32 v58, $0.0e+00  }
0x107: {  	v22 =	vsub.f32 v22, v1;
	v1 =	vmul.f32 $3.355443200e+07, v1;
	v0 =	vsub.f32 v0, v62  }
0x108: {  	v27 =	vmul.f32 v58, v27;
	v58 =	vld [tilespmem:s23+$0xA000];
	v59 =	vadd.f32 v59, v50;
	v63 =	vmax.f32 v63, v52  }
0x109: {  	v2 =	vld [tilespmem:s24+$0x5000];
	v62 =	vmul.f32 $1.677721600e+07, v22;
	v60 =	vmax.f32 v60, v54;
	v61 =	vmin.f32 v61, v51  }
0x10a: {  	v59 =	vsub.f32 v59, v27;
	v55 =	vmin.f32 v55, v53;
	v61 =	vsub.f32 v61, v63;
	v63 =	vld [tilespmem:s24+$0x7800]  }
0x10b: {  	vm6 =	vgt.f32 v0, v57;
	v55 =	vsub.f32 v55, v60;
	v60 =	vld [tilespmem:s24+$0x6400]  }
0x10c: {  	v0 =	vsub.f32 v1, v62;
	v1 =	vmul.f32 $3.355443200e+07, v27;
	v27 =	vld [tilespmem:s24+$0x8C00];
	v57 =	vmul.f32 $1.677721600e+07, v59  }
0x10d: {  	v62 =	vld [tilespmem:s24+$0xA000];
	v61 =	vmax.f32 v61, $0.0e+00;
	v58 =	vadd.f32 v58, v50;
	v55 =	vmax.f32 v55, $0.0e+00  }
0x10e: {  	vm7 =	vgt.f32 v0, v22;
	v0 =	vsub.f32 v1, v57;
	v1 =	vld [tilespmem:s26+$0x6400];
	v55 =	vmul.f32 v61, v55  }
0x10f: {  	v2 =	vmax.f32 v2, v54;
	vm0 =	vmand vm3, vm5;
	v57 =	vld [tilespmem:s26+$0x7800]  }
0x110: {  	v61 =	vld [tilespmem:s26+$0x5000];
	vm5 =	vgt.f32 v0, v59;
	v22 =	vsub.f32 v58, v55;
	v55 =	vmul.f32 $3.355443200e+07, v55  }
0x111: {  	v0 =	vld [tilespmem:s28+$0x6400];
	v58 =	vmin.f32 v60, v53;
	v60 =	vmax.f32 v63, v52;
	v27 =	vmin.f32 v27, v51  }
0x112: {  	v63 =	vld [tilespmem:s26+$0x8C00];
	v2 =	vsub.f32 v58, v2;
	v27 =	vsub.f32 v27, v60;
	v58 =	vmul.f32 $1.677721600e+07, v22  }
0x113: {  	v60 =	vld [tilespmem:s28+$0x5000]  }
0x114: {  	v2 =	vmax.f32 v2, $0.0e+00;
	v27 =	vmax.f32 v27, $0.0e+00;
	v55 =	vsub.f32 v55, v58;
	v58 =	vld [tilespmem:s28+$0x7800]  }
0x115: {  	v36 =	vsel vm0, $0xFF800000, v36;
	vm0 =	vmand vm3, vm6;
	v2 =	vmul.f32 v27, v2;
	v27 =	vld [tilespmem:s28+$0x8C00]  }
0x116: {  	v59 =	vadd.f32 v62, v50;
	v1 =	vmin.f32 v1, v53;
	v61 =	vmax.f32 v61, v54  }
0x117: {  	v37 =	vsel vm0, $0xFF800000, v37;
	v62 =	vld [tilespmem:s29+$0x6400];
	v57 =	vmax.f32 v57, v52;
	v1 =	vsub.f32 v1, v61  }
0x118: {  	vm6 =	vgt.f32 v55, v22;
	v22 =	vld [tilespmem:s26+$0xA000];
	v55 =	vsub.f32 v59, v2;
	v59 =	vmin.f32 v63, v51  }
0x119: {  	v61 =	vld [tilespmem:s28+$0xA000];
	v0 =	vmin.f32 v0, v53;
	v1 =	vmax.f32 v1, $0.0e+00;
	v57 =	vsub.f32 v59, v57  }
0x11a: {  	v59 =	vmax.f32 v60, v54;
	v60 =	vld [tilespmem:s29+$0x5000];
	v58 =	vmax.f32 v58, v52;
	v27 =	vmin.f32 v27, v51  }
0x11b: {  	v2 =	vmul.f32 $3.355443200e+07, v2;
	v57 =	vmax.f32 v57, $0.0e+00;
	v27 =	vsub.f32 v27, v58;
	v58 =	vld [tilespmem:s29+$0x7800]  }
0x11c: {  	v0 =	vsub.f32 v0, v59;
	v59 =	vmul.f32 $1.677721600e+07, v55;
	v1 =	vmul.f32 v57, v1;
	v57 =	vld [tilespmem:s29+$0x8C00]  }
0x11d: {  	vm0 =	vmand vm3, vm7;
	v62 =	vmin.f32 v62, v53;
	v22 =	vadd.f32 v22, v50  }
0x11e: {  	v0 =	vmax.f32 v0, $0.0e+00;
	v2 =	vsub.f32 v2, v59;
	v27 =	vmax.f32 v27, $0.0e+00  }
0x11f: {  	v60 =	vmax.f32 v60, v54;
	v22 =	vsub.f32 v22, v1;
	v0 =	vmul.f32 v27, v0  }
0x120: {  	v27 =	vadd.f32 v61, v50;
	v1 =	vmul.f32 $3.355443200e+07, v1;
	v61 =	vld [tilespmem:s29+$0xA000];
	v60 =	vsub.f32 v62, v60  }
0x121: {  	v59 =	vmul.f32 $1.677721600e+07, v22;
	v58 =	vmax.f32 v58, v52;
	v57 =	vmin.f32 v57, v51  }
0x122: {  	vm7 =	vgt.f32 v2, v55;
	v2 =	vld [tilespmem:s30+$0x6400];
	v27 =	vsub.f32 v27, v0;
	v57 =	vsub.f32 v57, v58  }
0x123: {  	vm11 =	vgt.f32 v36, v56;
	v0 =	vmul.f32 $3.355443200e+07, v0;
	v58 =	vld [tilespmem:s30+$0x5000];
	v1 =	vsub.f32 v1, v59  }
0x124: {  	v55 =	vmul.f32 $1.677721600e+07, v27;
	v59 =	vmax.f32 v60, $0.0e+00;
	v60 =	vld [tilespmem:s30+$0x7800];
	v57 =	vmax.f32 v57, $0.0e+00  }
0x125: {  	v56 =	vsel vm11, v36, v56;
	v57 =	vmul.f32 v57, v59;
	v59 =	vadd.f32 v61, v50;
	v61 =	vld [tilespmem:s30+$0x8C00]  }
0x126: {  	vm12 =	vgt.f32 v37, v56;
	v0 =	vsub.f32 v0, v55;
	v55 =	vld [tilespmem:s31+$0x5000]  }
0x127: {  	v56 =	vsel vm12, v37, v56;
	vm15 =	vgt.f32 v1, v22;
	v22 =	vld [tilespmem:s31+$0x6400]  }
0x128: {  	v38 =	vsel vm0, $0xFF800000, v38;
	vm0 =	vmand vm3, vm6;
	vm6 =	vgt.f32 v0, v27;
	v0 =	vld [tilespmem:s31+$0x7800]  }
0x129: {  	vm1 =	vmand vm3, vm5;
	vm13 =	vgt.f32 v38, v56;
	v1 =	vsub.f32 v59, v57;
	v59 =	vld [tilespmem:s31+$0x8C00]  }
0x12a: {  	v43 =	vsel vm1, $0xFF800000, v43;
	v56 =	vsel vm13, v38, v56;
	v2 =	vmin.f32 v2, v53  }
0x12b: {  	v27 =	vmul.f32 $3.355443200e+07, v57;
	v57 =	vmax.f32 v58, v54;
	v58 =	vld [tilespmem:s30+$0xA000];
	v60 =	vmax.f32 v60, v52  }
0x12c: {  	v2 =	vsub.f32 v2, v57;
	v57 =	vld [tilespmem:s3+$0x5000];
	v62 =	vmul.f32 $1.677721600e+07, v1;
	v61 =	vmin.f32 v61, v51  }
0x12d: {  	v55 =	vmax.f32 v55, v54;
	v22 =	vmin.f32 v22, v53;
	v60 =	vsub.f32 v61, v60;
	v61 =	vld [tilespmem:s3+$0x6400]  }
0x12e: {  	v22 =	vsub.f32 v22, v55;
	v55 =	vld [tilespmem:s3+$0x7800];
	v0 =	vmax.f32 v0, v52;
	v59 =	vmin.f32 v59, v51  }
0x12f: {  	vm1 =	vmand vm3, vm6;
	v27 =	vsub.f32 v27, v62;
	v0 =	vsub.f32 v59, v0;
	v59 =	vld [tilespmem:s3+$0x8C00]  }
0x130: {  	vm14 =	vmand vm3, vm7;
	v41 =	vsel vm1, $0xFF800000, v41;
	v2 =	vmax.f32 v2, $0.0e+00  }
0x131: {  	v62 =	vld [tilespmem:s31+$0xA000];
	v60 =	vmax.f32 v60, $0.0e+00;
	vm1 =	vgt.f32 v27, v1;
	v27 =	vadd.f32 v58, v50  }
0x132: {  	v22 =	vmax.f32 v22, $0.0e+00;
	v2 =	vmul.f32 v60, v2;
	v0 =	vmax.f32 v0, $0.0e+00  }
0x133: {  	v0 =	vmul.f32 v0, v22;
	v22 =	vmax.f32 v57, v54;
	v53 =	vmin.f32 v61, v53;
	v54 =	vld [tilespmem:s3+$0xA000]  }
0x134: {  	v27 =	vsub.f32 v27, v2;
	v52 =	vmax.f32 v55, v52;
	v51 =	vmin.f32 v59, v51  }
0x135: {  	v40 =	vsel vm14, $0xFF800000, v40;
	v22 =	vsub.f32 v53, v22;
	v51 =	vsub.f32 v51, v52  }
0x136: {  	vm14 =	vgt.f32 v43, v56;
	v2 =	vmul.f32 $3.355443200e+07, v2;
	v61 =	vadd.f32 v62, v50  }
0x137: {  	v60 =	vmul.f32 $1.677721600e+07, v27;
	v22 =	vmax.f32 v22, $0.0e+00;
	v51 =	vmax.f32 v51, $0.0e+00  }
0x138: {  	v52 =	vsub.f32 v61, v0;
	v50 =	vadd.f32 v54, v50;
	v22 =	vmul.f32 v51, v22  }
0x139: {  	v1 =	vsel vm14, v43, v56;
	v2 =	vsub.f32 v2, v60  }
0x13a: {  	v0 =	vmul.f32 $3.355443200e+07, v0;
	v56 =	vmul.f32 $1.677721600e+07, v52;
	v50 =	vsub.f32 v50, v22  }
0x13b: {  	vm7 =	vgt.f32 v2, v27  }
0x13c: {  	v0 =	vsub.f32 v0, v56;
	v2 =	vmul.f32 $3.355443200e+07, v22;
	v22 =	vmul.f32 $1.677721600e+07, v50  }
0x13d: {  	v39 =	vsel vm0, $0xFF800000, v39;
	vm0 =	vmand vm3, vm7  }
0x13e: {  	v59 =	vld [tilespmem:$0x1FFF0];
	v45 =	vsel vm0, $0xFF800000, v45;
	vm0 =	vgt.f32 v0, v52;
	v2 =	vsub.f32 v2, v22  }
0x13f: {  	v0 =	vld [tilespmem:$0x1FF50];
	vm0 =	vmand vm3, vm0  }
0x140: {  	v46 =	vsel vm0, $0xFF800000, v46;
	vm0 =	vgt.f32 v2, v50;
	v2 =	vld [tilespmem:$0x1FF60]  }
0x141: {  	vm5 =	vmand vm3, vm15;
	vm15 =	vgt.f32 v39, v1  }
0x142: {  	v1 =	vsel vm15, v39, v1  }
0x143: {  	v63 =	vmovc v3;
	v3 =	vmovc v5;
	v42 =	vsel vm5, $0xFF800000, v42;
	vm6 =	vgt.f32 v40, v1;
	v62 =	vnsel vm2, $0x40000000, v59  }
0x144: {  	v1 =	vsel vm6, v40, v1;
	v27 =	vsel vm4, v3, v62;
	vm7 =	vnez.u8 v0  }
0x145: {  	vm5 =	vgt.f32 v42, v1;
	v0 =	vsel vm7, v6, v27;
	vm7 =	vnez.u8 v2;
	v2 =	vld [tilespmem:$0x1FF70]  }
0x146: {  	v1 =	vsel vm5, v42, v1  }
0x147: {  	vm1 =	vmand vm3, vm1;
	vm2 =	vgt.f32 v41, v1  }
0x148: {  	v44 =	vsel vm1, $0xFF800000, v44;
	v1 =	vsel vm2, v41, v1;
	v62 =	vld [tilespmem:$0x1FFB0]  }
0x149: {  	v21 =	vld [tilespmem:$0x1FFC0];
	v5 =	vmov v7;
	vm4 =	vgt.f32 v44, v1  }
0x14a: {  	v4 =	vld [tilespmem:$0x1FF80];
	v1 =	vsel vm4, v44, v1;
	v0 =	vsel vm7, v5, v0;
	vm7 =	vnez.u8 v2  }
0x14b: {  	v7 =	vmov v9;
	vm1 =	vgt.f32 v45, v1;
	v0 =	vsel vm7, v8, v0  }
0x14c: {  	v1 =	vsel vm1, v45, v1;
	v0 =	vsel vm8, v7, v0  }
0x14d: {  	v9 =	vmovc v11;
	vm0 =	vmand vm3, vm0;
	vm3 =	vgt.f32 v46, v1;
	v0 =	vsel vm9, v62, v0  }
0x14e: {  	v47 =	vsel vm0, $0xFF800000, v47;
	v1 =	vsel vm3, v46, v1;
	v0 =	vsel vm10, v9, v0  }
0x14f: {  	vm0 =	vgt.f32 v47, v1;
	v0 =	vsel vm11, v21, v0;
	vm11 =	vnez.u8 v4;
	v4 =	vld [tilespmem:$0x1FFE0]  }
0x150: {  	v1 =	vsel vm0, v47, v1  }
0x151: {  	v18 =	vld [tilespmem:$0x1FF90];
	v2 =	vperm.xlane v1, v23  }
0x152: {  	v11 =	vmov v13  }
0x153: {  	v12 =	vld [tilespmem:$0x1FFA0];
	v2 =	vmax.f32 v1, v2;
	v0 =	vsel vm12, v11, v0  }
0x154: {  	v13 =	vmov v15;
	v22 =	vperm.xlane v2, v24;
	v0 =	vsel vm13, v4, v0  }
0x155: {  	v0 =	vsel vm14, v13, v0  }
0x156: {  	v14 =	vld [tilespmem:$0x1FFD0];
	v15 =	vmov v17;
	v2 =	vmax.f32 v2, v22;
	v0 =	vsel vm15, v18, v0  }
0x157: {  	v22 =	vperm.xlane v2, v25;
	v0 =	vsel vm6, v15, v0  }
0x158: {  	v17 =	vmov v19;
	v0 =	vsel vm5, v12, v0  }
0x159: {  	v19 =	vmov v20;
	v2 =	vmax.f32 v2, v22;
	v0 =	vsel vm2, v17, v0  }
0x15a: {  	v22 =	vperm.xlane v2, v26;
	v0 =	vsel vm4, v19, v0  }
0x15b: {  	v20 =	vmov v16;
	v0 =	vsel vm1, v14, v0  }
0x15c: {  	v16 =	vmov v10;
	v2 =	vmax.f32 v2, v22;
	v0 =	vsel vm3, v20, v0  }
0x15d: {  	vm13 =	veq.f32 v1, v2;
	v0 =	vsel vm0, v16, v0  }
0x15e: {  	v0 =	vnsel vm13, $0x40000000, v0  }
0x15f: {  	v1 =	vperm.xlane v0, v23;
	_ =	sdelay $0x1  }
0x160: {  	vm0 =	vlt.s32 v0, v1  }
0x161: {  	v0 =	vsel vm0, v0, v1  }
0x162: {  	v1 =	vperm.xlane v0, v24;
	_ =	sdelay $0x1  }
0x163: {  	vm0 =	vlt.s32 v0, v1  }
0x164: {  	v0 =	vsel vm0, v0, v1  }
0x165: {  	v1 =	vperm.xlane v0, v25;
	_ =	sdelay $0x1  }
0x166: {  	vm0 =	vlt.s32 v0, v1  }
0x167: {  	v0 =	vsel vm0, v0, v1  }
0x168: {  	v1 =	vperm.xlane v0, v26;
	_ =	sdelay $0x1  }
0x169: {  	vm14 =	vlt.f32 v2, $-Inf;
	vm15 =	vgt.f32 v2, $-Inf;
	vm0 =	vlt.s32 v0, v1  }
0x16a: {  	vm4 =	vmor vm15, vm14;
	v0 =	vsel vm0, v0, v1  }
0x16b: {  	vm10 =	vcmask $0x308;
	v0 =	vnsel vm4, $0x0, v0  }
0x16c: {  	v0 =	vsel vm10, v2, v0  }
0x16d: {  	s5 =	rddreg [dreg:$0x6];
	[tilespmem:$0xB880] =	vst v0  }
0x16e: {  	[spmem:s5] =	stream.linear.scatter [tilespmem:s9], [sflag:$0x1], $0x8, $0x38;
	[tilespmem:$0xB9A0] =	vst v63  }
0x16f: {  	_ =	swait.ge [sflag:s4], $0x8  }
0x170: {  	[sflag:s4] =	ssyncset.done $0x0  }
0x171: {  	[sflag:s4] =	ssyncadd.s32 $0xFFFFFFF8  }
0x172: {  	[bflag:$0x0] =	sbarrier.arrive $0xFFFF  }
0x173: {  	s5 =	rddreg [dreg:$0xc]  }
0x174: {  	[tilespmem:s6], [sflag:$0x1] =	stream.linear.gather [spmem:s5], $0x80, $0x38;
	[tilespmem:$0xB9A0] =	vst v63  }
0x175: {  	_ =	swait.ge [sflag:s4], $0x80  }
0x176: {  	[sflag:s4] =	ssyncset.done $0x0  }
0x177: {  	[sflag:s4] =	ssyncadd.s32 $0xFFFFFF80  }
0x178: {  	v0 =	vld.idx.msk [tilespmem:v48+s6+$0x0], $0xffff;
	_ =	sdelay $0x4  }
0x179: {  	v1 =	vperm.xlane v0, v23;
	_ =	sdelay $0x1  }
0x17a: {  	v1 =	vmax.f32 v0, v1  }
0x17b: {  	v2 =	vperm.xlane v1, v24;
	_ =	sdelay $0x1  }
0x17c: {  	v1 =	vmax.f32 v1, v2  }
0x17d: {  	v2 =	vperm.xlane v1, v25;
	_ =	sdelay $0x1  }
0x17e: {  	v1 =	vmax.f32 v1, v2  }
0x17f: {  	v2 =	vperm.xlane v1, v26;
	_ =	sdelay $0x1  }
0x180: {  	v1 =	vmax.f32 v1, v2  }
0x181: {  	vm5 =	veq.f32 v0, v1  }
0x182: {  	v0 =	vld.idx.msk [tilespmem:v49+s6+$0x0], $0xffff;
	v2 =	vmctz.xlane vm5;
	_ =	sdelay $0x1  }
0x183: {  	v22 =	vshrl.u32 v2, $0x1B  }
0x184: {  	v22 =	vand.u32 $0x10, v22  }
0x185: {  	v2 =	vadd.s32 v2, v22  }
0x186: {  	v22 =	vperm.xlane v0, v2;
	_ =	sdelay $0x1  }
0x187: {  	vm6 =	vlt.f32 v1, $-Inf;
	vm7 =	vgt.f32 v1, $-Inf;
	v1 =	vsub.s32 v22, v63  }
0x188: {  	vm2 =	vmor vm7, vm6;
	vm12 =	vlt.u32 v1, $0x140  }
0x189: {  	vm0 =	vmand vm2, vm12  }
0x18a: {  	vm0 =	vmand vm0, vm11  }
0x18b: {  	v22 =	vld.idx.msk [tilespmem:v0+s22+$0x0], $0xffff;
	v1 =	vnsel vm0, $0x0, v1  }
0x18c: {  	v27 =	vld.idx.msk [tilespmem:v0+s25+$0x0], $0xffff  }
0x18d: {  	v57 =	vld.idx.msk [tilespmem:v0+s0+$0x0], $0xffff  }
0x18e: {  	v49 =	vld.idx.msk [tilespmem:v0+s2+$0x0], $0xffff  }
0x18f: {  	v10 =	vimm.f32 $1.000000000e+00;
	v0 =	vld.idx.msk [tilespmem:v0+s17+$0x0], $0xffff  }
0x190: {  	[tilespmem:v1+s8+$0x0] =	vst.idx.add.f32.msk vm0, v10  }
0x191: {  	v1 =	vld [tilespmem:s1+$0x5000]  }
0x192: {  	v58 =	vld [tilespmem:s1+$0x6400]  }
0x193: {  	v60 =	vld [tilespmem:s1+$0x7800]  }
0x194: {  	v61 =	vld [tilespmem:s1+$0x8C00];
	_ =	sdelay $0x1  }
0x195: {  	v52 =	vperm.xlane v22, v2;
	v51 =	vperm.xlane v27, v2  }
0x196: {  	v50 =	vperm.xlane v57, v2;
	v49 =	vperm.xlane v49, v2  }
0x197: {  	v22 =	vld [tilespmem:s1+$0xA000];
	v1 =	vmax.f32 v1, v52  }
0x198: {  	v27 =	vmin.f32 v58, v51;
	v48 =	vmax.f32 v60, v50;
	v56 =	vmin.f32 v61, v49  }
0x199: {  	v1 =	vsub.f32 v27, v1;
	v27 =	vsub.f32 v56, v48  }
0x19a: {  	v57 =	vld [tilespmem:s10+$0x8C00];
	v48 =	vperm.xlane v0, v2  }
0x19b: {  	v2 =	vld [tilespmem:s10+$0x5000];
	v0 =	vmax.f32 v1, $0.0e+00;
	v1 =	vmax.f32 v27, $0.0e+00  }
0x19c: {  	v27 =	vld [tilespmem:s10+$0x7800];
	v0 =	vmul.f32 v1, v0;
	v1 =	vadd.f32 v22, v48  }
0x19d: {  	v22 =	vld [tilespmem:s10+$0x6400]  }
0x19e: {  	v1 =	vsub.f32 v1, v0;
	_ =	sdelay $0x1  }
0x19f: {  	v55 =	vld [tilespmem:s10+$0xA000];
	v0 =	vmul.f32 $3.355443200e+07, v0;
	v58 =	vmul.f32 $1.677721600e+07, v1  }
0x1a0: {  	v60 =	vld [tilespmem:s11+$0x5000];
	v53 =	vmin.f32 v57, v49;
	v2 =	vmax.f32 v2, v52  }
0x1a1: {  	v61 =	vld [tilespmem:s11+$0x6400];
	v27 =	vmax.f32 v27, v50;
	v22 =	vmin.f32 v22, v51;
	v0 =	vsub.f32 v0, v58  }
0x1a2: {  	v2 =	vsub.f32 v22, v2;
	v22 =	vsub.f32 v53, v27;
	v27 =	vld [tilespmem:s11+$0x7800]  }
0x1a3: {  	v58 =	vld [tilespmem:s11+$0x8C00]  }
0x1a4: {  	vm13 =	vgt.f32 v0, v1;
	v0 =	vmax.f32 v2, $0.0e+00;
	v1 =	vmax.f32 v22, $0.0e+00  }
0x1a5: {  	v56 =	vld [tilespmem:s12+$0x6400];
	v0 =	vmul.f32 v1, v0;
	v1 =	vadd.f32 v55, v48  }
0x1a6: {  	v2 =	vld [tilespmem:s11+$0xA000];
	v22 =	vmax.f32 v60, v52;
	v60 =	vmin.f32 v61, v51  }
0x1a7: {  	vm0 =	vmand vm2, vm13;
	v22 =	vsub.f32 v60, v22;
	v60 =	vld [tilespmem:s12+$0x8C00];
	v1 =	vsub.f32 v1, v0  }
0x1a8: {  	v28 =	vsel vm0, $0xFF800000, v28;
	v27 =	vmax.f32 v27, v50;
	v53 =	vmin.f32 v58, v49;
	v58 =	vld [tilespmem:s12+$0x7800]  }
0x1a9: {  	v54 =	vld [tilespmem:s12+$0x5000];
	v0 =	vmul.f32 $3.355443200e+07, v0;
	v27 =	vsub.f32 v53, v27;
	v61 =	vmul.f32 $1.677721600e+07, v1  }
0x1aa: {  	vm0 =	vlt.f32 v28, $-Inf;
	v22 =	vmax.f32 v22, $0.0e+00  }
0x1ab: {  	vm14 =	vgt.f32 v28, $-Inf;
	v27 =	vmax.f32 v27, $0.0e+00;
	v0 =	vsub.f32 v0, v61  }
0x1ac: {  	v2 =	vadd.f32 v2, v48;
	v55 =	vmin.f32 v60, v49;
	v22 =	vmul.f32 v27, v22;
	v27 =	vld [tilespmem:s13+$0x5000]  }
0x1ad: {  	v61 =	vmin.f32 v56, v51;
	v56 =	vld [tilespmem:s13+$0x6400];
	v53 =	vmax.f32 v58, v50;
	vm12 =	vgt.f32 v0, v1  }
0x1ae: {  	v0 =	vld [tilespmem:s12+$0xA000];
	v1 =	vsub.f32 v2, v22;
	v2 =	vmul.f32 $3.355443200e+07, v22;
	v22 =	vmax.f32 v54, v52  }
0x1af: {  	vm15 =	vmor vm14, vm0;
	v53 =	vsub.f32 v55, v53;
	v54 =	vld [tilespmem:s13+$0x7800];
	v22 =	vsub.f32 v61, v22  }
0x1b0: {  	v55 =	vnsel vm15, $0xFF800000, v28;
	v61 =	vld [tilespmem:s13+$0x8C00];
	v60 =	vmul.f32 $1.677721600e+07, v1  }
0x1b1: {  	vm0 =	vmand vm2, vm12;
	v53 =	vmax.f32 v53, $0.0e+00;
	v22 =	vmax.f32 v22, $0.0e+00  }
0x1b2: {  	v29 =	vsel vm0, $0xFF800000, v29;
	v2 =	vsub.f32 v2, v60;
	v22 =	vmul.f32 v53, v22  }
0x1b3: {  	v57 =	vld [tilespmem:s14+$0x6400];
	vm0 =	vgt.f32 v29, v55;
	v60 =	vmin.f32 v56, v51;
	v0 =	vadd.f32 v0, v48  }
0x1b4: {  	v54 =	vmax.f32 v54, v50;
	vm13 =	vgt.f32 v2, v1;
	v1 =	vld [tilespmem:s13+$0xA000];
	v2 =	vmul.f32 $3.355443200e+07, v22  }
0x1b5: {  	v61 =	vmin.f32 v61, v49;
	v0 =	vsub.f32 v0, v22;
	v22 =	vmax.f32 v27, v52;
	v27 =	vld [tilespmem:s14+$0x5000]  }
0x1b6: {  	vm1 =	vmand vm2, vm13;
	v22 =	vsub.f32 v60, v22;
	v60 =	vsub.f32 v61, v54;
	v54 =	vld [tilespmem:s14+$0x7800]  }
0x1b7: {  	v55 =	vsel vm0, v29, v55;
	v61 =	vld [tilespmem:s14+$0x8C00];
	v30 =	vsel vm1, $0xFF800000, v30;
	v58 =	vmul.f32 $1.677721600e+07, v0  }
0x1b8: {  	vm1 =	vgt.f32 v30, v55;
	v22 =	vmax.f32 v22, $0.0e+00;
	v53 =	vmax.f32 v60, $0.0e+00  }
0x1b9: {  	v2 =	vsub.f32 v2, v58;
	v22 =	vmul.f32 v53, v22;
	v1 =	vadd.f32 v1, v48  }
0x1ba: {  	v60 =	vmin.f32 v57, v51;
	v57 =	vld [tilespmem:s18+$0x6400];
	v55 =	vsel vm1, v30, v55  }
0x1bb: {  	vm14 =	vgt.f32 v2, v0;
	v0 =	vld [tilespmem:s14+$0xA000];
	v1 =	vsub.f32 v1, v22;
	v2 =	vmul.f32 $3.355443200e+07, v22  }
0x1bc: {  	v22 =	vmax.f32 v27, v52;
	v27 =	vld [tilespmem:s18+$0x5000];
	v54 =	vmax.f32 v54, v50;
	v56 =	vmin.f32 v61, v49  }
0x1bd: {  	v61 =	vnsel vm15, $0x40000000, v59;
	v22 =	vsub.f32 v60, v22;
	v53 =	vsub.f32 v56, v54;
	v54 =	vld [tilespmem:s18+$0x7800]  }
0x1be: {  	vm15 =	vmand vm2, vm14;
	v60 =	vld [tilespmem:s18+$0x8C00];
	v56 =	vsel vm0, v3, v61;
	v58 =	vmul.f32 $1.677721600e+07, v1  }
0x1bf: {  	v31 =	vsel vm15, $0xFF800000, v31;
	v22 =	vmax.f32 v22, $0.0e+00;
	v53 =	vmax.f32 v53, $0.0e+00  }
0x1c0: {  	v57 =	vmin.f32 v57, v51;
	v2 =	vsub.f32 v2, v58;
	v58 =	vld [tilespmem:s18+$0xA000];
	v22 =	vmul.f32 v53, v22  }
0x1c1: {  	v56 =	vsel vm1, v6, v56;
	vm6 =	vgt.f32 v31, v55;
	v53 =	vld [tilespmem:s15+$0x5000];
	v0 =	vadd.f32 v0, v48  }
0x1c2: {  	vm7 =	vgt.f32 v2, v1;
	v1 =	vld [tilespmem:s15+$0x6400];
	v2 =	vmul.f32 $3.355443200e+07, v22;
	v54 =	vmax.f32 v54, v50  }
0x1c3: {  	v59 =	vmin.f32 v60, v49;
	v60 =	vld [tilespmem:s15+$0x8C00];
	v0 =	vsub.f32 v0, v22;
	v22 =	vmax.f32 v27, v52  }
0x1c4: {  	v27 =	vld [tilespmem:s15+$0x7800];
	v54 =	vsub.f32 v59, v54;
	vm12 =	vmand vm2, vm7;
	v22 =	vsub.f32 v57, v22  }
0x1c5: {  	v55 =	vsel vm6, v31, v55;
	v56 =	vsel vm6, v5, v56;
	v34 =	vsel vm12, $0xFF800000, v34  }
0x1c6: {  	v57 =	vld [tilespmem:s15+$0xA000];
	v61 =	vmul.f32 $1.677721600e+07, v0;
	v54 =	vmax.f32 v54, $0.0e+00;
	v22 =	vmax.f32 v22, $0.0e+00  }
0x1c7: {  	v53 =	vmax.f32 v53, v52;
	v22 =	vmul.f32 v54, v22;
	v54 =	vadd.f32 v58, v48;
	v58 =	vld [tilespmem:s19+$0x5000]  }
0x1c8: {  	v2 =	vsub.f32 v2, v61;
	v1 =	vmin.f32 v1, v51;
	v59 =	vmin.f32 v60, v49;
	v60 =	vld [tilespmem:s19+$0x6400]  }
0x1c9: {  	vm1 =	vgt.f32 v34, v55;
	v61 =	vld [tilespmem:s19+$0xA000];
	v27 =	vmax.f32 v27, v50;
	v1 =	vsub.f32 v1, v53  }
0x1ca: {  	v53 =	vld [tilespmem:s19+$0x7800];
	v27 =	vsub.f32 v59, v27;
	vm13 =	vgt.f32 v2, v0;
	v0 =	vsub.f32 v54, v22  }
0x1cb: {  	v55 =	vsel vm1, v34, v55;
	v2 =	vld [tilespmem:s19+$0x8C00];
	v22 =	vmul.f32 $3.355443200e+07, v22;
	v1 =	vmax.f32 v1, $0.0e+00  }
0x1cc: {  	vm14 =	vmand vm2, vm13;
	v27 =	vmax.f32 v27, $0.0e+00;
	v54 =	vmul.f32 $1.677721600e+07, v0  }
0x1cd: {  	v32 =	vsel vm14, $0xFF800000, v32;
	v1 =	vmul.f32 v27, v1;
	v27 =	vadd.f32 v57, v48  }
0x1ce: {  	v60 =	vmin.f32 v60, v51;
	vm0 =	vgt.f32 v32, v55;
	v61 =	vadd.f32 v61, v48  }
0x1cf: {  	v22 =	vsub.f32 v22, v54;
	v54 =	vmax.f32 v58, v52;
	v53 =	vmax.f32 v53, v50  }
0x1d0: {  	v58 =	vld [tilespmem:s16+$0x7800];
	v55 =	vsel vm0, v32, v55;
	v27 =	vsub.f32 v27, v1;
	v2 =	vmin.f32 v2, v49  }
0x1d1: {  	v54 =	vsub.f32 v60, v54;
	v60 =	vld [tilespmem:s16+$0x8C00];
	v2 =	vsub.f32 v2, v53;
	vm15 =	vgt.f32 v22, v0  }
0x1d2: {  	v53 =	vld [tilespmem:s16+$0x5000];
	v0 =	vmul.f32 $3.355443200e+07, v1;
	v22 =	vmul.f32 $1.677721600e+07, v27;
	vm3 =	vmand vm2, vm15  }
0x1d3: {  	v1 =	vld [tilespmem:s16+$0x6400];
	v54 =	vmax.f32 v54, $0.0e+00;
	v2 =	vmax.f32 v2, $0.0e+00;
	v33 =	vsel vm3, $0xFF800000, v33  }
0x1d4: {  	v59 =	vld [tilespmem:s20+$0x6400];
	v2 =	vmul.f32 v2, v54;
	v0 =	vsub.f32 v0, v22;
	v22 =	vsel vm1, v8, v56  }
0x1d5: {  	vm4 =	vgt.f32 v33, v55;
	v56 =	vld [tilespmem:s16+$0xA000];
	v58 =	vmax.f32 v58, v50;
	v22 =	vsel vm0, v7, v22  }
0x1d6: {  	v55 =	vsel vm4, v33, v55;
	v57 =	vmin.f32 v60, v49;
	v60 =	vld [tilespmem:s20+$0x7800];
	v54 =	vsub.f32 v61, v2  }
0x1d7: {  	vm5 =	vgt.f32 v0, v27;
	v0 =	vld [tilespmem:s20+$0x5000];
	v2 =	vmul.f32 $3.355443200e+07, v2;
	v53 =	vmax.f32 v53, v52  }
0x1d8: {  	v1 =	vmin.f32 v1, v51;
	v61 =	vsub.f32 v57, v58;
	v57 =	vld [tilespmem:s20+$0x8C00];
	v22 =	vsel vm4, v62, v22  }
0x1d9: {  	v58 =	vld [tilespmem:s21+$0x6400];
	vm0 =	vmand vm2, vm5;
	v1 =	vsub.f32 v1, v53;
	v27 =	vmul.f32 $1.677721600e+07, v54  }
0x1da: {  	v62 =	vmin.f32 v59, v51;
	v35 =	vsel vm0, $0xFF800000, v35;
	v53 =	vmax.f32 v61, $0.0e+00  }
0x1db: {  	vm0 =	vgt.f32 v35, v55;
	v1 =	vmax.f32 v1, $0.0e+00;
	v2 =	vsub.f32 v2, v27;
	v27 =	vld [tilespmem:s21+$0x5000]  }
0x1dc: {  	v1 =	vmul.f32 v53, v1;
	v53 =	vld [tilespmem:s21+$0x7800];
	v22 =	vsel vm0, v9, v22;
	v60 =	vmax.f32 v60, v50  }
0x1dd: {  	v0 =	vmax.f32 v0, v52;
	vm6 =	vgt.f32 v2, v54;
	v54 =	vsel vm0, v35, v55;
	v55 =	vld [tilespmem:s21+$0x8C00]  }
0x1de: {  	v57 =	vmin.f32 v57, v49;
	v58 =	vmin.f32 v58, v51;
	v2 =	vadd.f32 v56, v48;
	v56 =	vld [tilespmem:s20+$0xA000]  }
0x1df: {  	v0 =	vsub.f32 v62, v0;
	v57 =	vsub.f32 v57, v60;
	v60 =	vld [tilespmem:s23+$0x5000];
	vm7 =	vmand vm2, vm6  }
0x1e0: {  	v62 =	vld [tilespmem:s23+$0x6400];
	v2 =	vsub.f32 v2, v1;
	v36 =	vsel vm7, $0xFF800000, v36;
	v1 =	vmul.f32 $3.355443200e+07, v1  }
0x1e1: {  	v61 =	vld [tilespmem:s21+$0xA000];
	v0 =	vmax.f32 v0, $0.0e+00;
	v57 =	vmax.f32 v57, $0.0e+00;
	v27 =	vmax.f32 v27, v52  }
0x1e2: {  	v53 =	vmax.f32 v53, v50;
	vm0 =	vgt.f32 v36, v54;
	v0 =	vmul.f32 v57, v0  }
0x1e3: {  	v59 =	vmul.f32 $1.677721600e+07, v2;
	v27 =	vsub.f32 v58, v27;
	v54 =	vsel vm0, v36, v54  }
0x1e4: {  	v57 =	vld [tilespmem:s23+$0x8C00];
	v22 =	vsel vm0, v21, v22;
	v55 =	vmin.f32 v55, v49;
	v56 =	vadd.f32 v56, v48  }
0x1e5: {  	v58 =	vmax.f32 v60, v52;
	v60 =	vmin.f32 v62, v51;
	v53 =	vsub.f32 v55, v53;
	v55 =	vld [tilespmem:s23+$0x7800]  }
0x1e6: {  	v1 =	vsub.f32 v1, v59;
	v27 =	vmax.f32 v27, $0.0e+00;
	v59 =	vadd.f32 v61, v48  }
0x1e7: {  	v58 =	vsub.f32 v60, v58;
	v56 =	vsub.f32 v56, v0;
	v53 =	vmax.f32 v53, $0.0e+00  }
0x1e8: {  	v61 =	vld [tilespmem:s24+$0x6400];
	v0 =	vmul.f32 $3.355443200e+07, v0;
	vm12 =	vgt.f32 v1, v2;
	v27 =	vmul.f32 v53, v27  }
0x1e9: {  	v1 =	vld [tilespmem:s23+$0xA000];
	v57 =	vmin.f32 v57, v49;
	v2 =	vmul.f32 $1.677721600e+07, v56;
	vm13 =	vmand vm2, vm12  }
0x1ea: {  	v37 =	vsel vm13, $0xFF800000, v37;
	v53 =	vsub.f32 v59, v27;
	v59 =	vld [tilespmem:s24+$0x5000];
	v55 =	vmax.f32 v55, v50  }
0x1eb: {  	v0 =	vsub.f32 v0, v2;
	v2 =	vmul.f32 $3.355443200e+07, v27;
	v27 =	vld [tilespmem:s24+$0x8C00];
	vm0 =	vgt.f32 v37, v54  }
0x1ec: {  	v58 =	vmax.f32 v58, $0.0e+00;
	v55 =	vsub.f32 v57, v55;
	v54 =	vsel vm0, v37, v54  }
0x1ed: {  	v57 =	vld [tilespmem:s24+$0x7800];
	v22 =	vsel vm0, v11, v22;
	v60 =	vmul.f32 $1.677721600e+07, v53;
	vm14 =	vgt.f32 v0, v56  }
0x1ee: {  	v62 =	vld [tilespmem:s24+$0xA000];
	v1 =	vadd.f32 v1, v48;
	v55 =	vmax.f32 v55, $0.0e+00;
	vm1 =	vmand vm2, vm14  }
0x1ef: {  	v55 =	vmul.f32 v55, v58;
	v58 =	vld [tilespmem:s26+$0x5000];
	v0 =	vsub.f32 v2, v60;
	v60 =	vmin.f32 v61, v51  }
0x1f0: {  	v2 =	vld [tilespmem:s26+$0x6400];
	v38 =	vsel vm1, $0xFF800000, v38;
	v56 =	vmax.f32 v59, v52;
	v27 =	vmin.f32 v27, v49  }
0x1f1: {  	v61 =	vld [tilespmem:s26+$0x8C00];
	vm13 =	vgt.f32 v38, v54;
	v1 =	vsub.f32 v1, v55;
	v55 =	vmul.f32 $3.355443200e+07, v55  }
0x1f2: {  	v59 =	vld [tilespmem:s26+$0x7800];
	v57 =	vmax.f32 v57, v50;
	v56 =	vsub.f32 v60, v56;
	vm15 =	vgt.f32 v0, v53  }
0x1f3: {  	v0 =	vld [tilespmem:s28+$0x5000];
	v27 =	vsub.f32 v27, v57;
	vm14 =	vmand vm2, vm15;
	v60 =	vmul.f32 $1.677721600e+07, v1  }
0x1f4: {  	v54 =	vsel vm13, v38, v54;
	v22 =	vsel vm13, v4, v22;
	v57 =	vld [tilespmem:s26+$0xA000];
	v43 =	vsel vm14, $0xFF800000, v43  }
0x1f5: {  	v27 =	vmax.f32 v27, $0.0e+00;
	v53 =	vsub.f32 v55, v60;
	v60 =	vmax.f32 v56, $0.0e+00;
	v56 =	vld [tilespmem:s28+$0x6400]  }
0x1f6: {  	v58 =	vmax.f32 v58, v52;
	v2 =	vmin.f32 v2, v51;
	v55 =	vadd.f32 v62, v48;
	v62 =	vld [tilespmem:s28+$0x8C00]  }
0x1f7: {  	v61 =	vmin.f32 v61, v49;
	v59 =	vmax.f32 v59, v50;
	v2 =	vsub.f32 v2, v58;
	v58 =	vld [tilespmem:s29+$0x7800]  }
0x1f8: {  	vm13 =	vgt.f32 v43, v54;
	v27 =	vmul.f32 v27, v60;
	v60 =	vld [tilespmem:s28+$0x7800];
	v61 =	vsub.f32 v61, v59  }
0x1f9: {  	v22 =	vsel vm13, v13, v22;
	v59 =	vld [tilespmem:s29+$0x5000];
	vm12 =	vgt.f32 v53, v1  }
0x1fa: {  	v53 =	vld [tilespmem:s29+$0x6400];
	v2 =	vmax.f32 v2, $0.0e+00;
	v1 =	vsub.f32 v55, v27;
	v55 =	vmax.f32 v61, $0.0e+00  }
0x1fb: {  	v0 =	vmax.f32 v0, v52;
	v57 =	vadd.f32 v57, v48;
	v2 =	vmul.f32 v55, v2  }
0x1fc: {  	v27 =	vmul.f32 $3.355443200e+07, v27;
	v55 =	vld [tilespmem:s29+$0x8C00];
	v61 =	vmul.f32 $1.677721600e+07, v1;
	v56 =	vmin.f32 v56, v51  }
0x1fd: {  	v58 =	vmax.f32 v58, v50;
	v0 =	vsub.f32 v56, v0;
	v57 =	vsub.f32 v57, v2  }
0x1fe: {  	v56 =	vld [tilespmem:s28+$0xA000];
	v60 =	vmax.f32 v60, v50;
	v59 =	vmax.f32 v59, v52;
	v2 =	vmul.f32 $3.355443200e+07, v2  }
0x1ff: {  	v27 =	vsub.f32 v27, v61;
	v61 =	vmin.f32 v62, v49;
	v53 =	vmin.f32 v53, v51  }
0x200: {  	v60 =	vsub.f32 v61, v60;
	v61 =	vld [tilespmem:s29+$0xA000];
	v53 =	vsub.f32 v53, v59;
	v59 =	vmul.f32 $1.677721600e+07, v57  }
0x201: {  	v0 =	vmax.f32 v0, $0.0e+00;
	v55 =	vmin.f32 v55, v49;
	vm0 =	vgt.f32 v27, v1  }
0x202: {  	v60 =	vmax.f32 v60, $0.0e+00;
	v55 =	vsub.f32 v55, v58;
	v1 =	vsub.f32 v2, v59;
	v2 =	vld [tilespmem:s30+$0x8C00]  }
0x203: {  	vm15 =	vmand vm2, vm12;
	v0 =	vmul.f32 v60, v0;
	v56 =	vadd.f32 v56, v48;
	v60 =	vld [tilespmem:s30+$0x6400]  }
0x204: {  	v53 =	vmax.f32 v53, $0.0e+00;
	v55 =	vmax.f32 v55, $0.0e+00;
	vm12 =	vgt.f32 v1, v57;
	v1 =	vld [tilespmem:s31+$0x6400]  }
0x205: {  	v57 =	vld [tilespmem:s31+$0x7800];
	v56 =	vsub.f32 v56, v0;
	v53 =	vmul.f32 v55, v53;
	v55 =	vadd.f32 v61, v48  }
0x206: {  	v39 =	vsel vm15, $0xFF800000, v39;
	vm0 =	vmand vm2, vm0;
	v61 =	vld [tilespmem:s30+$0x7800];
	v0 =	vmul.f32 $3.355443200e+07, v0  }
0x207: {  	v62 =	vld [tilespmem:s31+$0x8C00];
	vm6 =	vmand vm2, vm12;
	v27 =	vmul.f32 $1.677721600e+07, v56;
	v55 =	vsub.f32 v55, v53  }
0x208: {  	v58 =	vld [tilespmem:s30+$0x5000];
	v40 =	vsel vm0, $0xFF800000, v40;
	v42 =	vsel vm6, $0xFF800000, v42;
	v2 =	vmin.f32 v2, v49  }
0x209: {  	v59 =	vld [tilespmem:s31+$0x5000];
	v0 =	vsub.f32 v0, v27;
	v27 =	vmul.f32 $3.355443200e+07, v53;
	v53 =	vmul.f32 $1.677721600e+07, v55  }
0x20a: {  	v60 =	vmin.f32 v60, v51;
	v1 =	vmin.f32 v1, v51;
	v57 =	vmax.f32 v57, v50  }
0x20b: {  	v61 =	vmax.f32 v61, v50;
	vm14 =	vgt.f32 v0, v56;
	v0 =	vsub.f32 v27, v53  }
0x20c: {  	v27 =	vsel vm13, v43, v54;
	v2 =	vsub.f32 v2, v61;
	v54 =	vld [tilespmem:s30+$0xA000];
	v61 =	vmin.f32 v62, v49  }
0x20d: {  	v53 =	vmax.f32 v58, v52;
	vm1 =	vgt.f32 v39, v27;
	v62 =	vsub.f32 v61, v57;
	v57 =	vld [tilespmem:s3+$0x6400]  }
0x20e: {  	v53 =	vsub.f32 v60, v53;
	v60 =	vmax.f32 v59, v52;
	v59 =	vld [tilespmem:s3+$0x5000];
	vm7 =	vmand vm2, vm14  }
0x20f: {  	v1 =	vsub.f32 v1, v60;
	v27 =	vsel vm1, v39, v27;
	v22 =	vsel vm1, v18, v22;
	v60 =	vld [tilespmem:s3+$0x7800]  }
0x210: {  	vm15 =	vgt.f32 v0, v55;
	v2 =	vmax.f32 v2, $0.0e+00;
	v61 =	vmax.f32 v62, $0.0e+00;
	v62 =	vld [tilespmem:s3+$0x8C00]  }
0x211: {  	v41 =	vsel vm7, $0xFF800000, v41;
	v0 =	vmax.f32 v53, $0.0e+00;
	vm12 =	vgt.f32 v40, v27  }
0x212: {  	vm1 =	vmand vm2, vm15;
	v1 =	vmax.f32 v1, $0.0e+00;
	v51 =	vmin.f32 v57, v51;
	v57 =	vld [tilespmem:s31+$0xA000]  }
0x213: {  	v0 =	vmul.f32 v2, v0;
	v27 =	vsel vm12, v40, v27;
	v1 =	vmul.f32 v61, v1  }
0x214: {  	v58 =	vld [tilespmem:s3+$0xA000];
	v54 =	vadd.f32 v54, v48;
	vm13 =	vgt.f32 v42, v27;
	v2 =	vmax.f32 v59, v52  }
0x215: {  	v50 =	vmax.f32 v60, v50;
	v2 =	vsub.f32 v51, v2;
	v49 =	vmin.f32 v62, v49  }
0x216: {  	v27 =	vsel vm13, v42, v27;
	v59 =	vsub.f32 v54, v0;
	v49 =	vsub.f32 v49, v50  }
0x217: {  	v0 =	vmul.f32 $3.355443200e+07, v0;
	vm14 =	vgt.f32 v41, v27;
	v60 =	vadd.f32 v57, v48  }
0x218: {  	v2 =	vmax.f32 v2, $0.0e+00;
	v61 =	vmul.f32 $1.677721600e+07, v59;
	v49 =	vmax.f32 v49, $0.0e+00  }
0x219: {  	v48 =	vadd.f32 v58, v48;
	v2 =	vmul.f32 v49, v2;
	v51 =	vsub.f32 v60, v1  }
0x21a: {  	v44 =	vsel vm1, $0xFF800000, v44;
	v27 =	vsel vm14, v41, v27;
	v0 =	vsub.f32 v0, v61  }
0x21b: {  	v1 =	vmul.f32 $3.355443200e+07, v1;
	v48 =	vsub.f32 v48, v2;
	v62 =	vmul.f32 $1.677721600e+07, v51  }
0x21c: {  	v22 =	vsel vm12, v15, v22;
	vm15 =	vgt.f32 v44, v27;
	vm6 =	vgt.f32 v0, v59  }
0x21d: {  	v0 =	vsub.f32 v1, v62;
	v1 =	vmul.f32 $3.355443200e+07, v2;
	v2 =	vmul.f32 $1.677721600e+07, v48  }
0x21e: {  	v22 =	vsel vm13, v12, v22;
	v27 =	vsel vm15, v44, v27;
	vm1 =	vmand vm2, vm6  }
0x21f: {  	v45 =	vsel vm1, $0xFF800000, v45;
	vm7 =	vgt.f32 v0, v51;
	v0 =	vsub.f32 v1, v2  }
0x220: {  	p1 =	sne.s32 s7, $0x1;
	vm12 =	vgt.f32 v45, v27;
	v1 =	vsel vm14, v17, v22;
	vm1 =	vmand vm2, vm7  }
.Ltmp1:
0x221: {  	v2 =	vsel vm12, v45, v27;
	v46 =	vsel vm1, $0xFF800000, v46;
	vm13 =	vgt.f32 v0, v48;
	(pc) =	sbr.rel @p1 .LBB2_4-.Ltmp1, $4  }
0x222: {  	v0 =	vsel vm15, v19, v1;
	vm14 =	vmand vm2, vm13;
	vm15 =	vgt.f32 v46, v2  }
0x223: {  	v0 =	vsel vm12, v14, v0;
	v1 =	vsel vm15, v46, v2;
	v47 =	vsel vm14, $0xFF800000, v47  }
0x224: {  	v0 =	vsel vm15, v20, v0;
	vm0 =	vgt.f32 v47, v1  }
0x225: {  	s7 =	sadd.s32 $0xFFFFFFFF, s7;
	v52 =	vlaneseq.u32;
	v48 =	vsel vm0, v47, v1;
	v49 =	vsel vm0, v16, v0  }
0x226: {  	v0 =	vld [tilespmem:$0xB400]  }
0x227: {  	v1 =	vld [tilespmem:$0xB580]  }
0x228: {  	v2 =	vld [tilespmem:$0xB410]  }
0x229: {  	v22 =	vld [tilespmem:$0xB590]  }
0x22a: {  	v27 =	vld [tilespmem:$0xB420]  }
0x22b: {  	v28 =	vld [tilespmem:$0xB5A0]  }
0x22c: {  	v29 =	vld [tilespmem:$0xB430]  }
0x22d: {  	v30 =	vld [tilespmem:$0xB5B0]  }
0x22e: {  	v31 =	vld [tilespmem:$0xB440]  }
0x22f: {  	v32 =	vld [tilespmem:$0xB5C0]  }
0x230: {  	v33 =	vld [tilespmem:$0xB450]  }
0x231: {  	v34 =	vld [tilespmem:$0xB5D0]  }
0x232: {  	v35 =	vld [tilespmem:$0xB460]  }
0x233: {  	v36 =	vld [tilespmem:$0xB5E0]  }
0x234: {  	v37 =	vld [tilespmem:$0xB470]  }
0x235: {  	v38 =	vld [tilespmem:$0xB5F0]  }
0x236: {  	v39 =	vld [tilespmem:$0xB480]  }
0x237: {  	v40 =	vld [tilespmem:$0xB600]  }
0x238: {  	v41 =	vld [tilespmem:$0xB490]  }
0x239: {  	v42 =	vld [tilespmem:$0xB610]  }
0x23a: {  	v43 =	vld [tilespmem:$0xB4A0]  }
0x23b: {  	v44 =	vld [tilespmem:$0xB620]  }
0x23c: {  	v45 =	vld [tilespmem:$0xB4B0]  }
0x23d: {  	v46 =	vld [tilespmem:$0xB630]  }
0x23e: {  	v47 =	vld [tilespmem:$0xB4C0]  }
0x23f: {  	v54 =	vld [tilespmem:$0xB4E0];
	v0 =	vmul.f32 v1, v0  }
0x240: {  	v55 =	vld [tilespmem:$0xB660];
	v2 =	vmul.f32 v22, v2  }
0x241: {  	v56 =	vld [tilespmem:$0xB4F0];
	[tilespmem:$0xB700] =	vst v0;
	v0 =	vmul.f32 v28, v27  }
0x242: {  	v57 =	vld [tilespmem:$0xB670];
	[tilespmem:$0xB710] =	vst v2;
	v2 =	vmul.f32 v30, v29  }
0x243: {  	v58 =	vld [tilespmem:$0xB500];
	[tilespmem:$0xB720] =	vst v0;
	v0 =	vmul.f32 v32, v31  }
0x244: {  	v59 =	vld [tilespmem:$0xB680];
	[tilespmem:$0xB730] =	vst v2;
	v2 =	vmul.f32 v34, v33  }
0x245: {  	v1 =	vld [tilespmem:$0xB640];
	[tilespmem:$0xB740] =	vst v0;
	v0 =	vmul.f32 v36, v35  }
0x246: {  	v22 =	vld [tilespmem:$0xB4D0];
	[tilespmem:$0xB750] =	vst v2;
	v2 =	vmul.f32 v38, v37  }
0x247: {  	v27 =	vld [tilespmem:$0xB650];
	[tilespmem:$0xB760] =	vst v0;
	v0 =	vmul.f32 v40, v39  }
0x248: {  	v60 =	vld [tilespmem:$0xB510];
	[tilespmem:$0xB770] =	vst v2;
	v2 =	vmul.f32 v42, v41  }
0x249: {  	v61 =	vld [tilespmem:$0xB690];
	[tilespmem:$0xB780] =	vst v0;
	v0 =	vmul.f32 v44, v43  }
0x24a: {  	v62 =	vld [tilespmem:$0xB520];
	[tilespmem:$0xB790] =	vst v2;
	v2 =	vmul.f32 v46, v45  }
0x24b: {  	[tilespmem:$0xB7A0] =	vst v0;
	v0 =	vmul.f32 v1, v47;
	v1 =	vld [tilespmem:$0xB6A0]  }
0x24c: {  	[tilespmem:$0xB7B0] =	vst v2;
	v2 =	vmul.f32 v27, v22;
	v22 =	vld [tilespmem:$0xB530]  }
0x24d: {  	v27 =	vld [tilespmem:$0xB6B0];
	[tilespmem:$0xB7C0] =	vst v0;
	v0 =	vmul.f32 v55, v54  }
0x24e: {  	[tilespmem:$0xB7D0] =	vst v2;
	v2 =	vmul.f32 v57, v56  }
0x24f: {  	[tilespmem:$0xB7E0] =	vst v0;
	v0 =	vmul.f32 v59, v58  }
0x250: {  	[tilespmem:$0xB7F0] =	vst v2;
	v2 =	vmul.f32 v61, v60  }
0x251: {  	[tilespmem:$0xB800] =	vst v0;
	v0 =	vmul.f32 v1, v62  }
0x252: {  	[tilespmem:$0xB810] =	vst v2;
	v1 =	vmul.f32 v27, v22  }
0x253: {  	[tilespmem:$0xB820] =	vst v0  }
0x254: {  	s5 =	simm.s32 @!p0 $0x0;
	s7 =	simm.s32 @!p0 $0xB700;
	s9 =	rddreg [dreg:$0xd];
	[tilespmem:$0xB830] =	vst v1  }
0x255: {  	[hbm4b:s9+s5] =	stream.linear.scatter @!p0 [tilespmem:s7], [sflag:$0x1], $0x140, $0x38;
	[tilespmem:$0xB9A0] =	vst v63  }
0x256: {  	s5 =	simm.s32 @!p0 $0x1  }
0x257: {  	_ =	swait.ge @!p0 [sflag:s5], $0x140  }
0x258: {  	s0 =	rddreg [dreg:$0xf]  }
0x259: {  	s17 =	rddreg [dreg:$0xe];
	v0 =	vld [tilespmem:$0x1FFF0];
	s0 =	sadd.s32 $0x1, s0  }
0x25a: {  	v4 =	vld [tilespmem:$0x1FFB0];
	p1 =	sne.s32 s0, s17  }
.Ltmp2:
0x25b: {  	v1 =	vmov v6;
	v6 =	vld [tilespmem:$0x1FFC0];
	(pc) =	sbr.rel @p1 .LBB2_1-.Ltmp2, $4  }
0x25c: {  	v2 =	vmov v8;
	v8 =	vld [tilespmem:$0x1FFE0]  }
0x25d: {  	v10 =	vld [tilespmem:$0x1FF90]  }
0x25e: {  	[sflag:s5] =	ssyncset.done @!p0 $0x0;
	v12 =	vld [tilespmem:$0x1FFA0]  }
0x25f: {  	v14 =	vld [tilespmem:$0x1FFD0];
	[sflag:s5] =	ssyncadd.s32 @!p0 $0xFFFFFEC0  }
0x260: {  	_ =	sfence.sel $0x180000  }
0x261: {  	[bflag:$0x0] =	sbarrier.arrive $0xFFFF  }
0x262: {  	_ =	strace $0x90000047  }
0x263: {  	s0 =	stileid.u32;
	[bflag:$0x2] =	sbarrier.arrive $0xFFFF  }
0x264: {  	p0 =	sne.s32 s0, $0x0;
	s0 =	rddreg [dreg:$0x4]  }
0x265: {  	s0 =	sadd.s32 @!p0 $0x100000, s0  }
0x266: {  	[sflag:s0] =	ssyncadd.tile.s32 @!p0 $0x1;
	_ =	shalt  }
.Lfunc_end2:
_tile_overlayer_lowered:
.L_overlay_start_2:
0x267: {  	(tag) =	ssettag $0x2  }
0x268: {  	s0 =	rddreg [dreg:$0x0];
	s2 =	stileid.u32  }
0x269: {  	s1 =	rddreg [dreg:$0x1];
	p0 =	sne.s32 s2, $0x0  }
0x26a: {  	s3 =	rddreg [dreg:$0x2];
	[bflag:$0x3] =	sbarrier.arrive $0xFFFF;
	s2 =	simm.s32 @!p0 $0x1C01  }
0x26b: {  	[timem:s3], [sflag:s2] =	dma.local @!p0 [hbm:s0], s1  }
0x26c: {  	s0 =	simm.s32 @!p0 $0x1  }
0x26d: {  	_ =	swait.ge @!p0 [sflag:s0], s1  }
0x26e: {  	s1 =	ssub.s32 @!p0 $0x0, s1;
	[sflag:s0] =	ssyncset.done @!p0 $0x0  }
0x26f: {  	[sflag:s0] =	ssyncadd.s32 @!p0 s1  }
0x270: {  	[bflag:$0x3] =	sbarrier.arrive $0xFFFF  }
0x271: {  	_ =	shalt  }

</sc_bundles>
